<compile_context>
chip_gen: v7x
topology: tpu7x:2x2x1
jax: 0.10.2.dev20260603
libtpu: 0.0.44.dev20260713+nightly
codegen_flags: <defaults>
</compile_context>

<pallas_src>
import functools

import jax
import jax.numpy as jnp
from jax import lax
from jax.experimental import pallas as pl
from jax.experimental.pallas import tpu as pltpu
from jax.experimental.pallas import tpu_sc as plsc

NUM_CORES = 2
NUM_SUBCORES = 16
NW = NUM_CORES * NUM_SUBCORES
LANES = 16
CHUNK = 256


def kernel(pos_h, pos_r, pos_t, entity_embds, rel_embds):
    B = pos_h.shape[0]
    E, D = entity_embds.shape
    R = rel_embds.shape[0]
    b_per_w = B // NW

    ent3 = entity_embds.reshape(E // 8, 8, D)
    idx_h = pos_h.astype(jnp.int32)
    idx_r = pos_r.astype(jnp.int32)
    idx_t = pos_t.astype(jnp.int32)

    mesh = plsc.VectorSubcoreMesh(
        core_axis_name="c", subcore_axis_name="s",
        num_cores=NUM_CORES, num_subcores=NUM_SUBCORES,
    )

    out = jax.ShapeDtypeStruct((D // 8, 8, B), jnp.float32)

    @functools.partial(
        pl.kernel,
        out_type=(out, out, out),
        mesh=mesh,
        compiler_params=pltpu.CompilerParams(
            use_tc_tiling_on_sc=True, needs_layout_passes=False),
        scratch_types=[
            pltpu.VMEM((b_per_w,), jnp.int32),
            pltpu.VMEM((b_per_w,), jnp.int32),
            pltpu.VMEM((b_per_w,), jnp.int32),
            pltpu.VMEM((CHUNK, D), jnp.float32),
            pltpu.VMEM((CHUNK, D), jnp.float32),
            pltpu.VMEM((CHUNK, D), jnp.float32),
            pltpu.VMEM((D // 8, 8, CHUNK), jnp.float32),
            pltpu.SemaphoreType.DMA,
            pltpu.SemaphoreType.DMA,
            pltpu.SemaphoreType.DMA,
            pltpu.SemaphoreType.DMA,
        ],
    )
    def run(ih_hbm, ir_hbm, it_hbm, ent_hbm, rel_hbm,
            oh_hbm, or_hbm, ot_hbm,
            ih_v, ir_v, it_v, rows_h, rows_r, rows_t, tbuf,
            sem_h, sem_r, sem_t, sem_out):
        wid = lax.axis_index("s") * NUM_CORES + lax.axis_index("c")
        base = wid * b_per_w

        pltpu.sync_copy(ih_hbm.at[pl.ds(base, b_per_w)], ih_v)
        pltpu.sync_copy(ir_hbm.at[pl.ds(base, b_per_w)], ir_v)
        pltpu.sync_copy(it_hbm.at[pl.ds(base, b_per_w)], it_v)

        def fire_ent(idx_v, rows_v, sem, c):
            def body(g, _):
                vec = idx_v[pl.ds(c * CHUNK + g * LANES, LANES)]
                for l in range(LANES):
                    lane = lax.iota(jnp.int32, LANES) == l
                    row = lax.reduce_sum(jnp.where(lane, vec, 0), axes=(0,))
                    pltpu.async_copy(
                        ent_hbm.at[row >> 3, row & 7],
                        rows_v.at[g * LANES + l], sem)
                return 0

            lax.fori_loop(0, CHUNK // LANES, body, 0)

        def fire_rel(idx_v, rows_v, sem, c):
            def body(g, _):
                vec = idx_v[pl.ds(c * CHUNK + g * LANES, LANES)]
                for l in range(LANES):
                    lane = lax.iota(jnp.int32, LANES) == l
                    row = lax.reduce_sum(jnp.where(lane, vec, 0), axes=(0,))
                    pltpu.async_copy(
                        rel_hbm.at[row], rows_v.at[g * LANES + l], sem)
                return 0

            lax.fori_loop(0, CHUNK // LANES, body, 0)

        def drain(rows_v, sem):
            pltpu.make_async_copy(
                ent_hbm.at[pl.ds(0, CHUNK // 8)], rows_v, sem).wait()

        def flush(rows_v, out3, c):
            def jbody(j, _):
                jsplat = jnp.full((LANES,), 0, jnp.int32) + j
                gsplat = jsplat >> 3
                ssplat = jsplat & 7

                def wbody(w, _):
                    nvec = lax.iota(jnp.int32, LANES) + w * LANES
                    vals = plsc.load_gather(rows_v, [nvec, jsplat])
                    plsc.store_scatter(tbuf, [gsplat, ssplat, nvec], vals)
                    return 0

                lax.fori_loop(0, CHUNK // LANES, wbody, 0)
                return 0

            lax.fori_loop(0, D, jbody, 0)
            off = pl.multiple_of(base + c * CHUNK, 128)
            pltpu.sync_copy(tbuf, out3.at[:, :, pl.ds(off, CHUNK)])

        for c in range(b_per_w // CHUNK):
            fire_ent(ih_v, rows_h, sem_h, c)
            fire_ent(it_v, rows_t, sem_t, c)
            fire_rel(ir_v, rows_r, sem_r, c)
            drain(rows_h, sem_h)
            flush(rows_h, oh_hbm, c)
            drain(rows_t, sem_t)
            flush(rows_t, ot_hbm, c)
            drain(rows_r, sem_r)
            flush(rows_r, or_hbm, c)

    oh3, or3, ot3 = run(idx_h, idx_r, idx_t, ent3, rel_embds)
    return (oh3.reshape(D, B).T, or3.reshape(D, B).T, ot3.reshape(D, B).T)

# --- scband reference (transcript-rebuilt; emitter-appended) ---
"""Pipeline reference for scband-base-model-13898514170039 (READ-ONLY COPY).

The authoritative reference and input builder live on the scoring server;
editing this copy changes nothing except your own understanding.
"""

import jax, jax.numpy as jnp
import numpy as np

NUM_ENTITIES = 1000000
NUM_RELATIONS = 100
EMB_DIM = 32
BATCH = 16384

def setup_inputs(seed: int = 0) -> dict:
    key = jax.random.key(seed)
    k1, k2, k3, k4, k5 = jax.random.split(key, 5)
    entity_embds = jax.random.normal(k1, (NUM_ENTITIES, EMB_DIM), dtype=jnp.float32)
    rel_embds = jax.random.normal(k2, (NUM_RELATIONS, EMB_DIM), dtype=jnp.float32)
    pos_h = jax.random.randint(k3, (BATCH,), 0, NUM_ENTITIES, dtype=jnp.int64) if jax.config.jax_enable_x64 else jax.random.randint(k3, (BATCH,), 0, NUM_ENTITIES).astype(jnp.int32)
    pos_r = jax.random.randint(k4, (BATCH,), 0, NUM_RELATIONS).astype(jnp.int32)
    pos_t = jax.random.randint(k5, (BATCH,), 0, NUM_ENTITIES).astype(jnp.int32)
    return {"pos_h": pos_h, "pos_r": pos_r, "pos_t": pos_t, "entity_embds": entity_embds, "rel_embds": rel_embds}

def reference(pos_h, pos_r, pos_t, entity_embds, rel_embds):
    # torch.index_select(table, 0, idx) == jnp.take(table, idx, axis=0)
    h_embs = jnp.take(entity_embds, pos_h, axis=0)
    t_embs = jnp.take(entity_embds, pos_t, axis=0)
    r_embs = jnp.take(rel_embds, pos_r, axis=0)
    return (h_embs, r_embs, t_embs)

if __name__ == "__main__":
    import jax
    _d = setup_inputs()
    print(jax.jit(kernel)(*tuple(_d.values())))

</pallas_src>

<mosaic_0001>
#map = affine_map<(d0, d1) -> (0)>
#map1 = affine_map<(d0, d1) -> (0, 0, 0)>
#map2 = affine_map<(d0, d1) -> (0, 0)>
module attributes {stable_mosaic.version = 14 : i64} {
  func.func @run(%arg0: i32, %arg1: i32, %arg2: memref<16384xi32, #tpu.memory_space<hbm>>, %arg3: memref<16384xi32, #tpu.memory_space<hbm>>, %arg4: memref<16384xi32, #tpu.memory_space<hbm>>, %arg5: memref<125000x8x32xf32, #tpu.memory_space<hbm>>, %arg6: memref<100x32xf32, #tpu.memory_space<hbm>>, %arg7: memref<4x8x16384xf32, #tpu.memory_space<hbm>>, %arg8: memref<4x8x16384xf32, #tpu.memory_space<hbm>>, %arg9: memref<4x8x16384xf32, #tpu.memory_space<hbm>>, %arg10: memref<512xi32, #tpu.memory_space<vmem>>, %arg11: memref<512xi32, #tpu.memory_space<vmem>>, %arg12: memref<512xi32, #tpu.memory_space<vmem>>, %arg13: memref<256x32xf32, #tpu.memory_space<vmem>>, %arg14: memref<256x32xf32, #tpu.memory_space<vmem>>, %arg15: memref<256x32xf32, #tpu.memory_space<vmem>>, %arg16: memref<4x8x256xf32, #tpu.memory_space<vmem>>, %arg17: memref<!tpu.dma_semaphore, #tpu.memory_space<semaphore_mem>>, %arg18: memref<!tpu.dma_semaphore, #tpu.memory_space<semaphore_mem>>, %arg19: memref<!tpu.dma_semaphore, #tpu.memory_space<semaphore_mem>>, %arg20: memref<!tpu.dma_semaphore, #tpu.memory_space<semaphore_mem>>) attributes {dimension_semantics = [#tpu.dimension_semantics<core_parallel>, #tpu.dimension_semantics<subcore_parallel>], iteration_bounds = array<i64: 2, 16>, scalar_prefetch = 0 : i64, scratch_operands = 11 : i64, tpu.core_type = #tpu.core_type<sc_vector_subcore>, window_params = [{transform_indices = #map}, {transform_indices = #map}, {transform_indices = #map}, {transform_indices = #map1}, {transform_indices = #map2}, {transform_indices = #map1}, {transform_indices = #map1}, {transform_indices = #map1}]} {
    %mul3A = arith.constant 2 : i32
    %mul3A_0 = arith.muli %arg1, %mul3A : i32
    %add3A = arith.addi %mul3A_0, %arg0 : i32
    %mul3A_1 = arith.constant 512 : i32
    %mul3A_2 = arith.muli %add3A, %mul3A_1 : i32
    "tpu.region"() ({
      %run_scoped3A = tpu.sem_alloc : memref<!tpu.dma_semaphore, #tpu.memory_space<semaphore_mem>>
      %dma_start3A = tpu.memref_slice %arg2[%mul3A_2] : memref<16384xi32, #tpu.memory_space<hbm>> -> memref<512xi32, #tpu.memory_space<hbm>>
      %dma_start3A_150 = tpu.memref_slice %arg2[%mul3A_2] : memref<16384xi32, #tpu.memory_space<hbm>> -> memref<512xi32, #tpu.memory_space<hbm>>
      tpu.enqueue_dma source(%dma_start3A_150 : memref<512xi32, #tpu.memory_space<hbm>>) target(%arg10 : memref<512xi32, #tpu.memory_space<vmem>>) target_semaphore(%run_scoped3A : memref<!tpu.dma_semaphore, #tpu.memory_space<semaphore_mem>>)
      %dma_wait3A_151 = tpu.memref_slice %arg2[%mul3A_2] : memref<16384xi32, #tpu.memory_space<hbm>> -> memref<512xi32, #tpu.memory_space<hbm>>
      %dma_wait3A_152 = tpu.memref_slice %arg2[%mul3A_2] : memref<16384xi32, #tpu.memory_space<hbm>> -> memref<512xi32, #tpu.memory_space<hbm>>
      tpu.wait_dma2 semaphore(%run_scoped3A : memref<!tpu.dma_semaphore, #tpu.memory_space<semaphore_mem>>) src(%dma_wait3A_152 : memref<512xi32, #tpu.memory_space<hbm>>) dst(%arg10 : memref<512xi32, #tpu.memory_space<vmem>>)
      tpu.yield
    }) : () -> ()
    "tpu.region"() ({
      %run_scoped3A = tpu.sem_alloc : memref<!tpu.dma_semaphore, #tpu.memory_space<semaphore_mem>>
      %dma_start3A = tpu.memref_slice %arg3[%mul3A_2] : memref<16384xi32, #tpu.memory_space<hbm>> -> memref<512xi32, #tpu.memory_space<hbm>>
      %dma_start3A_150 = tpu.memref_slice %arg3[%mul3A_2] : memref<16384xi32, #tpu.memory_space<hbm>> -> memref<512xi32, #tpu.memory_space<hbm>>
      tpu.enqueue_dma source(%dma_start3A_150 : memref<512xi32, #tpu.memory_space<hbm>>) target(%arg11 : memref<512xi32, #tpu.memory_space<vmem>>) target_semaphore(%run_scoped3A : memref<!tpu.dma_semaphore, #tpu.memory_space<semaphore_mem>>)
      %dma_wait3A_151 = tpu.memref_slice %arg3[%mul3A_2] : memref<16384xi32, #tpu.memory_space<hbm>> -> memref<512xi32, #tpu.memory_space<hbm>>
      %dma_wait3A_152 = tpu.memref_slice %arg3[%mul3A_2] : memref<16384xi32, #tpu.memory_space<hbm>> -> memref<512xi32, #tpu.memory_space<hbm>>
      tpu.wait_dma2 semaphore(%run_scoped3A : memref<!tpu.dma_semaphore, #tpu.memory_space<semaphore_mem>>) src(%dma_wait3A_152 : memref<512xi32, #tpu.memory_space<hbm>>) dst(%arg11 : memref<512xi32, #tpu.memory_space<vmem>>)
      tpu.yield
    }) : () -> ()
    "tpu.region"() ({
      %run_scoped3A = tpu.sem_alloc : memref<!tpu.dma_semaphore, #tpu.memory_space<semaphore_mem>>
      %dma_start3A = tpu.memref_slice %arg4[%mul3A_2] : memref<16384xi32, #tpu.memory_space<hbm>> -> memref<512xi32, #tpu.memory_space<hbm>>
      %dma_start3A_150 = tpu.memref_slice %arg4[%mul3A_2] : memref<16384xi32, #tpu.memory_space<hbm>> -> memref<512xi32, #tpu.memory_space<hbm>>
      tpu.enqueue_dma source(%dma_start3A_150 : memref<512xi32, #tpu.memory_space<hbm>>) target(%arg12 : memref<512xi32, #tpu.memory_space<vmem>>) target_semaphore(%run_scoped3A : memref<!tpu.dma_semaphore, #tpu.memory_space<semaphore_mem>>)
      %dma_wait3A_151 = tpu.memref_slice %arg4[%mul3A_2] : memref<16384xi32, #tpu.memory_space<hbm>> -> memref<512xi32, #tpu.memory_space<hbm>>
      %dma_wait3A_152 = tpu.memref_slice %arg4[%mul3A_2] : memref<16384xi32, #tpu.memory_space<hbm>> -> memref<512xi32, #tpu.memory_space<hbm>>
      tpu.wait_dma2 semaphore(%run_scoped3A : memref<!tpu.dma_semaphore, #tpu.memory_space<semaphore_mem>>) src(%dma_wait3A_152 : memref<512xi32, #tpu.memory_space<hbm>>) dst(%arg12 : memref<512xi32, #tpu.memory_space<vmem>>)
      tpu.yield
    }) : () -> ()
    %scan3A = arith.constant 0 : i32
    %scan3A_3 = arith.constant 0 : i32
    %scan3A_4 = arith.constant 16 : i32
    %scan3A_5 = arith.addi %scan3A_3, %scan3A_4 : i32
    %scan3A_6 = arith.constant 1 : i32
    %scan3A_7 = scf.for %scan3A_150 = %scan3A_3 to %scan3A_5 step %scan3A_6 iter_args(%scan3A_151 = %scan3A) -> (i32)  : i32 {
      %mul3A_152 = arith.constant 16 : i32
      %mul3A_153 = arith.muli %scan3A_150, %mul3A_152 : i32
      %add3A_154 = arith.constant 0 : i32
      %add3A_155 = arith.addi %add3A_154, %mul3A_153 : i32
      %get3A = arith.index_cast %add3A_155 : i32 to index
      %get3A_156 = tpu.vector_load %arg10[%get3A] {strides = array<i32>} : memref<512xi32, #tpu.memory_space<vmem>>, vector<16xi32>,
      %iota3A = tpu.iota {dimensions = array<i32: 0>} : vector<16xi32>
      %eq3A = arith.constant 0 : i32
      %eq3A_157 = vector.broadcast %eq3A : i32 to vector<16xi32>
      %eq3A_158 = arith.cmpi eq, %iota3A, %eq3A_157 : vector<16xi32>
      %jit3A = arith.constant 0 : i32
      %broadcast_in_dim3A = vector.broadcast %jit3A : i32 to vector<16xi32>
      %select_n3A = arith.select %eq3A_158, %get3A_156, %broadcast_in_dim3A : vector<16xi1>, vector<16xi32>
      %reduce_sum3A = arith.constant true
      %reduce_sum3A_159 = vector.broadcast %reduce_sum3A : i1 to vector<16xi1>
      %reduce_sum3A_160 = tpu.scan <sum>, %select_n3A masked %reduce_sum3A_159 : vector<16xi32>, vector<16xi1> -> vector<16xi32>
      %reduce_sum3A_161 = vector.extract %reduce_sum3A_160[15] : i32 from vector<16xi32>
      %shift_right_arithmetic3A = arith.constant 3 : i32
      %shift_right_arithmetic3A_162 = arith.shrsi %reduce_sum3A_161, %shift_right_arithmetic3A : i32
      %and3A = arith.constant 7 : i32
      %and3A_163 = arith.andi %reduce_sum3A_161, %and3A : i32
      %mul3A_164 = arith.constant 16 : i32
      %mul3A_165 = arith.muli %scan3A_150, %mul3A_164 : i32
      %add3A_166 = arith.constant 0 : i32
      %add3A_167 = arith.addi %mul3A_165, %add3A_166 : i32
      %dma_start3A = arith.constant 0 : i32
      %dma_start3A_168 = tpu.memref_slice %arg13[%add3A_167, %dma_start3A] : memref<256x32xf32, #tpu.memory_space<vmem>> -> memref<1x32xf32, #tpu.memory_space<vmem>>
      %dma_start3A_169 = tpu.memref_squeeze %dma_start3A_168 : memref<1x32xf32, #tpu.memory_space<vmem>> -> memref<32xf32, #tpu.memory_space<vmem>>
      %dma_start3A_170 = arith.constant 0 : i32
      %dma_start3A_171 = tpu.memref_slice %arg5[%shift_right_arithmetic3A_162, %and3A_163, %dma_start3A_170] : memref<125000x8x32xf32, #tpu.memory_space<hbm>> -> memref<1x1x32xf32, #tpu.memory_space<hbm>>
      %dma_start3A_172 = tpu.memref_squeeze %dma_start3A_171 : memref<1x1x32xf32, #tpu.memory_space<hbm>> -> memref<32xf32, #tpu.memory_space<hbm>>
      %dma_start3A_173 = arith.constant 0 : i32
      %dma_start3A_174 = tpu.memref_slice %arg13[%add3A_167, %dma_start3A_173] : memref<256x32xf32, #tpu.memory_space<vmem>> -> memref<1x32xf32, #tpu.memory_space<vmem>>
      %dma_start3A_175 = tpu.memref_squeeze %dma_start3A_174 : memref<1x32xf32, #tpu.memory_space<vmem>> -> memref<32xf32, #tpu.memory_space<vmem>>
      %dma_start3A_176 = arith.constant 0 : i32
      %dma_start3A_177 = tpu.memref_slice %arg5[%shift_right_arithmetic3A_162, %and3A_163, %dma_start3A_176] : memref<125000x8x32xf32, #tpu.memory_space<hbm>> -> memref<1x1x32xf32, #tpu.memory_space<hbm>>
      %dma_start3A_178 = tpu.memref_squeeze %dma_start3A_177 : memref<1x1x32xf32, #tpu.memory_space<hbm>> -> memref<32xf32, #tpu.memory_space<hbm>>
      tpu.enqueue_dma source(%dma_start3A_178 : memref<32xf32, #tpu.memory_space<hbm>>) target(%dma_start3A_175 : memref<32xf32, #tpu.memory_space<vmem>>) target_semaphore(%arg17 : memref<!tpu.dma_semaphore, #tpu.memory_space<semaphore_mem>>)
      %iota3A_179 = tpu.iota {dimensions = array<i32: 0>} : vector<16xi32>
      %eq3A_180 = arith.constant 1 : i32
      %eq3A_181 = vector.broadcast %eq3A_180 : i32 to vector<16xi32>
      %eq3A_182 = arith.cmpi eq, %iota3A_179, %eq3A_181 : vector<16xi32>
      %jit3A_183 = arith.constant 0 : i32
      %broadcast_in_dim3A_184 = vector.broadcast %jit3A_183 : i32 to vector<16xi32>
      %select_n3A_185 = arith.select %eq3A_182, %get3A_156, %broadcast_in_dim3A_184 : vector<16xi1>, vector<16xi32>
      %reduce_sum3A_186 = arith.constant true
      %reduce_sum3A_187 = vector.broadcast %reduce_sum3A_186 : i1 to vector<16xi1>
      %reduce_sum3A_188 = tpu.scan <sum>, %select_n3A_185 masked %reduce_sum3A_187 : vector<16xi32>, vector<16xi1> -> vector<16xi32>
      %reduce_sum3A_189 = vector.extract %reduce_sum3A_188[15] : i32 from vector<16xi32>
      %shift_right_arithmetic3A_190 = arith.constant 3 : i32
      %shift_right_arithmetic3A_191 = arith.shrsi %reduce_sum3A_189, %shift_right_arithmetic3A_190 : i32
      %and3A_192 = arith.constant 7 : i32
      %and3A_193 = arith.andi %reduce_sum3A_189, %and3A_192 : i32
      %mul3A_194 = arith.constant 16 : i32
      %mul3A_195 = arith.muli %scan3A_150, %mul3A_194 : i32
      %add3A_196 = arith.constant 1 : i32
      %add3A_197 = arith.addi %mul3A_195, %add3A_196 : i32
      %dma_start3A_198 = arith.constant 0 : i32
      %dma_start3A_199 = tpu.memref_slice %arg13[%add3A_197, %dma_start3A_198] : memref<256x32xf32, #tpu.memory_space<vmem>> -> memref<1x32xf32, #tpu.memory_space<vmem>>
      %dma_start3A_200 = tpu.memref_squeeze %dma_start3A_199 : memref<1x32xf32, #tpu.memory_space<vmem>> -> memref<32xf32, #tpu.memory_space<vmem>>
      %dma_start3A_201 = arith.constant 0 : i32
      %dma_start3A_202 = tpu.memref_slice %arg5[%shift_right_arithmetic3A_191, %and3A_193, %dma_start3A_201] : memref<125000x8x32xf32, #tpu.memory_space<hbm>> -> memref<1x1x32xf32, #tpu.memory_space<hbm>>
      %dma_start3A_203 = tpu.memref_squeeze %dma_start3A_202 : memref<1x1x32xf32, #tpu.memory_space<hbm>> -> memref<32xf32, #tpu.memory_space<hbm>>
      %dma_start3A_204 = arith.constant 0 : i32
      %dma_start3A_205 = tpu.memref_slice %arg13[%add3A_197, %dma_start3A_204] : memref<256x32xf32, #tpu.memory_space<vmem>> -> memref<1x32xf32, #tpu.memory_space<vmem>>
      %dma_start3A_206 = tpu.memref_squeeze %dma_start3A_205 : memref<1x32xf32, #tpu.memory_space<vmem>> -> memref<32xf32, #tpu.memory_space<vmem>>
      %dma_start3A_207 = arith.constant 0 : i32
      %dma_start3A_208 = tpu.memref_slice %arg5[%shift_right_arithmetic3A_191, %and3A_193, %dma_start3A_207] : memref<125000x8x32xf32, #tpu.memory_space<hbm>> -> memref<1x1x32xf32, #tpu.memory_space<hbm>>
      %dma_start3A_209 = tpu.memref_squeeze %dma_start3A_208 : memref<1x1x32xf32, #tpu.memory_space<hbm>> -> memref<32xf32, #tpu.memory_space<hbm>>
      tpu.enqueue_dma source(%dma_start3A_209 : memref<32xf32, #tpu.memory_space<hbm>>) target(%dma_start3A_206 : memref<32xf32, #tpu.memory_space<vmem>>) target_semaphore(%arg17 : memref<!tpu.dma_semaphore, #tpu.memory_space<semaphore_mem>>)
      %iota3A_210 = tpu.iota {dimensions = array<i32: 0>} : vector<16xi32>
      %eq3A_211 = arith.constant 2 : i32
      %eq3A_212 = vector.broadcast %eq3A_211 : i32 to vector<16xi32>
      %eq3A_213 = arith.cmpi eq, %iota3A_210, %eq3A_212 : vector<16xi32>
      %jit3A_214 = arith.constant 0 : i32
      %broadcast_in_dim3A_215 = vector.broadcast %jit3A_214 : i32 to vector<16xi32>
      %select_n3A_216 = arith.select %eq3A_213, %get3A_156, %broadcast_in_dim3A_215 : vector<16xi1>, vector<16xi32>
      %reduce_sum3A_217 = arith.constant true
      %reduce_sum3A_218 = vector.broadcast %reduce_sum3A_217 : i1 to vector<16xi1>
      %reduce_sum3A_219 = tpu.scan <sum>, %select_n3A_216 masked %reduce_sum3A_218 : vector<16xi32>, vector<16xi1> -> vector<16xi32>
      %reduce_sum3A_220 = vector.extract %reduce_sum3A_219[15] : i32 from vector<16xi32>
      %shift_right_arithmetic3A_221 = arith.constant 3 : i32
      %shift_right_arithmetic3A_222 = arith.shrsi %reduce_sum3A_220, %shift_right_arithmetic3A_221 : i32
      %and3A_223 = arith.constant 7 : i32
      %and3A_224 = arith.andi %reduce_sum3A_220, %and3A_223 : i32
      %mul3A_225 = arith.constant 16 : i32
      %mul3A_226 = arith.muli %scan3A_150, %mul3A_225 : i32
      %add3A_227 = arith.constant 2 : i32
      %add3A_228 = arith.addi %mul3A_226, %add3A_227 : i32
      %dma_start3A_229 = arith.constant 0 : i32
      %dma_start3A_230 = tpu.memref_slice %arg13[%add3A_228, %dma_start3A_229] : memref<256x32xf32, #tpu.memory_space<vmem>> -> memref<1x32xf32, #tpu.memory_space<vmem>>
      %dma_start3A_231 = tpu.memref_squeeze %dma_start3A_230 : memref<1x32xf32, #tpu.memory_space<vmem>> -> memref<32xf32, #tpu.memory_space<vmem>>
      %dma_start3A_232 = arith.constant 0 : i32
      %dma_start3A_233 = tpu.memref_slice %arg5[%shift_right_arithmetic3A_222, %and3A_224, %dma_start3A_232] : memref<125000x8x32xf32, #tpu.memory_space<hbm>> -> memref<1x1x32xf32, #tpu.memory_space<hbm>>
      %dma_start3A_234 = tpu.memref_squeeze %dma_start3A_233 : memref<1x1x32xf32, #tpu.memory_space<hbm>> -> memref<32xf32, #tpu.memory_space<hbm>>
      %dma_start3A_235 = arith.constant 0 : i32
      %dma_start3A_236 = tpu.memref_slice %arg13[%add3A_228, %dma_start3A_235] : memref<256x32xf32, #tpu.memory_space<vmem>> -> memref<1x32xf32, #tpu.memory_space<vmem>>
      %dma_start3A_237 = tpu.memref_squeeze %dma_start3A_236 : memref<1x32xf32, #tpu.memory_space<vmem>> -> memref<32xf32, #tpu.memory_space<vmem>>
      %dma_start3A_238 = arith.constant 0 : i32
      %dma_start3A_239 = tpu.memref_slice %arg5[%shift_right_arithmetic3A_222, %and3A_224, %dma_start3A_238] : memref<125000x8x32xf32, #tpu.memory_space<hbm>> -> memref<1x1x32xf32, #tpu.memory_space<hbm>>
      %dma_start3A_240 = tpu.memref_squeeze %dma_start3A_239 : memref<1x1x32xf32, #tpu.memory_space<hbm>> -> memref<32xf32, #tpu.memory_space<hbm>>
      tpu.enqueue_dma source(%dma_start3A_240 : memref<32xf32, #tpu.memory_space<hbm>>) target(%dma_start3A_237 : memref<32xf32, #tpu.memory_space<vmem>>) target_semaphore(%arg17 : memref<!tpu.dma_semaphore, #tpu.memory_space<semaphore_mem>>)
      %iota3A_241 = tpu.iota {dimensions = array<i32: 0>} : vector<16xi32>
      %eq3A_242 = arith.constant 3 : i32
      %eq3A_243 = vector.broadcast %eq3A_242 : i32 to vector<16xi32>
      %eq3A_244 = arith.cmpi eq, %iota3A_241, %eq3A_243 : vector<16xi32>
      %jit3A_245 = arith.constant 0 : i32
      %broadcast_in_dim3A_246 = vector.broadcast %jit3A_245 : i32 to vector<16xi32>
      %select_n3A_247 = arith.select %eq3A_244, %get3A_156, %broadcast_in_dim3A_246 : vector<16xi1>, vector<16xi32>
      %reduce_sum3A_248 = arith.constant true
      %reduce_sum3A_249 = vector.broadcast %reduce_sum3A_248 : i1 to vector<16xi1>
      %reduce_sum3A_250 = tpu.scan <sum>, %select_n3A_247 masked %reduce_sum3A_249 : vector<16xi32>, vector<16xi1> -> vector<16xi32>
      %reduce_sum3A_251 = vector.extract %reduce_sum3A_250[15] : i32 from vector<16xi32>
      %shift_right_arithmetic3A_252 = arith.constant 3 : i32
      %shift_right_arithmetic3A_253 = arith.shrsi %reduce_sum3A_251, %shift_right_arithmetic3A_252 : i32
      %and3A_254 = arith.constant 7 : i32
      %and3A_255 = arith.andi %reduce_sum3A_251, %and3A_254 : i32
      %mul3A_256 = arith.constant 16 : i32
      %mul3A_257 = arith.muli %scan3A_150, %mul3A_256 : i32
      %add3A_258 = arith.constant 3 : i32
      %add3A_259 = arith.addi %mul3A_257, %add3A_258 : i32
      %dma_start3A_260 = arith.constant 0 : i32
      %dma_start3A_261 = tpu.memref_slice %arg13[%add3A_259, %dma_start3A_260] : memref<256x32xf32, #tpu.memory_space<vmem>> -> memref<1x32xf32, #tpu.memory_space<vmem>>
      %dma_start3A_262 = tpu.memref_squeeze %dma_start3A_261 : memref<1x32xf32, #tpu.memory_space<vmem>> -> memref<32xf32, #tpu.memory_space<vmem>>
      %dma_start3A_263 = arith.constant 0 : i32
      %dma_start3A_264 = tpu.memref_slice %arg5[%shift_right_arithmetic3A_253, %and3A_255, %dma_start3A_263] : memref<125000x8x32xf32, #tpu.memory_space<hbm>> -> memref<1x1x32xf32, #tpu.memory_space<hbm>>
      %dma_start3A_265 = tpu.memref_squeeze %dma_start3A_264 : memref<1x1x32xf32, #tpu.memory_space<hbm>> -> memref<32xf32, #tpu.memory_space<hbm>>
      %dma_start3A_266 = arith.constant 0 : i32
      %dma_start3A_267 = tpu.memref_slice %arg13[%add3A_259, %dma_start3A_266] : memref<256x32xf32, #tpu.memory_space<vmem>> -> memref<1x32xf32, #tpu.memory_space<vmem>>
      %dma_start3A_268 = tpu.memref_squeeze %dma_start3A_267 : memref<1x32xf32, #tpu.memory_space<vmem>> -> memref<32xf32, #tpu.memory_space<vmem>>
      %dma_start3A_269 = arith.constant 0 : i32
      %dma_start3A_270 = tpu.memref_slice %arg5[%shift_right_arithmetic3A_253, %and3A_255, %dma_start3A_269] : memref<125000x8x32xf32, #tpu.memory_space<hbm>> -> memref<1x1x32xf32, #tpu.memory_space<hbm>>
      %dma_start3A_271 = tpu.memref_squeeze %dma_start3A_270 : memref<1x1x32xf32, #tpu.memory_space<hbm>> -> memref<32xf32, #tpu.memory_space<hbm>>
      tpu.enqueue_dma source(%dma_start3A_271 : memref<32xf32, #tpu.memory_space<hbm>>) target(%dma_start3A_268 : memref<32xf32, #tpu.memory_space<vmem>>) target_semaphore(%arg17 : memref<!tpu.dma_semaphore, #tpu.memory_space<semaphore_mem>>)
      %iota3A_272 = tpu.iota {dimensions = array<i32: 0>} : vector<16xi32>
      %eq3A_273 = arith.constant 4 : i32
      %eq3A_274 = vector.broadcast %eq3A_273 : i32 to vector<16xi32>
      %eq3A_275 = arith.cmpi eq, %iota3A_272, %eq3A_274 : vector<16xi32>
      %jit3A_276 = arith.constant 0 : i32
      %broadcast_in_dim3A_277 = vector.broadcast %jit3A_276 : i32 to vector<16xi32>
      %select_n3A_278 = arith.select %eq3A_275, %get3A_156, %broadcast_in_dim3A_277 : vector<16xi1>, vector<16xi32>
      %reduce_sum3A_279 = arith.constant true
      %reduce_sum3A_280 = vector.broadcast %reduce_sum3A_279 : i1 to vector<16xi1>
      %reduce_sum3A_281 = tpu.scan <sum>, %select_n3A_278 masked %reduce_sum3A_280 : vector<16xi32>, vector<16xi1> -> vector<16xi32>
      %reduce_sum3A_282 = vector.extract %reduce_sum3A_281[15] : i32 from vector<16xi32>
      %shift_right_arithmetic3A_283 = arith.constant 3 : i32
      %shift_right_arithmetic3A_284 = arith.shrsi %reduce_sum3A_282, %shift_right_arithmetic3A_283 : i32
      %and3A_285 = arith.constant 7 : i32
      %and3A_286 = arith.andi %reduce_sum3A_282, %and3A_285 : i32
      %mul3A_287 = arith.constant 16 : i32
      %mul3A_288 = arith.muli %scan3A_150, %mul3A_287 : i32
      %add3A_289 = arith.constant 4 : i32
      %add3A_290 = arith.addi %mul3A_288, %add3A_289 : i32
      %dma_start3A_291 = arith.constant 0 : i32
      %dma_start3A_292 = tpu.memref_slice %arg13[%add3A_290, %dma_start3A_291] : memref<256x32xf32, #tpu.memory_space<vmem>> -> memref<1x32xf32, #tpu.memory_space<vmem>>
      %dma_start3A_293 = tpu.memref_squeeze %dma_start3A_292 : memref<1x32xf32, #tpu.memory_space<vmem>> -> memref<32xf32, #tpu.memory_space<vmem>>
      %dma_start3A_294 = arith.constant 0 : i32
      %dma_start3A_295 = tpu.memref_slice %arg5[%shift_right_arithmetic3A_284, %and3A_286, %dma_start3A_294] : memref<125000x8x32xf32, #tpu.memory_space<hbm>> -> memref<1x1x32xf32, #tpu.memory_space<hbm>>
      %dma_start3A_296 = tpu.memref_squeeze %dma_start3A_295 : memref<1x1x32xf32, #tpu.memory_space<hbm>> -> memref<32xf32, #tpu.memory_space<hbm>>
      %dma_start3A_297 = arith.constant 0 : i32
      %dma_start3A_298 = tpu.memref_slice %arg13[%add3A_290, %dma_start3A_297] : memref<256x32xf32, #tpu.memory_space<vmem>> -> memref<1x32xf32, #tpu.memory_space<vmem>>
      %dma_start3A_299 = tpu.memref_squeeze %dma_start3A_298 : memref<1x32xf32, #tpu.memory_space<vmem>> -> memref<32xf32, #tpu.memory_space<vmem>>
      %dma_start3A_300 = arith.constant 0 : i32
      %dma_start3A_301 = tpu.memref_slice %arg5[%shift_right_arithmetic3A_284, %and3A_286, %dma_start3A_300] : memref<125000x8x32xf32, #tpu.memory_space<hbm>> -> memref<1x1x32xf32, #tpu.memory_space<hbm>>
      %dma_start3A_302 = tpu.memref_squeeze %dma_start3A_301 : memref<1x1x32xf32, #tpu.memory_space<hbm>> -> memref<32xf32, #tpu.memory_space<hbm>>
      tpu.enqueue_dma source(%dma_start3A_302 : memref<32xf32, #tpu.memory_space<hbm>>) target(%dma_start3A_299 : memref<32xf32, #tpu.memory_space<vmem>>) target_semaphore(%arg17 : memref<!tpu.dma_semaphore, #tpu.memory_space<semaphore_mem>>)
      %iota3A_303 = tpu.iota {dimensions = array<i32: 0>} : vector<16xi32>
      %eq3A_304 = arith.constant 5 : i32
      %eq3A_305 = vector.broadcast %eq3A_304 : i32 to vector<16xi32>
      %eq3A_306 = arith.cmpi eq, %iota3A_303, %eq3A_305 : vector<16xi32>
      %jit3A_307 = arith.constant 0 : i32
      %broadcast_in_dim3A_308 = vector.broadcast %jit3A_307 : i32 to vector<16xi32>
      %select_n3A_309 = arith.select %eq3A_306, %get3A_156, %broadcast_in_dim3A_308 : vector<16xi1>, vector<16xi32>
      %reduce_sum3A_310 = arith.constant true
      %reduce_sum3A_311 = vector.broadcast %reduce_sum3A_310 : i1 to vector<16xi1>
      %reduce_sum3A_312 = tpu.scan <sum>, %select_n3A_309 masked %reduce_sum3A_311 : vector<16xi32>, vector<16xi1> -> vector<16xi32>
      %reduce_sum3A_313 = vector.extract %reduce_sum3A_312[15] : i32 from vector<16xi32>
      %shift_right_arithmetic3A_314 = arith.constant 3 : i32
      %shift_right_arithmetic3A_315 = arith.shrsi %reduce_sum3A_313, %shift_right_arithmetic3A_314 : i32
      %and3A_316 = arith.constant 7 : i32
      %and3A_317 = arith.andi %reduce_sum3A_313, %and3A_316 : i32
      %mul3A_318 = arith.constant 16 : i32
      %mul3A_319 = arith.muli %scan3A_150, %mul3A_318 : i32
      %add3A_320 = arith.constant 5 : i32
      %add3A_321 = arith.addi %mul3A_319, %add3A_320 : i32
      %dma_start3A_322 = arith.constant 0 : i32
      %dma_start3A_323 = tpu.memref_slice %arg13[%add3A_321, %dma_start3A_322] : memref<256x32xf32, #tpu.memory_space<vmem>> -> memref<1x32xf32, #tpu.memory_space<vmem>>
      %dma_start3A_324 = tpu.memref_squeeze %dma_start3A_323 : memref<1x32xf32, #tpu.memory_space<vmem>> -> memref<32xf32, #tpu.memory_space<vmem>>
      %dma_start3A_325 = arith.constant 0 : i32
      %dma_start3A_326 = tpu.memref_slice %arg5[%shift_right_arithmetic3A_315, %and3A_317, %dma_start3A_325] : memref<125000x8x32xf32, #tpu.memory_space<hbm>> -> memref<1x1x32xf32, #tpu.memory_space<hbm>>
      %dma_start3A_327 = tpu.memref_squeeze %dma_start3A_326 : memref<1x1x32xf32, #tpu.memory_space<hbm>> -> memref<32xf32, #tpu.memory_space<hbm>>
      %dma_start3A_328 = arith.constant 0 : i32
      %dma_start3A_329 = tpu.memref_slice %arg13[%add3A_321, %dma_start3A_328] : memref<256x32xf32, #tpu.memory_space<vmem>> -> memref<1x32xf32, #tpu.memory_space<vmem>>
      %dma_start3A_330 = tpu.memref_squeeze %dma_start3A_329 : memref<1x32xf32, #tpu.memory_space<vmem>> -> memref<32xf32, #tpu.memory_space<vmem>>
      %dma_start3A_331 = arith.constant 0 : i32
      %dma_start3A_332 = tpu.memref_slice %arg5[%shift_right_arithmetic3A_315, %and3A_317, %dma_start3A_331] : memref<125000x8x32xf32, #tpu.memory_space<hbm>> -> memref<1x1x32xf32, #tpu.memory_space<hbm>>
      %dma_start3A_333 = tpu.memref_squeeze %dma_start3A_332 : memref<1x1x32xf32, #tpu.memory_space<hbm>> -> memref<32xf32, #tpu.memory_space<hbm>>
      tpu.enqueue_dma source(%dma_start3A_333 : memref<32xf32, #tpu.memory_space<hbm>>) target(%dma_start3A_330 : memref<32xf32, #tpu.memory_space<vmem>>) target_semaphore(%arg17 : memref<!tpu.dma_semaphore, #tpu.memory_space<semaphore_mem>>)
      %iota3A_334 = tpu.iota {dimensions = array<i32: 0>} : vector<16xi32>
      %eq3A_335 = arith.constant 6 : i32
      %eq3A_336 = vector.broadcast %eq3A_335 : i32 to vector<16xi32>
      %eq3A_337 = arith.cmpi eq, %iota3A_334, %eq3A_336 : vector<16xi32>
      %jit3A_338 = arith.constant 0 : i32
      %broadcast_in_dim3A_339 = vector.broadcast %jit3A_338 : i32 to vector<16xi32>
      %select_n3A_340 = arith.select %eq3A_337, %get3A_156, %broadcast_in_dim3A_339 : vector<16xi1>, vector<16xi32>
      %reduce_sum3A_341 = arith.constant true
      %reduce_sum3A_342 = vector.broadcast %reduce_sum3A_341 : i1 to vector<16xi1>
      %reduce_sum3A_343 = tpu.scan <sum>, %select_n3A_340 masked %reduce_sum3A_342 : vector<16xi32>, vector<16xi1> -> vector<16xi32>
      %reduce_sum3A_344 = vector.extract %reduce_sum3A_343[15] : i32 from vector<16xi32>
      %shift_right_arithmetic3A_345 = arith.constant 3 : i32
      %shift_right_arithmetic3A_346 = arith.shrsi %reduce_sum3A_344, %shift_right_arithmetic3A_345 : i32
      %and3A_347 = arith.constant 7 : i32
      %and3A_348 = arith.andi %reduce_sum3A_344, %and3A_347 : i32
      %mul3A_349 = arith.constant 16 : i32
      %mul3A_350 = arith.muli %scan3A_150, %mul3A_349 : i32
      %add3A_351 = arith.constant 6 : i32
      %add3A_352 = arith.addi %mul3A_350, %add3A_351 : i32
      %dma_start3A_353 = arith.constant 0 : i32
      %dma_start3A_354 = tpu.memref_slice %arg13[%add3A_352, %dma_start3A_353] : memref<256x32xf32, #tpu.memory_space<vmem>> -> memref<1x32xf32, #tpu.memory_space<vmem>>
      %dma_start3A_355 = tpu.memref_squeeze %dma_start3A_354 : memref<1x32xf32, #tpu.memory_space<vmem>> -> memref<32xf32, #tpu.memory_space<vmem>>
      %dma_start3A_356 = arith.constant 0 : i32
      %dma_start3A_357 = tpu.memref_slice %arg5[%shift_right_arithmetic3A_346, %and3A_348, %dma_start3A_356] : memref<125000x8x32xf32, #tpu.memory_space<hbm>> -> memref<1x1x32xf32, #tpu.memory_space<hbm>>
      %dma_start3A_358 = tpu.memref_squeeze %dma_start3A_357 : memref<1x1x32xf32, #tpu.memory_space<hbm>> -> memref<32xf32, #tpu.memory_space<hbm>>
      %dma_start3A_359 = arith.constant 0 : i32
      %dma_start3A_360 = tpu.memref_slice %arg13[%add3A_352, %dma_start3A_359] : memref<256x32xf32, #tpu.memory_space<vmem>> -> memref<1x32xf32, #tpu.memory_space<vmem>>
      %dma_start3A_361 = tpu.memref_squeeze %dma_start3A_360 : memref<1x32xf32, #tpu.memory_space<vmem>> -> memref<32xf32, #tpu.memory_space<vmem>>
      %dma_start3A_362 = arith.constant 0 : i32
      %dma_start3A_363 = tpu.memref_slice %arg5[%shift_right_arithmetic3A_346, %and3A_348, %dma_start3A_362] : memref<125000x8x32xf32, #tpu.memory_space<hbm>> -> memref<1x1x32xf32, #tpu.memory_space<hbm>>
      %dma_start3A_364 = tpu.memref_squeeze %dma_start3A_363 : memref<1x1x32xf32, #tpu.memory_space<hbm>> -> memref<32xf32, #tpu.memory_space<hbm>>
      tpu.enqueue_dma source(%dma_start3A_364 : memref<32xf32, #tpu.memory_space<hbm>>) target(%dma_start3A_361 : memref<32xf32, #tpu.memory_space<vmem>>) target_semaphore(%arg17 : memref<!tpu.dma_semaphore, #tpu.memory_space<semaphore_mem>>)
      %iota3A_365 = tpu.iota {dimensions = array<i32: 0>} : vector<16xi32>
      %eq3A_366 = arith.constant 7 : i32
      %eq3A_367 = vector.broadcast %eq3A_366 : i32 to vector<16xi32>
      %eq3A_368 = arith.cmpi eq, %iota3A_365, %eq3A_367 : vector<16xi32>
      %jit3A_369 = arith.constant 0 : i32
      %broadcast_in_dim3A_370 = vector.broadcast %jit3A_369 : i32 to vector<16xi32>
      %select_n3A_371 = arith.select %eq3A_368, %get3A_156, %broadcast_in_dim3A_370 : vector<16xi1>, vector<16xi32>
      %reduce_sum3A_372 = arith.constant true
      %reduce_sum3A_373 = vector.broadcast %reduce_sum3A_372 : i1 to vector<16xi1>
      %reduce_sum3A_374 = tpu.scan <sum>, %select_n3A_371 masked %reduce_sum3A_373 : vector<16xi32>, vector<16xi1> -> vector<16xi32>
      %reduce_sum3A_375 = vector.extract %reduce_sum3A_374[15] : i32 from vector<16xi32>
      %shift_right_arithmetic3A_376 = arith.constant 3 : i32
      %shift_right_arithmetic3A_377 = arith.shrsi %reduce_sum3A_375, %shift_right_arithmetic3A_376 : i32
      %and3A_378 = arith.constant 7 : i32
      %and3A_379 = arith.andi %reduce_sum3A_375, %and3A_378 : i32
      %mul3A_380 = arith.constant 16 : i32
      %mul3A_381 = arith.muli %scan3A_150, %mul3A_380 : i32
      %add3A_382 = arith.constant 7 : i32
      %add3A_383 = arith.addi %mul3A_381, %add3A_382 : i32
      %dma_start3A_384 = arith.constant 0 : i32
      %dma_start3A_385 = tpu.memref_slice %arg13[%add3A_383, %dma_start3A_384] : memref<256x32xf32, #tpu.memory_space<vmem>> -> memref<1x32xf32, #tpu.memory_space<vmem>>
      %dma_start3A_386 = tpu.memref_squeeze %dma_start3A_385 : memref<1x32xf32, #tpu.memory_space<vmem>> -> memref<32xf32, #tpu.memory_space<vmem>>
      %dma_start3A_387 = arith.constant 0 : i32
      %dma_start3A_388 = tpu.memref_slice %arg5[%shift_right_arithmetic3A_377, %and3A_379, %dma_start3A_387] : memref<125000x8x32xf32, #tpu.memory_space<hbm>> -> memref<1x1x32xf32, #tpu.memory_space<hbm>>
      %dma_start3A_389 = tpu.memref_squeeze %dma_start3A_388 : memref<1x1x32xf32, #tpu.memory_space<hbm>> -> memref<32xf32, #tpu.memory_space<hbm>>
      %dma_start3A_390 = arith.constant 0 : i32
      %dma_start3A_391 = tpu.memref_slice %arg13[%add3A_383, %dma_start3A_390] : memref<256x32xf32, #tpu.memory_space<vmem>> -> memref<1x32xf32, #tpu.memory_space<vmem>>
      %dma_start3A_392 = tpu.memref_squeeze %dma_start3A_391 : memref<1x32xf32, #tpu.memory_space<vmem>> -> memref<32xf32, #tpu.memory_space<vmem>>
      %dma_start3A_393 = arith.constant 0 : i32
      %dma_start3A_394 = tpu.memref_slice %arg5[%shift_right_arithmetic3A_377, %and3A_379, %dma_start3A_393] : memref<125000x8x32xf32, #tpu.memory_space<hbm>> -> memref<1x1x32xf32, #tpu.memory_space<hbm>>
      %dma_start3A_395 = tpu.memref_squeeze %dma_start3A_394 : memref<1x1x32xf32, #tpu.memory_space<hbm>> -> memref<32xf32, #tpu.memory_space<hbm>>
      tpu.enqueue_dma source(%dma_start3A_395 : memref<32xf32, #tpu.memory_space<hbm>>) target(%dma_start3A_392 : memref<32xf32, #tpu.memory_space<vmem>>) target_semaphore(%arg17 : memref<!tpu.dma_semaphore, #tpu.memory_space<semaphore_mem>>)
      %iota3A_396 = tpu.iota {dimensions = array<i32: 0>} : vector<16xi32>
      %eq3A_397 = arith.constant 8 : i32
      %eq3A_398 = vector.broadcast %eq3A_397 : i32 to vector<16xi32>
      %eq3A_399 = arith.cmpi eq, %iota3A_396, %eq3A_398 : vector<16xi32>
      %jit3A_400 = arith.constant 0 : i32
      %broadcast_in_dim3A_401 = vector.broadcast %jit3A_400 : i32 to vector<16xi32>
      %select_n3A_402 = arith.select %eq3A_399, %get3A_156, %broadcast_in_dim3A_401 : vector<16xi1>, vector<16xi32>
      %reduce_sum3A_403 = arith.constant true
      %reduce_sum3A_404 = vector.broadcast %reduce_sum3A_403 : i1 to vector<16xi1>
      %reduce_sum3A_405 = tpu.scan <sum>, %select_n3A_402 masked %reduce_sum3A_404 : vector<16xi32>, vector<16xi1> -> vector<16xi32>
      %reduce_sum3A_406 = vector.extract %reduce_sum3A_405[15] : i32 from vector<16xi32>
      %shift_right_arithmetic3A_407 = arith.constant 3 : i32
      %shift_right_arithmetic3A_408 = arith.shrsi %reduce_sum3A_406, %shift_right_arithmetic3A_407 : i32
      %and3A_409 = arith.constant 7 : i32
      %and3A_410 = arith.andi %reduce_sum3A_406, %and3A_409 : i32
      %mul3A_411 = arith.constant 16 : i32
      %mul3A_412 = arith.muli %scan3A_150, %mul3A_411 : i32
      %add3A_413 = arith.constant 8 : i32
      %add3A_414 = arith.addi %mul3A_412, %add3A_413 : i32
      %dma_start3A_415 = arith.constant 0 : i32
      %dma_start3A_416 = tpu.memref_slice %arg13[%add3A_414, %dma_start3A_415] : memref<256x32xf32, #tpu.memory_space<vmem>> -> memref<1x32xf32, #tpu.memory_space<vmem>>
      %dma_start3A_417 = tpu.memref_squeeze %dma_start3A_416 : memref<1x32xf32, #tpu.memory_space<vmem>> -> memref<32xf32, #tpu.memory_space<vmem>>
      %dma_start3A_418 = arith.constant 0 : i32
      %dma_start3A_419 = tpu.memref_slice %arg5[%shift_right_arithmetic3A_408, %and3A_410, %dma_start3A_418] : memref<125000x8x32xf32, #tpu.memory_space<hbm>> -> memref<1x1x32xf32, #tpu.memory_space<hbm>>
      %dma_start3A_420 = tpu.memref_squeeze %dma_start3A_419 : memref<1x1x32xf32, #tpu.memory_space<hbm>> -> memref<32xf32, #tpu.memory_space<hbm>>
      %dma_start3A_421 = arith.constant 0 : i32
      %dma_start3A_422 = tpu.memref_slice %arg13[%add3A_414, %dma_start3A_421] : memref<256x32xf32, #tpu.memory_space<vmem>> -> memref<1x32xf32, #tpu.memory_space<vmem>>
      %dma_start3A_423 = tpu.memref_squeeze %dma_start3A_422 : memref<1x32xf32, #tpu.memory_space<vmem>> -> memref<32xf32, #tpu.memory_space<vmem>>
      %dma_start3A_424 = arith.constant 0 : i32
      %dma_start3A_425 = tpu.memref_slice %arg5[%shift_right_arithmetic3A_408, %and3A_410, %dma_start3A_424] : memref<125000x8x32xf32, #tpu.memory_space<hbm>> -> memref<1x1x32xf32, #tpu.memory_space<hbm>>
      %dma_start3A_426 = tpu.memref_squeeze %dma_start3A_425 : memref<1x1x32xf32, #tpu.memory_space<hbm>> -> memref<32xf32, #tpu.memory_space<hbm>>
      tpu.enqueue_dma source(%dma_start3A_426 : memref<32xf32, #tpu.memory_space<hbm>>) target(%dma_start3A_423 : memref<32xf32, #tpu.memory_space<vmem>>) target_semaphore(%arg17 : memref<!tpu.dma_semaphore, #tpu.memory_space<semaphore_mem>>)
      %iota3A_427 = tpu.iota {dimensions = array<i32: 0>} : vector<16xi32>
      %eq3A_428 = arith.constant 9 : i32
      %eq3A_429 = vector.broadcast %eq3A_428 : i32 to vector<16xi32>
      %eq3A_430 = arith.cmpi eq, %iota3A_427, %eq3A_429 : vector<16xi32>
      %jit3A_431 = arith.constant 0 : i32
      %broadcast_in_dim3A_432 = vector.broadcast %jit3A_431 : i32 to vector<16xi32>
      %select_n3A_433 = arith.select %eq3A_430, %get3A_156, %broadcast_in_dim3A_432 : vector<16xi1>, vector<16xi32>
      %reduce_sum3A_434 = arith.constant true
      %reduce_sum3A_435 = vector.broadcast %reduce_sum3A_434 : i1 to vector<16xi1>
      %reduce_sum3A_436 = tpu.scan <sum>, %select_n3A_433 masked %reduce_sum3A_435 : vector<16xi32>, vector<16xi1> -> vector<16xi32>
      %reduce_sum3A_437 = vector.extract %reduce_sum3A_436[15] : i32 from vector<16xi32>
      %shift_right_arithmetic3A_438 = arith.constant 3 : i32
      %shift_right_arithmetic3A_439 = arith.shrsi %reduce_sum3A_437, %shift_right_arithmetic3A_438 : i32
      %and3A_440 = arith.constant 7 : i32
      %and3A_441 = arith.andi %reduce_sum3A_437, %and3A_440 : i32
      %mul3A_442 = arith.constant 16 : i32
      %mul3A_443 = arith.muli %scan3A_150, %mul3A_442 : i32
      %add3A_444 = arith.constant 9 : i32
      %add3A_445 = arith.addi %mul3A_443, %add3A_444 : i32
      %dma_start3A_446 = arith.constant 0 : i32
      %dma_start3A_447 = tpu.memref_slice %arg13[%add3A_445, %dma_start3A_446] : memref<256x32xf32, #tpu.memory_space<vmem>> -> memref<1x32xf32, #tpu.memory_space<vmem>>
      %dma_start3A_448 = tpu.memref_squeeze %dma_start3A_447 : memref<1x32xf32, #tpu.memory_space<vmem>> -> memref<32xf32, #tpu.memory_space<vmem>>
      %dma_start3A_449 = arith.constant 0 : i32
      %dma_start3A_450 = tpu.memref_slice %arg5[%shift_right_arithmetic3A_439, %and3A_441, %dma_start3A_449] : memref<125000x8x32xf32, #tpu.memory_space<hbm>> -> memref<1x1x32xf32, #tpu.memory_space<hbm>>
      %dma_start3A_451 = tpu.memref_squeeze %dma_start3A_450 : memref<1x1x32xf32, #tpu.memory_space<hbm>> -> memref<32xf32, #tpu.memory_space<hbm>>
      %dma_start3A_452 = arith.constant 0 : i32
      %dma_start3A_453 = tpu.memref_slice %arg13[%add3A_445, %dma_start3A_452] : memref<256x32xf32, #tpu.memory_space<vmem>> -> memref<1x32xf32, #tpu.memory_space<vmem>>
      %dma_start3A_454 = tpu.memref_squeeze %dma_start3A_453 : memref<1x32xf32, #tpu.memory_space<vmem>> -> memref<32xf32, #tpu.memory_space<vmem>>
      %dma_start3A_455 = arith.constant 0 : i32
      %dma_start3A_456 = tpu.memref_slice %arg5[%shift_right_arithmetic3A_439, %and3A_441, %dma_start3A_455] : memref<125000x8x32xf32, #tpu.memory_space<hbm>> -> memref<1x1x32xf32, #tpu.memory_space<hbm>>
      %dma_start3A_457 = tpu.memref_squeeze %dma_start3A_456 : memref<1x1x32xf32, #tpu.memory_space<hbm>> -> memref<32xf32, #tpu.memory_space<hbm>>
      tpu.enqueue_dma source(%dma_start3A_457 : memref<32xf32, #tpu.memory_space<hbm>>) target(%dma_start3A_454 : memref<32xf32, #tpu.memory_space<vmem>>) target_semaphore(%arg17 : memref<!tpu.dma_semaphore, #tpu.memory_space<semaphore_mem>>)
      %iota3A_458 = tpu.iota {dimensions = array<i32: 0>} : vector<16xi32>
      %eq3A_459 = arith.constant 10 : i32
      %eq3A_460 = vector.broadcast %eq3A_459 : i32 to vector<16xi32>
      %eq3A_461 = arith.cmpi eq, %iota3A_458, %eq3A_460 : vector<16xi32>
      %jit3A_462 = arith.constant 0 : i32
      %broadcast_in_dim3A_463 = vector.broadcast %jit3A_462 : i32 to vector<16xi32>
      %select_n3A_464 = arith.select %eq3A_461, %get3A_156, %broadcast_in_dim3A_463 : vector<16xi1>, vector<16xi32>
      %reduce_sum3A_465 = arith.constant true
      %reduce_sum3A_466 = vector.broadcast %reduce_sum3A_465 : i1 to vector<16xi1>
      %reduce_sum3A_467 = tpu.scan <sum>, %select_n3A_464 masked %reduce_sum3A_466 : vector<16xi32>, vector<16xi1> -> vector<16xi32>
      %reduce_sum3A_468 = vector.extract %reduce_sum3A_467[15] : i32 from vector<16xi32>
      %shift_right_arithmetic3A_469 = arith.constant 3 : i32
      %shift_right_arithmetic3A_470 = arith.shrsi %reduce_sum3A_468, %shift_right_arithmetic3A_469 : i32
      %and3A_471 = arith.constant 7 : i32
      %and3A_472 = arith.andi %reduce_sum3A_468, %and3A_471 : i32
      %mul3A_473 = arith.constant 16 : i32
      %mul3A_474 = arith.muli %scan3A_150, %mul3A_473 : i32
      %add3A_475 = arith.constant 10 : i32
      %add3A_476 = arith.addi %mul3A_474, %add3A_475 : i32
      %dma_start3A_477 = arith.constant 0 : i32
      %dma_start3A_478 = tpu.memref_slice %arg13[%add3A_476, %dma_start3A_477] : memref<256x32xf32, #tpu.memory_space<vmem>> -> memref<1x32xf32, #tpu.memory_space<vmem>>
      %dma_start3A_479 = tpu.memref_squeeze %dma_start3A_478 : memref<1x32xf32, #tpu.memory_space<vmem>> -> memref<32xf32, #tpu.memory_space<vmem>>
      %dma_start3A_480 = arith.constant 0 : i32
      %dma_start3A_481 = tpu.memref_slice %arg5[%shift_right_arithmetic3A_470, %and3A_472, %dma_start3A_480] : memref<125000x8x32xf32, #tpu.memory_space<hbm>> -> memref<1x1x32xf32, #tpu.memory_space<hbm>>
      %dma_start3A_482 = tpu.memref_squeeze %dma_start3A_481 : memref<1x1x32xf32, #tpu.memory_space<hbm>> -> memref<32xf32, #tpu.memory_space<hbm>>
      %dma_start3A_483 = arith.constant 0 : i32
      %dma_start3A_484 = tpu.memref_slice %arg13[%add3A_476, %dma_start3A_483] : memref<256x32xf32, #tpu.memory_space<vmem>> -> memref<1x32xf32, #tpu.memory_space<vmem>>
      %dma_start3A_485 = tpu.memref_squeeze %dma_start3A_484 : memref<1x32xf32, #tpu.memory_space<vmem>> -> memref<32xf32, #tpu.memory_space<vmem>>
      %dma_start3A_486 = arith.constant 0 : i32
      %dma_start3A_487 = tpu.memref_slice %arg5[%shift_right_arithmetic3A_470, %and3A_472, %dma_start3A_486] : memref<125000x8x32xf32, #tpu.memory_space<hbm>> -> memref<1x1x32xf32, #tpu.memory_space<hbm>>
      %dma_start3A_488 = tpu.memref_squeeze %dma_start3A_487 : memref<1x1x32xf32, #tpu.memory_space<hbm>> -> memref<32xf32, #tpu.memory_space<hbm>>
      tpu.enqueue_dma source(%dma_start3A_488 : memref<32xf32, #tpu.memory_space<hbm>>) target(%dma_start3A_485 : memref<32xf32, #tpu.memory_space<vmem>>) target_semaphore(%arg17 : memref<!tpu.dma_semaphore, #tpu.memory_space<semaphore_mem>>)
      %iota3A_489 = tpu.iota {dimensions = array<i32: 0>} : vector<16xi32>
      %eq3A_490 = arith.constant 11 : i32
      %eq3A_491 = vector.broadcast %eq3A_490 : i32 to vector<16xi32>
      %eq3A_492 = arith.cmpi eq, %iota3A_489, %eq3A_491 : vector<16xi32>
      %jit3A_493 = arith.constant 0 : i32
      %broadcast_in_dim3A_494 = vector.broadcast %jit3A_493 : i32 to vector<16xi32>
      %select_n3A_495 = arith.select %eq3A_492, %get3A_156, %broadcast_in_dim3A_494 : vector<16xi1>, vector<16xi32>
      %reduce_sum3A_496 = arith.constant true
      %reduce_sum3A_497 = vector.broadcast %reduce_sum3A_496 : i1 to vector<16xi1>
      %reduce_sum3A_498 = tpu.scan <sum>, %select_n3A_495 masked %reduce_sum3A_497 : vector<16xi32>, vector<16xi1> -> vector<16xi32>
      %reduce_sum3A_499 = vector.extract %reduce_sum3A_498[15] : i32 from vector<16xi32>
      %shift_right_arithmetic3A_500 = arith.constant 3 : i32
      %shift_right_arithmetic3A_501 = arith.shrsi %reduce_sum3A_499, %shift_right_arithmetic3A_500 : i32
      %and3A_502 = arith.constant 7 : i32
      %and3A_503 = arith.andi %reduce_sum3A_499, %and3A_502 : i32
      %mul3A_504 = arith.constant 16 : i32
      %mul3A_505 = arith.muli %scan3A_150, %mul3A_504 : i32
      %add3A_506 = arith.constant 11 : i32
      %add3A_507 = arith.addi %mul3A_505, %add3A_506 : i32
      %dma_start3A_508 = arith.constant 0 : i32
      %dma_start3A_509 = tpu.memref_slice %arg13[%add3A_507, %dma_start3A_508] : memref<256x32xf32, #tpu.memory_space<vmem>> -> memref<1x32xf32, #tpu.memory_space<vmem>>
      %dma_start3A_510 = tpu.memref_squeeze %dma_start3A_509 : memref<1x32xf32, #tpu.memory_space<vmem>> -> memref<32xf32, #tpu.memory_space<vmem>>
      %dma_start3A_511 = arith.constant 0 : i32
      %dma_start3A_512 = tpu.memref_slice %arg5[%shift_right_arithmetic3A_501, %and3A_503, %dma_start3A_511] : memref<125000x8x32xf32, #tpu.memory_space<hbm>> -> memref<1x1x32xf32, #tpu.memory_space<hbm>>
      %dma_start3A_513 = tpu.memref_squeeze %dma_start3A_512 : memref<1x1x32xf32, #tpu.memory_space<hbm>> -> memref<32xf32, #tpu.memory_space<hbm>>
      %dma_start3A_514 = arith.constant 0 : i32
      %dma_start3A_515 = tpu.memref_slice %arg13[%add3A_507, %dma_start3A_514] : memref<256x32xf32, #tpu.memory_space<vmem>> -> memref<1x32xf32, #tpu.memory_space<vmem>>
      %dma_start3A_516 = tpu.memref_squeeze %dma_start3A_515 : memref<1x32xf32, #tpu.memory_space<vmem>> -> memref<32xf32, #tpu.memory_space<vmem>>
      %dma_start3A_517 = arith.constant 0 : i32
      %dma_start3A_518 = tpu.memref_slice %arg5[%shift_right_arithmetic3A_501, %and3A_503, %dma_start3A_517] : memref<125000x8x32xf32, #tpu.memory_space<hbm>> -> memref<1x1x32xf32, #tpu.memory_space<hbm>>
      %dma_start3A_519 = tpu.memref_squeeze %dma_start3A_518 : memref<1x1x32xf32, #tpu.memory_space<hbm>> -> memref<32xf32, #tpu.memory_space<hbm>>
      tpu.enqueue_dma source(%dma_start3A_519 : memref<32xf32, #tpu.memory_space<hbm>>) target(%dma_start3A_516 : memref<32xf32, #tpu.memory_space<vmem>>) target_semaphore(%arg17 : memref<!tpu.dma_semaphore, #tpu.memory_space<semaphore_mem>>)
      %iota3A_520 = tpu.iota {dimensions = array<i32: 0>} : vector<16xi32>
      %eq3A_521 = arith.constant 12 : i32
      %eq3A_522 = vector.broadcast %eq3A_521 : i32 to vector<16xi32>
      %eq3A_523 = arith.cmpi eq, %iota3A_520, %eq3A_522 : vector<16xi32>
      %jit3A_524 = arith.constant 0 : i32
      %broadcast_in_dim3A_525 = vector.broadcast %jit3A_524 : i32 to vector<16xi32>
      %select_n3A_526 = arith.select %eq3A_523, %get3A_156, %broadcast_in_dim3A_525 : vector<16xi1>, vector<16xi32>
      %reduce_sum3A_527 = arith.constant true
      %reduce_sum3A_528 = vector.broadcast %reduce_sum3A_527 : i1 to vector<16xi1>
      %reduce_sum3A_529 = tpu.scan <sum>, %select_n3A_526 masked %reduce_sum3A_528 : vector<16xi32>, vector<16xi1> -> vector<16xi32>
      %reduce_sum3A_530 = vector.extract %reduce_sum3A_529[15] : i32 from vector<16xi32>
      %shift_right_arithmetic3A_531 = arith.constant 3 : i32
      %shift_right_arithmetic3A_532 = arith.shrsi %reduce_sum3A_530, %shift_right_arithmetic3A_531 : i32
      %and3A_533 = arith.constant 7 : i32
      %and3A_534 = arith.andi %reduce_sum3A_530, %and3A_533 : i32
      %mul3A_535 = arith.constant 16 : i32
      %mul3A_536 = arith.muli %scan3A_150, %mul3A_535 : i32
      %add3A_537 = arith.constant 12 : i32
      %add3A_538 = arith.addi %mul3A_536, %add3A_537 : i32
      %dma_start3A_539 = arith.constant 0 : i32
      %dma_start3A_540 = tpu.memref_slice %arg13[%add3A_538, %dma_start3A_539] : memref<256x32xf32, #tpu.memory_space<vmem>> -> memref<1x32xf32, #tpu.memory_space<vmem>>
      %dma_start3A_541 = tpu.memref_squeeze %dma_start3A_540 : memref<1x32xf32, #tpu.memory_space<vmem>> -> memref<32xf32, #tpu.memory_space<vmem>>
      %dma_start3A_542 = arith.constant 0 : i32
      %dma_start3A_543 = tpu.memref_slice %arg5[%shift_right_arithmetic3A_532, %and3A_534, %dma_start3A_542] : memref<125000x8x32xf32, #tpu.memory_space<hbm>> -> memref<1x1x32xf32, #tpu.memory_space<hbm>>
      %dma_start3A_544 = tpu.memref_squeeze %dma_start3A_543 : memref<1x1x32xf32, #tpu.memory_space<hbm>> -> memref<32xf32, #tpu.memory_space<hbm>>
      %dma_start3A_545 = arith.constant 0 : i32
      %dma_start3A_546 = tpu.memref_slice %arg13[%add3A_538, %dma_start3A_545] : memref<256x32xf32, #tpu.memory_space<vmem>> -> memref<1x32xf32, #tpu.memory_space<vmem>>
      %dma_start3A_547 = tpu.memref_squeeze %dma_start3A_546 : memref<1x32xf32, #tpu.memory_space<vmem>> -> memref<32xf32, #tpu.memory_space<vmem>>
      %dma_start3A_548 = arith.constant 0 : i32
      %dma_start3A_549 = tpu.memref_slice %arg5[%shift_right_arithmetic3A_532, %and3A_534, %dma_start3A_548] : memref<125000x8x32xf32, #tpu.memory_space<hbm>> -> memref<1x1x32xf32, #tpu.memory_space<hbm>>
      %dma_start3A_550 = tpu.memref_squeeze %dma_start3A_549 : memref<1x1x32xf32, #tpu.memory_space<hbm>> -> memref<32xf32, #tpu.memory_space<hbm>>
      tpu.enqueue_dma source(%dma_start3A_550 : memref<32xf32, #tpu.memory_space<hbm>>) target(%dma_start3A_547 : memref<32xf32, #tpu.memory_space<vmem>>) target_semaphore(%arg17 : memref<!tpu.dma_semaphore, #tpu.memory_space<semaphore_mem>>)
      %iota3A_551 = tpu.iota {dimensions = array<i32: 0>} : vector<16xi32>
      %eq3A_552 = arith.constant 13 : i32
      %eq3A_553 = vector.broadcast %eq3A_552 : i32 to vector<16xi32>
      %eq3A_554 = arith.cmpi eq, %iota3A_551, %eq3A_553 : vector<16xi32>
      %jit3A_555 = arith.constant 0 : i32
      %broadcast_in_dim3A_556 = vector.broadcast %jit3A_555 : i32 to vector<16xi32>
      %select_n3A_557 = arith.select %eq3A_554, %get3A_156, %broadcast_in_dim3A_556 : vector<16xi1>, vector<16xi32>
      %reduce_sum3A_558 = arith.constant true
      %reduce_sum3A_559 = vector.broadcast %reduce_sum3A_558 : i1 to vector<16xi1>
      %reduce_sum3A_560 = tpu.scan <sum>, %select_n3A_557 masked %reduce_sum3A_559 : vector<16xi32>, vector<16xi1> -> vector<16xi32>
      %reduce_sum3A_561 = vector.extract %reduce_sum3A_560[15] : i32 from vector<16xi32>
      %shift_right_arithmetic3A_562 = arith.constant 3 : i32
      %shift_right_arithmetic3A_563 = arith.shrsi %reduce_sum3A_561, %shift_right_arithmetic3A_562 : i32
      %and3A_564 = arith.constant 7 : i32
      %and3A_565 = arith.andi %reduce_sum3A_561, %and3A_564 : i32
      %mul3A_566 = arith.constant 16 : i32
      %mul3A_567 = arith.muli %scan3A_150, %mul3A_566 : i32
      %add3A_568 = arith.constant 13 : i32
      %add3A_569 = arith.addi %mul3A_567, %add3A_568 : i32
      %dma_start3A_570 = arith.constant 0 : i32
      %dma_start3A_571 = tpu.memref_slice %arg13[%add3A_569, %dma_start3A_570] : memref<256x32xf32, #tpu.memory_space<vmem>> -> memref<1x32xf32, #tpu.memory_space<vmem>>
      %dma_start3A_572 = tpu.memref_squeeze %dma_start3A_571 : memref<1x32xf32, #tpu.memory_space<vmem>> -> memref<32xf32, #tpu.memory_space<vmem>>
      %dma_start3A_573 = arith.constant 0 : i32
      %dma_start3A_574 = tpu.memref_slice %arg5[%shift_right_arithmetic3A_563, %and3A_565, %dma_start3A_573] : memref<125000x8x32xf32, #tpu.memory_space<hbm>> -> memref<1x1x32xf32, #tpu.memory_space<hbm>>
      %dma_start3A_575 = tpu.memref_squeeze %dma_start3A_574 : memref<1x1x32xf32, #tpu.memory_space<hbm>> -> memref<32xf32, #tpu.memory_space<hbm>>
      %dma_start3A_576 = arith.constant 0 : i32
      %dma_start3A_577 = tpu.memref_slice %arg13[%add3A_569, %dma_start3A_576] : memref<256x32xf32, #tpu.memory_space<vmem>> -> memref<1x32xf32, #tpu.memory_space<vmem>>
      %dma_start3A_578 = tpu.memref_squeeze %dma_start3A_577 : memref<1x32xf32, #tpu.memory_space<vmem>> -> memref<32xf32, #tpu.memory_space<vmem>>
      %dma_start3A_579 = arith.constant 0 : i32
      %dma_start3A_580 = tpu.memref_slice %arg5[%shift_right_arithmetic3A_563, %and3A_565, %dma_start3A_579] : memref<125000x8x32xf32, #tpu.memory_space<hbm>> -> memref<1x1x32xf32, #tpu.memory_space<hbm>>
      %dma_start3A_581 = tpu.memref_squeeze %dma_start3A_580 : memref<1x1x32xf32, #tpu.memory_space<hbm>> -> memref<32xf32, #tpu.memory_space<hbm>>
      tpu.enqueue_dma source(%dma_start3A_581 : memref<32xf32, #tpu.memory_space<hbm>>) target(%dma_start3A_578 : memref<32xf32, #tpu.memory_space<vmem>>) target_semaphore(%arg17 : memref<!tpu.dma_semaphore, #tpu.memory_space<semaphore_mem>>)
      %iota3A_582 = tpu.iota {dimensions = array<i32: 0>} : vector<16xi32>
      %eq3A_583 = arith.constant 14 : i32
      %eq3A_584 = vector.broadcast %eq3A_583 : i32 to vector<16xi32>
      %eq3A_585 = arith.cmpi eq, %iota3A_582, %eq3A_584 : vector<16xi32>
      %jit3A_586 = arith.constant 0 : i32
      %broadcast_in_dim3A_587 = vector.broadcast %jit3A_586 : i32 to vector<16xi32>
      %select_n3A_588 = arith.select %eq3A_585, %get3A_156, %broadcast_in_dim3A_587 : vector<16xi1>, vector<16xi32>
      %reduce_sum3A_589 = arith.constant true
      %reduce_sum3A_590 = vector.broadcast %reduce_sum3A_589 : i1 to vector<16xi1>
      %reduce_sum3A_591 = tpu.scan <sum>, %select_n3A_588 masked %reduce_sum3A_590 : vector<16xi32>, vector<16xi1> -> vector<16xi32>
      %reduce_sum3A_592 = vector.extract %reduce_sum3A_591[15] : i32 from vector<16xi32>
      %shift_right_arithmetic3A_593 = arith.constant 3 : i32
      %shift_right_arithmetic3A_594 = arith.shrsi %reduce_sum3A_592, %shift_right_arithmetic3A_593 : i32
      %and3A_595 = arith.constant 7 : i32
      %and3A_596 = arith.andi %reduce_sum3A_592, %and3A_595 : i32
      %mul3A_597 = arith.constant 16 : i32
      %mul3A_598 = arith.muli %scan3A_150, %mul3A_597 : i32
      %add3A_599 = arith.constant 14 : i32
      %add3A_600 = arith.addi %mul3A_598, %add3A_599 : i32
      %dma_start3A_601 = arith.constant 0 : i32
      %dma_start3A_602 = tpu.memref_slice %arg13[%add3A_600, %dma_start3A_601] : memref<256x32xf32, #tpu.memory_space<vmem>> -> memref<1x32xf32, #tpu.memory_space<vmem>>
      %dma_start3A_603 = tpu.memref_squeeze %dma_start3A_602 : memref<1x32xf32, #tpu.memory_space<vmem>> -> memref<32xf32, #tpu.memory_space<vmem>>
      %dma_start3A_604 = arith.constant 0 : i32
      %dma_start3A_605 = tpu.memref_slice %arg5[%shift_right_arithmetic3A_594, %and3A_596, %dma_start3A_604] : memref<125000x8x32xf32, #tpu.memory_space<hbm>> -> memref<1x1x32xf32, #tpu.memory_space<hbm>>
      %dma_start3A_606 = tpu.memref_squeeze %dma_start3A_605 : memref<1x1x32xf32, #tpu.memory_space<hbm>> -> memref<32xf32, #tpu.memory_space<hbm>>
      %dma_start3A_607 = arith.constant 0 : i32
      %dma_start3A_608 = tpu.memref_slice %arg13[%add3A_600, %dma_start3A_607] : memref<256x32xf32, #tpu.memory_space<vmem>> -> memref<1x32xf32, #tpu.memory_space<vmem>>
      %dma_start3A_609 = tpu.memref_squeeze %dma_start3A_608 : memref<1x32xf32, #tpu.memory_space<vmem>> -> memref<32xf32, #tpu.memory_space<vmem>>
      %dma_start3A_610 = arith.constant 0 : i32
      %dma_start3A_611 = tpu.memref_slice %arg5[%shift_right_arithmetic3A_594, %and3A_596, %dma_start3A_610] : memref<125000x8x32xf32, #tpu.memory_space<hbm>> -> memref<1x1x32xf32, #tpu.memory_space<hbm>>
      %dma_start3A_612 = tpu.memref_squeeze %dma_start3A_611 : memref<1x1x32xf32, #tpu.memory_space<hbm>> -> memref<32xf32, #tpu.memory_space<hbm>>
      tpu.enqueue_dma source(%dma_start3A_612 : memref<32xf32, #tpu.memory_space<hbm>>) target(%dma_start3A_609 : memref<32xf32, #tpu.memory_space<vmem>>) target_semaphore(%arg17 : memref<!tpu.dma_semaphore, #tpu.memory_space<semaphore_mem>>)
      %iota3A_613 = tpu.iota {dimensions = array<i32: 0>} : vector<16xi32>
      %eq3A_614 = arith.constant 15 : i32
      %eq3A_615 = vector.broadcast %eq3A_614 : i32 to vector<16xi32>
      %eq3A_616 = arith.cmpi eq, %iota3A_613, %eq3A_615 : vector<16xi32>
      %jit3A_617 = arith.constant 0 : i32
      %broadcast_in_dim3A_618 = vector.broadcast %jit3A_617 : i32 to vector<16xi32>
      %select_n3A_619 = arith.select %eq3A_616, %get3A_156, %broadcast_in_dim3A_618 : vector<16xi1>, vector<16xi32>
      %reduce_sum3A_620 = arith.constant true
      %reduce_sum3A_621 = vector.broadcast %reduce_sum3A_620 : i1 to vector<16xi1>
      %reduce_sum3A_622 = tpu.scan <sum>, %select_n3A_619 masked %reduce_sum3A_621 : vector<16xi32>, vector<16xi1> -> vector<16xi32>
      %reduce_sum3A_623 = vector.extract %reduce_sum3A_622[15] : i32 from vector<16xi32>
      %shift_right_arithmetic3A_624 = arith.constant 3 : i32
      %shift_right_arithmetic3A_625 = arith.shrsi %reduce_sum3A_623, %shift_right_arithmetic3A_624 : i32
      %and3A_626 = arith.constant 7 : i32
      %and3A_627 = arith.andi %reduce_sum3A_623, %and3A_626 : i32
      %mul3A_628 = arith.constant 16 : i32
      %mul3A_629 = arith.muli %scan3A_150, %mul3A_628 : i32
      %add3A_630 = arith.constant 15 : i32
      %add3A_631 = arith.addi %mul3A_629, %add3A_630 : i32
      %dma_start3A_632 = arith.constant 0 : i32
      %dma_start3A_633 = tpu.memref_slice %arg13[%add3A_631, %dma_start3A_632] : memref<256x32xf32, #tpu.memory_space<vmem>> -> memref<1x32xf32, #tpu.memory_space<vmem>>
      %dma_start3A_634 = tpu.memref_squeeze %dma_start3A_633 : memref<1x32xf32, #tpu.memory_space<vmem>> -> memref<32xf32, #tpu.memory_space<vmem>>
      %dma_start3A_635 = arith.constant 0 : i32
      %dma_start3A_636 = tpu.memref_slice %arg5[%shift_right_arithmetic3A_625, %and3A_627, %dma_start3A_635] : memref<125000x8x32xf32, #tpu.memory_space<hbm>> -> memref<1x1x32xf32, #tpu.memory_space<hbm>>
      %dma_start3A_637 = tpu.memref_squeeze %dma_start3A_636 : memref<1x1x32xf32, #tpu.memory_space<hbm>> -> memref<32xf32, #tpu.memory_space<hbm>>
      %dma_start3A_638 = arith.constant 0 : i32
      %dma_start3A_639 = tpu.memref_slice %arg13[%add3A_631, %dma_start3A_638] : memref<256x32xf32, #tpu.memory_space<vmem>> -> memref<1x32xf32, #tpu.memory_space<vmem>>
      %dma_start3A_640 = tpu.memref_squeeze %dma_start3A_639 : memref<1x32xf32, #tpu.memory_space<vmem>> -> memref<32xf32, #tpu.memory_space<vmem>>
      %dma_start3A_641 = arith.constant 0 : i32
      %dma_start3A_642 = tpu.memref_slice %arg5[%shift_right_arithmetic3A_625, %and3A_627, %dma_start3A_641] : memref<125000x8x32xf32, #tpu.memory_space<hbm>> -> memref<1x1x32xf32, #tpu.memory_space<hbm>>
      %dma_start3A_643 = tpu.memref_squeeze %dma_start3A_642 : memref<1x1x32xf32, #tpu.memory_space<hbm>> -> memref<32xf32, #tpu.memory_space<hbm>>
      tpu.enqueue_dma source(%dma_start3A_643 : memref<32xf32, #tpu.memory_space<hbm>>) target(%dma_start3A_640 : memref<32xf32, #tpu.memory_space<vmem>>) target_semaphore(%arg17 : memref<!tpu.dma_semaphore, #tpu.memory_space<semaphore_mem>>)
      %scan3A_644 = arith.constant 0 : i32
      scf.yield %scan3A_644 : i32
    }
    %scan3A_8 = arith.constant 16 : i32
    %scan3A_9 = arith.constant 0 : i32
    %scan3A_10 = arith.constant 0 : i32
    %scan3A_11 = arith.constant 16 : i32
    %scan3A_12 = arith.addi %scan3A_10, %scan3A_11 : i32
    %scan3A_13 = arith.constant 1 : i32
    %scan3A_14 = scf.for %scan3A_150 = %scan3A_10 to %scan3A_12 step %scan3A_13 iter_args(%scan3A_151 = %scan3A_9) -> (i32)  : i32 {
      %mul3A_152 = arith.constant 16 : i32
      %mul3A_153 = arith.muli %scan3A_150, %mul3A_152 : i32
      %add3A_154 = arith.constant 0 : i32
      %add3A_155 = arith.addi %add3A_154, %mul3A_153 : i32
      %get3A = arith.index_cast %add3A_155 : i32 to index
      %get3A_156 = tpu.vector_load %arg12[%get3A] {strides = array<i32>} : memref<512xi32, #tpu.memory_space<vmem>>, vector<16xi32>,
      %iota3A = tpu.iota {dimensions = array<i32: 0>} : vector<16xi32>
      %eq3A = arith.constant 0 : i32
      %eq3A_157 = vector.broadcast %eq3A : i32 to vector<16xi32>
      %eq3A_158 = arith.cmpi eq, %iota3A, %eq3A_157 : vector<16xi32>
      %jit3A = arith.constant 0 : i32
      %broadcast_in_dim3A = vector.broadcast %jit3A : i32 to vector<16xi32>
      %select_n3A = arith.select %eq3A_158, %get3A_156, %broadcast_in_dim3A : vector<16xi1>, vector<16xi32>
      %reduce_sum3A = arith.constant true
      %reduce_sum3A_159 = vector.broadcast %reduce_sum3A : i1 to vector<16xi1>
      %reduce_sum3A_160 = tpu.scan <sum>, %select_n3A masked %reduce_sum3A_159 : vector<16xi32>, vector<16xi1> -> vector<16xi32>
      %reduce_sum3A_161 = vector.extract %reduce_sum3A_160[15] : i32 from vector<16xi32>
      %shift_right_arithmetic3A = arith.constant 3 : i32
      %shift_right_arithmetic3A_162 = arith.shrsi %reduce_sum3A_161, %shift_right_arithmetic3A : i32
      %and3A = arith.constant 7 : i32
      %and3A_163 = arith.andi %reduce_sum3A_161, %and3A : i32
      %mul3A_164 = arith.constant 16 : i32
      %mul3A_165 = arith.muli %scan3A_150, %mul3A_164 : i32
      %add3A_166 = arith.constant 0 : i32
      %add3A_167 = arith.addi %mul3A_165, %add3A_166 : i32
      %dma_start3A = arith.constant 0 : i32
      %dma_start3A_168 = tpu.memref_slice %arg15[%add3A_167, %dma_start3A] : memref<256x32xf32, #tpu.memory_space<vmem>> -> memref<1x32xf32, #tpu.memory_space<vmem>>
      %dma_start3A_169 = tpu.memref_squeeze %dma_start3A_168 : memref<1x32xf32, #tpu.memory_space<vmem>> -> memref<32xf32, #tpu.memory_space<vmem>>
      %dma_start3A_170 = arith.constant 0 : i32
      %dma_start3A_171 = tpu.memref_slice %arg5[%shift_right_arithmetic3A_162, %and3A_163, %dma_start3A_170] : memref<125000x8x32xf32, #tpu.memory_space<hbm>> -> memref<1x1x32xf32, #tpu.memory_space<hbm>>
      %dma_start3A_172 = tpu.memref_squeeze %dma_start3A_171 : memref<1x1x32xf32, #tpu.memory_space<hbm>> -> memref<32xf32, #tpu.memory_space<hbm>>
      %dma_start3A_173 = arith.constant 0 : i32
      %dma_start3A_174 = tpu.memref_slice %arg15[%add3A_167, %dma_start3A_173] : memref<256x32xf32, #tpu.memory_space<vmem>> -> memref<1x32xf32, #tpu.memory_space<vmem>>
      %dma_start3A_175 = tpu.memref_squeeze %dma_start3A_174 : memref<1x32xf32, #tpu.memory_space<vmem>> -> memref<32xf32, #tpu.memory_space<vmem>>
      %dma_start3A_176 = arith.constant 0 : i32
      %dma_start3A_177 = tpu.memref_slice %arg5[%shift_right_arithmetic3A_162, %and3A_163, %dma_start3A_176] : memref<125000x8x32xf32, #tpu.memory_space<hbm>> -> memref<1x1x32xf32, #tpu.memory_space<hbm>>
      %dma_start3A_178 = tpu.memref_squeeze %dma_start3A_177 : memref<1x1x32xf32, #tpu.memory_space<hbm>> -> memref<32xf32, #tpu.memory_space<hbm>>
      tpu.enqueue_dma source(%dma_start3A_178 : memref<32xf32, #tpu.memory_space<hbm>>) target(%dma_start3A_175 : memref<32xf32, #tpu.memory_space<vmem>>) target_semaphore(%arg19 : memref<!tpu.dma_semaphore, #tpu.memory_space<semaphore_mem>>)
      %iota3A_179 = tpu.iota {dimensions = array<i32: 0>} : vector<16xi32>
      %eq3A_180 = arith.constant 1 : i32
      %eq3A_181 = vector.broadcast %eq3A_180 : i32 to vector<16xi32>
      %eq3A_182 = arith.cmpi eq, %iota3A_179, %eq3A_181 : vector<16xi32>
      %jit3A_183 = arith.constant 0 : i32
      %broadcast_in_dim3A_184 = vector.broadcast %jit3A_183 : i32 to vector<16xi32>
      %select_n3A_185 = arith.select %eq3A_182, %get3A_156, %broadcast_in_dim3A_184 : vector<16xi1>, vector<16xi32>
      %reduce_sum3A_186 = arith.constant true
      %reduce_sum3A_187 = vector.broadcast %reduce_sum3A_186 : i1 to vector<16xi1>
      %reduce_sum3A_188 = tpu.scan <sum>, %select_n3A_185 masked %reduce_sum3A_187 : vector<16xi32>, vector<16xi1> -> vector<16xi32>
      %reduce_sum3A_189 = vector.extract %reduce_sum3A_188[15] : i32 from vector<16xi32>
      %shift_right_arithmetic3A_190 = arith.constant 3 : i32
      %shift_right_arithmetic3A_191 = arith.shrsi %reduce_sum3A_189, %shift_right_arithmetic3A_190 : i32
      %and3A_192 = arith.constant 7 : i32
      %and3A_193 = arith.andi %reduce_sum3A_189, %and3A_192 : i32
      %mul3A_194 = arith.constant 16 : i32
      %mul3A_195 = arith.muli %scan3A_150, %mul3A_194 : i32
      %add3A_196 = arith.constant 1 : i32
      %add3A_197 = arith.addi %mul3A_195, %add3A_196 : i32
      %dma_start3A_198 = arith.constant 0 : i32
      %dma_start3A_199 = tpu.memref_slice %arg15[%add3A_197, %dma_start3A_198] : memref<256x32xf32, #tpu.memory_space<vmem>> -> memref<1x32xf32, #tpu.memory_space<vmem>>
      %dma_start3A_200 = tpu.memref_squeeze %dma_start3A_199 : memref<1x32xf32, #tpu.memory_space<vmem>> -> memref<32xf32, #tpu.memory_space<vmem>>
      %dma_start3A_201 = arith.constant 0 : i32
      %dma_start3A_202 = tpu.memref_slice %arg5[%shift_right_arithmetic3A_191, %and3A_193, %dma_start3A_201] : memref<125000x8x32xf32, #tpu.memory_space<hbm>> -> memref<1x1x32xf32, #tpu.memory_space<hbm>>
      %dma_start3A_203 = tpu.memref_squeeze %dma_start3A_202 : memref<1x1x32xf32, #tpu.memory_space<hbm>> -> memref<32xf32, #tpu.memory_space<hbm>>
      %dma_start3A_204 = arith.constant 0 : i32
      %dma_start3A_205 = tpu.memref_slice %arg15[%add3A_197, %dma_start3A_204] : memref<256x32xf32, #tpu.memory_space<vmem>> -> memref<1x32xf32, #tpu.memory_space<vmem>>
      %dma_start3A_206 = tpu.memref_squeeze %dma_start3A_205 : memref<1x32xf32, #tpu.memory_space<vmem>> -> memref<32xf32, #tpu.memory_space<vmem>>
      %dma_start3A_207 = arith.constant 0 : i32
      %dma_start3A_208 = tpu.memref_slice %arg5[%shift_right_arithmetic3A_191, %and3A_193, %dma_start3A_207] : memref<125000x8x32xf32, #tpu.memory_space<hbm>> -> memref<1x1x32xf32, #tpu.memory_space<hbm>>
      %dma_start3A_209 = tpu.memref_squeeze %dma_start3A_208 : memref<1x1x32xf32, #tpu.memory_space<hbm>> -> memref<32xf32, #tpu.memory_space<hbm>>
      tpu.enqueue_dma source(%dma_start3A_209 : memref<32xf32, #tpu.memory_space<hbm>>) target(%dma_start3A_206 : memref<32xf32, #tpu.memory_space<vmem>>) target_semaphore(%arg19 : memref<!tpu.dma_semaphore, #tpu.memory_space<semaphore_mem>>)
      %iota3A_210 = tpu.iota {dimensions = array<i32: 0>} : vector<16xi32>
      %eq3A_211 = arith.constant 2 : i32
      %eq3A_212 = vector.broadcast %eq3A_211 : i32 to vector<16xi32>
      %eq3A_213 = arith.cmpi eq, %iota3A_210, %eq3A_212 : vector<16xi32>
      %jit3A_214 = arith.constant 0 : i32
      %broadcast_in_dim3A_215 = vector.broadcast %jit3A_214 : i32 to vector<16xi32>
      %select_n3A_216 = arith.select %eq3A_213, %get3A_156, %broadcast_in_dim3A_215 : vector<16xi1>, vector<16xi32>
      %reduce_sum3A_217 = arith.constant true
      %reduce_sum3A_218 = vector.broadcast %reduce_sum3A_217 : i1 to vector<16xi1>
      %reduce_sum3A_219 = tpu.scan <sum>, %select_n3A_216 masked %reduce_sum3A_218 : vector<16xi32>, vector<16xi1> -> vector<16xi32>
      %reduce_sum3A_220 = vector.extract %reduce_sum3A_219[15] : i32 from vector<16xi32>
      %shift_right_arithmetic3A_221 = arith.constant 3 : i32
      %shift_right_arithmetic3A_222 = arith.shrsi %reduce_sum3A_220, %shift_right_arithmetic3A_221 : i32
      %and3A_223 = arith.constant 7 : i32
      %and3A_224 = arith.andi %reduce_sum3A_220, %and3A_223 : i32
      %mul3A_225 = arith.constant 16 : i32
      %mul3A_226 = arith.muli %scan3A_150, %mul3A_225 : i32
      %add3A_227 = arith.constant 2 : i32
      %add3A_228 = arith.addi %mul3A_226, %add3A_227 : i32
      %dma_start3A_229 = arith.constant 0 : i32
      %dma_start3A_230 = tpu.memref_slice %arg15[%add3A_228, %dma_start3A_229] : memref<256x32xf32, #tpu.memory_space<vmem>> -> memref<1x32xf32, #tpu.memory_space<vmem>>
      %dma_start3A_231 = tpu.memref_squeeze %dma_start3A_230 : memref<1x32xf32, #tpu.memory_space<vmem>> -> memref<32xf32, #tpu.memory_space<vmem>>
      %dma_start3A_232 = arith.constant 0 : i32
      %dma_start3A_233 = tpu.memref_slice %arg5[%shift_right_arithmetic3A_222, %and3A_224, %dma_start3A_232] : memref<125000x8x32xf32, #tpu.memory_space<hbm>> -> memref<1x1x32xf32, #tpu.memory_space<hbm>>
      %dma_start3A_234 = tpu.memref_squeeze %dma_start3A_233 : memref<1x1x32xf32, #tpu.memory_space<hbm>> -> memref<32xf32, #tpu.memory_space<hbm>>
      %dma_start3A_235 = arith.constant 0 : i32
      %dma_start3A_236 = tpu.memref_slice %arg15[%add3A_228, %dma_start3A_235] : memref<256x32xf32, #tpu.memory_space<vmem>> -> memref<1x32xf32, #tpu.memory_space<vmem>>
      %dma_start3A_237 = tpu.memref_squeeze %dma_start3A_236 : memref<1x32xf32, #tpu.memory_space<vmem>> -> memref<32xf32, #tpu.memory_space<vmem>>
      %dma_start3A_238 = arith.constant 0 : i32
      %dma_start3A_239 = tpu.memref_slice %arg5[%shift_right_arithmetic3A_222, %and3A_224, %dma_start3A_238] : memref<125000x8x32xf32, #tpu.memory_space<hbm>> -> memref<1x1x32xf32, #tpu.memory_space<hbm>>
      %dma_start3A_240 = tpu.memref_squeeze %dma_start3A_239 : memref<1x1x32xf32, #tpu.memory_space<hbm>> -> memref<32xf32, #tpu.memory_space<hbm>>
      tpu.enqueue_dma source(%dma_start3A_240 : memref<32xf32, #tpu.memory_space<hbm>>) target(%dma_start3A_237 : memref<32xf32, #tpu.memory_space<vmem>>) target_semaphore(%arg19 : memref<!tpu.dma_semaphore, #tpu.memory_space<semaphore_mem>>)
      %iota3A_241 = tpu.iota {dimensions = array<i32: 0>} : vector<16xi32>
      %eq3A_242 = arith.constant 3 : i32
      %eq3A_243 = vector.broadcast %eq3A_242 : i32 to vector<16xi32>
      %eq3A_244 = arith.cmpi eq, %iota3A_241, %eq3A_243 : vector<16xi32>
      %jit3A_245 = arith.constant 0 : i32
      %broadcast_in_dim3A_246 = vector.broadcast %jit3A_245 : i32 to vector<16xi32>
      %select_n3A_247 = arith.select %eq3A_244, %get3A_156, %broadcast_in_dim3A_246 : vector<16xi1>, vector<16xi32>
      %reduce_sum3A_248 = arith.constant true
      %reduce_sum3A_249 = vector.broadcast %reduce_sum3A_248 : i1 to vector<16xi1>
      %reduce_sum3A_250 = tpu.scan <sum>, %select_n3A_247 masked %reduce_sum3A_249 : vector<16xi32>, vector<16xi1> -> vector<16xi32>
      %reduce_sum3A_251 = vector.extract %reduce_sum3A_250[15] : i32 from vector<16xi32>
      %shift_right_arithmetic3A_252 = arith.constant 3 : i32
      %shift_right_arithmetic3A_253 = arith.shrsi %reduce_sum3A_251, %shift_right_arithmetic3A_252 : i32
      %and3A_254 = arith.constant 7 : i32
      %and3A_255 = arith.andi %reduce_sum3A_251, %and3A_254 : i32
      %mul3A_256 = arith.constant 16 : i32
      %mul3A_257 = arith.muli %scan3A_150, %mul3A_256 : i32
      %add3A_258 = arith.constant 3 : i32
      %add3A_259 = arith.addi %mul3A_257, %add3A_258 : i32
      %dma_start3A_260 = arith.constant 0 : i32
      %dma_start3A_261 = tpu.memref_slice %arg15[%add3A_259, %dma_start3A_260] : memref<256x32xf32, #tpu.memory_space<vmem>> -> memref<1x32xf32, #tpu.memory_space<vmem>>
      %dma_start3A_262 = tpu.memref_squeeze %dma_start3A_261 : memref<1x32xf32, #tpu.memory_space<vmem>> -> memref<32xf32, #tpu.memory_space<vmem>>
      %dma_start3A_263 = arith.constant 0 : i32
      %dma_start3A_264 = tpu.memref_slice %arg5[%shift_right_arithmetic3A_253, %and3A_255, %dma_start3A_263] : memref<125000x8x32xf32, #tpu.memory_space<hbm>> -> memref<1x1x32xf32, #tpu.memory_space<hbm>>
      %dma_start3A_265 = tpu.memref_squeeze %dma_start3A_264 : memref<1x1x32xf32, #tpu.memory_space<hbm>> -> memref<32xf32, #tpu.memory_space<hbm>>
      %dma_start3A_266 = arith.constant 0 : i32
      %dma_start3A_267 = tpu.memref_slice %arg15[%add3A_259, %dma_start3A_266] : memref<256x32xf32, #tpu.memory_space<vmem>> -> memref<1x32xf32, #tpu.memory_space<vmem>>
      %dma_start3A_268 = tpu.memref_squeeze %dma_start3A_267 : memref<1x32xf32, #tpu.memory_space<vmem>> -> memref<32xf32, #tpu.memory_space<vmem>>
      %dma_start3A_269 = arith.constant 0 : i32
      %dma_start3A_270 = tpu.memref_slice %arg5[%shift_right_arithmetic3A_253, %and3A_255, %dma_start3A_269] : memref<125000x8x32xf32, #tpu.memory_space<hbm>> -> memref<1x1x32xf32, #tpu.memory_space<hbm>>
      %dma_start3A_271 = tpu.memref_squeeze %dma_start3A_270 : memref<1x1x32xf32, #tpu.memory_space<hbm>> -> memref<32xf32, #tpu.memory_space<hbm>>
      tpu.enqueue_dma source(%dma_start3A_271 : memref<32xf32, #tpu.memory_space<hbm>>) target(%dma_start3A_268 : memref<32xf32, #tpu.memory_space<vmem>>) target_semaphore(%arg19 : memref<!tpu.dma_semaphore, #tpu.memory_space<semaphore_mem>>)
      %iota3A_272 = tpu.iota {dimensions = array<i32: 0>} : vector<16xi32>
      %eq3A_273 = arith.constant 4 : i32
      %eq3A_274 = vector.broadcast %eq3A_273 : i32 to vector<16xi32>
      %eq3A_275 = arith.cmpi eq, %iota3A_272, %eq3A_274 : vector<16xi32>
      %jit3A_276 = arith.constant 0 : i32
      %broadcast_in_dim3A_277 = vector.broadcast %jit3A_276 : i32 to vector<16xi32>
      %select_n3A_278 = arith.select %eq3A_275, %get3A_156, %broadcast_in_dim3A_277 : vector<16xi1>, vector<16xi32>
      %reduce_sum3A_279 = arith.constant true
      %reduce_sum3A_280 = vector.broadcast %reduce_sum3A_279 : i1 to vector<16xi1>
      %reduce_sum3A_281 = tpu.scan <sum>, %select_n3A_278 masked %reduce_sum3A_280 : vector<16xi32>, vector<16xi1> -> vector<16xi32>
      %reduce_sum3A_282 = vector.extract %reduce_sum3A_281[15] : i32 from vector<16xi32>
      %shift_right_arithmetic3A_283 = arith.constant 3 : i32
      %shift_right_arithmetic3A_284 = arith.shrsi %reduce_sum3A_282, %shift_right_arithmetic3A_283 : i32
      %and3A_285 = arith.constant 7 : i32
      %and3A_286 = arith.andi %reduce_sum3A_282, %and3A_285 : i32
      %mul3A_287 = arith.constant 16 : i32
      %mul3A_288 = arith.muli %scan3A_150, %mul3A_287 : i32
      %add3A_289 = arith.constant 4 : i32
      %add3A_290 = arith.addi %mul3A_288, %add3A_289 : i32
      %dma_start3A_291 = arith.constant 0 : i32
      %dma_start3A_292 = tpu.memref_slice %arg15[%add3A_290, %dma_start3A_291] : memref<256x32xf32, #tpu.memory_space<vmem>> -> memref<1x32xf32, #tpu.memory_space<vmem>>
      %dma_start3A_293 = tpu.memref_squeeze %dma_start3A_292 : memref<1x32xf32, #tpu.memory_space<vmem>> -> memref<32xf32, #tpu.memory_space<vmem>>
      %dma_start3A_294 = arith.constant 0 : i32
      %dma_start3A_295 = tpu.memref_slice %arg5[%shift_right_arithmetic3A_284, %and3A_286, %dma_start3A_294] : memref<125000x8x32xf32, #tpu.memory_space<hbm>> -> memref<1x1x32xf32, #tpu.memory_space<hbm>>
      %dma_start3A_296 = tpu.memref_squeeze %dma_start3A_295 : memref<1x1x32xf32, #tpu.memory_space<hbm>> -> memref<32xf32, #tpu.memory_space<hbm>>
      %dma_start3A_297 = arith.constant 0 : i32
      %dma_start3A_298 = tpu.memref_slice %arg15[%add3A_290, %dma_start3A_297] : memref<256x32xf32, #tpu.memory_space<vmem>> -> memref<1x32xf32, #tpu.memory_space<vmem>>
      %dma_start3A_299 = tpu.memref_squeeze %dma_start3A_298 : memref<1x32xf32, #tpu.memory_space<vmem>> -> memref<32xf32, #tpu.memory_space<vmem>>
      %dma_start3A_300 = arith.constant 0 : i32
      %dma_start3A_301 = tpu.memref_slice %arg5[%shift_right_arithmetic3A_284, %and3A_286, %dma_start3A_300] : memref<125000x8x32xf32, #tpu.memory_space<hbm>> -> memref<1x1x32xf32, #tpu.memory_space<hbm>>
      %dma_start3A_302 = tpu.memref_squeeze %dma_start3A_301 : memref<1x1x32xf32, #tpu.memory_space<hbm>> -> memref<32xf32, #tpu.memory_space<hbm>>
      tpu.enqueue_dma source(%dma_start3A_302 : memref<32xf32, #tpu.memory_space<hbm>>) target(%dma_start3A_299 : memref<32xf32, #tpu.memory_space<vmem>>) target_semaphore(%arg19 : memref<!tpu.dma_semaphore, #tpu.memory_space<semaphore_mem>>)
      %iota3A_303 = tpu.iota {dimensions = array<i32: 0>} : vector<16xi32>
      %eq3A_304 = arith.constant 5 : i32
      %eq3A_305 = vector.broadcast %eq3A_304 : i32 to vector<16xi32>
      %eq3A_306 = arith.cmpi eq, %iota3A_303, %eq3A_305 : vector<16xi32>
      %jit3A_307 = arith.constant 0 : i32
      %broadcast_in_dim3A_308 = vector.broadcast %jit3A_307 : i32 to vector<16xi32>
      %select_n3A_309 = arith.select %eq3A_306, %get3A_156, %broadcast_in_dim3A_308 : vector<16xi1>, vector<16xi32>
      %reduce_sum3A_310 = arith.constant true
      %reduce_sum3A_311 = vector.broadcast %reduce_sum3A_310 : i1 to vector<16xi1>
      %reduce_sum3A_312 = tpu.scan <sum>, %select_n3A_309 masked %reduce_sum3A_311 : vector<16xi32>, vector<16xi1> -> vector<16xi32>
      %reduce_sum3A_313 = vector.extract %reduce_sum3A_312[15] : i32 from vector<16xi32>
      %shift_right_arithmetic3A_314 = arith.constant 3 : i32
      %shift_right_arithmetic3A_315 = arith.shrsi %reduce_sum3A_313, %shift_right_arithmetic3A_314 : i32
      %and3A_316 = arith.constant 7 : i32
      %and3A_317 = arith.andi %reduce_sum3A_313, %and3A_316 : i32
      %mul3A_318 = arith.constant 16 : i32
      %mul3A_319 = arith.muli %scan3A_150, %mul3A_318 : i32
      %add3A_320 = arith.constant 5 : i32
      %add3A_321 = arith.addi %mul3A_319, %add3A_320 : i32
      %dma_start3A_322 = arith.constant 0 : i32
      %dma_start3A_323 = tpu.memref_slice %arg15[%add3A_321, %dma_start3A_322] : memref<256x32xf32, #tpu.memory_space<vmem>> -> memref<1x32xf32, #tpu.memory_space<vmem>>
      %dma_start3A_324 = tpu.memref_squeeze %dma_start3A_323 : memref<1x32xf32, #tpu.memory_space<vmem>> -> memref<32xf32, #tpu.memory_space<vmem>>
      %dma_start3A_325 = arith.constant 0 : i32
      %dma_start3A_326 = tpu.memref_slice %arg5[%shift_right_arithmetic3A_315, %and3A_317, %dma_start3A_325] : memref<125000x8x32xf32, #tpu.memory_space<hbm>> -> memref<1x1x32xf32, #tpu.memory_space<hbm>>
      %dma_start3A_327 = tpu.memref_squeeze %dma_start3A_326 : memref<1x1x32xf32, #tpu.memory_space<hbm>> -> memref<32xf32, #tpu.memory_space<hbm>>
      %dma_start3A_328 = arith.constant 0 : i32
      %dma_start3A_329 = tpu.memref_slice %arg15[%add3A_321, %dma_start3A_328] : memref<256x32xf32, #tpu.memory_space<vmem>> -> memref<1x32xf32, #tpu.memory_space<vmem>>
      %dma_start3A_330 = tpu.memref_squeeze %dma_start3A_329 : memref<1x32xf32, #tpu.memory_space<vmem>> -> memref<32xf32, #tpu.memory_space<vmem>>
      %dma_start3A_331 = arith.constant 0 : i32
      %dma_start3A_332 = tpu.memref_slice %arg5[%shift_right_arithmetic3A_315, %and3A_317, %dma_start3A_331] : memref<125000x8x32xf32, #tpu.memory_space<hbm>> -> memref<1x1x32xf32, #tpu.memory_space<hbm>>
      %dma_start3A_333 = tpu.memref_squeeze %dma_start3A_332 : memref<1x1x32xf32, #tpu.memory_space<hbm>> -> memref<32xf32, #tpu.memory_space<hbm>>
      tpu.enqueue_dma source(%dma_start3A_333 : memref<32xf32, #tpu.memory_space<hbm>>) target(%dma_start3A_330 : memref<32xf32, #tpu.memory_space<vmem>>) target_semaphore(%arg19 : memref<!tpu.dma_semaphore, #tpu.memory_space<semaphore_mem>>)
      %iota3A_334 = tpu.iota {dimensions = array<i32: 0>} : vector<16xi32>
      %eq3A_335 = arith.constant 6 : i32
      %eq3A_336 = vector.broadcast %eq3A_335 : i32 to vector<16xi32>
      %eq3A_337 = arith.cmpi eq, %iota3A_334, %eq3A_336 : vector<16xi32>
      %jit3A_338 = arith.constant 0 : i32
      %broadcast_in_dim3A_339 = vector.broadcast %jit3A_338 : i32 to vector<16xi32>
      %select_n3A_340 = arith.select %eq3A_337, %get3A_156, %broadcast_in_dim3A_339 : vector<16xi1>, vector<16xi32>
      %reduce_sum3A_341 = arith.constant true
      %reduce_sum3A_342 = vector.broadcast %reduce_sum3A_341 : i1 to vector<16xi1>
      %reduce_sum3A_343 = tpu.scan <sum>, %select_n3A_340 masked %reduce_sum3A_342 : vector<16xi32>, vector<16xi1> -> vector<16xi32>
      %reduce_sum3A_344 = vector.extract %reduce_sum3A_343[15] : i32 from vector<16xi32>
      %shift_right_arithmetic3A_345 = arith.constant 3 : i32
      %shift_right_arithmetic3A_346 = arith.shrsi %reduce_sum3A_344, %shift_right_arithmetic3A_345 : i32
      %and3A_347 = arith.constant 7 : i32
      %and3A_348 = arith.andi %reduce_sum3A_344, %and3A_347 : i32
      %mul3A_349 = arith.constant 16 : i32
      %mul3A_350 = arith.muli %scan3A_150, %mul3A_349 : i32
      %add3A_351 = arith.constant 6 : i32
      %add3A_352 = arith.addi %mul3A_350, %add3A_351 : i32
      %dma_start3A_353 = arith.constant 0 : i32
      %dma_start3A_354 = tpu.memref_slice %arg15[%add3A_352, %dma_start3A_353] : memref<256x32xf32, #tpu.memory_space<vmem>> -> memref<1x32xf32, #tpu.memory_space<vmem>>
      %dma_start3A_355 = tpu.memref_squeeze %dma_start3A_354 : memref<1x32xf32, #tpu.memory_space<vmem>> -> memref<32xf32, #tpu.memory_space<vmem>>
      %dma_start3A_356 = arith.constant 0 : i32
      %dma_start3A_357 = tpu.memref_slice %arg5[%shift_right_arithmetic3A_346, %and3A_348, %dma_start3A_356] : memref<125000x8x32xf32, #tpu.memory_space<hbm>> -> memref<1x1x32xf32, #tpu.memory_space<hbm>>
      %dma_start3A_358 = tpu.memref_squeeze %dma_start3A_357 : memref<1x1x32xf32, #tpu.memory_space<hbm>> -> memref<32xf32, #tpu.memory_space<hbm>>
      %dma_start3A_359 = arith.constant 0 : i32
      %dma_start3A_360 = tpu.memref_slice %arg15[%add3A_352, %dma_start3A_359] : memref<256x32xf32, #tpu.memory_space<vmem>> -> memref<1x32xf32, #tpu.memory_space<vmem>>
      %dma_start3A_361 = tpu.memref_squeeze %dma_start3A_360 : memref<1x32xf32, #tpu.memory_space<vmem>> -> memref<32xf32, #tpu.memory_space<vmem>>
      %dma_start3A_362 = arith.constant 0 : i32
      %dma_start3A_363 = tpu.memref_slice %arg5[%shift_right_arithmetic3A_346, %and3A_348, %dma_start3A_362] : memref<125000x8x32xf32, #tpu.memory_space<hbm>> -> memref<1x1x32xf32, #tpu.memory_space<hbm>>
      %dma_start3A_364 = tpu.memref_squeeze %dma_start3A_363 : memref<1x1x32xf32, #tpu.memory_space<hbm>> -> memref<32xf32, #tpu.memory_space<hbm>>
      tpu.enqueue_dma source(%dma_start3A_364 : memref<32xf32, #tpu.memory_space<hbm>>) target(%dma_start3A_361 : memref<32xf32, #tpu.memory_space<vmem>>) target_semaphore(%arg19 : memref<!tpu.dma_semaphore, #tpu.memory_space<semaphore_mem>>)
      %iota3A_365 = tpu.iota {dimensions = array<i32: 0>} : vector<16xi32>
      %eq3A_366 = arith.constant 7 : i32
      %eq3A_367 = vector.broadcast %eq3A_366 : i32 to vector<16xi32>
      %eq3A_368 = arith.cmpi eq, %iota3A_365, %eq3A_367 : vector<16xi32>
      %jit3A_369 = arith.constant 0 : i32
      %broadcast_in_dim3A_370 = vector.broadcast %jit3A_369 : i32 to vector<16xi32>
      %select_n3A_371 = arith.select %eq3A_368, %get3A_156, %broadcast_in_dim3A_370 : vector<16xi1>, vector<16xi32>
      %reduce_sum3A_372 = arith.constant true
      %reduce_sum3A_373 = vector.broadcast %reduce_sum3A_372 : i1 to vector<16xi1>
      %reduce_sum3A_374 = tpu.scan <sum>, %select_n3A_371 masked %reduce_sum3A_373 : vector<16xi32>, vector<16xi1> -> vector<16xi32>
      %reduce_sum3A_375 = vector.extract %reduce_sum3A_374[15] : i32 from vector<16xi32>
      %shift_right_arithmetic3A_376 = arith.constant 3 : i32
      %shift_right_arithmetic3A_377 = arith.shrsi %reduce_sum3A_375, %shift_right_arithmetic3A_376 : i32
      %and3A_378 = arith.constant 7 : i32
      %and3A_379 = arith.andi %reduce_sum3A_375, %and3A_378 : i32
      %mul3A_380 = arith.constant 16 : i32
      %mul3A_381 = arith.muli %scan3A_150, %mul3A_380 : i32
      %add3A_382 = arith.constant 7 : i32
      %add3A_383 = arith.addi %mul3A_381, %add3A_382 : i32
      %dma_start3A_384 = arith.constant 0 : i32
      %dma_start3A_385 = tpu.memref_slice %arg15[%add3A_383, %dma_start3A_384] : memref<256x32xf32, #tpu.memory_space<vmem>> -> memref<1x32xf32, #tpu.memory_space<vmem>>
      %dma_start3A_386 = tpu.memref_squeeze %dma_start3A_385 : memref<1x32xf32, #tpu.memory_space<vmem>> -> memref<32xf32, #tpu.memory_space<vmem>>
      %dma_start3A_387 = arith.constant 0 : i32
      %dma_start3A_388 = tpu.memref_slice %arg5[%shift_right_arithmetic3A_377, %and3A_379, %dma_start3A_387] : memref<125000x8x32xf32, #tpu.memory_space<hbm>> -> memref<1x1x32xf32, #tpu.memory_space<hbm>>
      %dma_start3A_389 = tpu.memref_squeeze %dma_start3A_388 : memref<1x1x32xf32, #tpu.memory_space<hbm>> -> memref<32xf32, #tpu.memory_space<hbm>>
      %dma_start3A_390 = arith.constant 0 : i32
      %dma_start3A_391 = tpu.memref_slice %arg15[%add3A_383, %dma_start3A_390] : memref<256x32xf32, #tpu.memory_space<vmem>> -> memref<1x32xf32, #tpu.memory_space<vmem>>
      %dma_start3A_392 = tpu.memref_squeeze %dma_start3A_391 : memref<1x32xf32, #tpu.memory_space<vmem>> -> memref<32xf32, #tpu.memory_space<vmem>>
      %dma_start3A_393 = arith.constant 0 : i32
      %dma_start3A_394 = tpu.memref_slice %arg5[%shift_right_arithmetic3A_377, %and3A_379, %dma_start3A_393] : memref<125000x8x32xf32, #tpu.memory_space<hbm>> -> memref<1x1x32xf32, #tpu.memory_space<hbm>>
      %dma_start3A_395 = tpu.memref_squeeze %dma_start3A_394 : memref<1x1x32xf32, #tpu.memory_space<hbm>> -> memref<32xf32, #tpu.memory_space<hbm>>
      tpu.enqueue_dma source(%dma_start3A_395 : memref<32xf32, #tpu.memory_space<hbm>>) target(%dma_start3A_392 : memref<32xf32, #tpu.memory_space<vmem>>) target_semaphore(%arg19 : memref<!tpu.dma_semaphore, #tpu.memory_space<semaphore_mem>>)
      %iota3A_396 = tpu.iota {dimensions = array<i32: 0>} : vector<16xi32>
      %eq3A_397 = arith.constant 8 : i32
      %eq3A_398 = vector.broadcast %eq3A_397 : i32 to vector<16xi32>
      %eq3A_399 = arith.cmpi eq, %iota3A_396, %eq3A_398 : vector<16xi32>
      %jit3A_400 = arith.constant 0 : i32
      %broadcast_in_dim3A_401 = vector.broadcast %jit3A_400 : i32 to vector<16xi32>
      %select_n3A_402 = arith.select %eq3A_399, %get3A_156, %broadcast_in_dim3A_401 : vector<16xi1>, vector<16xi32>
      %reduce_sum3A_403 = arith.constant true
      %reduce_sum3A_404 = vector.broadcast %reduce_sum3A_403 : i1 to vector<16xi1>
      %reduce_sum3A_405 = tpu.scan <sum>, %select_n3A_402 masked %reduce_sum3A_404 : vector<16xi32>, vector<16xi1> -> vector<16xi32>
      %reduce_sum3A_406 = vector.extract %reduce_sum3A_405[15] : i32 from vector<16xi32>
      %shift_right_arithmetic3A_407 = arith.constant 3 : i32
      %shift_right_arithmetic3A_408 = arith.shrsi %reduce_sum3A_406, %shift_right_arithmetic3A_407 : i32
      %and3A_409 = arith.constant 7 : i32
      %and3A_410 = arith.andi %reduce_sum3A_406, %and3A_409 : i32
      %mul3A_411 = arith.constant 16 : i32
      %mul3A_412 = arith.muli %scan3A_150, %mul3A_411 : i32
      %add3A_413 = arith.constant 8 : i32
      %add3A_414 = arith.addi %mul3A_412, %add3A_413 : i32
      %dma_start3A_415 = arith.constant 0 : i32
      %dma_start3A_416 = tpu.memref_slice %arg15[%add3A_414, %dma_start3A_415] : memref<256x32xf32, #tpu.memory_space<vmem>> -> memref<1x32xf32, #tpu.memory_space<vmem>>
      %dma_start3A_417 = tpu.memref_squeeze %dma_start3A_416 : memref<1x32xf32, #tpu.memory_space<vmem>> -> memref<32xf32, #tpu.memory_space<vmem>>
      %dma_start3A_418 = arith.constant 0 : i32
      %dma_start3A_419 = tpu.memref_slice %arg5[%shift_right_arithmetic3A_408, %and3A_410, %dma_start3A_418] : memref<125000x8x32xf32, #tpu.memory_space<hbm>> -> memref<1x1x32xf32, #tpu.memory_space<hbm>>
      %dma_start3A_420 = tpu.memref_squeeze %dma_start3A_419 : memref<1x1x32xf32, #tpu.memory_space<hbm>> -> memref<32xf32, #tpu.memory_space<hbm>>
      %dma_start3A_421 = arith.constant 0 : i32
      %dma_start3A_422 = tpu.memref_slice %arg15[%add3A_414, %dma_start3A_421] : memref<256x32xf32, #tpu.memory_space<vmem>> -> memref<1x32xf32, #tpu.memory_space<vmem>>
      %dma_start3A_423 = tpu.memref_squeeze %dma_start3A_422 : memref<1x32xf32, #tpu.memory_space<vmem>> -> memref<32xf32, #tpu.memory_space<vmem>>
      %dma_start3A_424 = arith.constant 0 : i32
      %dma_start3A_425 = tpu.memref_slice %arg5[%shift_right_arithmetic3A_408, %and3A_410, %dma_start3A_424] : memref<125000x8x32xf32, #tpu.memory_space<hbm>> -> memref<1x1x32xf32, #tpu.memory_space<hbm>>
      %dma_start3A_426 = tpu.memref_squeeze %dma_start3A_425 : memref<1x1x32xf32, #tpu.memory_space<hbm>> -> memref<32xf32, #tpu.memory_space<hbm>>
      tpu.enqueue_dma source(%dma_start3A_426 : memref<32xf32, #tpu.memory_space<hbm>>) target(%dma_start3A_423 : memref<32xf32, #tpu.memory_space<vmem>>) target_semaphore(%arg19 : memref<!tpu.dma_semaphore, #tpu.memory_space<semaphore_mem>>)
      %iota3A_427 = tpu.iota {dimensions = array<i32: 0>} : vector<16xi32>
      %eq3A_428 = arith.constant 9 : i32
      %eq3A_429 = vector.broadcast %eq3A_428 : i32 to vector<16xi32>
      %eq3A_430 = arith.cmpi eq, %iota3A_427, %eq3A_429 : vector<16xi32>
      %jit3A_431 = arith.constant 0 : i32
      %broadcast_in_dim3A_432 = vector.broadcast %jit3A_431 : i32 to vector<16xi32>
      %select_n3A_433 = arith.select %eq3A_430, %get3A_156, %broadcast_in_dim3A_432 : vector<16xi1>, vector<16xi32>
      %reduce_sum3A_434 = arith.constant true
      %reduce_sum3A_435 = vector.broadcast %reduce_sum3A_434 : i1 to vector<16xi1>
      %reduce_sum3A_436 = tpu.scan <sum>, %select_n3A_433 masked %reduce_sum3A_435 : vector<16xi32>, vector<16xi1> -> vector<16xi32>
      %reduce_sum3A_437 = vector.extract %reduce_sum3A_436[15] : i32 from vector<16xi32>
      %shift_right_arithmetic3A_438 = arith.constant 3 : i32
      %shift_right_arithmetic3A_439 = arith.shrsi %reduce_sum3A_437, %shift_right_arithmetic3A_438 : i32
      %and3A_440 = arith.constant 7 : i32
      %and3A_441 = arith.andi %reduce_sum3A_437, %and3A_440 : i32
      %mul3A_442 = arith.constant 16 : i32
      %mul3A_443 = arith.muli %scan3A_150, %mul3A_442 : i32
      %add3A_444 = arith.constant 9 : i32
      %add3A_445 = arith.addi %mul3A_443, %add3A_444 : i32
      %dma_start3A_446 = arith.constant 0 : i32
      %dma_start3A_447 = tpu.memref_slice %arg15[%add3A_445, %dma_start3A_446] : memref<256x32xf32, #tpu.memory_space<vmem>> -> memref<1x32xf32, #tpu.memory_space<vmem>>
      %dma_start3A_448 = tpu.memref_squeeze %dma_start3A_447 : memref<1x32xf32, #tpu.memory_space<vmem>> -> memref<32xf32, #tpu.memory_space<vmem>>
      %dma_start3A_449 = arith.constant 0 : i32
      %dma_start3A_450 = tpu.memref_slice %arg5[%shift_right_arithmetic3A_439, %and3A_441, %dma_start3A_449] : memref<125000x8x32xf32, #tpu.memory_space<hbm>> -> memref<1x1x32xf32, #tpu.memory_space<hbm>>
      %dma_start3A_451 = tpu.memref_squeeze %dma_start3A_450 : memref<1x1x32xf32, #tpu.memory_space<hbm>> -> memref<32xf32, #tpu.memory_space<hbm>>
      %dma_start3A_452 = arith.constant 0 : i32
      %dma_start3A_453 = tpu.memref_slice %arg15[%add3A_445, %dma_start3A_452] : memref<256x32xf32, #tpu.memory_space<vmem>> -> memref<1x32xf32, #tpu.memory_space<vmem>>
      %dma_start3A_454 = tpu.memref_squeeze %dma_start3A_453 : memref<1x32xf32, #tpu.memory_space<vmem>> -> memref<32xf32, #tpu.memory_space<vmem>>
      %dma_start3A_455 = arith.constant 0 : i32
      %dma_start3A_456 = tpu.memref_slice %arg5[%shift_right_arithmetic3A_439, %and3A_441, %dma_start3A_455] : memref<125000x8x32xf32, #tpu.memory_space<hbm>> -> memref<1x1x32xf32, #tpu.memory_space<hbm>>
      %dma_start3A_457 = tpu.memref_squeeze %dma_start3A_456 : memref<1x1x32xf32, #tpu.memory_space<hbm>> -> memref<32xf32, #tpu.memory_space<hbm>>
      tpu.enqueue_dma source(%dma_start3A_457 : memref<32xf32, #tpu.memory_space<hbm>>) target(%dma_start3A_454 : memref<32xf32, #tpu.memory_space<vmem>>) target_semaphore(%arg19 : memref<!tpu.dma_semaphore, #tpu.memory_space<semaphore_mem>>)
      %iota3A_458 = tpu.iota {dimensions = array<i32: 0>} : vector<16xi32>
      %eq3A_459 = arith.constant 10 : i32
      %eq3A_460 = vector.broadcast %eq3A_459 : i32 to vector<16xi32>
      %eq3A_461 = arith.cmpi eq, %iota3A_458, %eq3A_460 : vector<16xi32>
      %jit3A_462 = arith.constant 0 : i32
      %broadcast_in_dim3A_463 = vector.broadcast %jit3A_462 : i32 to vector<16xi32>
      %select_n3A_464 = arith.select %eq3A_461, %get3A_156, %broadcast_in_dim3A_463 : vector<16xi1>, vector<16xi32>
      %reduce_sum3A_465 = arith.constant true
      %reduce_sum3A_466 = vector.broadcast %reduce_sum3A_465 : i1 to vector<16xi1>
      %reduce_sum3A_467 = tpu.scan <sum>, %select_n3A_464 masked %reduce_sum3A_466 : vector<16xi32>, vector<16xi1> -> vector<16xi32>
      %reduce_sum3A_468 = vector.extract %reduce_sum3A_467[15] : i32 from vector<16xi32>
      %shift_right_arithmetic3A_469 = arith.constant 3 : i32
      %shift_right_arithmetic3A_470 = arith.shrsi %reduce_sum3A_468, %shift_right_arithmetic3A_469 : i32
      %and3A_471 = arith.constant 7 : i32
      %and3A_472 = arith.andi %reduce_sum3A_468, %and3A_471 : i32
      %mul3A_473 = arith.constant 16 : i32
      %mul3A_474 = arith.muli %scan3A_150, %mul3A_473 : i32
      %add3A_475 = arith.constant 10 : i32
      %add3A_476 = arith.addi %mul3A_474, %add3A_475 : i32
      %dma_start3A_477 = arith.constant 0 : i32
      %dma_start3A_478 = tpu.memref_slice %arg15[%add3A_476, %dma_start3A_477] : memref<256x32xf32, #tpu.memory_space<vmem>> -> memref<1x32xf32, #tpu.memory_space<vmem>>
      %dma_start3A_479 = tpu.memref_squeeze %dma_start3A_478 : memref<1x32xf32, #tpu.memory_space<vmem>> -> memref<32xf32, #tpu.memory_space<vmem>>
      %dma_start3A_480 = arith.constant 0 : i32
      %dma_start3A_481 = tpu.memref_slice %arg5[%shift_right_arithmetic3A_470, %and3A_472, %dma_start3A_480] : memref<125000x8x32xf32, #tpu.memory_space<hbm>> -> memref<1x1x32xf32, #tpu.memory_space<hbm>>
      %dma_start3A_482 = tpu.memref_squeeze %dma_start3A_481 : memref<1x1x32xf32, #tpu.memory_space<hbm>> -> memref<32xf32, #tpu.memory_space<hbm>>
      %dma_start3A_483 = arith.constant 0 : i32
      %dma_start3A_484 = tpu.memref_slice %arg15[%add3A_476, %dma_start3A_483] : memref<256x32xf32, #tpu.memory_space<vmem>> -> memref<1x32xf32, #tpu.memory_space<vmem>>
      %dma_start3A_485 = tpu.memref_squeeze %dma_start3A_484 : memref<1x32xf32, #tpu.memory_space<vmem>> -> memref<32xf32, #tpu.memory_space<vmem>>
      %dma_start3A_486 = arith.constant 0 : i32
      %dma_start3A_487 = tpu.memref_slice %arg5[%shift_right_arithmetic3A_470, %and3A_472, %dma_start3A_486] : memref<125000x8x32xf32, #tpu.memory_space<hbm>> -> memref<1x1x32xf32, #tpu.memory_space<hbm>>
      %dma_start3A_488 = tpu.memref_squeeze %dma_start3A_487 : memref<1x1x32xf32, #tpu.memory_space<hbm>> -> memref<32xf32, #tpu.memory_space<hbm>>
      tpu.enqueue_dma source(%dma_start3A_488 : memref<32xf32, #tpu.memory_space<hbm>>) target(%dma_start3A_485 : memref<32xf32, #tpu.memory_space<vmem>>) target_semaphore(%arg19 : memref<!tpu.dma_semaphore, #tpu.memory_space<semaphore_mem>>)
      %iota3A_489 = tpu.iota {dimensions = array<i32: 0>} : vector<16xi32>
      %eq3A_490 = arith.constant 11 : i32
      %eq3A_491 = vector.broadcast %eq3A_490 : i32 to vector<16xi32>
      %eq3A_492 = arith.cmpi eq, %iota3A_489, %eq3A_491 : vector<16xi32>
      %jit3A_493 = arith.constant 0 : i32
      %broadcast_in_dim3A_494 = vector.broadcast %jit3A_493 : i32 to vector<16xi32>
      %select_n3A_495 = arith.select %eq3A_492, %get3A_156, %broadcast_in_dim3A_494 : vector<16xi1>, vector<16xi32>
      %reduce_sum3A_496 = arith.constant true
      %reduce_sum3A_497 = vector.broadcast %reduce_sum3A_496 : i1 to vector<16xi1>
      %reduce_sum3A_498 = tpu.scan <sum>, %select_n3A_495 masked %reduce_sum3A_497 : vector<16xi32>, vector<16xi1> -> vector<16xi32>
      %reduce_sum3A_499 = vector.extract %reduce_sum3A_498[15] : i32 from vector<16xi32>
      %shift_right_arithmetic3A_500 = arith.constant 3 : i32
      %shift_right_arithmetic3A_501 = arith.shrsi %reduce_sum3A_499, %shift_right_arithmetic3A_500 : i32
      %and3A_502 = arith.constant 7 : i32
      %and3A_503 = arith.andi %reduce_sum3A_499, %and3A_502 : i32
      %mul3A_504 = arith.constant 16 : i32
      %mul3A_505 = arith.muli %scan3A_150, %mul3A_504 : i32
      %add3A_506 = arith.constant 11 : i32
      %add3A_507 = arith.addi %mul3A_505, %add3A_506 : i32
      %dma_start3A_508 = arith.constant 0 : i32
      %dma_start3A_509 = tpu.memref_slice %arg15[%add3A_507, %dma_start3A_508] : memref<256x32xf32, #tpu.memory_space<vmem>> -> memref<1x32xf32, #tpu.memory_space<vmem>>
      %dma_start3A_510 = tpu.memref_squeeze %dma_start3A_509 : memref<1x32xf32, #tpu.memory_space<vmem>> -> memref<32xf32, #tpu.memory_space<vmem>>
      %dma_start3A_511 = arith.constant 0 : i32
      %dma_start3A_512 = tpu.memref_slice %arg5[%shift_right_arithmetic3A_501, %and3A_503, %dma_start3A_511] : memref<125000x8x32xf32, #tpu.memory_space<hbm>> -> memref<1x1x32xf32, #tpu.memory_space<hbm>>
      %dma_start3A_513 = tpu.memref_squeeze %dma_start3A_512 : memref<1x1x32xf32, #tpu.memory_space<hbm>> -> memref<32xf32, #tpu.memory_space<hbm>>
      %dma_start3A_514 = arith.constant 0 : i32
      %dma_start3A_515 = tpu.memref_slice %arg15[%add3A_507, %dma_start3A_514] : memref<256x32xf32, #tpu.memory_space<vmem>> -> memref<1x32xf32, #tpu.memory_space<vmem>>
      %dma_start3A_516 = tpu.memref_squeeze %dma_start3A_515 : memref<1x32xf32, #tpu.memory_space<vmem>> -> memref<32xf32, #tpu.memory_space<vmem>>
      %dma_start3A_517 = arith.constant 0 : i32
      %dma_start3A_518 = tpu.memref_slice %arg5[%shift_right_arithmetic3A_501, %and3A_503, %dma_start3A_517] : memref<125000x8x32xf32, #tpu.memory_space<hbm>> -> memref<1x1x32xf32, #tpu.memory_space<hbm>>
      %dma_start3A_519 = tpu.memref_squeeze %dma_start3A_518 : memref<1x1x32xf32, #tpu.memory_space<hbm>> -> memref<32xf32, #tpu.memory_space<hbm>>
      tpu.enqueue_dma source(%dma_start3A_519 : memref<32xf32, #tpu.memory_space<hbm>>) target(%dma_start3A_516 : memref<32xf32, #tpu.memory_space<vmem>>) target_semaphore(%arg19 : memref<!tpu.dma_semaphore, #tpu.memory_space<semaphore_mem>>)
      %iota3A_520 = tpu.iota {dimensions = array<i32: 0>} : vector<16xi32>
      %eq3A_521 = arith.constant 12 : i32
      %eq3A_522 = vector.broadcast %eq3A_521 : i32 to vector<16xi32>
      %eq3A_523 = arith.cmpi eq, %iota3A_520, %eq3A_522 : vector<16xi32>
      %jit3A_524 = arith.constant 0 : i32
      %broadcast_in_dim3A_525 = vector.broadcast %jit3A_524 : i32 to vector<16xi32>
      %select_n3A_526 = arith.select %eq3A_523, %get3A_156, %broadcast_in_dim3A_525 : vector<16xi1>, vector<16xi32>
      %reduce_sum3A_527 = arith.constant true
      %reduce_sum3A_528 = vector.broadcast %reduce_sum3A_527 : i1 to vector<16xi1>
      %reduce_sum3A_529 = tpu.scan <sum>, %select_n3A_526 masked %reduce_sum3A_528 : vector<16xi32>, vector<16xi1> -> vector<16xi32>
      %reduce_sum3A_530 = vector.extract %reduce_sum3A_529[15] : i32 from vector<16xi32>
      %shift_right_arithmetic3A_531 = arith.constant 3 : i32
      %shift_right_arithmetic3A_532 = arith.shrsi %reduce_sum3A_530, %shift_right_arithmetic3A_531 : i32
      %and3A_533 = arith.constant 7 : i32
      %and3A_534 = arith.andi %reduce_sum3A_530, %and3A_533 : i32
      %mul3A_535 = arith.constant 16 : i32
      %mul3A_536 = arith.muli %scan3A_150, %mul3A_535 : i32
      %add3A_537 = arith.constant 12 : i32
      %add3A_538 = arith.addi %mul3A_536, %add3A_537 : i32
      %dma_start3A_539 = arith.constant 0 : i32
      %dma_start3A_540 = tpu.memref_slice %arg15[%add3A_538, %dma_start3A_539] : memref<256x32xf32, #tpu.memory_space<vmem>> -> memref<1x32xf32, #tpu.memory_space<vmem>>
      %dma_start3A_541 = tpu.memref_squeeze %dma_start3A_540 : memref<1x32xf32, #tpu.memory_space<vmem>> -> memref<32xf32, #tpu.memory_space<vmem>>
      %dma_start3A_542 = arith.constant 0 : i32
      %dma_start3A_543 = tpu.memref_slice %arg5[%shift_right_arithmetic3A_532, %and3A_534, %dma_start3A_542] : memref<125000x8x32xf32, #tpu.memory_space<hbm>> -> memref<1x1x32xf32, #tpu.memory_space<hbm>>
      %dma_start3A_544 = tpu.memref_squeeze %dma_start3A_543 : memref<1x1x32xf32, #tpu.memory_space<hbm>> -> memref<32xf32, #tpu.memory_space<hbm>>
      %dma_start3A_545 = arith.constant 0 : i32
      %dma_start3A_546 = tpu.memref_slice %arg15[%add3A_538, %dma_start3A_545] : memref<256x32xf32, #tpu.memory_space<vmem>> -> memref<1x32xf32, #tpu.memory_space<vmem>>
      %dma_start3A_547 = tpu.memref_squeeze %dma_start3A_546 : memref<1x32xf32, #tpu.memory_space<vmem>> -> memref<32xf32, #tpu.memory_space<vmem>>
      %dma_start3A_548 = arith.constant 0 : i32
      %dma_start3A_549 = tpu.memref_slice %arg5[%shift_right_arithmetic3A_532, %and3A_534, %dma_start3A_548] : memref<125000x8x32xf32, #tpu.memory_space<hbm>> -> memref<1x1x32xf32, #tpu.memory_space<hbm>>
      %dma_start3A_550 = tpu.memref_squeeze %dma_start3A_549 : memref<1x1x32xf32, #tpu.memory_space<hbm>> -> memref<32xf32, #tpu.memory_space<hbm>>
      tpu.enqueue_dma source(%dma_start3A_550 : memref<32xf32, #tpu.memory_space<hbm>>) target(%dma_start3A_547 : memref<32xf32, #tpu.memory_space<vmem>>) target_semaphore(%arg19 : memref<!tpu.dma_semaphore, #tpu.memory_space<semaphore_mem>>)
      %iota3A_551 = tpu.iota {dimensions = array<i32: 0>} : vector<16xi32>
      %eq3A_552 = arith.constant 13 : i32
      %eq3A_553 = vector.broadcast %eq3A_552 : i32 to vector<16xi32>
      %eq3A_554 = arith.cmpi eq, %iota3A_551, %eq3A_553 : vector<16xi32>
      %jit3A_555 = arith.constant 0 : i32
      %broadcast_in_dim3A_556 = vector.broadcast %jit3A_555 : i32 to vector<16xi32>
      %select_n3A_557 = arith.select %eq3A_554, %get3A_156, %broadcast_in_dim3A_556 : vector<16xi1>, vector<16xi32>
      %reduce_sum3A_558 = arith.constant true
      %reduce_sum3A_559 = vector.broadcast %reduce_sum3A_558 : i1 to vector<16xi1>
      %reduce_sum3A_560 = tpu.scan <sum>, %select_n3A_557 masked %reduce_sum3A_559 : vector<16xi32>, vector<16xi1> -> vector<16xi32>
      %reduce_sum3A_561 = vector.extract %reduce_sum3A_560[15] : i32 from vector<16xi32>
      %shift_right_arithmetic3A_562 = arith.constant 3 : i32
      %shift_right_arithmetic3A_563 = arith.shrsi %reduce_sum3A_561, %shift_right_arithmetic3A_562 : i32
      %and3A_564 = arith.constant 7 : i32
      %and3A_565 = arith.andi %reduce_sum3A_561, %and3A_564 : i32
      %mul3A_566 = arith.constant 16 : i32
      %mul3A_567 = arith.muli %scan3A_150, %mul3A_566 : i32
      %add3A_568 = arith.constant 13 : i32
      %add3A_569 = arith.addi %mul3A_567, %add3A_568 : i32
      %dma_start3A_570 = arith.constant 0 : i32
      %dma_start3A_571 = tpu.memref_slice %arg15[%add3A_569, %dma_start3A_570] : memref<256x32xf32, #tpu.memory_space<vmem>> -> memref<1x32xf32, #tpu.memory_space<vmem>>
      %dma_start3A_572 = tpu.memref_squeeze %dma_start3A_571 : memref<1x32xf32, #tpu.memory_space<vmem>> -> memref<32xf32, #tpu.memory_space<vmem>>
      %dma_start3A_573 = arith.constant 0 : i32
      %dma_start3A_574 = tpu.memref_slice %arg5[%shift_right_arithmetic3A_563, %and3A_565, %dma_start3A_573] : memref<125000x8x32xf32, #tpu.memory_space<hbm>> -> memref<1x1x32xf32, #tpu.memory_space<hbm>>
      %dma_start3A_575 = tpu.memref_squeeze %dma_start3A_574 : memref<1x1x32xf32, #tpu.memory_space<hbm>> -> memref<32xf32, #tpu.memory_space<hbm>>
      %dma_start3A_576 = arith.constant 0 : i32
      %dma_start3A_577 = tpu.memref_slice %arg15[%add3A_569, %dma_start3A_576] : memref<256x32xf32, #tpu.memory_space<vmem>> -> memref<1x32xf32, #tpu.memory_space<vmem>>
      %dma_start3A_578 = tpu.memref_squeeze %dma_start3A_577 : memref<1x32xf32, #tpu.memory_space<vmem>> -> memref<32xf32, #tpu.memory_space<vmem>>
      %dma_start3A_579 = arith.constant 0 : i32
      %dma_start3A_580 = tpu.memref_slice %arg5[%shift_right_arithmetic3A_563, %and3A_565, %dma_start3A_579] : memref<125000x8x32xf32, #tpu.memory_space<hbm>> -> memref<1x1x32xf32, #tpu.memory_space<hbm>>
      %dma_start3A_581 = tpu.memref_squeeze %dma_start3A_580 : memref<1x1x32xf32, #tpu.memory_space<hbm>> -> memref<32xf32, #tpu.memory_space<hbm>>
      tpu.enqueue_dma source(%dma_start3A_581 : memref<32xf32, #tpu.memory_space<hbm>>) target(%dma_start3A_578 : memref<32xf32, #tpu.memory_space<vmem>>) target_semaphore(%arg19 : memref<!tpu.dma_semaphore, #tpu.memory_space<semaphore_mem>>)
      %iota3A_582 = tpu.iota {dimensions = array<i32: 0>} : vector<16xi32>
      %eq3A_583 = arith.constant 14 : i32
      %eq3A_584 = vector.broadcast %eq3A_583 : i32 to vector<16xi32>
      %eq3A_585 = arith.cmpi eq, %iota3A_582, %eq3A_584 : vector<16xi32>
      %jit3A_586 = arith.constant 0 : i32
      %broadcast_in_dim3A_587 = vector.broadcast %jit3A_586 : i32 to vector<16xi32>
      %select_n3A_588 = arith.select %eq3A_585, %get3A_156, %broadcast_in_dim3A_587 : vector<16xi1>, vector<16xi32>
      %reduce_sum3A_589 = arith.constant true
      %reduce_sum3A_590 = vector.broadcast %reduce_sum3A_589 : i1 to vector<16xi1>
      %reduce_sum3A_591 = tpu.scan <sum>, %select_n3A_588 masked %reduce_sum3A_590 : vector<16xi32>, vector<16xi1> -> vector<16xi32>
      %reduce_sum3A_592 = vector.extract %reduce_sum3A_591[15] : i32 from vector<16xi32>
      %shift_right_arithmetic3A_593 = arith.constant 3 : i32
      %shift_right_arithmetic3A_594 = arith.shrsi %reduce_sum3A_592, %shift_right_arithmetic3A_593 : i32
      %and3A_595 = arith.constant 7 : i32
      %and3A_596 = arith.andi %reduce_sum3A_592, %and3A_595 : i32
      %mul3A_597 = arith.constant 16 : i32
      %mul3A_598 = arith.muli %scan3A_150, %mul3A_597 : i32
      %add3A_599 = arith.constant 14 : i32
      %add3A_600 = arith.addi %mul3A_598, %add3A_599 : i32
      %dma_start3A_601 = arith.constant 0 : i32
      %dma_start3A_602 = tpu.memref_slice %arg15[%add3A_600, %dma_start3A_601] : memref<256x32xf32, #tpu.memory_space<vmem>> -> memref<1x32xf32, #tpu.memory_space<vmem>>
      %dma_start3A_603 = tpu.memref_squeeze %dma_start3A_602 : memref<1x32xf32, #tpu.memory_space<vmem>> -> memref<32xf32, #tpu.memory_space<vmem>>
      %dma_start3A_604 = arith.constant 0 : i32
      %dma_start3A_605 = tpu.memref_slice %arg5[%shift_right_arithmetic3A_594, %and3A_596, %dma_start3A_604] : memref<125000x8x32xf32, #tpu.memory_space<hbm>> -> memref<1x1x32xf32, #tpu.memory_space<hbm>>
      %dma_start3A_606 = tpu.memref_squeeze %dma_start3A_605 : memref<1x1x32xf32, #tpu.memory_space<hbm>> -> memref<32xf32, #tpu.memory_space<hbm>>
      %dma_start3A_607 = arith.constant 0 : i32
      %dma_start3A_608 = tpu.memref_slice %arg15[%add3A_600, %dma_start3A_607] : memref<256x32xf32, #tpu.memory_space<vmem>> -> memref<1x32xf32, #tpu.memory_space<vmem>>
      %dma_start3A_609 = tpu.memref_squeeze %dma_start3A_608 : memref<1x32xf32, #tpu.memory_space<vmem>> -> memref<32xf32, #tpu.memory_space<vmem>>
      %dma_start3A_610 = arith.constant 0 : i32
      %dma_start3A_611 = tpu.memref_slice %arg5[%shift_right_arithmetic3A_594, %and3A_596, %dma_start3A_610] : memref<125000x8x32xf32, #tpu.memory_space<hbm>> -> memref<1x1x32xf32, #tpu.memory_space<hbm>>
      %dma_start3A_612 = tpu.memref_squeeze %dma_start3A_611 : memref<1x1x32xf32, #tpu.memory_space<hbm>> -> memref<32xf32, #tpu.memory_space<hbm>>
      tpu.enqueue_dma source(%dma_start3A_612 : memref<32xf32, #tpu.memory_space<hbm>>) target(%dma_start3A_609 : memref<32xf32, #tpu.memory_space<vmem>>) target_semaphore(%arg19 : memref<!tpu.dma_semaphore, #tpu.memory_space<semaphore_mem>>)
      %iota3A_613 = tpu.iota {dimensions = array<i32: 0>} : vector<16xi32>
      %eq3A_614 = arith.constant 15 : i32
      %eq3A_615 = vector.broadcast %eq3A_614 : i32 to vector<16xi32>
      %eq3A_616 = arith.cmpi eq, %iota3A_613, %eq3A_615 : vector<16xi32>
      %jit3A_617 = arith.constant 0 : i32
      %broadcast_in_dim3A_618 = vector.broadcast %jit3A_617 : i32 to vector<16xi32>
      %select_n3A_619 = arith.select %eq3A_616, %get3A_156, %broadcast_in_dim3A_618 : vector<16xi1>, vector<16xi32>
      %reduce_sum3A_620 = arith.constant true
      %reduce_sum3A_621 = vector.broadcast %reduce_sum3A_620 : i1 to vector<16xi1>
      %reduce_sum3A_622 = tpu.scan <sum>, %select_n3A_619 masked %reduce_sum3A_621 : vector<16xi32>, vector<16xi1> -> vector<16xi32>
      %reduce_sum3A_623 = vector.extract %reduce_sum3A_622[15] : i32 from vector<16xi32>
      %shift_right_arithmetic3A_624 = arith.constant 3 : i32
      %shift_right_arithmetic3A_625 = arith.shrsi %reduce_sum3A_623, %shift_right_arithmetic3A_624 : i32
      %and3A_626 = arith.constant 7 : i32
      %and3A_627 = arith.andi %reduce_sum3A_623, %and3A_626 : i32
      %mul3A_628 = arith.constant 16 : i32
      %mul3A_629 = arith.muli %scan3A_150, %mul3A_628 : i32
      %add3A_630 = arith.constant 15 : i32
      %add3A_631 = arith.addi %mul3A_629, %add3A_630 : i32
      %dma_start3A_632 = arith.constant 0 : i32
      %dma_start3A_633 = tpu.memref_slice %arg15[%add3A_631, %dma_start3A_632] : memref<256x32xf32, #tpu.memory_space<vmem>> -> memref<1x32xf32, #tpu.memory_space<vmem>>
      %dma_start3A_634 = tpu.memref_squeeze %dma_start3A_633 : memref<1x32xf32, #tpu.memory_space<vmem>> -> memref<32xf32, #tpu.memory_space<vmem>>
      %dma_start3A_635 = arith.constant 0 : i32
      %dma_start3A_636 = tpu.memref_slice %arg5[%shift_right_arithmetic3A_625, %and3A_627, %dma_start3A_635] : memref<125000x8x32xf32, #tpu.memory_space<hbm>> -> memref<1x1x32xf32, #tpu.memory_space<hbm>>
      %dma_start3A_637 = tpu.memref_squeeze %dma_start3A_636 : memref<1x1x32xf32, #tpu.memory_space<hbm>> -> memref<32xf32, #tpu.memory_space<hbm>>
      %dma_start3A_638 = arith.constant 0 : i32
      %dma_start3A_639 = tpu.memref_slice %arg15[%add3A_631, %dma_start3A_638] : memref<256x32xf32, #tpu.memory_space<vmem>> -> memref<1x32xf32, #tpu.memory_space<vmem>>
      %dma_start3A_640 = tpu.memref_squeeze %dma_start3A_639 : memref<1x32xf32, #tpu.memory_space<vmem>> -> memref<32xf32, #tpu.memory_space<vmem>>
      %dma_start3A_641 = arith.constant 0 : i32
      %dma_start3A_642 = tpu.memref_slice %arg5[%shift_right_arithmetic3A_625, %and3A_627, %dma_start3A_641] : memref<125000x8x32xf32, #tpu.memory_space<hbm>> -> memref<1x1x32xf32, #tpu.memory_space<hbm>>
      %dma_start3A_643 = tpu.memref_squeeze %dma_start3A_642 : memref<1x1x32xf32, #tpu.memory_space<hbm>> -> memref<32xf32, #tpu.memory_space<hbm>>
      tpu.enqueue_dma source(%dma_start3A_643 : memref<32xf32, #tpu.memory_space<hbm>>) target(%dma_start3A_640 : memref<32xf32, #tpu.memory_space<vmem>>) target_semaphore(%arg19 : memref<!tpu.dma_semaphore, #tpu.memory_space<semaphore_mem>>)
      %scan3A_644 = arith.constant 0 : i32
      scf.yield %scan3A_644 : i32
    }
    %scan3A_15 = arith.constant 16 : i32
    %scan3A_16 = arith.constant 0 : i32
    %scan3A_17 = arith.constant 0 : i32
    %scan3A_18 = arith.constant 16 : i32
    %scan3A_19 = arith.addi %scan3A_17, %scan3A_18 : i32
    %scan3A_20 = arith.constant 1 : i32
    %scan3A_21 = scf.for %scan3A_150 = %scan3A_17 to %scan3A_19 step %scan3A_20 iter_args(%scan3A_151 = %scan3A_16) -> (i32)  : i32 {
      %mul3A_152 = arith.constant 16 : i32
      %mul3A_153 = arith.muli %scan3A_150, %mul3A_152 : i32
      %add3A_154 = arith.constant 0 : i32
      %add3A_155 = arith.addi %add3A_154, %mul3A_153 : i32
      %get3A = arith.index_cast %add3A_155 : i32 to index
      %get3A_156 = tpu.vector_load %arg11[%get3A] {strides = array<i32>} : memref<512xi32, #tpu.memory_space<vmem>>, vector<16xi32>,
      %iota3A = tpu.iota {dimensions = array<i32: 0>} : vector<16xi32>
      %eq3A = arith.constant 0 : i32
      %eq3A_157 = vector.broadcast %eq3A : i32 to vector<16xi32>
      %eq3A_158 = arith.cmpi eq, %iota3A, %eq3A_157 : vector<16xi32>
      %jit3A = arith.constant 0 : i32
      %broadcast_in_dim3A = vector.broadcast %jit3A : i32 to vector<16xi32>
      %select_n3A = arith.select %eq3A_158, %get3A_156, %broadcast_in_dim3A : vector<16xi1>, vector<16xi32>
      %reduce_sum3A = arith.constant true
      %reduce_sum3A_159 = vector.broadcast %reduce_sum3A : i1 to vector<16xi1>
      %reduce_sum3A_160 = tpu.scan <sum>, %select_n3A masked %reduce_sum3A_159 : vector<16xi32>, vector<16xi1> -> vector<16xi32>
      %reduce_sum3A_161 = vector.extract %reduce_sum3A_160[15] : i32 from vector<16xi32>
      %mul3A_162 = arith.constant 16 : i32
      %mul3A_163 = arith.muli %scan3A_150, %mul3A_162 : i32
      %add3A_164 = arith.constant 0 : i32
      %add3A_165 = arith.addi %mul3A_163, %add3A_164 : i32
      %dma_start3A = arith.constant 0 : i32
      %dma_start3A_166 = tpu.memref_slice %arg14[%add3A_165, %dma_start3A] : memref<256x32xf32, #tpu.memory_space<vmem>> -> memref<1x32xf32, #tpu.memory_space<vmem>>
      %dma_start3A_167 = tpu.memref_squeeze %dma_start3A_166 : memref<1x32xf32, #tpu.memory_space<vmem>> -> memref<32xf32, #tpu.memory_space<vmem>>
      %dma_start3A_168 = arith.constant 0 : i32
      %dma_start3A_169 = tpu.memref_slice %arg6[%reduce_sum3A_161, %dma_start3A_168] : memref<100x32xf32, #tpu.memory_space<hbm>> -> memref<1x32xf32, #tpu.memory_space<hbm>>
      %dma_start3A_170 = tpu.memref_squeeze %dma_start3A_169 : memref<1x32xf32, #tpu.memory_space<hbm>> -> memref<32xf32, #tpu.memory_space<hbm>>
      %dma_start3A_171 = arith.constant 0 : i32
      %dma_start3A_172 = tpu.memref_slice %arg14[%add3A_165, %dma_start3A_171] : memref<256x32xf32, #tpu.memory_space<vmem>> -> memref<1x32xf32, #tpu.memory_space<vmem>>
      %dma_start3A_173 = tpu.memref_squeeze %dma_start3A_172 : memref<1x32xf32, #tpu.memory_space<vmem>> -> memref<32xf32, #tpu.memory_space<vmem>>
      %dma_start3A_174 = arith.constant 0 : i32
      %dma_start3A_175 = tpu.memref_slice %arg6[%reduce_sum3A_161, %dma_start3A_174] : memref<100x32xf32, #tpu.memory_space<hbm>> -> memref<1x32xf32, #tpu.memory_space<hbm>>
      %dma_start3A_176 = tpu.memref_squeeze %dma_start3A_175 : memref<1x32xf32, #tpu.memory_space<hbm>> -> memref<32xf32, #tpu.memory_space<hbm>>
      tpu.enqueue_dma source(%dma_start3A_176 : memref<32xf32, #tpu.memory_space<hbm>>) target(%dma_start3A_173 : memref<32xf32, #tpu.memory_space<vmem>>) target_semaphore(%arg18 : memref<!tpu.dma_semaphore, #tpu.memory_space<semaphore_mem>>)
      %iota3A_177 = tpu.iota {dimensions = array<i32: 0>} : vector<16xi32>
      %eq3A_178 = arith.constant 1 : i32
      %eq3A_179 = vector.broadcast %eq3A_178 : i32 to vector<16xi32>
      %eq3A_180 = arith.cmpi eq, %iota3A_177, %eq3A_179 : vector<16xi32>
      %jit3A_181 = arith.constant 0 : i32
      %broadcast_in_dim3A_182 = vector.broadcast %jit3A_181 : i32 to vector<16xi32>
      %select_n3A_183 = arith.select %eq3A_180, %get3A_156, %broadcast_in_dim3A_182 : vector<16xi1>, vector<16xi32>
      %reduce_sum3A_184 = arith.constant true
      %reduce_sum3A_185 = vector.broadcast %reduce_sum3A_184 : i1 to vector<16xi1>
      %reduce_sum3A_186 = tpu.scan <sum>, %select_n3A_183 masked %reduce_sum3A_185 : vector<16xi32>, vector<16xi1> -> vector<16xi32>
      %reduce_sum3A_187 = vector.extract %reduce_sum3A_186[15] : i32 from vector<16xi32>
      %mul3A_188 = arith.constant 16 : i32
      %mul3A_189 = arith.muli %scan3A_150, %mul3A_188 : i32
      %add3A_190 = arith.constant 1 : i32
      %add3A_191 = arith.addi %mul3A_189, %add3A_190 : i32
      %dma_start3A_192 = arith.constant 0 : i32
      %dma_start3A_193 = tpu.memref_slice %arg14[%add3A_191, %dma_start3A_192] : memref<256x32xf32, #tpu.memory_space<vmem>> -> memref<1x32xf32, #tpu.memory_space<vmem>>
      %dma_start3A_194 = tpu.memref_squeeze %dma_start3A_193 : memref<1x32xf32, #tpu.memory_space<vmem>> -> memref<32xf32, #tpu.memory_space<vmem>>
      %dma_start3A_195 = arith.constant 0 : i32
      %dma_start3A_196 = tpu.memref_slice %arg6[%reduce_sum3A_187, %dma_start3A_195] : memref<100x32xf32, #tpu.memory_space<hbm>> -> memref<1x32xf32, #tpu.memory_space<hbm>>
      %dma_start3A_197 = tpu.memref_squeeze %dma_start3A_196 : memref<1x32xf32, #tpu.memory_space<hbm>> -> memref<32xf32, #tpu.memory_space<hbm>>
      %dma_start3A_198 = arith.constant 0 : i32
      %dma_start3A_199 = tpu.memref_slice %arg14[%add3A_191, %dma_start3A_198] : memref<256x32xf32, #tpu.memory_space<vmem>> -> memref<1x32xf32, #tpu.memory_space<vmem>>
      %dma_start3A_200 = tpu.memref_squeeze %dma_start3A_199 : memref<1x32xf32, #tpu.memory_space<vmem>> -> memref<32xf32, #tpu.memory_space<vmem>>
      %dma_start3A_201 = arith.constant 0 : i32
      %dma_start3A_202 = tpu.memref_slice %arg6[%reduce_sum3A_187, %dma_start3A_201] : memref<100x32xf32, #tpu.memory_space<hbm>> -> memref<1x32xf32, #tpu.memory_space<hbm>>
      %dma_start3A_203 = tpu.memref_squeeze %dma_start3A_202 : memref<1x32xf32, #tpu.memory_space<hbm>> -> memref<32xf32, #tpu.memory_space<hbm>>
      tpu.enqueue_dma source(%dma_start3A_203 : memref<32xf32, #tpu.memory_space<hbm>>) target(%dma_start3A_200 : memref<32xf32, #tpu.memory_space<vmem>>) target_semaphore(%arg18 : memref<!tpu.dma_semaphore, #tpu.memory_space<semaphore_mem>>)
      %iota3A_204 = tpu.iota {dimensions = array<i32: 0>} : vector<16xi32>
      %eq3A_205 = arith.constant 2 : i32
      %eq3A_206 = vector.broadcast %eq3A_205 : i32 to vector<16xi32>
      %eq3A_207 = arith.cmpi eq, %iota3A_204, %eq3A_206 : vector<16xi32>
      %jit3A_208 = arith.constant 0 : i32
      %broadcast_in_dim3A_209 = vector.broadcast %jit3A_208 : i32 to vector<16xi32>
      %select_n3A_210 = arith.select %eq3A_207, %get3A_156, %broadcast_in_dim3A_209 : vector<16xi1>, vector<16xi32>
      %reduce_sum3A_211 = arith.constant true
      %reduce_sum3A_212 = vector.broadcast %reduce_sum3A_211 : i1 to vector<16xi1>
      %reduce_sum3A_213 = tpu.scan <sum>, %select_n3A_210 masked %reduce_sum3A_212 : vector<16xi32>, vector<16xi1> -> vector<16xi32>
      %reduce_sum3A_214 = vector.extract %reduce_sum3A_213[15] : i32 from vector<16xi32>
      %mul3A_215 = arith.constant 16 : i32
      %mul3A_216 = arith.muli %scan3A_150, %mul3A_215 : i32
      %add3A_217 = arith.constant 2 : i32
      %add3A_218 = arith.addi %mul3A_216, %add3A_217 : i32
      %dma_start3A_219 = arith.constant 0 : i32
      %dma_start3A_220 = tpu.memref_slice %arg14[%add3A_218, %dma_start3A_219] : memref<256x32xf32, #tpu.memory_space<vmem>> -> memref<1x32xf32, #tpu.memory_space<vmem>>
      %dma_start3A_221 = tpu.memref_squeeze %dma_start3A_220 : memref<1x32xf32, #tpu.memory_space<vmem>> -> memref<32xf32, #tpu.memory_space<vmem>>
      %dma_start3A_222 = arith.constant 0 : i32
      %dma_start3A_223 = tpu.memref_slice %arg6[%reduce_sum3A_214, %dma_start3A_222] : memref<100x32xf32, #tpu.memory_space<hbm>> -> memref<1x32xf32, #tpu.memory_space<hbm>>
      %dma_start3A_224 = tpu.memref_squeeze %dma_start3A_223 : memref<1x32xf32, #tpu.memory_space<hbm>> -> memref<32xf32, #tpu.memory_space<hbm>>
      %dma_start3A_225 = arith.constant 0 : i32
      %dma_start3A_226 = tpu.memref_slice %arg14[%add3A_218, %dma_start3A_225] : memref<256x32xf32, #tpu.memory_space<vmem>> -> memref<1x32xf32, #tpu.memory_space<vmem>>
      %dma_start3A_227 = tpu.memref_squeeze %dma_start3A_226 : memref<1x32xf32, #tpu.memory_space<vmem>> -> memref<32xf32, #tpu.memory_space<vmem>>
      %dma_start3A_228 = arith.constant 0 : i32
      %dma_start3A_229 = tpu.memref_slice %arg6[%reduce_sum3A_214, %dma_start3A_228] : memref<100x32xf32, #tpu.memory_space<hbm>> -> memref<1x32xf32, #tpu.memory_space<hbm>>
      %dma_start3A_230 = tpu.memref_squeeze %dma_start3A_229 : memref<1x32xf32, #tpu.memory_space<hbm>> -> memref<32xf32, #tpu.memory_space<hbm>>
      tpu.enqueue_dma source(%dma_start3A_230 : memref<32xf32, #tpu.memory_space<hbm>>) target(%dma_start3A_227 : memref<32xf32, #tpu.memory_space<vmem>>) target_semaphore(%arg18 : memref<!tpu.dma_semaphore, #tpu.memory_space<semaphore_mem>>)
      %iota3A_231 = tpu.iota {dimensions = array<i32: 0>} : vector<16xi32>
      %eq3A_232 = arith.constant 3 : i32
      %eq3A_233 = vector.broadcast %eq3A_232 : i32 to vector<16xi32>
      %eq3A_234 = arith.cmpi eq, %iota3A_231, %eq3A_233 : vector<16xi32>
      %jit3A_235 = arith.constant 0 : i32
      %broadcast_in_dim3A_236 = vector.broadcast %jit3A_235 : i32 to vector<16xi32>
      %select_n3A_237 = arith.select %eq3A_234, %get3A_156, %broadcast_in_dim3A_236 : vector<16xi1>, vector<16xi32>
      %reduce_sum3A_238 = arith.constant true
      %reduce_sum3A_239 = vector.broadcast %reduce_sum3A_238 : i1 to vector<16xi1>
      %reduce_sum3A_240 = tpu.scan <sum>, %select_n3A_237 masked %reduce_sum3A_239 : vector<16xi32>, vector<16xi1> -> vector<16xi32>
      %reduce_sum3A_241 = vector.extract %reduce_sum3A_240[15] : i32 from vector<16xi32>
      %mul3A_242 = arith.constant 16 : i32
      %mul3A_243 = arith.muli %scan3A_150, %mul3A_242 : i32
      %add3A_244 = arith.constant 3 : i32
      %add3A_245 = arith.addi %mul3A_243, %add3A_244 : i32
      %dma_start3A_246 = arith.constant 0 : i32
      %dma_start3A_247 = tpu.memref_slice %arg14[%add3A_245, %dma_start3A_246] : memref<256x32xf32, #tpu.memory_space<vmem>> -> memref<1x32xf32, #tpu.memory_space<vmem>>
      %dma_start3A_248 = tpu.memref_squeeze %dma_start3A_247 : memref<1x32xf32, #tpu.memory_space<vmem>> -> memref<32xf32, #tpu.memory_space<vmem>>
      %dma_start3A_249 = arith.constant 0 : i32
      %dma_start3A_250 = tpu.memref_slice %arg6[%reduce_sum3A_241, %dma_start3A_249] : memref<100x32xf32, #tpu.memory_space<hbm>> -> memref<1x32xf32, #tpu.memory_space<hbm>>
      %dma_start3A_251 = tpu.memref_squeeze %dma_start3A_250 : memref<1x32xf32, #tpu.memory_space<hbm>> -> memref<32xf32, #tpu.memory_space<hbm>>
      %dma_start3A_252 = arith.constant 0 : i32
      %dma_start3A_253 = tpu.memref_slice %arg14[%add3A_245, %dma_start3A_252] : memref<256x32xf32, #tpu.memory_space<vmem>> -> memref<1x32xf32, #tpu.memory_space<vmem>>
      %dma_start3A_254 = tpu.memref_squeeze %dma_start3A_253 : memref<1x32xf32, #tpu.memory_space<vmem>> -> memref<32xf32, #tpu.memory_space<vmem>>
      %dma_start3A_255 = arith.constant 0 : i32
      %dma_start3A_256 = tpu.memref_slice %arg6[%reduce_sum3A_241, %dma_start3A_255] : memref<100x32xf32, #tpu.memory_space<hbm>> -> memref<1x32xf32, #tpu.memory_space<hbm>>
      %dma_start3A_257 = tpu.memref_squeeze %dma_start3A_256 : memref<1x32xf32, #tpu.memory_space<hbm>> -> memref<32xf32, #tpu.memory_space<hbm>>
      tpu.enqueue_dma source(%dma_start3A_257 : memref<32xf32, #tpu.memory_space<hbm>>) target(%dma_start3A_254 : memref<32xf32, #tpu.memory_space<vmem>>) target_semaphore(%arg18 : memref<!tpu.dma_semaphore, #tpu.memory_space<semaphore_mem>>)
      %iota3A_258 = tpu.iota {dimensions = array<i32: 0>} : vector<16xi32>
      %eq3A_259 = arith.constant 4 : i32
      %eq3A_260 = vector.broadcast %eq3A_259 : i32 to vector<16xi32>
      %eq3A_261 = arith.cmpi eq, %iota3A_258, %eq3A_260 : vector<16xi32>
      %jit3A_262 = arith.constant 0 : i32
      %broadcast_in_dim3A_263 = vector.broadcast %jit3A_262 : i32 to vector<16xi32>
      %select_n3A_264 = arith.select %eq3A_261, %get3A_156, %broadcast_in_dim3A_263 : vector<16xi1>, vector<16xi32>
      %reduce_sum3A_265 = arith.constant true
      %reduce_sum3A_266 = vector.broadcast %reduce_sum3A_265 : i1 to vector<16xi1>
      %reduce_sum3A_267 = tpu.scan <sum>, %select_n3A_264 masked %reduce_sum3A_266 : vector<16xi32>, vector<16xi1> -> vector<16xi32>
      %reduce_sum3A_268 = vector.extract %reduce_sum3A_267[15] : i32 from vector<16xi32>
      %mul3A_269 = arith.constant 16 : i32
      %mul3A_270 = arith.muli %scan3A_150, %mul3A_269 : i32
      %add3A_271 = arith.constant 4 : i32
      %add3A_272 = arith.addi %mul3A_270, %add3A_271 : i32
      %dma_start3A_273 = arith.constant 0 : i32
      %dma_start3A_274 = tpu.memref_slice %arg14[%add3A_272, %dma_start3A_273] : memref<256x32xf32, #tpu.memory_space<vmem>> -> memref<1x32xf32, #tpu.memory_space<vmem>>
      %dma_start3A_275 = tpu.memref_squeeze %dma_start3A_274 : memref<1x32xf32, #tpu.memory_space<vmem>> -> memref<32xf32, #tpu.memory_space<vmem>>
      %dma_start3A_276 = arith.constant 0 : i32
      %dma_start3A_277 = tpu.memref_slice %arg6[%reduce_sum3A_268, %dma_start3A_276] : memref<100x32xf32, #tpu.memory_space<hbm>> -> memref<1x32xf32, #tpu.memory_space<hbm>>
      %dma_start3A_278 = tpu.memref_squeeze %dma_start3A_277 : memref<1x32xf32, #tpu.memory_space<hbm>> -> memref<32xf32, #tpu.memory_space<hbm>>
      %dma_start3A_279 = arith.constant 0 : i32
      %dma_start3A_280 = tpu.memref_slice %arg14[%add3A_272, %dma_start3A_279] : memref<256x32xf32, #tpu.memory_space<vmem>> -> memref<1x32xf32, #tpu.memory_space<vmem>>
      %dma_start3A_281 = tpu.memref_squeeze %dma_start3A_280 : memref<1x32xf32, #tpu.memory_space<vmem>> -> memref<32xf32, #tpu.memory_space<vmem>>
      %dma_start3A_282 = arith.constant 0 : i32
      %dma_start3A_283 = tpu.memref_slice %arg6[%reduce_sum3A_268, %dma_start3A_282] : memref<100x32xf32, #tpu.memory_space<hbm>> -> memref<1x32xf32, #tpu.memory_space<hbm>>
      %dma_start3A_284 = tpu.memref_squeeze %dma_start3A_283 : memref<1x32xf32, #tpu.memory_space<hbm>> -> memref<32xf32, #tpu.memory_space<hbm>>
      tpu.enqueue_dma source(%dma_start3A_284 : memref<32xf32, #tpu.memory_space<hbm>>) target(%dma_start3A_281 : memref<32xf32, #tpu.memory_space<vmem>>) target_semaphore(%arg18 : memref<!tpu.dma_semaphore, #tpu.memory_space<semaphore_mem>>)
      %iota3A_285 = tpu.iota {dimensions = array<i32: 0>} : vector<16xi32>
      %eq3A_286 = arith.constant 5 : i32
      %eq3A_287 = vector.broadcast %eq3A_286 : i32 to vector<16xi32>
      %eq3A_288 = arith.cmpi eq, %iota3A_285, %eq3A_287 : vector<16xi32>
      %jit3A_289 = arith.constant 0 : i32
      %broadcast_in_dim3A_290 = vector.broadcast %jit3A_289 : i32 to vector<16xi32>
      %select_n3A_291 = arith.select %eq3A_288, %get3A_156, %broadcast_in_dim3A_290 : vector<16xi1>, vector<16xi32>
      %reduce_sum3A_292 = arith.constant true
      %reduce_sum3A_293 = vector.broadcast %reduce_sum3A_292 : i1 to vector<16xi1>
      %reduce_sum3A_294 = tpu.scan <sum>, %select_n3A_291 masked %reduce_sum3A_293 : vector<16xi32>, vector<16xi1> -> vector<16xi32>
      %reduce_sum3A_295 = vector.extract %reduce_sum3A_294[15] : i32 from vector<16xi32>
      %mul3A_296 = arith.constant 16 : i32
      %mul3A_297 = arith.muli %scan3A_150, %mul3A_296 : i32
      %add3A_298 = arith.constant 5 : i32
      %add3A_299 = arith.addi %mul3A_297, %add3A_298 : i32
      %dma_start3A_300 = arith.constant 0 : i32
      %dma_start3A_301 = tpu.memref_slice %arg14[%add3A_299, %dma_start3A_300] : memref<256x32xf32, #tpu.memory_space<vmem>> -> memref<1x32xf32, #tpu.memory_space<vmem>>
      %dma_start3A_302 = tpu.memref_squeeze %dma_start3A_301 : memref<1x32xf32, #tpu.memory_space<vmem>> -> memref<32xf32, #tpu.memory_space<vmem>>
      %dma_start3A_303 = arith.constant 0 : i32
      %dma_start3A_304 = tpu.memref_slice %arg6[%reduce_sum3A_295, %dma_start3A_303] : memref<100x32xf32, #tpu.memory_space<hbm>> -> memref<1x32xf32, #tpu.memory_space<hbm>>
      %dma_start3A_305 = tpu.memref_squeeze %dma_start3A_304 : memref<1x32xf32, #tpu.memory_space<hbm>> -> memref<32xf32, #tpu.memory_space<hbm>>
      %dma_start3A_306 = arith.constant 0 : i32
      %dma_start3A_307 = tpu.memref_slice %arg14[%add3A_299, %dma_start3A_306] : memref<256x32xf32, #tpu.memory_space<vmem>> -> memref<1x32xf32, #tpu.memory_space<vmem>>
      %dma_start3A_308 = tpu.memref_squeeze %dma_start3A_307 : memref<1x32xf32, #tpu.memory_space<vmem>> -> memref<32xf32, #tpu.memory_space<vmem>>
      %dma_start3A_309 = arith.constant 0 : i32
      %dma_start3A_310 = tpu.memref_slice %arg6[%reduce_sum3A_295, %dma_start3A_309] : memref<100x32xf32, #tpu.memory_space<hbm>> -> memref<1x32xf32, #tpu.memory_space<hbm>>
      %dma_start3A_311 = tpu.memref_squeeze %dma_start3A_310 : memref<1x32xf32, #tpu.memory_space<hbm>> -> memref<32xf32, #tpu.memory_space<hbm>>
      tpu.enqueue_dma source(%dma_start3A_311 : memref<32xf32, #tpu.memory_space<hbm>>) target(%dma_start3A_308 : memref<32xf32, #tpu.memory_space<vmem>>) target_semaphore(%arg18 : memref<!tpu.dma_semaphore, #tpu.memory_space<semaphore_mem>>)
      %iota3A_312 = tpu.iota {dimensions = array<i32: 0>} : vector<16xi32>
      %eq3A_313 = arith.constant 6 : i32
      %eq3A_314 = vector.broadcast %eq3A_313 : i32 to vector<16xi32>
      %eq3A_315 = arith.cmpi eq, %iota3A_312, %eq3A_314 : vector<16xi32>
      %jit3A_316 = arith.constant 0 : i32
      %broadcast_in_dim3A_317 = vector.broadcast %jit3A_316 : i32 to vector<16xi32>
      %select_n3A_318 = arith.select %eq3A_315, %get3A_156, %broadcast_in_dim3A_317 : vector<16xi1>, vector<16xi32>
      %reduce_sum3A_319 = arith.constant true
      %reduce_sum3A_320 = vector.broadcast %reduce_sum3A_319 : i1 to vector<16xi1>
      %reduce_sum3A_321 = tpu.scan <sum>, %select_n3A_318 masked %reduce_sum3A_320 : vector<16xi32>, vector<16xi1> -> vector<16xi32>
      %reduce_sum3A_322 = vector.extract %reduce_sum3A_321[15] : i32 from vector<16xi32>
      %mul3A_323 = arith.constant 16 : i32
      %mul3A_324 = arith.muli %scan3A_150, %mul3A_323 : i32
      %add3A_325 = arith.constant 6 : i32
      %add3A_326 = arith.addi %mul3A_324, %add3A_325 : i32
      %dma_start3A_327 = arith.constant 0 : i32
      %dma_start3A_328 = tpu.memref_slice %arg14[%add3A_326, %dma_start3A_327] : memref<256x32xf32, #tpu.memory_space<vmem>> -> memref<1x32xf32, #tpu.memory_space<vmem>>
      %dma_start3A_329 = tpu.memref_squeeze %dma_start3A_328 : memref<1x32xf32, #tpu.memory_space<vmem>> -> memref<32xf32, #tpu.memory_space<vmem>>
      %dma_start3A_330 = arith.constant 0 : i32
      %dma_start3A_331 = tpu.memref_slice %arg6[%reduce_sum3A_322, %dma_start3A_330] : memref<100x32xf32, #tpu.memory_space<hbm>> -> memref<1x32xf32, #tpu.memory_space<hbm>>
      %dma_start3A_332 = tpu.memref_squeeze %dma_start3A_331 : memref<1x32xf32, #tpu.memory_space<hbm>> -> memref<32xf32, #tpu.memory_space<hbm>>
      %dma_start3A_333 = arith.constant 0 : i32
      %dma_start3A_334 = tpu.memref_slice %arg14[%add3A_326, %dma_start3A_333] : memref<256x32xf32, #tpu.memory_space<vmem>> -> memref<1x32xf32, #tpu.memory_space<vmem>>
      %dma_start3A_335 = tpu.memref_squeeze %dma_start3A_334 : memref<1x32xf32, #tpu.memory_space<vmem>> -> memref<32xf32, #tpu.memory_space<vmem>>
      %dma_start3A_336 = arith.constant 0 : i32
      %dma_start3A_337 = tpu.memref_slice %arg6[%reduce_sum3A_322, %dma_start3A_336] : memref<100x32xf32, #tpu.memory_space<hbm>> -> memref<1x32xf32, #tpu.memory_space<hbm>>
      %dma_start3A_338 = tpu.memref_squeeze %dma_start3A_337 : memref<1x32xf32, #tpu.memory_space<hbm>> -> memref<32xf32, #tpu.memory_space<hbm>>
      tpu.enqueue_dma source(%dma_start3A_338 : memref<32xf32, #tpu.memory_space<hbm>>) target(%dma_start3A_335 : memref<32xf32, #tpu.memory_space<vmem>>) target_semaphore(%arg18 : memref<!tpu.dma_semaphore, #tpu.memory_space<semaphore_mem>>)
      %iota3A_339 = tpu.iota {dimensions = array<i32: 0>} : vector<16xi32>
      %eq3A_340 = arith.constant 7 : i32
      %eq3A_341 = vector.broadcast %eq3A_340 : i32 to vector<16xi32>
      %eq3A_342 = arith.cmpi eq, %iota3A_339, %eq3A_341 : vector<16xi32>
      %jit3A_343 = arith.constant 0 : i32
      %broadcast_in_dim3A_344 = vector.broadcast %jit3A_343 : i32 to vector<16xi32>
      %select_n3A_345 = arith.select %eq3A_342, %get3A_156, %broadcast_in_dim3A_344 : vector<16xi1>, vector<16xi32>
      %reduce_sum3A_346 = arith.constant true
      %reduce_sum3A_347 = vector.broadcast %reduce_sum3A_346 : i1 to vector<16xi1>
      %reduce_sum3A_348 = tpu.scan <sum>, %select_n3A_345 masked %reduce_sum3A_347 : vector<16xi32>, vector<16xi1> -> vector<16xi32>
      %reduce_sum3A_349 = vector.extract %reduce_sum3A_348[15] : i32 from vector<16xi32>
      %mul3A_350 = arith.constant 16 : i32
      %mul3A_351 = arith.muli %scan3A_150, %mul3A_350 : i32
      %add3A_352 = arith.constant 7 : i32
      %add3A_353 = arith.addi %mul3A_351, %add3A_352 : i32
      %dma_start3A_354 = arith.constant 0 : i32
      %dma_start3A_355 = tpu.memref_slice %arg14[%add3A_353, %dma_start3A_354] : memref<256x32xf32, #tpu.memory_space<vmem>> -> memref<1x32xf32, #tpu.memory_space<vmem>>
      %dma_start3A_356 = tpu.memref_squeeze %dma_start3A_355 : memref<1x32xf32, #tpu.memory_space<vmem>> -> memref<32xf32, #tpu.memory_space<vmem>>
      %dma_start3A_357 = arith.constant 0 : i32
      %dma_start3A_358 = tpu.memref_slice %arg6[%reduce_sum3A_349, %dma_start3A_357] : memref<100x32xf32, #tpu.memory_space<hbm>> -> memref<1x32xf32, #tpu.memory_space<hbm>>
      %dma_start3A_359 = tpu.memref_squeeze %dma_start3A_358 : memref<1x32xf32, #tpu.memory_space<hbm>> -> memref<32xf32, #tpu.memory_space<hbm>>
      %dma_start3A_360 = arith.constant 0 : i32
      %dma_start3A_361 = tpu.memref_slice %arg14[%add3A_353, %dma_start3A_360] : memref<256x32xf32, #tpu.memory_space<vmem>> -> memref<1x32xf32, #tpu.memory_space<vmem>>
      %dma_start3A_362 = tpu.memref_squeeze %dma_start3A_361 : memref<1x32xf32, #tpu.memory_space<vmem>> -> memref<32xf32, #tpu.memory_space<vmem>>
      %dma_start3A_363 = arith.constant 0 : i32
      %dma_start3A_364 = tpu.memref_slice %arg6[%reduce_sum3A_349, %dma_start3A_363] : memref<100x32xf32, #tpu.memory_space<hbm>> -> memref<1x32xf32, #tpu.memory_space<hbm>>
      %dma_start3A_365 = tpu.memref_squeeze %dma_start3A_364 : memref<1x32xf32, #tpu.memory_space<hbm>> -> memref<32xf32, #tpu.memory_space<hbm>>
      tpu.enqueue_dma source(%dma_start3A_365 : memref<32xf32, #tpu.memory_space<hbm>>) target(%dma_start3A_362 : memref<32xf32, #tpu.memory_space<vmem>>) target_semaphore(%arg18 : memref<!tpu.dma_semaphore, #tpu.memory_space<semaphore_mem>>)
      %iota3A_366 = tpu.iota {dimensions = array<i32: 0>} : vector<16xi32>
      %eq3A_367 = arith.constant 8 : i32
      %eq3A_368 = vector.broadcast %eq3A_367 : i32 to vector<16xi32>
      %eq3A_369 = arith.cmpi eq, %iota3A_366, %eq3A_368 : vector<16xi32>
      %jit3A_370 = arith.constant 0 : i32
      %broadcast_in_dim3A_371 = vector.broadcast %jit3A_370 : i32 to vector<16xi32>
      %select_n3A_372 = arith.select %eq3A_369, %get3A_156, %broadcast_in_dim3A_371 : vector<16xi1>, vector<16xi32>
      %reduce_sum3A_373 = arith.constant true
      %reduce_sum3A_374 = vector.broadcast %reduce_sum3A_373 : i1 to vector<16xi1>
      %reduce_sum3A_375 = tpu.scan <sum>, %select_n3A_372 masked %reduce_sum3A_374 : vector<16xi32>, vector<16xi1> -> vector<16xi32>
      %reduce_sum3A_376 = vector.extract %reduce_sum3A_375[15] : i32 from vector<16xi32>
      %mul3A_377 = arith.constant 16 : i32
      %mul3A_378 = arith.muli %scan3A_150, %mul3A_377 : i32
      %add3A_379 = arith.constant 8 : i32
      %add3A_380 = arith.addi %mul3A_378, %add3A_379 : i32
      %dma_start3A_381 = arith.constant 0 : i32
      %dma_start3A_382 = tpu.memref_slice %arg14[%add3A_380, %dma_start3A_381] : memref<256x32xf32, #tpu.memory_space<vmem>> -> memref<1x32xf32, #tpu.memory_space<vmem>>
      %dma_start3A_383 = tpu.memref_squeeze %dma_start3A_382 : memref<1x32xf32, #tpu.memory_space<vmem>> -> memref<32xf32, #tpu.memory_space<vmem>>
      %dma_start3A_384 = arith.constant 0 : i32
      %dma_start3A_385 = tpu.memref_slice %arg6[%reduce_sum3A_376, %dma_start3A_384] : memref<100x32xf32, #tpu.memory_space<hbm>> -> memref<1x32xf32, #tpu.memory_space<hbm>>
      %dma_start3A_386 = tpu.memref_squeeze %dma_start3A_385 : memref<1x32xf32, #tpu.memory_space<hbm>> -> memref<32xf32, #tpu.memory_space<hbm>>
      %dma_start3A_387 = arith.constant 0 : i32
      %dma_start3A_388 = tpu.memref_slice %arg14[%add3A_380, %dma_start3A_387] : memref<256x32xf32, #tpu.memory_space<vmem>> -> memref<1x32xf32, #tpu.memory_space<vmem>>
      %dma_start3A_389 = tpu.memref_squeeze %dma_start3A_388 : memref<1x32xf32, #tpu.memory_space<vmem>> -> memref<32xf32, #tpu.memory_space<vmem>>
      %dma_start3A_390 = arith.constant 0 : i32
      %dma_start3A_391 = tpu.memref_slice %arg6[%reduce_sum3A_376, %dma_start3A_390] : memref<100x32xf32, #tpu.memory_space<hbm>> -> memref<1x32xf32, #tpu.memory_space<hbm>>
      %dma_start3A_392 = tpu.memref_squeeze %dma_start3A_391 : memref<1x32xf32, #tpu.memory_space<hbm>> -> memref<32xf32, #tpu.memory_space<hbm>>
      tpu.enqueue_dma source(%dma_start3A_392 : memref<32xf32, #tpu.memory_space<hbm>>) target(%dma_start3A_389 : memref<32xf32, #tpu.memory_space<vmem>>) target_semaphore(%arg18 : memref<!tpu.dma_semaphore, #tpu.memory_space<semaphore_mem>>)
      %iota3A_393 = tpu.iota {dimensions = array<i32: 0>} : vector<16xi32>
      %eq3A_394 = arith.constant 9 : i32
      %eq3A_395 = vector.broadcast %eq3A_394 : i32 to vector<16xi32>
      %eq3A_396 = arith.cmpi eq, %iota3A_393, %eq3A_395 : vector<16xi32>
      %jit3A_397 = arith.constant 0 : i32
      %broadcast_in_dim3A_398 = vector.broadcast %jit3A_397 : i32 to vector<16xi32>
      %select_n3A_399 = arith.select %eq3A_396, %get3A_156, %broadcast_in_dim3A_398 : vector<16xi1>, vector<16xi32>
      %reduce_sum3A_400 = arith.constant true
      %reduce_sum3A_401 = vector.broadcast %reduce_sum3A_400 : i1 to vector<16xi1>
      %reduce_sum3A_402 = tpu.scan <sum>, %select_n3A_399 masked %reduce_sum3A_401 : vector<16xi32>, vector<16xi1> -> vector<16xi32>
      %reduce_sum3A_403 = vector.extract %reduce_sum3A_402[15] : i32 from vector<16xi32>
      %mul3A_404 = arith.constant 16 : i32
      %mul3A_405 = arith.muli %scan3A_150, %mul3A_404 : i32
      %add3A_406 = arith.constant 9 : i32
      %add3A_407 = arith.addi %mul3A_405, %add3A_406 : i32
      %dma_start3A_408 = arith.constant 0 : i32
      %dma_start3A_409 = tpu.memref_slice %arg14[%add3A_407, %dma_start3A_408] : memref<256x32xf32, #tpu.memory_space<vmem>> -> memref<1x32xf32, #tpu.memory_space<vmem>>
      %dma_start3A_410 = tpu.memref_squeeze %dma_start3A_409 : memref<1x32xf32, #tpu.memory_space<vmem>> -> memref<32xf32, #tpu.memory_space<vmem>>
      %dma_start3A_411 = arith.constant 0 : i32
      %dma_start3A_412 = tpu.memref_slice %arg6[%reduce_sum3A_403, %dma_start3A_411] : memref<100x32xf32, #tpu.memory_space<hbm>> -> memref<1x32xf32, #tpu.memory_space<hbm>>
      %dma_start3A_413 = tpu.memref_squeeze %dma_start3A_412 : memref<1x32xf32, #tpu.memory_space<hbm>> -> memref<32xf32, #tpu.memory_space<hbm>>
      %dma_start3A_414 = arith.constant 0 : i32
      %dma_start3A_415 = tpu.memref_slice %arg14[%add3A_407, %dma_start3A_414] : memref<256x32xf32, #tpu.memory_space<vmem>> -> memref<1x32xf32, #tpu.memory_space<vmem>>
      %dma_start3A_416 = tpu.memref_squeeze %dma_start3A_415 : memref<1x32xf32, #tpu.memory_space<vmem>> -> memref<32xf32, #tpu.memory_space<vmem>>
      %dma_start3A_417 = arith.constant 0 : i32
      %dma_start3A_418 = tpu.memref_slice %arg6[%reduce_sum3A_403, %dma_start3A_417] : memref<100x32xf32, #tpu.memory_space<hbm>> -> memref<1x32xf32, #tpu.memory_space<hbm>>
      %dma_start3A_419 = tpu.memref_squeeze %dma_start3A_418 : memref<1x32xf32, #tpu.memory_space<hbm>> -> memref<32xf32, #tpu.memory_space<hbm>>
      tpu.enqueue_dma source(%dma_start3A_419 : memref<32xf32, #tpu.memory_space<hbm>>) target(%dma_start3A_416 : memref<32xf32, #tpu.memory_space<vmem>>) target_semaphore(%arg18 : memref<!tpu.dma_semaphore, #tpu.memory_space<semaphore_mem>>)
      %iota3A_420 = tpu.iota {dimensions = array<i32: 0>} : vector<16xi32>
      %eq3A_421 = arith.constant 10 : i32
      %eq3A_422 = vector.broadcast %eq3A_421 : i32 to vector<16xi32>
      %eq3A_423 = arith.cmpi eq, %iota3A_420, %eq3A_422 : vector<16xi32>
      %jit3A_424 = arith.constant 0 : i32
      %broadcast_in_dim3A_425 = vector.broadcast %jit3A_424 : i32 to vector<16xi32>
      %select_n3A_426 = arith.select %eq3A_423, %get3A_156, %broadcast_in_dim3A_425 : vector<16xi1>, vector<16xi32>
      %reduce_sum3A_427 = arith.constant true
      %reduce_sum3A_428 = vector.broadcast %reduce_sum3A_427 : i1 to vector<16xi1>
      %reduce_sum3A_429 = tpu.scan <sum>, %select_n3A_426 masked %reduce_sum3A_428 : vector<16xi32>, vector<16xi1> -> vector<16xi32>
      %reduce_sum3A_430 = vector.extract %reduce_sum3A_429[15] : i32 from vector<16xi32>
      %mul3A_431 = arith.constant 16 : i32
      %mul3A_432 = arith.muli %scan3A_150, %mul3A_431 : i32
      %add3A_433 = arith.constant 10 : i32
      %add3A_434 = arith.addi %mul3A_432, %add3A_433 : i32
      %dma_start3A_435 = arith.constant 0 : i32
      %dma_start3A_436 = tpu.memref_slice %arg14[%add3A_434, %dma_start3A_435] : memref<256x32xf32, #tpu.memory_space<vmem>> -> memref<1x32xf32, #tpu.memory_space<vmem>>
      %dma_start3A_437 = tpu.memref_squeeze %dma_start3A_436 : memref<1x32xf32, #tpu.memory_space<vmem>> -> memref<32xf32, #tpu.memory_space<vmem>>
      %dma_start3A_438 = arith.constant 0 : i32
      %dma_start3A_439 = tpu.memref_slice %arg6[%reduce_sum3A_430, %dma_start3A_438] : memref<100x32xf32, #tpu.memory_space<hbm>> -> memref<1x32xf32, #tpu.memory_space<hbm>>
      %dma_start3A_440 = tpu.memref_squeeze %dma_start3A_439 : memref<1x32xf32, #tpu.memory_space<hbm>> -> memref<32xf32, #tpu.memory_space<hbm>>
      %dma_start3A_441 = arith.constant 0 : i32
      %dma_start3A_442 = tpu.memref_slice %arg14[%add3A_434, %dma_start3A_441] : memref<256x32xf32, #tpu.memory_space<vmem>> -> memref<1x32xf32, #tpu.memory_space<vmem>>
      %dma_start3A_443 = tpu.memref_squeeze %dma_start3A_442 : memref<1x32xf32, #tpu.memory_space<vmem>> -> memref<32xf32, #tpu.memory_space<vmem>>
      %dma_start3A_444 = arith.constant 0 : i32
      %dma_start3A_445 = tpu.memref_slice %arg6[%reduce_sum3A_430, %dma_start3A_444] : memref<100x32xf32, #tpu.memory_space<hbm>> -> memref<1x32xf32, #tpu.memory_space<hbm>>
      %dma_start3A_446 = tpu.memref_squeeze %dma_start3A_445 : memref<1x32xf32, #tpu.memory_space<hbm>> -> memref<32xf32, #tpu.memory_space<hbm>>
      tpu.enqueue_dma source(%dma_start3A_446 : memref<32xf32, #tpu.memory_space<hbm>>) target(%dma_start3A_443 : memref<32xf32, #tpu.memory_space<vmem>>) target_semaphore(%arg18 : memref<!tpu.dma_semaphore, #tpu.memory_space<semaphore_mem>>)
      %iota3A_447 = tpu.iota {dimensions = array<i32: 0>} : vector<16xi32>
      %eq3A_448 = arith.constant 11 : i32
      %eq3A_449 = vector.broadcast %eq3A_448 : i32 to vector<16xi32>
      %eq3A_450 = arith.cmpi eq, %iota3A_447, %eq3A_449 : vector<16xi32>
      %jit3A_451 = arith.constant 0 : i32
      %broadcast_in_dim3A_452 = vector.broadcast %jit3A_451 : i32 to vector<16xi32>
      %select_n3A_453 = arith.select %eq3A_450, %get3A_156, %broadcast_in_dim3A_452 : vector<16xi1>, vector<16xi32>
      %reduce_sum3A_454 = arith.constant true
      %reduce_sum3A_455 = vector.broadcast %reduce_sum3A_454 : i1 to vector<16xi1>
      %reduce_sum3A_456 = tpu.scan <sum>, %select_n3A_453 masked %reduce_sum3A_455 : vector<16xi32>, vector<16xi1> -> vector<16xi32>
      %reduce_sum3A_457 = vector.extract %reduce_sum3A_456[15] : i32 from vector<16xi32>
      %mul3A_458 = arith.constant 16 : i32
      %mul3A_459 = arith.muli %scan3A_150, %mul3A_458 : i32
      %add3A_460 = arith.constant 11 : i32
      %add3A_461 = arith.addi %mul3A_459, %add3A_460 : i32
      %dma_start3A_462 = arith.constant 0 : i32
      %dma_start3A_463 = tpu.memref_slice %arg14[%add3A_461, %dma_start3A_462] : memref<256x32xf32, #tpu.memory_space<vmem>> -> memref<1x32xf32, #tpu.memory_space<vmem>>
      %dma_start3A_464 = tpu.memref_squeeze %dma_start3A_463 : memref<1x32xf32, #tpu.memory_space<vmem>> -> memref<32xf32, #tpu.memory_space<vmem>>
      %dma_start3A_465 = arith.constant 0 : i32
      %dma_start3A_466 = tpu.memref_slice %arg6[%reduce_sum3A_457, %dma_start3A_465] : memref<100x32xf32, #tpu.memory_space<hbm>> -> memref<1x32xf32, #tpu.memory_space<hbm>>
      %dma_start3A_467 = tpu.memref_squeeze %dma_start3A_466 : memref<1x32xf32, #tpu.memory_space<hbm>> -> memref<32xf32, #tpu.memory_space<hbm>>
      %dma_start3A_468 = arith.constant 0 : i32
      %dma_start3A_469 = tpu.memref_slice %arg14[%add3A_461, %dma_start3A_468] : memref<256x32xf32, #tpu.memory_space<vmem>> -> memref<1x32xf32, #tpu.memory_space<vmem>>
      %dma_start3A_470 = tpu.memref_squeeze %dma_start3A_469 : memref<1x32xf32, #tpu.memory_space<vmem>> -> memref<32xf32, #tpu.memory_space<vmem>>
      %dma_start3A_471 = arith.constant 0 : i32
      %dma_start3A_472 = tpu.memref_slice %arg6[%reduce_sum3A_457, %dma_start3A_471] : memref<100x32xf32, #tpu.memory_space<hbm>> -> memref<1x32xf32, #tpu.memory_space<hbm>>
      %dma_start3A_473 = tpu.memref_squeeze %dma_start3A_472 : memref<1x32xf32, #tpu.memory_space<hbm>> -> memref<32xf32, #tpu.memory_space<hbm>>
      tpu.enqueue_dma source(%dma_start3A_473 : memref<32xf32, #tpu.memory_space<hbm>>) target(%dma_start3A_470 : memref<32xf32, #tpu.memory_space<vmem>>) target_semaphore(%arg18 : memref<!tpu.dma_semaphore, #tpu.memory_space<semaphore_mem>>)
      %iota3A_474 = tpu.iota {dimensions = array<i32: 0>} : vector<16xi32>
      %eq3A_475 = arith.constant 12 : i32
      %eq3A_476 = vector.broadcast %eq3A_475 : i32 to vector<16xi32>
      %eq3A_477 = arith.cmpi eq, %iota3A_474, %eq3A_476 : vector<16xi32>
      %jit3A_478 = arith.constant 0 : i32
      %broadcast_in_dim3A_479 = vector.broadcast %jit3A_478 : i32 to vector<16xi32>
      %select_n3A_480 = arith.select %eq3A_477, %get3A_156, %broadcast_in_dim3A_479 : vector<16xi1>, vector<16xi32>
      %reduce_sum3A_481 = arith.constant true
      %reduce_sum3A_482 = vector.broadcast %reduce_sum3A_481 : i1 to vector<16xi1>
      %reduce_sum3A_483 = tpu.scan <sum>, %select_n3A_480 masked %reduce_sum3A_482 : vector<16xi32>, vector<16xi1> -> vector<16xi32>
      %reduce_sum3A_484 = vector.extract %reduce_sum3A_483[15] : i32 from vector<16xi32>
      %mul3A_485 = arith.constant 16 : i32
      %mul3A_486 = arith.muli %scan3A_150, %mul3A_485 : i32
      %add3A_487 = arith.constant 12 : i32
      %add3A_488 = arith.addi %mul3A_486, %add3A_487 : i32
      %dma_start3A_489 = arith.constant 0 : i32
      %dma_start3A_490 = tpu.memref_slice %arg14[%add3A_488, %dma_start3A_489] : memref<256x32xf32, #tpu.memory_space<vmem>> -> memref<1x32xf32, #tpu.memory_space<vmem>>
      %dma_start3A_491 = tpu.memref_squeeze %dma_start3A_490 : memref<1x32xf32, #tpu.memory_space<vmem>> -> memref<32xf32, #tpu.memory_space<vmem>>
      %dma_start3A_492 = arith.constant 0 : i32
      %dma_start3A_493 = tpu.memref_slice %arg6[%reduce_sum3A_484, %dma_start3A_492] : memref<100x32xf32, #tpu.memory_space<hbm>> -> memref<1x32xf32, #tpu.memory_space<hbm>>
      %dma_start3A_494 = tpu.memref_squeeze %dma_start3A_493 : memref<1x32xf32, #tpu.memory_space<hbm>> -> memref<32xf32, #tpu.memory_space<hbm>>
      %dma_start3A_495 = arith.constant 0 : i32
      %dma_start3A_496 = tpu.memref_slice %arg14[%add3A_488, %dma_start3A_495] : memref<256x32xf32, #tpu.memory_space<vmem>> -> memref<1x32xf32, #tpu.memory_space<vmem>>
      %dma_start3A_497 = tpu.memref_squeeze %dma_start3A_496 : memref<1x32xf32, #tpu.memory_space<vmem>> -> memref<32xf32, #tpu.memory_space<vmem>>
      %dma_start3A_498 = arith.constant 0 : i32
      %dma_start3A_499 = tpu.memref_slice %arg6[%reduce_sum3A_484, %dma_start3A_498] : memref<100x32xf32, #tpu.memory_space<hbm>> -> memref<1x32xf32, #tpu.memory_space<hbm>>
      %dma_start3A_500 = tpu.memref_squeeze %dma_start3A_499 : memref<1x32xf32, #tpu.memory_space<hbm>> -> memref<32xf32, #tpu.memory_space<hbm>>
      tpu.enqueue_dma source(%dma_start3A_500 : memref<32xf32, #tpu.memory_space<hbm>>) target(%dma_start3A_497 : memref<32xf32, #tpu.memory_space<vmem>>) target_semaphore(%arg18 : memref<!tpu.dma_semaphore, #tpu.memory_space<semaphore_mem>>)
      %iota3A_501 = tpu.iota {dimensions = array<i32: 0>} : vector<16xi32>
      %eq3A_502 = arith.constant 13 : i32
      %eq3A_503 = vector.broadcast %eq3A_502 : i32 to vector<16xi32>
      %eq3A_504 = arith.cmpi eq, %iota3A_501, %eq3A_503 : vector<16xi32>
      %jit3A_505 = arith.constant 0 : i32
      %broadcast_in_dim3A_506 = vector.broadcast %jit3A_505 : i32 to vector<16xi32>
      %select_n3A_507 = arith.select %eq3A_504, %get3A_156, %broadcast_in_dim3A_506 : vector<16xi1>, vector<16xi32>
      %reduce_sum3A_508 = arith.constant true
      %reduce_sum3A_509 = vector.broadcast %reduce_sum3A_508 : i1 to vector<16xi1>
      %reduce_sum3A_510 = tpu.scan <sum>, %select_n3A_507 masked %reduce_sum3A_509 : vector<16xi32>, vector<16xi1> -> vector<16xi32>
      %reduce_sum3A_511 = vector.extract %reduce_sum3A_510[15] : i32 from vector<16xi32>
      %mul3A_512 = arith.constant 16 : i32
      %mul3A_513 = arith.muli %scan3A_150, %mul3A_512 : i32
      %add3A_514 = arith.constant 13 : i32
      %add3A_515 = arith.addi %mul3A_513, %add3A_514 : i32
      %dma_start3A_516 = arith.constant 0 : i32
      %dma_start3A_517 = tpu.memref_slice %arg14[%add3A_515, %dma_start3A_516] : memref<256x32xf32, #tpu.memory_space<vmem>> -> memref<1x32xf32, #tpu.memory_space<vmem>>
      %dma_start3A_518 = tpu.memref_squeeze %dma_start3A_517 : memref<1x32xf32, #tpu.memory_space<vmem>> -> memref<32xf32, #tpu.memory_space<vmem>>
      %dma_start3A_519 = arith.constant 0 : i32
      %dma_start3A_520 = tpu.memref_slice %arg6[%reduce_sum3A_511, %dma_start3A_519] : memref<100x32xf32, #tpu.memory_space<hbm>> -> memref<1x32xf32, #tpu.memory_space<hbm>>
      %dma_start3A_521 = tpu.memref_squeeze %dma_start3A_520 : memref<1x32xf32, #tpu.memory_space<hbm>> -> memref<32xf32, #tpu.memory_space<hbm>>
      %dma_start3A_522 = arith.constant 0 : i32
      %dma_start3A_523 = tpu.memref_slice %arg14[%add3A_515, %dma_start3A_522] : memref<256x32xf32, #tpu.memory_space<vmem>> -> memref<1x32xf32, #tpu.memory_space<vmem>>
      %dma_start3A_524 = tpu.memref_squeeze %dma_start3A_523 : memref<1x32xf32, #tpu.memory_space<vmem>> -> memref<32xf32, #tpu.memory_space<vmem>>
      %dma_start3A_525 = arith.constant 0 : i32
      %dma_start3A_526 = tpu.memref_slice %arg6[%reduce_sum3A_511, %dma_start3A_525] : memref<100x32xf32, #tpu.memory_space<hbm>> -> memref<1x32xf32, #tpu.memory_space<hbm>>
      %dma_start3A_527 = tpu.memref_squeeze %dma_start3A_526 : memref<1x32xf32, #tpu.memory_space<hbm>> -> memref<32xf32, #tpu.memory_space<hbm>>
      tpu.enqueue_dma source(%dma_start3A_527 : memref<32xf32, #tpu.memory_space<hbm>>) target(%dma_start3A_524 : memref<32xf32, #tpu.memory_space<vmem>>) target_semaphore(%arg18 : memref<!tpu.dma_semaphore, #tpu.memory_space<semaphore_mem>>)
      %iota3A_528 = tpu.iota {dimensions = array<i32: 0>} : vector<16xi32>
      %eq3A_529 = arith.constant 14 : i32
      %eq3A_530 = vector.broadcast %eq3A_529 : i32 to vector<16xi32>
      %eq3A_531 = arith.cmpi eq, %iota3A_528, %eq3A_530 : vector<16xi32>
      %jit3A_532 = arith.constant 0 : i32
      %broadcast_in_dim3A_533 = vector.broadcast %jit3A_532 : i32 to vector<16xi32>
      %select_n3A_534 = arith.select %eq3A_531, %get3A_156, %broadcast_in_dim3A_533 : vector<16xi1>, vector<16xi32>
      %reduce_sum3A_535 = arith.constant true
      %reduce_sum3A_536 = vector.broadcast %reduce_sum3A_535 : i1 to vector<16xi1>
      %reduce_sum3A_537 = tpu.scan <sum>, %select_n3A_534 masked %reduce_sum3A_536 : vector<16xi32>, vector<16xi1> -> vector<16xi32>
      %reduce_sum3A_538 = vector.extract %reduce_sum3A_537[15] : i32 from vector<16xi32>
      %mul3A_539 = arith.constant 16 : i32
      %mul3A_540 = arith.muli %scan3A_150, %mul3A_539 : i32
      %add3A_541 = arith.constant 14 : i32
      %add3A_542 = arith.addi %mul3A_540, %add3A_541 : i32
      %dma_start3A_543 = arith.constant 0 : i32
      %dma_start3A_544 = tpu.memref_slice %arg14[%add3A_542, %dma_start3A_543] : memref<256x32xf32, #tpu.memory_space<vmem>> -> memref<1x32xf32, #tpu.memory_space<vmem>>
      %dma_start3A_545 = tpu.memref_squeeze %dma_start3A_544 : memref<1x32xf32, #tpu.memory_space<vmem>> -> memref<32xf32, #tpu.memory_space<vmem>>
      %dma_start3A_546 = arith.constant 0 : i32
      %dma_start3A_547 = tpu.memref_slice %arg6[%reduce_sum3A_538, %dma_start3A_546] : memref<100x32xf32, #tpu.memory_space<hbm>> -> memref<1x32xf32, #tpu.memory_space<hbm>>
      %dma_start3A_548 = tpu.memref_squeeze %dma_start3A_547 : memref<1x32xf32, #tpu.memory_space<hbm>> -> memref<32xf32, #tpu.memory_space<hbm>>
      %dma_start3A_549 = arith.constant 0 : i32
      %dma_start3A_550 = tpu.memref_slice %arg14[%add3A_542, %dma_start3A_549] : memref<256x32xf32, #tpu.memory_space<vmem>> -> memref<1x32xf32, #tpu.memory_space<vmem>>
      %dma_start3A_551 = tpu.memref_squeeze %dma_start3A_550 : memref<1x32xf32, #tpu.memory_space<vmem>> -> memref<32xf32, #tpu.memory_space<vmem>>
      %dma_start3A_552 = arith.constant 0 : i32
      %dma_start3A_553 = tpu.memref_slice %arg6[%reduce_sum3A_538, %dma_start3A_552] : memref<100x32xf32, #tpu.memory_space<hbm>> -> memref<1x32xf32, #tpu.memory_space<hbm>>
      %dma_start3A_554 = tpu.memref_squeeze %dma_start3A_553 : memref<1x32xf32, #tpu.memory_space<hbm>> -> memref<32xf32, #tpu.memory_space<hbm>>
      tpu.enqueue_dma source(%dma_start3A_554 : memref<32xf32, #tpu.memory_space<hbm>>) target(%dma_start3A_551 : memref<32xf32, #tpu.memory_space<vmem>>) target_semaphore(%arg18 : memref<!tpu.dma_semaphore, #tpu.memory_space<semaphore_mem>>)
      %iota3A_555 = tpu.iota {dimensions = array<i32: 0>} : vector<16xi32>
      %eq3A_556 = arith.constant 15 : i32
      %eq3A_557 = vector.broadcast %eq3A_556 : i32 to vector<16xi32>
      %eq3A_558 = arith.cmpi eq, %iota3A_555, %eq3A_557 : vector<16xi32>
      %jit3A_559 = arith.constant 0 : i32
      %broadcast_in_dim3A_560 = vector.broadcast %jit3A_559 : i32 to vector<16xi32>
      %select_n3A_561 = arith.select %eq3A_558, %get3A_156, %broadcast_in_dim3A_560 : vector<16xi1>, vector<16xi32>
      %reduce_sum3A_562 = arith.constant true
      %reduce_sum3A_563 = vector.broadcast %reduce_sum3A_562 : i1 to vector<16xi1>
      %reduce_sum3A_564 = tpu.scan <sum>, %select_n3A_561 masked %reduce_sum3A_563 : vector<16xi32>, vector<16xi1> -> vector<16xi32>
      %reduce_sum3A_565 = vector.extract %reduce_sum3A_564[15] : i32 from vector<16xi32>
      %mul3A_566 = arith.constant 16 : i32
      %mul3A_567 = arith.muli %scan3A_150, %mul3A_566 : i32
      %add3A_568 = arith.constant 15 : i32
      %add3A_569 = arith.addi %mul3A_567, %add3A_568 : i32
      %dma_start3A_570 = arith.constant 0 : i32
      %dma_start3A_571 = tpu.memref_slice %arg14[%add3A_569, %dma_start3A_570] : memref<256x32xf32, #tpu.memory_space<vmem>> -> memref<1x32xf32, #tpu.memory_space<vmem>>
      %dma_start3A_572 = tpu.memref_squeeze %dma_start3A_571 : memref<1x32xf32, #tpu.memory_space<vmem>> -> memref<32xf32, #tpu.memory_space<vmem>>
      %dma_start3A_573 = arith.constant 0 : i32
      %dma_start3A_574 = tpu.memref_slice %arg6[%reduce_sum3A_565, %dma_start3A_573] : memref<100x32xf32, #tpu.memory_space<hbm>> -> memref<1x32xf32, #tpu.memory_space<hbm>>
      %dma_start3A_575 = tpu.memref_squeeze %dma_start3A_574 : memref<1x32xf32, #tpu.memory_space<hbm>> -> memref<32xf32, #tpu.memory_space<hbm>>
      %dma_start3A_576 = arith.constant 0 : i32
      %dma_start3A_577 = tpu.memref_slice %arg14[%add3A_569, %dma_start3A_576] : memref<256x32xf32, #tpu.memory_space<vmem>> -> memref<1x32xf32, #tpu.memory_space<vmem>>
      %dma_start3A_578 = tpu.memref_squeeze %dma_start3A_577 : memref<1x32xf32, #tpu.memory_space<vmem>> -> memref<32xf32, #tpu.memory_space<vmem>>
      %dma_start3A_579 = arith.constant 0 : i32
      %dma_start3A_580 = tpu.memref_slice %arg6[%reduce_sum3A_565, %dma_start3A_579] : memref<100x32xf32, #tpu.memory_space<hbm>> -> memref<1x32xf32, #tpu.memory_space<hbm>>
      %dma_start3A_581 = tpu.memref_squeeze %dma_start3A_580 : memref<1x32xf32, #tpu.memory_space<hbm>> -> memref<32xf32, #tpu.memory_space<hbm>>
      tpu.enqueue_dma source(%dma_start3A_581 : memref<32xf32, #tpu.memory_space<hbm>>) target(%dma_start3A_578 : memref<32xf32, #tpu.memory_space<vmem>>) target_semaphore(%arg18 : memref<!tpu.dma_semaphore, #tpu.memory_space<semaphore_mem>>)
      %scan3A_582 = arith.constant 0 : i32
      scf.yield %scan3A_582 : i32
    }
    %scan3A_22 = arith.constant 16 : i32
    %dma_wait3A = arith.constant 0 : i32
    %dma_wait3A_23 = arith.constant 0 : i32
    %dma_wait3A_24 = arith.constant 0 : i32
    %dma_wait3A_25 = tpu.memref_slice %arg5[%dma_wait3A, %dma_wait3A_23, %dma_wait3A_24] : memref<125000x8x32xf32, #tpu.memory_space<hbm>> -> memref<32x8x32xf32, #tpu.memory_space<hbm>>
    %dma_wait3A_26 = arith.constant 0 : i32
    %dma_wait3A_27 = arith.constant 0 : i32
    %dma_wait3A_28 = arith.constant 0 : i32
    %dma_wait3A_29 = tpu.memref_slice %arg5[%dma_wait3A_26, %dma_wait3A_27, %dma_wait3A_28] : memref<125000x8x32xf32, #tpu.memory_space<hbm>> -> memref<32x8x32xf32, #tpu.memory_space<hbm>>
    tpu.wait_dma2 semaphore(%arg17 : memref<!tpu.dma_semaphore, #tpu.memory_space<semaphore_mem>>) src(%dma_wait3A_29 : memref<32x8x32xf32, #tpu.memory_space<hbm>>) dst(%arg13 : memref<256x32xf32, #tpu.memory_space<vmem>>)
    %scan3A_30 = arith.constant 0 : i32
    %scan3A_31 = arith.constant 0 : i32
    %scan3A_32 = arith.constant 32 : i32
    %scan3A_33 = arith.addi %scan3A_31, %scan3A_32 : i32
    %scan3A_34 = arith.constant 1 : i32
    %scan3A_35 = scf.for %scan3A_150 = %scan3A_31 to %scan3A_33 step %scan3A_34 iter_args(%scan3A_151 = %scan3A_30) -> (i32)  : i32 {
      %broadcast_in_dim3A = arith.constant 0 : i32
      %broadcast_in_dim3A_152 = vector.broadcast %broadcast_in_dim3A : i32 to vector<16xi32>
      %add3A_153 = vector.broadcast %scan3A_150 : i32 to vector<16xi32>
      %add3A_154 = arith.addi %broadcast_in_dim3A_152, %add3A_153 : vector<16xi32>
      %shift_right_arithmetic3A = arith.constant 3 : i32
      %shift_right_arithmetic3A_155 = vector.broadcast %shift_right_arithmetic3A : i32 to vector<16xi32>
      %shift_right_arithmetic3A_156 = arith.shrsi %add3A_154, %shift_right_arithmetic3A_155 : vector<16xi32>
      %and3A = arith.constant 7 : i32
      %and3A_157 = vector.broadcast %and3A : i32 to vector<16xi32>
      %and3A_158 = arith.andi %add3A_154, %and3A_157 : vector<16xi32>
      %scan3A_159 = arith.constant 0 : i32
      %scan3A_160 = arith.constant 0 : i32
      %scan3A_161 = arith.constant 16 : i32
      %scan3A_162 = arith.addi %scan3A_160, %scan3A_161 : i32
      %scan3A_163 = arith.constant 1 : i32
      %scan3A_164 = scf.for %scan3A_167 = %scan3A_160 to %scan3A_162 step %scan3A_163 iter_args(%scan3A_168 = %scan3A_159) -> (i32)  : i32 {
        %iota3A = tpu.iota {dimensions = array<i32: 0>} : vector<16xi32>
        %mul3A_169 = arith.constant 16 : i32
        %mul3A_170 = arith.muli %scan3A_167, %mul3A_169 : i32
        %add3A_171 = vector.broadcast %mul3A_170 : i32 to vector<16xi32>
        %add3A_172 = arith.addi %iota3A, %add3A_171 : vector<16xi32>
        %gather3A = tpu.vector_load_idx %arg13[%add3A_172, %add3A_154] : memref<256x32xf32, #tpu.memory_space<vmem>>[vector<16xi32>, vector<16xi32>], vector<16xf32>,
        tpu.vector_store_idx %arg16[%shift_right_arithmetic3A_156, %and3A_158, %add3A_172], %gather3A : memref<4x8x256xf32, #tpu.memory_space<vmem>>[vector<16xi32>, vector<16xi32>, vector<16xi32>], vector<16xf32>,
        %scan3A_173 = arith.constant 0 : i32
        scf.yield %scan3A_173 : i32
      }
      %scan3A_165 = arith.constant 16 : i32
      %scan3A_166 = arith.constant 0 : i32
      scf.yield %scan3A_166 : i32
    }
    %scan3A_36 = arith.constant 32 : i32
    %add3A_37 = arith.constant 0 : i32
    %add3A_38 = arith.addi %mul3A_2, %add3A_37 : i32
    %multiple_of3A = tpu.assume_multiple %add3A_38, 128 : i32
    "tpu.region"() ({
      %run_scoped3A = tpu.sem_alloc : memref<!tpu.dma_semaphore, #tpu.memory_space<semaphore_mem>>
      %dma_start3A = arith.constant 0 : i32
      %dma_start3A_150 = arith.constant 0 : i32
      %dma_start3A_151 = tpu.memref_slice %arg7[%dma_start3A, %dma_start3A_150, %multiple_of3A] : memref<4x8x16384xf32, #tpu.memory_space<hbm>> -> memref<4x8x256xf32, #tpu.memory_space<hbm>>
      %dma_start3A_152 = arith.constant 0 : i32
      %dma_start3A_153 = arith.constant 0 : i32
      %dma_start3A_154 = tpu.memref_slice %arg7[%dma_start3A_152, %dma_start3A_153, %multiple_of3A] : memref<4x8x16384xf32, #tpu.memory_space<hbm>> -> memref<4x8x256xf32, #tpu.memory_space<hbm>>
      tpu.enqueue_dma source(%arg16 : memref<4x8x256xf32, #tpu.memory_space<vmem>>) target(%dma_start3A_154 : memref<4x8x256xf32, #tpu.memory_space<hbm>>) target_semaphore(%run_scoped3A : memref<!tpu.dma_semaphore, #tpu.memory_space<semaphore_mem>>)
      %dma_wait3A_155 = arith.constant 0 : i32
      %dma_wait3A_156 = arith.constant 0 : i32
      %dma_wait3A_157 = tpu.memref_slice %arg7[%dma_wait3A_155, %dma_wait3A_156, %multiple_of3A] : memref<4x8x16384xf32, #tpu.memory_space<hbm>> -> memref<4x8x256xf32, #tpu.memory_space<hbm>>
      %dma_wait3A_158 = arith.constant 0 : i32
      %dma_wait3A_159 = arith.constant 0 : i32
      %dma_wait3A_160 = tpu.memref_slice %arg7[%dma_wait3A_158, %dma_wait3A_159, %multiple_of3A] : memref<4x8x16384xf32, #tpu.memory_space<hbm>> -> memref<4x8x256xf32, #tpu.memory_space<hbm>>
      tpu.wait_dma2 semaphore(%run_scoped3A : memref<!tpu.dma_semaphore, #tpu.memory_space<semaphore_mem>>) src(%arg16 : memref<4x8x256xf32, #tpu.memory_space<vmem>>) dst(%dma_wait3A_160 : memref<4x8x256xf32, #tpu.memory_space<hbm>>)
      tpu.yield
    }) : () -> ()
    %dma_wait3A_39 = arith.constant 0 : i32
    %dma_wait3A_40 = arith.constant 0 : i32
    %dma_wait3A_41 = arith.constant 0 : i32
    %dma_wait3A_42 = tpu.memref_slice %arg5[%dma_wait3A_39, %dma_wait3A_40, %dma_wait3A_41] : memref<125000x8x32xf32, #tpu.memory_space<hbm>> -> memref<32x8x32xf32, #tpu.memory_space<hbm>>
    %dma_wait3A_43 = arith.constant 0 : i32
    %dma_wait3A_44 = arith.constant 0 : i32
    %dma_wait3A_45 = arith.constant 0 : i32
    %dma_wait3A_46 = tpu.memref_slice %arg5[%dma_wait3A_43, %dma_wait3A_44, %dma_wait3A_45] : memref<125000x8x32xf32, #tpu.memory_space<hbm>> -> memref<32x8x32xf32, #tpu.memory_space<hbm>>
    tpu.wait_dma2 semaphore(%arg19 : memref<!tpu.dma_semaphore, #tpu.memory_space<semaphore_mem>>) src(%dma_wait3A_46 : memref<32x8x32xf32, #tpu.memory_space<hbm>>) dst(%arg15 : memref<256x32xf32, #tpu.memory_space<vmem>>)
    %scan3A_47 = arith.constant 0 : i32
    %scan3A_48 = arith.constant 0 : i32
    %scan3A_49 = arith.constant 32 : i32
    %scan3A_50 = arith.addi %scan3A_48, %scan3A_49 : i32
    %scan3A_51 = arith.constant 1 : i32
    %scan3A_52 = scf.for %scan3A_150 = %scan3A_48 to %scan3A_50 step %scan3A_51 iter_args(%scan3A_151 = %scan3A_47) -> (i32)  : i32 {
      %broadcast_in_dim3A = arith.constant 0 : i32
      %broadcast_in_dim3A_152 = vector.broadcast %broadcast_in_dim3A : i32 to vector<16xi32>
      %add3A_153 = vector.broadcast %scan3A_150 : i32 to vector<16xi32>
      %add3A_154 = arith.addi %broadcast_in_dim3A_152, %add3A_153 : vector<16xi32>
      %shift_right_arithmetic3A = arith.constant 3 : i32
      %shift_right_arithmetic3A_155 = vector.broadcast %shift_right_arithmetic3A : i32 to vector<16xi32>
      %shift_right_arithmetic3A_156 = arith.shrsi %add3A_154, %shift_right_arithmetic3A_155 : vector<16xi32>
      %and3A = arith.constant 7 : i32
      %and3A_157 = vector.broadcast %and3A : i32 to vector<16xi32>
      %and3A_158 = arith.andi %add3A_154, %and3A_157 : vector<16xi32>
      %scan3A_159 = arith.constant 0 : i32
      %scan3A_160 = arith.constant 0 : i32
      %scan3A_161 = arith.constant 16 : i32
      %scan3A_162 = arith.addi %scan3A_160, %scan3A_161 : i32
      %scan3A_163 = arith.constant 1 : i32
      %scan3A_164 = scf.for %scan3A_167 = %scan3A_160 to %scan3A_162 step %scan3A_163 iter_args(%scan3A_168 = %scan3A_159) -> (i32)  : i32 {
        %iota3A = tpu.iota {dimensions = array<i32: 0>} : vector<16xi32>
        %mul3A_169 = arith.constant 16 : i32
        %mul3A_170 = arith.muli %scan3A_167, %mul3A_169 : i32
        %add3A_171 = vector.broadcast %mul3A_170 : i32 to vector<16xi32>
        %add3A_172 = arith.addi %iota3A, %add3A_171 : vector<16xi32>
        %gather3A = tpu.vector_load_idx %arg15[%add3A_172, %add3A_154] : memref<256x32xf32, #tpu.memory_space<vmem>>[vector<16xi32>, vector<16xi32>], vector<16xf32>,
        tpu.vector_store_idx %arg16[%shift_right_arithmetic3A_156, %and3A_158, %add3A_172], %gather3A : memref<4x8x256xf32, #tpu.memory_space<vmem>>[vector<16xi32>, vector<16xi32>, vector<16xi32>], vector<16xf32>,
        %scan3A_173 = arith.constant 0 : i32
        scf.yield %scan3A_173 : i32
      }
      %scan3A_165 = arith.constant 16 : i32
      %scan3A_166 = arith.constant 0 : i32
      scf.yield %scan3A_166 : i32
    }
    %scan3A_53 = arith.constant 32 : i32
    %add3A_54 = arith.constant 0 : i32
    %add3A_55 = arith.addi %mul3A_2, %add3A_54 : i32
    %multiple_of3A_56 = tpu.assume_multiple %add3A_55, 128 : i32
    "tpu.region"() ({
      %run_scoped3A = tpu.sem_alloc : memref<!tpu.dma_semaphore, #tpu.memory_space<semaphore_mem>>
      %dma_start3A = arith.constant 0 : i32
      %dma_start3A_150 = arith.constant 0 : i32
      %dma_start3A_151 = tpu.memref_slice %arg9[%dma_start3A, %dma_start3A_150, %multiple_of3A_56] : memref<4x8x16384xf32, #tpu.memory_space<hbm>> -> memref<4x8x256xf32, #tpu.memory_space<hbm>>
      %dma_start3A_152 = arith.constant 0 : i32
      %dma_start3A_153 = arith.constant 0 : i32
      %dma_start3A_154 = tpu.memref_slice %arg9[%dma_start3A_152, %dma_start3A_153, %multiple_of3A_56] : memref<4x8x16384xf32, #tpu.memory_space<hbm>> -> memref<4x8x256xf32, #tpu.memory_space<hbm>>
      tpu.enqueue_dma source(%arg16 : memref<4x8x256xf32, #tpu.memory_space<vmem>>) target(%dma_start3A_154 : memref<4x8x256xf32, #tpu.memory_space<hbm>>) target_semaphore(%run_scoped3A : memref<!tpu.dma_semaphore, #tpu.memory_space<semaphore_mem>>)
      %dma_wait3A_155 = arith.constant 0 : i32
      %dma_wait3A_156 = arith.constant 0 : i32
      %dma_wait3A_157 = tpu.memref_slice %arg9[%dma_wait3A_155, %dma_wait3A_156, %multiple_of3A_56] : memref<4x8x16384xf32, #tpu.memory_space<hbm>> -> memref<4x8x256xf32, #tpu.memory_space<hbm>>
      %dma_wait3A_158 = arith.constant 0 : i32
      %dma_wait3A_159 = arith.constant 0 : i32
      %dma_wait3A_160 = tpu.memref_slice %arg9[%dma_wait3A_158, %dma_wait3A_159, %multiple_of3A_56] : memref<4x8x16384xf32, #tpu.memory_space<hbm>> -> memref<4x8x256xf32, #tpu.memory_space<hbm>>
      tpu.wait_dma2 semaphore(%run_scoped3A : memref<!tpu.dma_semaphore, #tpu.memory_space<semaphore_mem>>) src(%arg16 : memref<4x8x256xf32, #tpu.memory_space<vmem>>) dst(%dma_wait3A_160 : memref<4x8x256xf32, #tpu.memory_space<hbm>>)
      tpu.yield
    }) : () -> ()
    %dma_wait3A_57 = arith.constant 0 : i32
    %dma_wait3A_58 = arith.constant 0 : i32
    %dma_wait3A_59 = arith.constant 0 : i32
    %dma_wait3A_60 = tpu.memref_slice %arg5[%dma_wait3A_57, %dma_wait3A_58, %dma_wait3A_59] : memref<125000x8x32xf32, #tpu.memory_space<hbm>> -> memref<32x8x32xf32, #tpu.memory_space<hbm>>
    %dma_wait3A_61 = arith.constant 0 : i32
    %dma_wait3A_62 = arith.constant 0 : i32
    %dma_wait3A_63 = arith.constant 0 : i32
    %dma_wait3A_64 = tpu.memref_slice %arg5[%dma_wait3A_61, %dma_wait3A_62, %dma_wait3A_63] : memref<125000x8x32xf32, #tpu.memory_space<hbm>> -> memref<32x8x32xf32, #tpu.memory_space<hbm>>
    tpu.wait_dma2 semaphore(%arg18 : memref<!tpu.dma_semaphore, #tpu.memory_space<semaphore_mem>>) src(%dma_wait3A_64 : memref<32x8x32xf32, #tpu.memory_space<hbm>>) dst(%arg14 : memref<256x32xf32, #tpu.memory_space<vmem>>)
    %scan3A_65 = arith.constant 0 : i32
    %scan3A_66 = arith.constant 0 : i32
    %scan3A_67 = arith.constant 32 : i32
    %scan3A_68 = arith.addi %scan3A_66, %scan3A_67 : i32
    %scan3A_69 = arith.constant 1 : i32
    %scan3A_70 = scf.for %scan3A_150 = %scan3A_66 to %scan3A_68 step %scan3A_69 iter_args(%scan3A_151 = %scan3A_65) -> (i32)  : i32 {
      %broadcast_in_dim3A = arith.constant 0 : i32
      %broadcast_in_dim3A_152 = vector.broadcast %broadcast_in_dim3A : i32 to vector<16xi32>
      %add3A_153 = vector.broadcast %scan3A_150 : i32 to vector<16xi32>
      %add3A_154 = arith.addi %broadcast_in_dim3A_152, %add3A_153 : vector<16xi32>
      %shift_right_arithmetic3A = arith.constant 3 : i32
      %shift_right_arithmetic3A_155 = vector.broadcast %shift_right_arithmetic3A : i32 to vector<16xi32>
      %shift_right_arithmetic3A_156 = arith.shrsi %add3A_154, %shift_right_arithmetic3A_155 : vector<16xi32>
      %and3A = arith.constant 7 : i32
      %and3A_157 = vector.broadcast %and3A : i32 to vector<16xi32>
      %and3A_158 = arith.andi %add3A_154, %and3A_157 : vector<16xi32>
      %scan3A_159 = arith.constant 0 : i32
      %scan3A_160 = arith.constant 0 : i32
      %scan3A_161 = arith.constant 16 : i32
      %scan3A_162 = arith.addi %scan3A_160, %scan3A_161 : i32
      %scan3A_163 = arith.constant 1 : i32
      %scan3A_164 = scf.for %scan3A_167 = %scan3A_160 to %scan3A_162 step %scan3A_163 iter_args(%scan3A_168 = %scan3A_159) -> (i32)  : i32 {
        %iota3A = tpu.iota {dimensions = array<i32: 0>} : vector<16xi32>
        %mul3A_169 = arith.constant 16 : i32
        %mul3A_170 = arith.muli %scan3A_167, %mul3A_169 : i32
        %add3A_171 = vector.broadcast %mul3A_170 : i32 to vector<16xi32>
        %add3A_172 = arith.addi %iota3A, %add3A_171 : vector<16xi32>
        %gather3A = tpu.vector_load_idx %arg14[%add3A_172, %add3A_154] : memref<256x32xf32, #tpu.memory_space<vmem>>[vector<16xi32>, vector<16xi32>], vector<16xf32>,
        tpu.vector_store_idx %arg16[%shift_right_arithmetic3A_156, %and3A_158, %add3A_172], %gather3A : memref<4x8x256xf32, #tpu.memory_space<vmem>>[vector<16xi32>, vector<16xi32>, vector<16xi32>], vector<16xf32>,
        %scan3A_173 = arith.constant 0 : i32
        scf.yield %scan3A_173 : i32
      }
      %scan3A_165 = arith.constant 16 : i32
      %scan3A_166 = arith.constant 0 : i32
      scf.yield %scan3A_166 : i32
    }
    %scan3A_71 = arith.constant 32 : i32
    %add3A_72 = arith.constant 0 : i32
    %add3A_73 = arith.addi %mul3A_2, %add3A_72 : i32
    %multiple_of3A_74 = tpu.assume_multiple %add3A_73, 128 : i32
    "tpu.region"() ({
      %run_scoped3A = tpu.sem_alloc : memref<!tpu.dma_semaphore, #tpu.memory_space<semaphore_mem>>
      %dma_start3A = arith.constant 0 : i32
      %dma_start3A_150 = arith.constant 0 : i32
      %dma_start3A_151 = tpu.memref_slice %arg8[%dma_start3A, %dma_start3A_150, %multiple_of3A_74] : memref<4x8x16384xf32, #tpu.memory_space<hbm>> -> memref<4x8x256xf32, #tpu.memory_space<hbm>>
      %dma_start3A_152 = arith.constant 0 : i32
      %dma_start3A_153 = arith.constant 0 : i32
      %dma_start3A_154 = tpu.memref_slice %arg8[%dma_start3A_152, %dma_start3A_153, %multiple_of3A_74] : memref<4x8x16384xf32, #tpu.memory_space<hbm>> -> memref<4x8x256xf32, #tpu.memory_space<hbm>>
      tpu.enqueue_dma source(%arg16 : memref<4x8x256xf32, #tpu.memory_space<vmem>>) target(%dma_start3A_154 : memref<4x8x256xf32, #tpu.memory_space<hbm>>) target_semaphore(%run_scoped3A : memref<!tpu.dma_semaphore, #tpu.memory_space<semaphore_mem>>)
      %dma_wait3A_155 = arith.constant 0 : i32
      %dma_wait3A_156 = arith.constant 0 : i32
      %dma_wait3A_157 = tpu.memref_slice %arg8[%dma_wait3A_155, %dma_wait3A_156, %multiple_of3A_74] : memref<4x8x16384xf32, #tpu.memory_space<hbm>> -> memref<4x8x256xf32, #tpu.memory_space<hbm>>
      %dma_wait3A_158 = arith.constant 0 : i32
      %dma_wait3A_159 = arith.constant 0 : i32
      %dma_wait3A_160 = tpu.memref_slice %arg8[%dma_wait3A_158, %dma_wait3A_159, %multiple_of3A_74] : memref<4x8x16384xf32, #tpu.memory_space<hbm>> -> memref<4x8x256xf32, #tpu.memory_space<hbm>>
      tpu.wait_dma2 semaphore(%run_scoped3A : memref<!tpu.dma_semaphore, #tpu.memory_space<semaphore_mem>>) src(%arg16 : memref<4x8x256xf32, #tpu.memory_space<vmem>>) dst(%dma_wait3A_160 : memref<4x8x256xf32, #tpu.memory_space<hbm>>)
      tpu.yield
    }) : () -> ()
    %scan3A_75 = arith.constant 0 : i32
    %scan3A_76 = arith.constant 0 : i32
    %scan3A_77 = arith.constant 16 : i32
    %scan3A_78 = arith.addi %scan3A_76, %scan3A_77 : i32
    %scan3A_79 = arith.constant 1 : i32
    %scan3A_80 = scf.for %scan3A_150 = %scan3A_76 to %scan3A_78 step %scan3A_79 iter_args(%scan3A_151 = %scan3A_75) -> (i32)  : i32 {
      %mul3A_152 = arith.constant 16 : i32
      %mul3A_153 = arith.muli %scan3A_150, %mul3A_152 : i32
      %add3A_154 = arith.constant 256 : i32
      %add3A_155 = arith.addi %add3A_154, %mul3A_153 : i32
      %get3A = arith.index_cast %add3A_155 : i32 to index
      %get3A_156 = tpu.vector_load %arg10[%get3A] {strides = array<i32>} : memref<512xi32, #tpu.memory_space<vmem>>, vector<16xi32>,
      %iota3A = tpu.iota {dimensions = array<i32: 0>} : vector<16xi32>
      %eq3A = arith.constant 0 : i32
      %eq3A_157 = vector.broadcast %eq3A : i32 to vector<16xi32>
      %eq3A_158 = arith.cmpi eq, %iota3A, %eq3A_157 : vector<16xi32>
      %jit3A = arith.constant 0 : i32
      %broadcast_in_dim3A = vector.broadcast %jit3A : i32 to vector<16xi32>
      %select_n3A = arith.select %eq3A_158, %get3A_156, %broadcast_in_dim3A : vector<16xi1>, vector<16xi32>
      %reduce_sum3A = arith.constant true
      %reduce_sum3A_159 = vector.broadcast %reduce_sum3A : i1 to vector<16xi1>
      %reduce_sum3A_160 = tpu.scan <sum>, %select_n3A masked %reduce_sum3A_159 : vector<16xi32>, vector<16xi1> -> vector<16xi32>
      %reduce_sum3A_161 = vector.extract %reduce_sum3A_160[15] : i32 from vector<16xi32>
      %shift_right_arithmetic3A = arith.constant 3 : i32
      %shift_right_arithmetic3A_162 = arith.shrsi %reduce_sum3A_161, %shift_right_arithmetic3A : i32
      %and3A = arith.constant 7 : i32
      %and3A_163 = arith.andi %reduce_sum3A_161, %and3A : i32
      %mul3A_164 = arith.constant 16 : i32
      %mul3A_165 = arith.muli %scan3A_150, %mul3A_164 : i32
      %add3A_166 = arith.constant 0 : i32
      %add3A_167 = arith.addi %mul3A_165, %add3A_166 : i32
      %dma_start3A = arith.constant 0 : i32
      %dma_start3A_168 = tpu.memref_slice %arg13[%add3A_167, %dma_start3A] : memref<256x32xf32, #tpu.memory_space<vmem>> -> memref<1x32xf32, #tpu.memory_space<vmem>>
      %dma_start3A_169 = tpu.memref_squeeze %dma_start3A_168 : memref<1x32xf32, #tpu.memory_space<vmem>> -> memref<32xf32, #tpu.memory_space<vmem>>
      %dma_start3A_170 = arith.constant 0 : i32
      %dma_start3A_171 = tpu.memref_slice %arg5[%shift_right_arithmetic3A_162, %and3A_163, %dma_start3A_170] : memref<125000x8x32xf32, #tpu.memory_space<hbm>> -> memref<1x1x32xf32, #tpu.memory_space<hbm>>
      %dma_start3A_172 = tpu.memref_squeeze %dma_start3A_171 : memref<1x1x32xf32, #tpu.memory_space<hbm>> -> memref<32xf32, #tpu.memory_space<hbm>>
      %dma_start3A_173 = arith.constant 0 : i32
      %dma_start3A_174 = tpu.memref_slice %arg13[%add3A_167, %dma_start3A_173] : memref<256x32xf32, #tpu.memory_space<vmem>> -> memref<1x32xf32, #tpu.memory_space<vmem>>
      %dma_start3A_175 = tpu.memref_squeeze %dma_start3A_174 : memref<1x32xf32, #tpu.memory_space<vmem>> -> memref<32xf32, #tpu.memory_space<vmem>>
      %dma_start3A_176 = arith.constant 0 : i32
      %dma_start3A_177 = tpu.memref_slice %arg5[%shift_right_arithmetic3A_162, %and3A_163, %dma_start3A_176] : memref<125000x8x32xf32, #tpu.memory_space<hbm>> -> memref<1x1x32xf32, #tpu.memory_space<hbm>>
      %dma_start3A_178 = tpu.memref_squeeze %dma_start3A_177 : memref<1x1x32xf32, #tpu.memory_space<hbm>> -> memref<32xf32, #tpu.memory_space<hbm>>
      tpu.enqueue_dma source(%dma_start3A_178 : memref<32xf32, #tpu.memory_space<hbm>>) target(%dma_start3A_175 : memref<32xf32, #tpu.memory_space<vmem>>) target_semaphore(%arg17 : memref<!tpu.dma_semaphore, #tpu.memory_space<semaphore_mem>>)
      %iota3A_179 = tpu.iota {dimensions = array<i32: 0>} : vector<16xi32>
      %eq3A_180 = arith.constant 1 : i32
      %eq3A_181 = vector.broadcast %eq3A_180 : i32 to vector<16xi32>
      %eq3A_182 = arith.cmpi eq, %iota3A_179, %eq3A_181 : vector<16xi32>
      %jit3A_183 = arith.constant 0 : i32
      %broadcast_in_dim3A_184 = vector.broadcast %jit3A_183 : i32 to vector<16xi32>
      %select_n3A_185 = arith.select %eq3A_182, %get3A_156, %broadcast_in_dim3A_184 : vector<16xi1>, vector<16xi32>
      %reduce_sum3A_186 = arith.constant true
      %reduce_sum3A_187 = vector.broadcast %reduce_sum3A_186 : i1 to vector<16xi1>
      %reduce_sum3A_188 = tpu.scan <sum>, %select_n3A_185 masked %reduce_sum3A_187 : vector<16xi32>, vector<16xi1> -> vector<16xi32>
      %reduce_sum3A_189 = vector.extract %reduce_sum3A_188[15] : i32 from vector<16xi32>
      %shift_right_arithmetic3A_190 = arith.constant 3 : i32
      %shift_right_arithmetic3A_191 = arith.shrsi %reduce_sum3A_189, %shift_right_arithmetic3A_190 : i32
      %and3A_192 = arith.constant 7 : i32
      %and3A_193 = arith.andi %reduce_sum3A_189, %and3A_192 : i32
      %mul3A_194 = arith.constant 16 : i32
      %mul3A_195 = arith.muli %scan3A_150, %mul3A_194 : i32
      %add3A_196 = arith.constant 1 : i32
      %add3A_197 = arith.addi %mul3A_195, %add3A_196 : i32
      %dma_start3A_198 = arith.constant 0 : i32
      %dma_start3A_199 = tpu.memref_slice %arg13[%add3A_197, %dma_start3A_198] : memref<256x32xf32, #tpu.memory_space<vmem>> -> memref<1x32xf32, #tpu.memory_space<vmem>>
      %dma_start3A_200 = tpu.memref_squeeze %dma_start3A_199 : memref<1x32xf32, #tpu.memory_space<vmem>> -> memref<32xf32, #tpu.memory_space<vmem>>
      %dma_start3A_201 = arith.constant 0 : i32
      %dma_start3A_202 = tpu.memref_slice %arg5[%shift_right_arithmetic3A_191, %and3A_193, %dma_start3A_201] : memref<125000x8x32xf32, #tpu.memory_space<hbm>> -> memref<1x1x32xf32, #tpu.memory_space<hbm>>
      %dma_start3A_203 = tpu.memref_squeeze %dma_start3A_202 : memref<1x1x32xf32, #tpu.memory_space<hbm>> -> memref<32xf32, #tpu.memory_space<hbm>>
      %dma_start3A_204 = arith.constant 0 : i32
      %dma_start3A_205 = tpu.memref_slice %arg13[%add3A_197, %dma_start3A_204] : memref<256x32xf32, #tpu.memory_space<vmem>> -> memref<1x32xf32, #tpu.memory_space<vmem>>
      %dma_start3A_206 = tpu.memref_squeeze %dma_start3A_205 : memref<1x32xf32, #tpu.memory_space<vmem>> -> memref<32xf32, #tpu.memory_space<vmem>>
      %dma_start3A_207 = arith.constant 0 : i32
      %dma_start3A_208 = tpu.memref_slice %arg5[%shift_right_arithmetic3A_191, %and3A_193, %dma_start3A_207] : memref<125000x8x32xf32, #tpu.memory_space<hbm>> -> memref<1x1x32xf32, #tpu.memory_space<hbm>>
      %dma_start3A_209 = tpu.memref_squeeze %dma_start3A_208 : memref<1x1x32xf32, #tpu.memory_space<hbm>> -> memref<32xf32, #tpu.memory_space<hbm>>
      tpu.enqueue_dma source(%dma_start3A_209 : memref<32xf32, #tpu.memory_space<hbm>>) target(%dma_start3A_206 : memref<32xf32, #tpu.memory_space<vmem>>) target_semaphore(%arg17 : memref<!tpu.dma_semaphore, #tpu.memory_space<semaphore_mem>>)
      %iota3A_210 = tpu.iota {dimensions = array<i32: 0>} : vector<16xi32>
      %eq3A_211 = arith.constant 2 : i32
      %eq3A_212 = vector.broadcast %eq3A_211 : i32 to vector<16xi32>
      %eq3A_213 = arith.cmpi eq, %iota3A_210, %eq3A_212 : vector<16xi32>
      %jit3A_214 = arith.constant 0 : i32
      %broadcast_in_dim3A_215 = vector.broadcast %jit3A_214 : i32 to vector<16xi32>
      %select_n3A_216 = arith.select %eq3A_213, %get3A_156, %broadcast_in_dim3A_215 : vector<16xi1>, vector<16xi32>
      %reduce_sum3A_217 = arith.constant true
      %reduce_sum3A_218 = vector.broadcast %reduce_sum3A_217 : i1 to vector<16xi1>
      %reduce_sum3A_219 = tpu.scan <sum>, %select_n3A_216 masked %reduce_sum3A_218 : vector<16xi32>, vector<16xi1> -> vector<16xi32>
      %reduce_sum3A_220 = vector.extract %reduce_sum3A_219[15] : i32 from vector<16xi32>
      %shift_right_arithmetic3A_221 = arith.constant 3 : i32
      %shift_right_arithmetic3A_222 = arith.shrsi %reduce_sum3A_220, %shift_right_arithmetic3A_221 : i32
      %and3A_223 = arith.constant 7 : i32
      %and3A_224 = arith.andi %reduce_sum3A_220, %and3A_223 : i32
      %mul3A_225 = arith.constant 16 : i32
      %mul3A_226 = arith.muli %scan3A_150, %mul3A_225 : i32
      %add3A_227 = arith.constant 2 : i32
      %add3A_228 = arith.addi %mul3A_226, %add3A_227 : i32
      %dma_start3A_229 = arith.constant 0 : i32
      %dma_start3A_230 = tpu.memref_slice %arg13[%add3A_228, %dma_start3A_229] : memref<256x32xf32, #tpu.memory_space<vmem>> -> memref<1x32xf32, #tpu.memory_space<vmem>>
      %dma_start3A_231 = tpu.memref_squeeze %dma_start3A_230 : memref<1x32xf32, #tpu.memory_space<vmem>> -> memref<32xf32, #tpu.memory_space<vmem>>
      %dma_start3A_232 = arith.constant 0 : i32
      %dma_start3A_233 = tpu.memref_slice %arg5[%shift_right_arithmetic3A_222, %and3A_224, %dma_start3A_232] : memref<125000x8x32xf32, #tpu.memory_space<hbm>> -> memref<1x1x32xf32, #tpu.memory_space<hbm>>
      %dma_start3A_234 = tpu.memref_squeeze %dma_start3A_233 : memref<1x1x32xf32, #tpu.memory_space<hbm>> -> memref<32xf32, #tpu.memory_space<hbm>>
      %dma_start3A_235 = arith.constant 0 : i32
      %dma_start3A_236 = tpu.memref_slice %arg13[%add3A_228, %dma_start3A_235] : memref<256x32xf32, #tpu.memory_space<vmem>> -> memref<1x32xf32, #tpu.memory_space<vmem>>
      %dma_start3A_237 = tpu.memref_squeeze %dma_start3A_236 : memref<1x32xf32, #tpu.memory_space<vmem>> -> memref<32xf32, #tpu.memory_space<vmem>>
      %dma_start3A_238 = arith.constant 0 : i32
      %dma_start3A_239 = tpu.memref_slice %arg5[%shift_right_arithmetic3A_222, %and3A_224, %dma_start3A_238] : memref<125000x8x32xf32, #tpu.memory_space<hbm>> -> memref<1x1x32xf32, #tpu.memory_space<hbm>>
      %dma_start3A_240 = tpu.memref_squeeze %dma_start3A_239 : memref<1x1x32xf32, #tpu.memory_space<hbm>> -> memref<32xf32, #tpu.memory_space<hbm>>
      tpu.enqueue_dma source(%dma_start3A_240 : memref<32xf32, #tpu.memory_space<hbm>>) target(%dma_start3A_237 : memref<32xf32, #tpu.memory_space<vmem>>) target_semaphore(%arg17 : memref<!tpu.dma_semaphore, #tpu.memory_space<semaphore_mem>>)
      %iota3A_241 = tpu.iota {dimensions = array<i32: 0>} : vector<16xi32>
      %eq3A_242 = arith.constant 3 : i32
      %eq3A_243 = vector.broadcast %eq3A_242 : i32 to vector<16xi32>
      %eq3A_244 = arith.cmpi eq, %iota3A_241, %eq3A_243 : vector<16xi32>
      %jit3A_245 = arith.constant 0 : i32
      %broadcast_in_dim3A_246 = vector.broadcast %jit3A_245 : i32 to vector<16xi32>
      %select_n3A_247 = arith.select %eq3A_244, %get3A_156, %broadcast_in_dim3A_246 : vector<16xi1>, vector<16xi32>
      %reduce_sum3A_248 = arith.constant true
      %reduce_sum3A_249 = vector.broadcast %reduce_sum3A_248 : i1 to vector<16xi1>
      %reduce_sum3A_250 = tpu.scan <sum>, %select_n3A_247 masked %reduce_sum3A_249 : vector<16xi32>, vector<16xi1> -> vector<16xi32>
      %reduce_sum3A_251 = vector.extract %reduce_sum3A_250[15] : i32 from vector<16xi32>
      %shift_right_arithmetic3A_252 = arith.constant 3 : i32
      %shift_right_arithmetic3A_253 = arith.shrsi %reduce_sum3A_251, %shift_right_arithmetic3A_252 : i32
      %and3A_254 = arith.constant 7 : i32
      %and3A_255 = arith.andi %reduce_sum3A_251, %and3A_254 : i32
      %mul3A_256 = arith.constant 16 : i32
      %mul3A_257 = arith.muli %scan3A_150, %mul3A_256 : i32
      %add3A_258 = arith.constant 3 : i32
      %add3A_259 = arith.addi %mul3A_257, %add3A_258 : i32
      %dma_start3A_260 = arith.constant 0 : i32
      %dma_start3A_261 = tpu.memref_slice %arg13[%add3A_259, %dma_start3A_260] : memref<256x32xf32, #tpu.memory_space<vmem>> -> memref<1x32xf32, #tpu.memory_space<vmem>>
      %dma_start3A_262 = tpu.memref_squeeze %dma_start3A_261 : memref<1x32xf32, #tpu.memory_space<vmem>> -> memref<32xf32, #tpu.memory_space<vmem>>
      %dma_start3A_263 = arith.constant 0 : i32
      %dma_start3A_264 = tpu.memref_slice %arg5[%shift_right_arithmetic3A_253, %and3A_255, %dma_start3A_263] : memref<125000x8x32xf32, #tpu.memory_space<hbm>> -> memref<1x1x32xf32, #tpu.memory_space<hbm>>
      %dma_start3A_265 = tpu.memref_squeeze %dma_start3A_264 : memref<1x1x32xf32, #tpu.memory_space<hbm>> -> memref<32xf32, #tpu.memory_space<hbm>>
      %dma_start3A_266 = arith.constant 0 : i32
      %dma_start3A_267 = tpu.memref_slice %arg13[%add3A_259, %dma_start3A_266] : memref<256x32xf32, #tpu.memory_space<vmem>> -> memref<1x32xf32, #tpu.memory_space<vmem>>
      %dma_start3A_268 = tpu.memref_squeeze %dma_start3A_267 : memref<1x32xf32, #tpu.memory_space<vmem>> -> memref<32xf32, #tpu.memory_space<vmem>>
      %dma_start3A_269 = arith.constant 0 : i32
      %dma_start3A_270 = tpu.memref_slice %arg5[%shift_right_arithmetic3A_253, %and3A_255, %dma_start3A_269] : memref<125000x8x32xf32, #tpu.memory_space<hbm>> -> memref<1x1x32xf32, #tpu.memory_space<hbm>>
      %dma_start3A_271 = tpu.memref_squeeze %dma_start3A_270 : memref<1x1x32xf32, #tpu.memory_space<hbm>> -> memref<32xf32, #tpu.memory_space<hbm>>
      tpu.enqueue_dma source(%dma_start3A_271 : memref<32xf32, #tpu.memory_space<hbm>>) target(%dma_start3A_268 : memref<32xf32, #tpu.memory_space<vmem>>) target_semaphore(%arg17 : memref<!tpu.dma_semaphore, #tpu.memory_space<semaphore_mem>>)
      %iota3A_272 = tpu.iota {dimensions = array<i32: 0>} : vector<16xi32>
      %eq3A_273 = arith.constant 4 : i32
      %eq3A_274 = vector.broadcast %eq3A_273 : i32 to vector<16xi32>
      %eq3A_275 = arith.cmpi eq, %iota3A_272, %eq3A_274 : vector<16xi32>
      %jit3A_276 = arith.constant 0 : i32
      %broadcast_in_dim3A_277 = vector.broadcast %jit3A_276 : i32 to vector<16xi32>
      %select_n3A_278 = arith.select %eq3A_275, %get3A_156, %broadcast_in_dim3A_277 : vector<16xi1>, vector<16xi32>
      %reduce_sum3A_279 = arith.constant true
      %reduce_sum3A_280 = vector.broadcast %reduce_sum3A_279 : i1 to vector<16xi1>
      %reduce_sum3A_281 = tpu.scan <sum>, %select_n3A_278 masked %reduce_sum3A_280 : vector<16xi32>, vector<16xi1> -> vector<16xi32>
      %reduce_sum3A_282 = vector.extract %reduce_sum3A_281[15] : i32 from vector<16xi32>
      %shift_right_arithmetic3A_283 = arith.constant 3 : i32
      %shift_right_arithmetic3A_284 = arith.shrsi %reduce_sum3A_282, %shift_right_arithmetic3A_283 : i32
      %and3A_285 = arith.constant 7 : i32
      %and3A_286 = arith.andi %reduce_sum3A_282, %and3A_285 : i32
      %mul3A_287 = arith.constant 16 : i32
      %mul3A_288 = arith.muli %scan3A_150, %mul3A_287 : i32
      %add3A_289 = arith.constant 4 : i32
      %add3A_290 = arith.addi %mul3A_288, %add3A_289 : i32
      %dma_start3A_291 = arith.constant 0 : i32
      %dma_start3A_292 = tpu.memref_slice %arg13[%add3A_290, %dma_start3A_291] : memref<256x32xf32, #tpu.memory_space<vmem>> -> memref<1x32xf32, #tpu.memory_space<vmem>>
      %dma_start3A_293 = tpu.memref_squeeze %dma_start3A_292 : memref<1x32xf32, #tpu.memory_space<vmem>> -> memref<32xf32, #tpu.memory_space<vmem>>
      %dma_start3A_294 = arith.constant 0 : i32
      %dma_start3A_295 = tpu.memref_slice %arg5[%shift_right_arithmetic3A_284, %and3A_286, %dma_start3A_294] : memref<125000x8x32xf32, #tpu.memory_space<hbm>> -> memref<1x1x32xf32, #tpu.memory_space<hbm>>
      %dma_start3A_296 = tpu.memref_squeeze %dma_start3A_295 : memref<1x1x32xf32, #tpu.memory_space<hbm>> -> memref<32xf32, #tpu.memory_space<hbm>>
      %dma_start3A_297 = arith.constant 0 : i32
      %dma_start3A_298 = tpu.memref_slice %arg13[%add3A_290, %dma_start3A_297] : memref<256x32xf32, #tpu.memory_space<vmem>> -> memref<1x32xf32, #tpu.memory_space<vmem>>
      %dma_start3A_299 = tpu.memref_squeeze %dma_start3A_298 : memref<1x32xf32, #tpu.memory_space<vmem>> -> memref<32xf32, #tpu.memory_space<vmem>>
      %dma_start3A_300 = arith.constant 0 : i32
      %dma_start3A_301 = tpu.memref_slice %arg5[%shift_right_arithmetic3A_284, %and3A_286, %dma_start3A_300] : memref<125000x8x32xf32, #tpu.memory_space<hbm>> -> memref<1x1x32xf32, #tpu.memory_space<hbm>>
      %dma_start3A_302 = tpu.memref_squeeze %dma_start3A_301 : memref<1x1x32xf32, #tpu.memory_space<hbm>> -> memref<32xf32, #tpu.memory_space<hbm>>
      tpu.enqueue_dma source(%dma_start3A_302 : memref<32xf32, #tpu.memory_space<hbm>>) target(%dma_start3A_299 : memref<32xf32, #tpu.memory_space<vmem>>) target_semaphore(%arg17 : memref<!tpu.dma_semaphore, #tpu.memory_space<semaphore_mem>>)
      %iota3A_303 = tpu.iota {dimensions = array<i32: 0>} : vector<16xi32>
      %eq3A_304 = arith.constant 5 : i32
      %eq3A_305 = vector.broadcast %eq3A_304 : i32 to vector<16xi32>
      %eq3A_306 = arith.cmpi eq, %iota3A_303, %eq3A_305 : vector<16xi32>
      %jit3A_307 = arith.constant 0 : i32
      %broadcast_in_dim3A_308 = vector.broadcast %jit3A_307 : i32 to vector<16xi32>
      %select_n3A_309 = arith.select %eq3A_306, %get3A_156, %broadcast_in_dim3A_308 : vector<16xi1>, vector<16xi32>
      %reduce_sum3A_310 = arith.constant true
      %reduce_sum3A_311 = vector.broadcast %reduce_sum3A_310 : i1 to vector<16xi1>
      %reduce_sum3A_312 = tpu.scan <sum>, %select_n3A_309 masked %reduce_sum3A_311 : vector<16xi32>, vector<16xi1> -> vector<16xi32>
      %reduce_sum3A_313 = vector.extract %reduce_sum3A_312[15] : i32 from vector<16xi32>
      %shift_right_arithmetic3A_314 = arith.constant 3 : i32
      %shift_right_arithmetic3A_315 = arith.shrsi %reduce_sum3A_313, %shift_right_arithmetic3A_314 : i32
      %and3A_316 = arith.constant 7 : i32
      %and3A_317 = arith.andi %reduce_sum3A_313, %and3A_316 : i32
      %mul3A_318 = arith.constant 16 : i32
      %mul3A_319 = arith.muli %scan3A_150, %mul3A_318 : i32
      %add3A_320 = arith.constant 5 : i32
      %add3A_321 = arith.addi %mul3A_319, %add3A_320 : i32
      %dma_start3A_322 = arith.constant 0 : i32
      %dma_start3A_323 = tpu.memref_slice %arg13[%add3A_321, %dma_start3A_322] : memref<256x32xf32, #tpu.memory_space<vmem>> -> memref<1x32xf32, #tpu.memory_space<vmem>>
      %dma_start3A_324 = tpu.memref_squeeze %dma_start3A_323 : memref<1x32xf32, #tpu.memory_space<vmem>> -> memref<32xf32, #tpu.memory_space<vmem>>
      %dma_start3A_325 = arith.constant 0 : i32
      %dma_start3A_326 = tpu.memref_slice %arg5[%shift_right_arithmetic3A_315, %and3A_317, %dma_start3A_325] : memref<125000x8x32xf32, #tpu.memory_space<hbm>> -> memref<1x1x32xf32, #tpu.memory_space<hbm>>
      %dma_start3A_327 = tpu.memref_squeeze %dma_start3A_326 : memref<1x1x32xf32, #tpu.memory_space<hbm>> -> memref<32xf32, #tpu.memory_space<hbm>>
      %dma_start3A_328 = arith.constant 0 : i32
      %dma_start3A_329 = tpu.memref_slice %arg13[%add3A_321, %dma_start3A_328] : memref<256x32xf32, #tpu.memory_space<vmem>> -> memref<1x32xf32, #tpu.memory_space<vmem>>
      %dma_start3A_330 = tpu.memref_squeeze %dma_start3A_329 : memref<1x32xf32, #tpu.memory_space<vmem>> -> memref<32xf32, #tpu.memory_space<vmem>>
      %dma_start3A_331 = arith.constant 0 : i32
      %dma_start3A_332 = tpu.memref_slice %arg5[%shift_right_arithmetic3A_315, %and3A_317, %dma_start3A_331] : memref<125000x8x32xf32, #tpu.memory_space<hbm>> -> memref<1x1x32xf32, #tpu.memory_space<hbm>>
      %dma_start3A_333 = tpu.memref_squeeze %dma_start3A_332 : memref<1x1x32xf32, #tpu.memory_space<hbm>> -> memref<32xf32, #tpu.memory_space<hbm>>
      tpu.enqueue_dma source(%dma_start3A_333 : memref<32xf32, #tpu.memory_space<hbm>>) target(%dma_start3A_330 : memref<32xf32, #tpu.memory_space<vmem>>) target_semaphore(%arg17 : memref<!tpu.dma_semaphore, #tpu.memory_space<semaphore_mem>>)
      %iota3A_334 = tpu.iota {dimensions = array<i32: 0>} : vector<16xi32>
      %eq3A_335 = arith.constant 6 : i32
      %eq3A_336 = vector.broadcast %eq3A_335 : i32 to vector<16xi32>
      %eq3A_337 = arith.cmpi eq, %iota3A_334, %eq3A_336 : vector<16xi32>
      %jit3A_338 = arith.constant 0 : i32
      %broadcast_in_dim3A_339 = vector.broadcast %jit3A_338 : i32 to vector<16xi32>
      %select_n3A_340 = arith.select %eq3A_337, %get3A_156, %broadcast_in_dim3A_339 : vector<16xi1>, vector<16xi32>
      %reduce_sum3A_341 = arith.constant true
      %reduce_sum3A_342 = vector.broadcast %reduce_sum3A_341 : i1 to vector<16xi1>
      %reduce_sum3A_343 = tpu.scan <sum>, %select_n3A_340 masked %reduce_sum3A_342 : vector<16xi32>, vector<16xi1> -> vector<16xi32>
      %reduce_sum3A_344 = vector.extract %reduce_sum3A_343[15] : i32 from vector<16xi32>
      %shift_right_arithmetic3A_345 = arith.constant 3 : i32
      %shift_right_arithmetic3A_346 = arith.shrsi %reduce_sum3A_344, %shift_right_arithmetic3A_345 : i32
      %and3A_347 = arith.constant 7 : i32
      %and3A_348 = arith.andi %reduce_sum3A_344, %and3A_347 : i32
      %mul3A_349 = arith.constant 16 : i32
      %mul3A_350 = arith.muli %scan3A_150, %mul3A_349 : i32
      %add3A_351 = arith.constant 6 : i32
      %add3A_352 = arith.addi %mul3A_350, %add3A_351 : i32
      %dma_start3A_353 = arith.constant 0 : i32
      %dma_start3A_354 = tpu.memref_slice %arg13[%add3A_352, %dma_start3A_353] : memref<256x32xf32, #tpu.memory_space<vmem>> -> memref<1x32xf32, #tpu.memory_space<vmem>>
      %dma_start3A_355 = tpu.memref_squeeze %dma_start3A_354 : memref<1x32xf32, #tpu.memory_space<vmem>> -> memref<32xf32, #tpu.memory_space<vmem>>
      %dma_start3A_356 = arith.constant 0 : i32
      %dma_start3A_357 = tpu.memref_slice %arg5[%shift_right_arithmetic3A_346, %and3A_348, %dma_start3A_356] : memref<125000x8x32xf32, #tpu.memory_space<hbm>> -> memref<1x1x32xf32, #tpu.memory_space<hbm>>
      %dma_start3A_358 = tpu.memref_squeeze %dma_start3A_357 : memref<1x1x32xf32, #tpu.memory_space<hbm>> -> memref<32xf32, #tpu.memory_space<hbm>>
      %dma_start3A_359 = arith.constant 0 : i32
      %dma_start3A_360 = tpu.memref_slice %arg13[%add3A_352, %dma_start3A_359] : memref<256x32xf32, #tpu.memory_space<vmem>> -> memref<1x32xf32, #tpu.memory_space<vmem>>
      %dma_start3A_361 = tpu.memref_squeeze %dma_start3A_360 : memref<1x32xf32, #tpu.memory_space<vmem>> -> memref<32xf32, #tpu.memory_space<vmem>>
      %dma_start3A_362 = arith.constant 0 : i32
      %dma_start3A_363 = tpu.memref_slice %arg5[%shift_right_arithmetic3A_346, %and3A_348, %dma_start3A_362] : memref<125000x8x32xf32, #tpu.memory_space<hbm>> -> memref<1x1x32xf32, #tpu.memory_space<hbm>>
      %dma_start3A_364 = tpu.memref_squeeze %dma_start3A_363 : memref<1x1x32xf32, #tpu.memory_space<hbm>> -> memref<32xf32, #tpu.memory_space<hbm>>
      tpu.enqueue_dma source(%dma_start3A_364 : memref<32xf32, #tpu.memory_space<hbm>>) target(%dma_start3A_361 : memref<32xf32, #tpu.memory_space<vmem>>) target_semaphore(%arg17 : memref<!tpu.dma_semaphore, #tpu.memory_space<semaphore_mem>>)
      %iota3A_365 = tpu.iota {dimensions = array<i32: 0>} : vector<16xi32>
      %eq3A_366 = arith.constant 7 : i32
      %eq3A_367 = vector.broadcast %eq3A_366 : i32 to vector<16xi32>
      %eq3A_368 = arith.cmpi eq, %iota3A_365, %eq3A_367 : vector<16xi32>
      %jit3A_369 = arith.constant 0 : i32
      %broadcast_in_dim3A_370 = vector.broadcast %jit3A_369 : i32 to vector<16xi32>
      %select_n3A_371 = arith.select %eq3A_368, %get3A_156, %broadcast_in_dim3A_370 : vector<16xi1>, vector<16xi32>
      %reduce_sum3A_372 = arith.constant true
      %reduce_sum3A_373 = vector.broadcast %reduce_sum3A_372 : i1 to vector<16xi1>
      %reduce_sum3A_374 = tpu.scan <sum>, %select_n3A_371 masked %reduce_sum3A_373 : vector<16xi32>, vector<16xi1> -> vector<16xi32>
      %reduce_sum3A_375 = vector.extract %reduce_sum3A_374[15] : i32 from vector<16xi32>
      %shift_right_arithmetic3A_376 = arith.constant 3 : i32
      %shift_right_arithmetic3A_377 = arith.shrsi %reduce_sum3A_375, %shift_right_arithmetic3A_376 : i32
      %and3A_378 = arith.constant 7 : i32
      %and3A_379 = arith.andi %reduce_sum3A_375, %and3A_378 : i32
      %mul3A_380 = arith.constant 16 : i32
      %mul3A_381 = arith.muli %scan3A_150, %mul3A_380 : i32
      %add3A_382 = arith.constant 7 : i32
      %add3A_383 = arith.addi %mul3A_381, %add3A_382 : i32
      %dma_start3A_384 = arith.constant 0 : i32
      %dma_start3A_385 = tpu.memref_slice %arg13[%add3A_383, %dma_start3A_384] : memref<256x32xf32, #tpu.memory_space<vmem>> -> memref<1x32xf32, #tpu.memory_space<vmem>>
      %dma_start3A_386 = tpu.memref_squeeze %dma_start3A_385 : memref<1x32xf32, #tpu.memory_space<vmem>> -> memref<32xf32, #tpu.memory_space<vmem>>
      %dma_start3A_387 = arith.constant 0 : i32
      %dma_start3A_388 = tpu.memref_slice %arg5[%shift_right_arithmetic3A_377, %and3A_379, %dma_start3A_387] : memref<125000x8x32xf32, #tpu.memory_space<hbm>> -> memref<1x1x32xf32, #tpu.memory_space<hbm>>
      %dma_start3A_389 = tpu.memref_squeeze %dma_start3A_388 : memref<1x1x32xf32, #tpu.memory_space<hbm>> -> memref<32xf32, #tpu.memory_space<hbm>>
      %dma_start3A_390 = arith.constant 0 : i32
      %dma_start3A_391 = tpu.memref_slice %arg13[%add3A_383, %dma_start3A_390] : memref<256x32xf32, #tpu.memory_space<vmem>> -> memref<1x32xf32, #tpu.memory_space<vmem>>
      %dma_start3A_392 = tpu.memref_squeeze %dma_start3A_391 : memref<1x32xf32, #tpu.memory_space<vmem>> -> memref<32xf32, #tpu.memory_space<vmem>>
      %dma_start3A_393 = arith.constant 0 : i32
      %dma_start3A_394 = tpu.memref_slice %arg5[%shift_right_arithmetic3A_377, %and3A_379, %dma_start3A_393] : memref<125000x8x32xf32, #tpu.memory_space<hbm>> -> memref<1x1x32xf32, #tpu.memory_space<hbm>>
      %dma_start3A_395 = tpu.memref_squeeze %dma_start3A_394 : memref<1x1x32xf32, #tpu.memory_space<hbm>> -> memref<32xf32, #tpu.memory_space<hbm>>
      tpu.enqueue_dma source(%dma_start3A_395 : memref<32xf32, #tpu.memory_space<hbm>>) target(%dma_start3A_392 : memref<32xf32, #tpu.memory_space<vmem>>) target_semaphore(%arg17 : memref<!tpu.dma_semaphore, #tpu.memory_space<semaphore_mem>>)
      %iota3A_396 = tpu.iota {dimensions = array<i32: 0>} : vector<16xi32>
      %eq3A_397 = arith.constant 8 : i32
      %eq3A_398 = vector.broadcast %eq3A_397 : i32 to vector<16xi32>
      %eq3A_399 = arith.cmpi eq, %iota3A_396, %eq3A_398 : vector<16xi32>
      %jit3A_400 = arith.constant 0 : i32
      %broadcast_in_dim3A_401 = vector.broadcast %jit3A_400 : i32 to vector<16xi32>
      %select_n3A_402 = arith.select %eq3A_399, %get3A_156, %broadcast_in_dim3A_401 : vector<16xi1>, vector<16xi32>
      %reduce_sum3A_403 = arith.constant true
      %reduce_sum3A_404 = vector.broadcast %reduce_sum3A_403 : i1 to vector<16xi1>
      %reduce_sum3A_405 = tpu.scan <sum>, %select_n3A_402 masked %reduce_sum3A_404 : vector<16xi32>, vector<16xi1> -> vector<16xi32>
      %reduce_sum3A_406 = vector.extract %reduce_sum3A_405[15] : i32 from vector<16xi32>
      %shift_right_arithmetic3A_407 = arith.constant 3 : i32
      %shift_right_arithmetic3A_408 = arith.shrsi %reduce_sum3A_406, %shift_right_arithmetic3A_407 : i32
      %and3A_409 = arith.constant 7 : i32
      %and3A_410 = arith.andi %reduce_sum3A_406, %and3A_409 : i32
      %mul3A_411 = arith.constant 16 : i32
      %mul3A_412 = arith.muli %scan3A_150, %mul3A_411 : i32
      %add3A_413 = arith.constant 8 : i32
      %add3A_414 = arith.addi %mul3A_412, %add3A_413 : i32
      %dma_start3A_415 = arith.constant 0 : i32
      %dma_start3A_416 = tpu.memref_slice %arg13[%add3A_414, %dma_start3A_415] : memref<256x32xf32, #tpu.memory_space<vmem>> -> memref<1x32xf32, #tpu.memory_space<vmem>>
      %dma_start3A_417 = tpu.memref_squeeze %dma_start3A_416 : memref<1x32xf32, #tpu.memory_space<vmem>> -> memref<32xf32, #tpu.memory_space<vmem>>
      %dma_start3A_418 = arith.constant 0 : i32
      %dma_start3A_419 = tpu.memref_slice %arg5[%shift_right_arithmetic3A_408, %and3A_410, %dma_start3A_418] : memref<125000x8x32xf32, #tpu.memory_space<hbm>> -> memref<1x1x32xf32, #tpu.memory_space<hbm>>
      %dma_start3A_420 = tpu.memref_squeeze %dma_start3A_419 : memref<1x1x32xf32, #tpu.memory_space<hbm>> -> memref<32xf32, #tpu.memory_space<hbm>>
      %dma_start3A_421 = arith.constant 0 : i32
      %dma_start3A_422 = tpu.memref_slice %arg13[%add3A_414, %dma_start3A_421] : memref<256x32xf32, #tpu.memory_space<vmem>> -> memref<1x32xf32, #tpu.memory_space<vmem>>
      %dma_start3A_423 = tpu.memref_squeeze %dma_start3A_422 : memref<1x32xf32, #tpu.memory_space<vmem>> -> memref<32xf32, #tpu.memory_space<vmem>>
      %dma_start3A_424 = arith.constant 0 : i32
      %dma_start3A_425 = tpu.memref_slice %arg5[%shift_right_arithmetic3A_408, %and3A_410, %dma_start3A_424] : memref<125000x8x32xf32, #tpu.memory_space<hbm>> -> memref<1x1x32xf32, #tpu.memory_space<hbm>>
      %dma_start3A_426 = tpu.memref_squeeze %dma_start3A_425 : memref<1x1x32xf32, #tpu.memory_space<hbm>> -> memref<32xf32, #tpu.memory_space<hbm>>
      tpu.enqueue_dma source(%dma_start3A_426 : memref<32xf32, #tpu.memory_space<hbm>>) target(%dma_start3A_423 : memref<32xf32, #tpu.memory_space<vmem>>) target_semaphore(%arg17 : memref<!tpu.dma_semaphore, #tpu.memory_space<semaphore_mem>>)
      %iota3A_427 = tpu.iota {dimensions = array<i32: 0>} : vector<16xi32>
      %eq3A_428 = arith.constant 9 : i32
      %eq3A_429 = vector.broadcast %eq3A_428 : i32 to vector<16xi32>
      %eq3A_430 = arith.cmpi eq, %iota3A_427, %eq3A_429 : vector<16xi32>
      %jit3A_431 = arith.constant 0 : i32
      %broadcast_in_dim3A_432 = vector.broadcast %jit3A_431 : i32 to vector<16xi32>
      %select_n3A_433 = arith.select %eq3A_430, %get3A_156, %broadcast_in_dim3A_432 : vector<16xi1>, vector<16xi32>
      %reduce_sum3A_434 = arith.constant true
      %reduce_sum3A_435 = vector.broadcast %reduce_sum3A_434 : i1 to vector<16xi1>
      %reduce_sum3A_436 = tpu.scan <sum>, %select_n3A_433 masked %reduce_sum3A_435 : vector<16xi32>, vector<16xi1> -> vector<16xi32>
      %reduce_sum3A_437 = vector.extract %reduce_sum3A_436[15] : i32 from vector<16xi32>
      %shift_right_arithmetic3A_438 = arith.constant 3 : i32
      %shift_right_arithmetic3A_439 = arith.shrsi %reduce_sum3A_437, %shift_right_arithmetic3A_438 : i32
      %and3A_440 = arith.constant 7 : i32
      %and3A_441 = arith.andi %reduce_sum3A_437, %and3A_440 : i32
      %mul3A_442 = arith.constant 16 : i32
      %mul3A_443 = arith.muli %scan3A_150, %mul3A_442 : i32
      %add3A_444 = arith.constant 9 : i32
      %add3A_445 = arith.addi %mul3A_443, %add3A_444 : i32
      %dma_start3A_446 = arith.constant 0 : i32
      %dma_start3A_447 = tpu.memref_slice %arg13[%add3A_445, %dma_start3A_446] : memref<256x32xf32, #tpu.memory_space<vmem>> -> memref<1x32xf32, #tpu.memory_space<vmem>>
      %dma_start3A_448 = tpu.memref_squeeze %dma_start3A_447 : memref<1x32xf32, #tpu.memory_space<vmem>> -> memref<32xf32, #tpu.memory_space<vmem>>
      %dma_start3A_449 = arith.constant 0 : i32
      %dma_start3A_450 = tpu.memref_slice %arg5[%shift_right_arithmetic3A_439, %and3A_441, %dma_start3A_449] : memref<125000x8x32xf32, #tpu.memory_space<hbm>> -> memref<1x1x32xf32, #tpu.memory_space<hbm>>
      %dma_start3A_451 = tpu.memref_squeeze %dma_start3A_450 : memref<1x1x32xf32, #tpu.memory_space<hbm>> -> memref<32xf32, #tpu.memory_space<hbm>>
      %dma_start3A_452 = arith.constant 0 : i32
      %dma_start3A_453 = tpu.memref_slice %arg13[%add3A_445, %dma_start3A_452] : memref<256x32xf32, #tpu.memory_space<vmem>> -> memref<1x32xf32, #tpu.memory_space<vmem>>
      %dma_start3A_454 = tpu.memref_squeeze %dma_start3A_453 : memref<1x32xf32, #tpu.memory_space<vmem>> -> memref<32xf32, #tpu.memory_space<vmem>>
      %dma_start3A_455 = arith.constant 0 : i32
      %dma_start3A_456 = tpu.memref_slice %arg5[%shift_right_arithmetic3A_439, %and3A_441, %dma_start3A_455] : memref<125000x8x32xf32, #tpu.memory_space<hbm>> -> memref<1x1x32xf32, #tpu.memory_space<hbm>>
      %dma_start3A_457 = tpu.memref_squeeze %dma_start3A_456 : memref<1x1x32xf32, #tpu.memory_space<hbm>> -> memref<32xf32, #tpu.memory_space<hbm>>
      tpu.enqueue_dma source(%dma_start3A_457 : memref<32xf32, #tpu.memory_space<hbm>>) target(%dma_start3A_454 : memref<32xf32, #tpu.memory_space<vmem>>) target_semaphore(%arg17 : memref<!tpu.dma_semaphore, #tpu.memory_space<semaphore_mem>>)
      %iota3A_458 = tpu.iota {dimensions = array<i32: 0>} : vector<16xi32>
      %eq3A_459 = arith.constant 10 : i32
      %eq3A_460 = vector.broadcast %eq3A_459 : i32 to vector<16xi32>
      %eq3A_461 = arith.cmpi eq, %iota3A_458, %eq3A_460 : vector<16xi32>
      %jit3A_462 = arith.constant 0 : i32
      %broadcast_in_dim3A_463 = vector.broadcast %jit3A_462 : i32 to vector<16xi32>
      %select_n3A_464 = arith.select %eq3A_461, %get3A_156, %broadcast_in_dim3A_463 : vector<16xi1>, vector<16xi32>
      %reduce_sum3A_465 = arith.constant true
      %reduce_sum3A_466 = vector.broadcast %reduce_sum3A_465 : i1 to vector<16xi1>
      %reduce_sum3A_467 = tpu.scan <sum>, %select_n3A_464 masked %reduce_sum3A_466 : vector<16xi32>, vector<16xi1> -> vector<16xi32>
      %reduce_sum3A_468 = vector.extract %reduce_sum3A_467[15] : i32 from vector<16xi32>
      %shift_right_arithmetic3A_469 = arith.constant 3 : i32
      %shift_right_arithmetic3A_470 = arith.shrsi %reduce_sum3A_468, %shift_right_arithmetic3A_469 : i32
      %and3A_471 = arith.constant 7 : i32
      %and3A_472 = arith.andi %reduce_sum3A_468, %and3A_471 : i32
      %mul3A_473 = arith.constant 16 : i32
      %mul3A_474 = arith.muli %scan3A_150, %mul3A_473 : i32
      %add3A_475 = arith.constant 10 : i32
      %add3A_476 = arith.addi %mul3A_474, %add3A_475 : i32
      %dma_start3A_477 = arith.constant 0 : i32
      %dma_start3A_478 = tpu.memref_slice %arg13[%add3A_476, %dma_start3A_477] : memref<256x32xf32, #tpu.memory_space<vmem>> -> memref<1x32xf32, #tpu.memory_space<vmem>>
      %dma_start3A_479 = tpu.memref_squeeze %dma_start3A_478 : memref<1x32xf32, #tpu.memory_space<vmem>> -> memref<32xf32, #tpu.memory_space<vmem>>
      %dma_start3A_480 = arith.constant 0 : i32
      %dma_start3A_481 = tpu.memref_slice %arg5[%shift_right_arithmetic3A_470, %and3A_472, %dma_start3A_480] : memref<125000x8x32xf32, #tpu.memory_space<hbm>> -> memref<1x1x32xf32, #tpu.memory_space<hbm>>
      %dma_start3A_482 = tpu.memref_squeeze %dma_start3A_481 : memref<1x1x32xf32, #tpu.memory_space<hbm>> -> memref<32xf32, #tpu.memory_space<hbm>>
      %dma_start3A_483 = arith.constant 0 : i32
      %dma_start3A_484 = tpu.memref_slice %arg13[%add3A_476, %dma_start3A_483] : memref<256x32xf32, #tpu.memory_space<vmem>> -> memref<1x32xf32, #tpu.memory_space<vmem>>
      %dma_start3A_485 = tpu.memref_squeeze %dma_start3A_484 : memref<1x32xf32, #tpu.memory_space<vmem>> -> memref<32xf32, #tpu.memory_space<vmem>>
      %dma_start3A_486 = arith.constant 0 : i32
      %dma_start3A_487 = tpu.memref_slice %arg5[%shift_right_arithmetic3A_470, %and3A_472, %dma_start3A_486] : memref<125000x8x32xf32, #tpu.memory_space<hbm>> -> memref<1x1x32xf32, #tpu.memory_space<hbm>>
      %dma_start3A_488 = tpu.memref_squeeze %dma_start3A_487 : memref<1x1x32xf32, #tpu.memory_space<hbm>> -> memref<32xf32, #tpu.memory_space<hbm>>
      tpu.enqueue_dma source(%dma_start3A_488 : memref<32xf32, #tpu.memory_space<hbm>>) target(%dma_start3A_485 : memref<32xf32, #tpu.memory_space<vmem>>) target_semaphore(%arg17 : memref<!tpu.dma_semaphore, #tpu.memory_space<semaphore_mem>>)
      %iota3A_489 = tpu.iota {dimensions = array<i32: 0>} : vector<16xi32>
      %eq3A_490 = arith.constant 11 : i32
      %eq3A_491 = vector.broadcast %eq3A_490 : i32 to vector<16xi32>
      %eq3A_492 = arith.cmpi eq, %iota3A_489, %eq3A_491 : vector<16xi32>
      %jit3A_493 = arith.constant 0 : i32
      %broadcast_in_dim3A_494 = vector.broadcast %jit3A_493 : i32 to vector<16xi32>
      %select_n3A_495 = arith.select %eq3A_492, %get3A_156, %broadcast_in_dim3A_494 : vector<16xi1>, vector<16xi32>
      %reduce_sum3A_496 = arith.constant true
      %reduce_sum3A_497 = vector.broadcast %reduce_sum3A_496 : i1 to vector<16xi1>
      %reduce_sum3A_498 = tpu.scan <sum>, %select_n3A_495 masked %reduce_sum3A_497 : vector<16xi32>, vector<16xi1> -> vector<16xi32>
      %reduce_sum3A_499 = vector.extract %reduce_sum3A_498[15] : i32 from vector<16xi32>
      %shift_right_arithmetic3A_500 = arith.constant 3 : i32
      %shift_right_arithmetic3A_501 = arith.shrsi %reduce_sum3A_499, %shift_right_arithmetic3A_500 : i32
      %and3A_502 = arith.constant 7 : i32
      %and3A_503 = arith.andi %reduce_sum3A_499, %and3A_502 : i32
      %mul3A_504 = arith.constant 16 : i32
      %mul3A_505 = arith.muli %scan3A_150, %mul3A_504 : i32
      %add3A_506 = arith.constant 11 : i32
      %add3A_507 = arith.addi %mul3A_505, %add3A_506 : i32
      %dma_start3A_508 = arith.constant 0 : i32
      %dma_start3A_509 = tpu.memref_slice %arg13[%add3A_507, %dma_start3A_508] : memref<256x32xf32, #tpu.memory_space<vmem>> -> memref<1x32xf32, #tpu.memory_space<vmem>>
      %dma_start3A_510 = tpu.memref_squeeze %dma_start3A_509 : memref<1x32xf32, #tpu.memory_space<vmem>> -> memref<32xf32, #tpu.memory_space<vmem>>
      %dma_start3A_511 = arith.constant 0 : i32
      %dma_start3A_512 = tpu.memref_slice %arg5[%shift_right_arithmetic3A_501, %and3A_503, %dma_start3A_511] : memref<125000x8x32xf32, #tpu.memory_space<hbm>> -> memref<1x1x32xf32, #tpu.memory_space<hbm>>
      %dma_start3A_513 = tpu.memref_squeeze %dma_start3A_512 : memref<1x1x32xf32, #tpu.memory_space<hbm>> -> memref<32xf32, #tpu.memory_space<hbm>>
      %dma_start3A_514 = arith.constant 0 : i32
      %dma_start3A_515 = tpu.memref_slice %arg13[%add3A_507, %dma_start3A_514] : memref<256x32xf32, #tpu.memory_space<vmem>> -> memref<1x32xf32, #tpu.memory_space<vmem>>
      %dma_start3A_516 = tpu.memref_squeeze %dma_start3A_515 : memref<1x32xf32, #tpu.memory_space<vmem>> -> memref<32xf32, #tpu.memory_space<vmem>>
      %dma_start3A_517 = arith.constant 0 : i32
      %dma_start3A_518 = tpu.memref_slice %arg5[%shift_right_arithmetic3A_501, %and3A_503, %dma_start3A_517] : memref<125000x8x32xf32, #tpu.memory_space<hbm>> -> memref<1x1x32xf32, #tpu.memory_space<hbm>>
      %dma_start3A_519 = tpu.memref_squeeze %dma_start3A_518 : memref<1x1x32xf32, #tpu.memory_space<hbm>> -> memref<32xf32, #tpu.memory_space<hbm>>
      tpu.enqueue_dma source(%dma_start3A_519 : memref<32xf32, #tpu.memory_space<hbm>>) target(%dma_start3A_516 : memref<32xf32, #tpu.memory_space<vmem>>) target_semaphore(%arg17 : memref<!tpu.dma_semaphore, #tpu.memory_space<semaphore_mem>>)
      %iota3A_520 = tpu.iota {dimensions = array<i32: 0>} : vector<16xi32>
      %eq3A_521 = arith.constant 12 : i32
      %eq3A_522 = vector.broadcast %eq3A_521 : i32 to vector<16xi32>
      %eq3A_523 = arith.cmpi eq, %iota3A_520, %eq3A_522 : vector<16xi32>
      %jit3A_524 = arith.constant 0 : i32
      %broadcast_in_dim3A_525 = vector.broadcast %jit3A_524 : i32 to vector<16xi32>
      %select_n3A_526 = arith.select %eq3A_523, %get3A_156, %broadcast_in_dim3A_525 : vector<16xi1>, vector<16xi32>
      %reduce_sum3A_527 = arith.constant true
      %reduce_sum3A_528 = vector.broadcast %reduce_sum3A_527 : i1 to vector<16xi1>
      %reduce_sum3A_529 = tpu.scan <sum>, %select_n3A_526 masked %reduce_sum3A_528 : vector<16xi32>, vector<16xi1> -> vector<16xi32>
      %reduce_sum3A_530 = vector.extract %reduce_sum3A_529[15] : i32 from vector<16xi32>
      %shift_right_arithmetic3A_531 = arith.constant 3 : i32
      %shift_right_arithmetic3A_532 = arith.shrsi %reduce_sum3A_530, %shift_right_arithmetic3A_531 : i32
      %and3A_533 = arith.constant 7 : i32
      %and3A_534 = arith.andi %reduce_sum3A_530, %and3A_533 : i32
      %mul3A_535 = arith.constant 16 : i32
      %mul3A_536 = arith.muli %scan3A_150, %mul3A_535 : i32
      %add3A_537 = arith.constant 12 : i32
      %add3A_538 = arith.addi %mul3A_536, %add3A_537 : i32
      %dma_start3A_539 = arith.constant 0 : i32
      %dma_start3A_540 = tpu.memref_slice %arg13[%add3A_538, %dma_start3A_539] : memref<256x32xf32, #tpu.memory_space<vmem>> -> memref<1x32xf32, #tpu.memory_space<vmem>>
      %dma_start3A_541 = tpu.memref_squeeze %dma_start3A_540 : memref<1x32xf32, #tpu.memory_space<vmem>> -> memref<32xf32, #tpu.memory_space<vmem>>
      %dma_start3A_542 = arith.constant 0 : i32
      %dma_start3A_543 = tpu.memref_slice %arg5[%shift_right_arithmetic3A_532, %and3A_534, %dma_start3A_542] : memref<125000x8x32xf32, #tpu.memory_space<hbm>> -> memref<1x1x32xf32, #tpu.memory_space<hbm>>
      %dma_start3A_544 = tpu.memref_squeeze %dma_start3A_543 : memref<1x1x32xf32, #tpu.memory_space<hbm>> -> memref<32xf32, #tpu.memory_space<hbm>>
      %dma_start3A_545 = arith.constant 0 : i32
      %dma_start3A_546 = tpu.memref_slice %arg13[%add3A_538, %dma_start3A_545] : memref<256x32xf32, #tpu.memory_space<vmem>> -> memref<1x32xf32, #tpu.memory_space<vmem>>
      %dma_start3A_547 = tpu.memref_squeeze %dma_start3A_546 : memref<1x32xf32, #tpu.memory_space<vmem>> -> memref<32xf32, #tpu.memory_space<vmem>>
      %dma_start3A_548 = arith.constant 0 : i32
      %dma_start3A_549 = tpu.memref_slice %arg5[%shift_right_arithmetic3A_532, %and3A_534, %dma_start3A_548] : memref<125000x8x32xf32, #tpu.memory_space<hbm>> -> memref<1x1x32xf32, #tpu.memory_space<hbm>>
      %dma_start3A_550 = tpu.memref_squeeze %dma_start3A_549 : memref<1x1x32xf32, #tpu.memory_space<hbm>> -> memref<32xf32, #tpu.memory_space<hbm>>
      tpu.enqueue_dma source(%dma_start3A_550 : memref<32xf32, #tpu.memory_space<hbm>>) target(%dma_start3A_547 : memref<32xf32, #tpu.memory_space<vmem>>) target_semaphore(%arg17 : memref<!tpu.dma_semaphore, #tpu.memory_space<semaphore_mem>>)
      %iota3A_551 = tpu.iota {dimensions = array<i32: 0>} : vector<16xi32>
      %eq3A_552 = arith.constant 13 : i32
      %eq3A_553 = vector.broadcast %eq3A_552 : i32 to vector<16xi32>
      %eq3A_554 = arith.cmpi eq, %iota3A_551, %eq3A_553 : vector<16xi32>
      %jit3A_555 = arith.constant 0 : i32
      %broadcast_in_dim3A_556 = vector.broadcast %jit3A_555 : i32 to vector<16xi32>
      %select_n3A_557 = arith.select %eq3A_554, %get3A_156, %broadcast_in_dim3A_556 : vector<16xi1>, vector<16xi32>
      %reduce_sum3A_558 = arith.constant true
      %reduce_sum3A_559 = vector.broadcast %reduce_sum3A_558 : i1 to vector<16xi1>
      %reduce_sum3A_560 = tpu.scan <sum>, %select_n3A_557 masked %reduce_sum3A_559 : vector<16xi32>, vector<16xi1> -> vector<16xi32>
      %reduce_sum3A_561 = vector.extract %reduce_sum3A_560[15] : i32 from vector<16xi32>
      %shift_right_arithmetic3A_562 = arith.constant 3 : i32
      %shift_right_arithmetic3A_563 = arith.shrsi %reduce_sum3A_561, %shift_right_arithmetic3A_562 : i32
      %and3A_564 = arith.constant 7 : i32
      %and3A_565 = arith.andi %reduce_sum3A_561, %and3A_564 : i32
      %mul3A_566 = arith.constant 16 : i32
      %mul3A_567 = arith.muli %scan3A_150, %mul3A_566 : i32
      %add3A_568 = arith.constant 13 : i32
      %add3A_569 = arith.addi %mul3A_567, %add3A_568 : i32
      %dma_start3A_570 = arith.constant 0 : i32
      %dma_start3A_571 = tpu.memref_slice %arg13[%add3A_569, %dma_start3A_570] : memref<256x32xf32, #tpu.memory_space<vmem>> -> memref<1x32xf32, #tpu.memory_space<vmem>>
      %dma_start3A_572 = tpu.memref_squeeze %dma_start3A_571 : memref<1x32xf32, #tpu.memory_space<vmem>> -> memref<32xf32, #tpu.memory_space<vmem>>
      %dma_start3A_573 = arith.constant 0 : i32
      %dma_start3A_574 = tpu.memref_slice %arg5[%shift_right_arithmetic3A_563, %and3A_565, %dma_start3A_573] : memref<125000x8x32xf32, #tpu.memory_space<hbm>> -> memref<1x1x32xf32, #tpu.memory_space<hbm>>
      %dma_start3A_575 = tpu.memref_squeeze %dma_start3A_574 : memref<1x1x32xf32, #tpu.memory_space<hbm>> -> memref<32xf32, #tpu.memory_space<hbm>>
      %dma_start3A_576 = arith.constant 0 : i32
      %dma_start3A_577 = tpu.memref_slice %arg13[%add3A_569, %dma_start3A_576] : memref<256x32xf32, #tpu.memory_space<vmem>> -> memref<1x32xf32, #tpu.memory_space<vmem>>
      %dma_start3A_578 = tpu.memref_squeeze %dma_start3A_577 : memref<1x32xf32, #tpu.memory_space<vmem>> -> memref<32xf32, #tpu.memory_space<vmem>>
      %dma_start3A_579 = arith.constant 0 : i32
      %dma_start3A_580 = tpu.memref_slice %arg5[%shift_right_arithmetic3A_563, %and3A_565, %dma_start3A_579] : memref<125000x8x32xf32, #tpu.memory_space<hbm>> -> memref<1x1x32xf32, #tpu.memory_space<hbm>>
      %dma_start3A_581 = tpu.memref_squeeze %dma_start3A_580 : memref<1x1x32xf32, #tpu.memory_space<hbm>> -> memref<32xf32, #tpu.memory_space<hbm>>
      tpu.enqueue_dma source(%dma_start3A_581 : memref<32xf32, #tpu.memory_space<hbm>>) target(%dma_start3A_578 : memref<32xf32, #tpu.memory_space<vmem>>) target_semaphore(%arg17 : memref<!tpu.dma_semaphore, #tpu.memory_space<semaphore_mem>>)
      %iota3A_582 = tpu.iota {dimensions = array<i32: 0>} : vector<16xi32>
      %eq3A_583 = arith.constant 14 : i32
      %eq3A_584 = vector.broadcast %eq3A_583 : i32 to vector<16xi32>
      %eq3A_585 = arith.cmpi eq, %iota3A_582, %eq3A_584 : vector<16xi32>
      %jit3A_586 = arith.constant 0 : i32
      %broadcast_in_dim3A_587 = vector.broadcast %jit3A_586 : i32 to vector<16xi32>
      %select_n3A_588 = arith.select %eq3A_585, %get3A_156, %broadcast_in_dim3A_587 : vector<16xi1>, vector<16xi32>
      %reduce_sum3A_589 = arith.constant true
      %reduce_sum3A_590 = vector.broadcast %reduce_sum3A_589 : i1 to vector<16xi1>
      %reduce_sum3A_591 = tpu.scan <sum>, %select_n3A_588 masked %reduce_sum3A_590 : vector<16xi32>, vector<16xi1> -> vector<16xi32>
      %reduce_sum3A_592 = vector.extract %reduce_sum3A_591[15] : i32 from vector<16xi32>
      %shift_right_arithmetic3A_593 = arith.constant 3 : i32
      %shift_right_arithmetic3A_594 = arith.shrsi %reduce_sum3A_592, %shift_right_arithmetic3A_593 : i32
      %and3A_595 = arith.constant 7 : i32
      %and3A_596 = arith.andi %reduce_sum3A_592, %and3A_595 : i32
      %mul3A_597 = arith.constant 16 : i32
      %mul3A_598 = arith.muli %scan3A_150, %mul3A_597 : i32
      %add3A_599 = arith.constant 14 : i32
      %add3A_600 = arith.addi %mul3A_598, %add3A_599 : i32
      %dma_start3A_601 = arith.constant 0 : i32
      %dma_start3A_602 = tpu.memref_slice %arg13[%add3A_600, %dma_start3A_601] : memref<256x32xf32, #tpu.memory_space<vmem>> -> memref<1x32xf32, #tpu.memory_space<vmem>>
      %dma_start3A_603 = tpu.memref_squeeze %dma_start3A_602 : memref<1x32xf32, #tpu.memory_space<vmem>> -> memref<32xf32, #tpu.memory_space<vmem>>
      %dma_start3A_604 = arith.constant 0 : i32
      %dma_start3A_605 = tpu.memref_slice %arg5[%shift_right_arithmetic3A_594, %and3A_596, %dma_start3A_604] : memref<125000x8x32xf32, #tpu.memory_space<hbm>> -> memref<1x1x32xf32, #tpu.memory_space<hbm>>
      %dma_start3A_606 = tpu.memref_squeeze %dma_start3A_605 : memref<1x1x32xf32, #tpu.memory_space<hbm>> -> memref<32xf32, #tpu.memory_space<hbm>>
      %dma_start3A_607 = arith.constant 0 : i32
      %dma_start3A_608 = tpu.memref_slice %arg13[%add3A_600, %dma_start3A_607] : memref<256x32xf32, #tpu.memory_space<vmem>> -> memref<1x32xf32, #tpu.memory_space<vmem>>
      %dma_start3A_609 = tpu.memref_squeeze %dma_start3A_608 : memref<1x32xf32, #tpu.memory_space<vmem>> -> memref<32xf32, #tpu.memory_space<vmem>>
      %dma_start3A_610 = arith.constant 0 : i32
      %dma_start3A_611 = tpu.memref_slice %arg5[%shift_right_arithmetic3A_594, %and3A_596, %dma_start3A_610] : memref<125000x8x32xf32, #tpu.memory_space<hbm>> -> memref<1x1x32xf32, #tpu.memory_space<hbm>>
      %dma_start3A_612 = tpu.memref_squeeze %dma_start3A_611 : memref<1x1x32xf32, #tpu.memory_space<hbm>> -> memref<32xf32, #tpu.memory_space<hbm>>
      tpu.enqueue_dma source(%dma_start3A_612 : memref<32xf32, #tpu.memory_space<hbm>>) target(%dma_start3A_609 : memref<32xf32, #tpu.memory_space<vmem>>) target_semaphore(%arg17 : memref<!tpu.dma_semaphore, #tpu.memory_space<semaphore_mem>>)
      %iota3A_613 = tpu.iota {dimensions = array<i32: 0>} : vector<16xi32>
      %eq3A_614 = arith.constant 15 : i32
      %eq3A_615 = vector.broadcast %eq3A_614 : i32 to vector<16xi32>
      %eq3A_616 = arith.cmpi eq, %iota3A_613, %eq3A_615 : vector<16xi32>
      %jit3A_617 = arith.constant 0 : i32
      %broadcast_in_dim3A_618 = vector.broadcast %jit3A_617 : i32 to vector<16xi32>
      %select_n3A_619 = arith.select %eq3A_616, %get3A_156, %broadcast_in_dim3A_618 : vector<16xi1>, vector<16xi32>
      %reduce_sum3A_620 = arith.constant true
      %reduce_sum3A_621 = vector.broadcast %reduce_sum3A_620 : i1 to vector<16xi1>
      %reduce_sum3A_622 = tpu.scan <sum>, %select_n3A_619 masked %reduce_sum3A_621 : vector<16xi32>, vector<16xi1> -> vector<16xi32>
      %reduce_sum3A_623 = vector.extract %reduce_sum3A_622[15] : i32 from vector<16xi32>
      %shift_right_arithmetic3A_624 = arith.constant 3 : i32
      %shift_right_arithmetic3A_625 = arith.shrsi %reduce_sum3A_623, %shift_right_arithmetic3A_624 : i32
      %and3A_626 = arith.constant 7 : i32
      %and3A_627 = arith.andi %reduce_sum3A_623, %and3A_626 : i32
      %mul3A_628 = arith.constant 16 : i32
      %mul3A_629 = arith.muli %scan3A_150, %mul3A_628 : i32
      %add3A_630 = arith.constant 15 : i32
      %add3A_631 = arith.addi %mul3A_629, %add3A_630 : i32
      %dma_start3A_632 = arith.constant 0 : i32
      %dma_start3A_633 = tpu.memref_slice %arg13[%add3A_631, %dma_start3A_632] : memref<256x32xf32, #tpu.memory_space<vmem>> -> memref<1x32xf32, #tpu.memory_space<vmem>>
      %dma_start3A_634 = tpu.memref_squeeze %dma_start3A_633 : memref<1x32xf32, #tpu.memory_space<vmem>> -> memref<32xf32, #tpu.memory_space<vmem>>
      %dma_start3A_635 = arith.constant 0 : i32
      %dma_start3A_636 = tpu.memref_slice %arg5[%shift_right_arithmetic3A_625, %and3A_627, %dma_start3A_635] : memref<125000x8x32xf32, #tpu.memory_space<hbm>> -> memref<1x1x32xf32, #tpu.memory_space<hbm>>
      %dma_start3A_637 = tpu.memref_squeeze %dma_start3A_636 : memref<1x1x32xf32, #tpu.memory_space<hbm>> -> memref<32xf32, #tpu.memory_space<hbm>>
      %dma_start3A_638 = arith.constant 0 : i32
      %dma_start3A_639 = tpu.memref_slice %arg13[%add3A_631, %dma_start3A_638] : memref<256x32xf32, #tpu.memory_space<vmem>> -> memref<1x32xf32, #tpu.memory_space<vmem>>
      %dma_start3A_640 = tpu.memref_squeeze %dma_start3A_639 : memref<1x32xf32, #tpu.memory_space<vmem>> -> memref<32xf32, #tpu.memory_space<vmem>>
      %dma_start3A_641 = arith.constant 0 : i32
      %dma_start3A_642 = tpu.memref_slice %arg5[%shift_right_arithmetic3A_625, %and3A_627, %dma_start3A_641] : memref<125000x8x32xf32, #tpu.memory_space<hbm>> -> memref<1x1x32xf32, #tpu.memory_space<hbm>>
      %dma_start3A_643 = tpu.memref_squeeze %dma_start3A_642 : memref<1x1x32xf32, #tpu.memory_space<hbm>> -> memref<32xf32, #tpu.memory_space<hbm>>
      tpu.enqueue_dma source(%dma_start3A_643 : memref<32xf32, #tpu.memory_space<hbm>>) target(%dma_start3A_640 : memref<32xf32, #tpu.memory_space<vmem>>) target_semaphore(%arg17 : memref<!tpu.dma_semaphore, #tpu.memory_space<semaphore_mem>>)
      %scan3A_644 = arith.constant 0 : i32
      scf.yield %scan3A_644 : i32
    }
    %scan3A_81 = arith.constant 16 : i32
    %scan3A_82 = arith.constant 0 : i32
    %scan3A_83 = arith.constant 0 : i32
    %scan3A_84 = arith.constant 16 : i32
    %scan3A_85 = arith.addi %scan3A_83, %scan3A_84 : i32
    %scan3A_86 = arith.constant 1 : i32
    %scan3A_87 = scf.for %scan3A_150 = %scan3A_83 to %scan3A_85 step %scan3A_86 iter_args(%scan3A_151 = %scan3A_82) -> (i32)  : i32 {
      %mul3A_152 = arith.constant 16 : i32
      %mul3A_153 = arith.muli %scan3A_150, %mul3A_152 : i32
      %add3A_154 = arith.constant 256 : i32
      %add3A_155 = arith.addi %add3A_154, %mul3A_153 : i32
      %get3A = arith.index_cast %add3A_155 : i32 to index
      %get3A_156 = tpu.vector_load %arg12[%get3A] {strides = array<i32>} : memref<512xi32, #tpu.memory_space<vmem>>, vector<16xi32>,
      %iota3A = tpu.iota {dimensions = array<i32: 0>} : vector<16xi32>
      %eq3A = arith.constant 0 : i32
      %eq3A_157 = vector.broadcast %eq3A : i32 to vector<16xi32>
      %eq3A_158 = arith.cmpi eq, %iota3A, %eq3A_157 : vector<16xi32>
      %jit3A = arith.constant 0 : i32
      %broadcast_in_dim3A = vector.broadcast %jit3A : i32 to vector<16xi32>
      %select_n3A = arith.select %eq3A_158, %get3A_156, %broadcast_in_dim3A : vector<16xi1>, vector<16xi32>
      %reduce_sum3A = arith.constant true
      %reduce_sum3A_159 = vector.broadcast %reduce_sum3A : i1 to vector<16xi1>
      %reduce_sum3A_160 = tpu.scan <sum>, %select_n3A masked %reduce_sum3A_159 : vector<16xi32>, vector<16xi1> -> vector<16xi32>
      %reduce_sum3A_161 = vector.extract %reduce_sum3A_160[15] : i32 from vector<16xi32>
      %shift_right_arithmetic3A = arith.constant 3 : i32
      %shift_right_arithmetic3A_162 = arith.shrsi %reduce_sum3A_161, %shift_right_arithmetic3A : i32
      %and3A = arith.constant 7 : i32
      %and3A_163 = arith.andi %reduce_sum3A_161, %and3A : i32
      %mul3A_164 = arith.constant 16 : i32
      %mul3A_165 = arith.muli %scan3A_150, %mul3A_164 : i32
      %add3A_166 = arith.constant 0 : i32
      %add3A_167 = arith.addi %mul3A_165, %add3A_166 : i32
      %dma_start3A = arith.constant 0 : i32
      %dma_start3A_168 = tpu.memref_slice %arg15[%add3A_167, %dma_start3A] : memref<256x32xf32, #tpu.memory_space<vmem>> -> memref<1x32xf32, #tpu.memory_space<vmem>>
      %dma_start3A_169 = tpu.memref_squeeze %dma_start3A_168 : memref<1x32xf32, #tpu.memory_space<vmem>> -> memref<32xf32, #tpu.memory_space<vmem>>
      %dma_start3A_170 = arith.constant 0 : i32
      %dma_start3A_171 = tpu.memref_slice %arg5[%shift_right_arithmetic3A_162, %and3A_163, %dma_start3A_170] : memref<125000x8x32xf32, #tpu.memory_space<hbm>> -> memref<1x1x32xf32, #tpu.memory_space<hbm>>
      %dma_start3A_172 = tpu.memref_squeeze %dma_start3A_171 : memref<1x1x32xf32, #tpu.memory_space<hbm>> -> memref<32xf32, #tpu.memory_space<hbm>>
      %dma_start3A_173 = arith.constant 0 : i32
      %dma_start3A_174 = tpu.memref_slice %arg15[%add3A_167, %dma_start3A_173] : memref<256x32xf32, #tpu.memory_space<vmem>> -> memref<1x32xf32, #tpu.memory_space<vmem>>
      %dma_start3A_175 = tpu.memref_squeeze %dma_start3A_174 : memref<1x32xf32, #tpu.memory_space<vmem>> -> memref<32xf32, #tpu.memory_space<vmem>>
      %dma_start3A_176 = arith.constant 0 : i32
      %dma_start3A_177 = tpu.memref_slice %arg5[%shift_right_arithmetic3A_162, %and3A_163, %dma_start3A_176] : memref<125000x8x32xf32, #tpu.memory_space<hbm>> -> memref<1x1x32xf32, #tpu.memory_space<hbm>>
      %dma_start3A_178 = tpu.memref_squeeze %dma_start3A_177 : memref<1x1x32xf32, #tpu.memory_space<hbm>> -> memref<32xf32, #tpu.memory_space<hbm>>
      tpu.enqueue_dma source(%dma_start3A_178 : memref<32xf32, #tpu.memory_space<hbm>>) target(%dma_start3A_175 : memref<32xf32, #tpu.memory_space<vmem>>) target_semaphore(%arg19 : memref<!tpu.dma_semaphore, #tpu.memory_space<semaphore_mem>>)
      %iota3A_179 = tpu.iota {dimensions = array<i32: 0>} : vector<16xi32>
      %eq3A_180 = arith.constant 1 : i32
      %eq3A_181 = vector.broadcast %eq3A_180 : i32 to vector<16xi32>
      %eq3A_182 = arith.cmpi eq, %iota3A_179, %eq3A_181 : vector<16xi32>
      %jit3A_183 = arith.constant 0 : i32
      %broadcast_in_dim3A_184 = vector.broadcast %jit3A_183 : i32 to vector<16xi32>
      %select_n3A_185 = arith.select %eq3A_182, %get3A_156, %broadcast_in_dim3A_184 : vector<16xi1>, vector<16xi32>
      %reduce_sum3A_186 = arith.constant true
      %reduce_sum3A_187 = vector.broadcast %reduce_sum3A_186 : i1 to vector<16xi1>
      %reduce_sum3A_188 = tpu.scan <sum>, %select_n3A_185 masked %reduce_sum3A_187 : vector<16xi32>, vector<16xi1> -> vector<16xi32>
      %reduce_sum3A_189 = vector.extract %reduce_sum3A_188[15] : i32 from vector<16xi32>
      %shift_right_arithmetic3A_190 = arith.constant 3 : i32
      %shift_right_arithmetic3A_191 = arith.shrsi %reduce_sum3A_189, %shift_right_arithmetic3A_190 : i32
      %and3A_192 = arith.constant 7 : i32
      %and3A_193 = arith.andi %reduce_sum3A_189, %and3A_192 : i32
      %mul3A_194 = arith.constant 16 : i32
      %mul3A_195 = arith.muli %scan3A_150, %mul3A_194 : i32
      %add3A_196 = arith.constant 1 : i32
      %add3A_197 = arith.addi %mul3A_195, %add3A_196 : i32
      %dma_start3A_198 = arith.constant 0 : i32
      %dma_start3A_199 = tpu.memref_slice %arg15[%add3A_197, %dma_start3A_198] : memref<256x32xf32, #tpu.memory_space<vmem>> -> memref<1x32xf32, #tpu.memory_space<vmem>>
      %dma_start3A_200 = tpu.memref_squeeze %dma_start3A_199 : memref<1x32xf32, #tpu.memory_space<vmem>> -> memref<32xf32, #tpu.memory_space<vmem>>
      %dma_start3A_201 = arith.constant 0 : i32
      %dma_start3A_202 = tpu.memref_slice %arg5[%shift_right_arithmetic3A_191, %and3A_193, %dma_start3A_201] : memref<125000x8x32xf32, #tpu.memory_space<hbm>> -> memref<1x1x32xf32, #tpu.memory_space<hbm>>
      %dma_start3A_203 = tpu.memref_squeeze %dma_start3A_202 : memref<1x1x32xf32, #tpu.memory_space<hbm>> -> memref<32xf32, #tpu.memory_space<hbm>>
      %dma_start3A_204 = arith.constant 0 : i32
      %dma_start3A_205 = tpu.memref_slice %arg15[%add3A_197, %dma_start3A_204] : memref<256x32xf32, #tpu.memory_space<vmem>> -> memref<1x32xf32, #tpu.memory_space<vmem>>
      %dma_start3A_206 = tpu.memref_squeeze %dma_start3A_205 : memref<1x32xf32, #tpu.memory_space<vmem>> -> memref<32xf32, #tpu.memory_space<vmem>>
      %dma_start3A_207 = arith.constant 0 : i32
      %dma_start3A_208 = tpu.memref_slice %arg5[%shift_right_arithmetic3A_191, %and3A_193, %dma_start3A_207] : memref<125000x8x32xf32, #tpu.memory_space<hbm>> -> memref<1x1x32xf32, #tpu.memory_space<hbm>>
      %dma_start3A_209 = tpu.memref_squeeze %dma_start3A_208 : memref<1x1x32xf32, #tpu.memory_space<hbm>> -> memref<32xf32, #tpu.memory_space<hbm>>
      tpu.enqueue_dma source(%dma_start3A_209 : memref<32xf32, #tpu.memory_space<hbm>>) target(%dma_start3A_206 : memref<32xf32, #tpu.memory_space<vmem>>) target_semaphore(%arg19 : memref<!tpu.dma_semaphore, #tpu.memory_space<semaphore_mem>>)
      %iota3A_210 = tpu.iota {dimensions = array<i32: 0>} : vector<16xi32>
      %eq3A_211 = arith.constant 2 : i32
      %eq3A_212 = vector.broadcast %eq3A_211 : i32 to vector<16xi32>
      %eq3A_213 = arith.cmpi eq, %iota3A_210, %eq3A_212 : vector<16xi32>
      %jit3A_214 = arith.constant 0 : i32
      %broadcast_in_dim3A_215 = vector.broadcast %jit3A_214 : i32 to vector<16xi32>
      %select_n3A_216 = arith.select %eq3A_213, %get3A_156, %broadcast_in_dim3A_215 : vector<16xi1>, vector<16xi32>
      %reduce_sum3A_217 = arith.constant true
      %reduce_sum3A_218 = vector.broadcast %reduce_sum3A_217 : i1 to vector<16xi1>
      %reduce_sum3A_219 = tpu.scan <sum>, %select_n3A_216 masked %reduce_sum3A_218 : vector<16xi32>, vector<16xi1> -> vector<16xi32>
      %reduce_sum3A_220 = vector.extract %reduce_sum3A_219[15] : i32 from vector<16xi32>
      %shift_right_arithmetic3A_221 = arith.constant 3 : i32
      %shift_right_arithmetic3A_222 = arith.shrsi %reduce_sum3A_220, %shift_right_arithmetic3A_221 : i32
      %and3A_223 = arith.constant 7 : i32
      %and3A_224 = arith.andi %reduce_sum3A_220, %and3A_223 : i32
      %mul3A_225 = arith.constant 16 : i32
      %mul3A_226 = arith.muli %scan3A_150, %mul3A_225 : i32
      %add3A_227 = arith.constant 2 : i32
      %add3A_228 = arith.addi %mul3A_226, %add3A_227 : i32
      %dma_start3A_229 = arith.constant 0 : i32
      %dma_start3A_230 = tpu.memref_slice %arg15[%add3A_228, %dma_start3A_229] : memref<256x32xf32, #tpu.memory_space<vmem>> -> memref<1x32xf32, #tpu.memory_space<vmem>>
      %dma_start3A_231 = tpu.memref_squeeze %dma_start3A_230 : memref<1x32xf32, #tpu.memory_space<vmem>> -> memref<32xf32, #tpu.memory_space<vmem>>
      %dma_start3A_232 = arith.constant 0 : i32
      %dma_start3A_233 = tpu.memref_slice %arg5[%shift_right_arithmetic3A_222, %and3A_224, %dma_start3A_232] : memref<125000x8x32xf32, #tpu.memory_space<hbm>> -> memref<1x1x32xf32, #tpu.memory_space<hbm>>
      %dma_start3A_234 = tpu.memref_squeeze %dma_start3A_233 : memref<1x1x32xf32, #tpu.memory_space<hbm>> -> memref<32xf32, #tpu.memory_space<hbm>>
      %dma_start3A_235 = arith.constant 0 : i32
      %dma_start3A_236 = tpu.memref_slice %arg15[%add3A_228, %dma_start3A_235] : memref<256x32xf32, #tpu.memory_space<vmem>> -> memref<1x32xf32, #tpu.memory_space<vmem>>
      %dma_start3A_237 = tpu.memref_squeeze %dma_start3A_236 : memref<1x32xf32, #tpu.memory_space<vmem>> -> memref<32xf32, #tpu.memory_space<vmem>>
      %dma_start3A_238 = arith.constant 0 : i32
      %dma_start3A_239 = tpu.memref_slice %arg5[%shift_right_arithmetic3A_222, %and3A_224, %dma_start3A_238] : memref<125000x8x32xf32, #tpu.memory_space<hbm>> -> memref<1x1x32xf32, #tpu.memory_space<hbm>>
      %dma_start3A_240 = tpu.memref_squeeze %dma_start3A_239 : memref<1x1x32xf32, #tpu.memory_space<hbm>> -> memref<32xf32, #tpu.memory_space<hbm>>
      tpu.enqueue_dma source(%dma_start3A_240 : memref<32xf32, #tpu.memory_space<hbm>>) target(%dma_start3A_237 : memref<32xf32, #tpu.memory_space<vmem>>) target_semaphore(%arg19 : memref<!tpu.dma_semaphore, #tpu.memory_space<semaphore_mem>>)
      %iota3A_241 = tpu.iota {dimensions = array<i32: 0>} : vector<16xi32>
      %eq3A_242 = arith.constant 3 : i32
      %eq3A_243 = vector.broadcast %eq3A_242 : i32 to vector<16xi32>
      %eq3A_244 = arith.cmpi eq, %iota3A_241, %eq3A_243 : vector<16xi32>
      %jit3A_245 = arith.constant 0 : i32
      %broadcast_in_dim3A_246 = vector.broadcast %jit3A_245 : i32 to vector<16xi32>
      %select_n3A_247 = arith.select %eq3A_244, %get3A_156, %broadcast_in_dim3A_246 : vector<16xi1>, vector<16xi32>
      %reduce_sum3A_248 = arith.constant true
      %reduce_sum3A_249 = vector.broadcast %reduce_sum3A_248 : i1 to vector<16xi1>
      %reduce_sum3A_250 = tpu.scan <sum>, %select_n3A_247 masked %reduce_sum3A_249 : vector<16xi32>, vector<16xi1> -> vector<16xi32>
      %reduce_sum3A_251 = vector.extract %reduce_sum3A_250[15] : i32 from vector<16xi32>
      %shift_right_arithmetic3A_252 = arith.constant 3 : i32
      %shift_right_arithmetic3A_253 = arith.shrsi %reduce_sum3A_251, %shift_right_arithmetic3A_252 : i32
      %and3A_254 = arith.constant 7 : i32
      %and3A_255 = arith.andi %reduce_sum3A_251, %and3A_254 : i32
      %mul3A_256 = arith.constant 16 : i32
      %mul3A_257 = arith.muli %scan3A_150, %mul3A_256 : i32
      %add3A_258 = arith.constant 3 : i32
      %add3A_259 = arith.addi %mul3A_257, %add3A_258 : i32
      %dma_start3A_260 = arith.constant 0 : i32
      %dma_start3A_261 = tpu.memref_slice %arg15[%add3A_259, %dma_start3A_260] : memref<256x32xf32, #tpu.memory_space<vmem>> -> memref<1x32xf32, #tpu.memory_space<vmem>>
      %dma_start3A_262 = tpu.memref_squeeze %dma_start3A_261 : memref<1x32xf32, #tpu.memory_space<vmem>> -> memref<32xf32, #tpu.memory_space<vmem>>
      %dma_start3A_263 = arith.constant 0 : i32
      %dma_start3A_264 = tpu.memref_slice %arg5[%shift_right_arithmetic3A_253, %and3A_255, %dma_start3A_263] : memref<125000x8x32xf32, #tpu.memory_space<hbm>> -> memref<1x1x32xf32, #tpu.memory_space<hbm>>
      %dma_start3A_265 = tpu.memref_squeeze %dma_start3A_264 : memref<1x1x32xf32, #tpu.memory_space<hbm>> -> memref<32xf32, #tpu.memory_space<hbm>>
      %dma_start3A_266 = arith.constant 0 : i32
      %dma_start3A_267 = tpu.memref_slice %arg15[%add3A_259, %dma_start3A_266] : memref<256x32xf32, #tpu.memory_space<vmem>> -> memref<1x32xf32, #tpu.memory_space<vmem>>
      %dma_start3A_268 = tpu.memref_squeeze %dma_start3A_267 : memref<1x32xf32, #tpu.memory_space<vmem>> -> memref<32xf32, #tpu.memory_space<vmem>>
      %dma_start3A_269 = arith.constant 0 : i32
      %dma_start3A_270 = tpu.memref_slice %arg5[%shift_right_arithmetic3A_253, %and3A_255, %dma_start3A_269] : memref<125000x8x32xf32, #tpu.memory_space<hbm>> -> memref<1x1x32xf32, #tpu.memory_space<hbm>>
      %dma_start3A_271 = tpu.memref_squeeze %dma_start3A_270 : memref<1x1x32xf32, #tpu.memory_space<hbm>> -> memref<32xf32, #tpu.memory_space<hbm>>
      tpu.enqueue_dma source(%dma_start3A_271 : memref<32xf32, #tpu.memory_space<hbm>>) target(%dma_start3A_268 : memref<32xf32, #tpu.memory_space<vmem>>) target_semaphore(%arg19 : memref<!tpu.dma_semaphore, #tpu.memory_space<semaphore_mem>>)
      %iota3A_272 = tpu.iota {dimensions = array<i32: 0>} : vector<16xi32>
      %eq3A_273 = arith.constant 4 : i32
      %eq3A_274 = vector.broadcast %eq3A_273 : i32 to vector<16xi32>
      %eq3A_275 = arith.cmpi eq, %iota3A_272, %eq3A_274 : vector<16xi32>
      %jit3A_276 = arith.constant 0 : i32
      %broadcast_in_dim3A_277 = vector.broadcast %jit3A_276 : i32 to vector<16xi32>
      %select_n3A_278 = arith.select %eq3A_275, %get3A_156, %broadcast_in_dim3A_277 : vector<16xi1>, vector<16xi32>
      %reduce_sum3A_279 = arith.constant true
      %reduce_sum3A_280 = vector.broadcast %reduce_sum3A_279 : i1 to vector<16xi1>
      %reduce_sum3A_281 = tpu.scan <sum>, %select_n3A_278 masked %reduce_sum3A_280 : vector<16xi32>, vector<16xi1> -> vector<16xi32>
      %reduce_sum3A_282 = vector.extract %reduce_sum3A_281[15] : i32 from vector<16xi32>
      %shift_right_arithmetic3A_283 = arith.constant 3 : i32
      %shift_right_arithmetic3A_284 = arith.shrsi %reduce_sum3A_282, %shift_right_arithmetic3A_283 : i32
      %and3A_285 = arith.constant 7 : i32
      %and3A_286 = arith.andi %reduce_sum3A_282, %and3A_285 : i32
      %mul3A_287 = arith.constant 16 : i32
      %mul3A_288 = arith.muli %scan3A_150, %mul3A_287 : i32
      %add3A_289 = arith.constant 4 : i32
      %add3A_290 = arith.addi %mul3A_288, %add3A_289 : i32
      %dma_start3A_291 = arith.constant 0 : i32
      %dma_start3A_292 = tpu.memref_slice %arg15[%add3A_290, %dma_start3A_291] : memref<256x32xf32, #tpu.memory_space<vmem>> -> memref<1x32xf32, #tpu.memory_space<vmem>>
      %dma_start3A_293 = tpu.memref_squeeze %dma_start3A_292 : memref<1x32xf32, #tpu.memory_space<vmem>> -> memref<32xf32, #tpu.memory_space<vmem>>
      %dma_start3A_294 = arith.constant 0 : i32
      %dma_start3A_295 = tpu.memref_slice %arg5[%shift_right_arithmetic3A_284, %and3A_286, %dma_start3A_294] : memref<125000x8x32xf32, #tpu.memory_space<hbm>> -> memref<1x1x32xf32, #tpu.memory_space<hbm>>
      %dma_start3A_296 = tpu.memref_squeeze %dma_start3A_295 : memref<1x1x32xf32, #tpu.memory_space<hbm>> -> memref<32xf32, #tpu.memory_space<hbm>>
      %dma_start3A_297 = arith.constant 0 : i32
      %dma_start3A_298 = tpu.memref_slice %arg15[%add3A_290, %dma_start3A_297] : memref<256x32xf32, #tpu.memory_space<vmem>> -> memref<1x32xf32, #tpu.memory_space<vmem>>
      %dma_start3A_299 = tpu.memref_squeeze %dma_start3A_298 : memref<1x32xf32, #tpu.memory_space<vmem>> -> memref<32xf32, #tpu.memory_space<vmem>>
      %dma_start3A_300 = arith.constant 0 : i32
      %dma_start3A_301 = tpu.memref_slice %arg5[%shift_right_arithmetic3A_284, %and3A_286, %dma_start3A_300] : memref<125000x8x32xf32, #tpu.memory_space<hbm>> -> memref<1x1x32xf32, #tpu.memory_space<hbm>>
      %dma_start3A_302 = tpu.memref_squeeze %dma_start3A_301 : memref<1x1x32xf32, #tpu.memory_space<hbm>> -> memref<32xf32, #tpu.memory_space<hbm>>
      tpu.enqueue_dma source(%dma_start3A_302 : memref<32xf32, #tpu.memory_space<hbm>>) target(%dma_start3A_299 : memref<32xf32, #tpu.memory_space<vmem>>) target_semaphore(%arg19 : memref<!tpu.dma_semaphore, #tpu.memory_space<semaphore_mem>>)
      %iota3A_303 = tpu.iota {dimensions = array<i32: 0>} : vector<16xi32>
      %eq3A_304 = arith.constant 5 : i32
      %eq3A_305 = vector.broadcast %eq3A_304 : i32 to vector<16xi32>
      %eq3A_306 = arith.cmpi eq, %iota3A_303, %eq3A_305 : vector<16xi32>
      %jit3A_307 = arith.constant 0 : i32
      %broadcast_in_dim3A_308 = vector.broadcast %jit3A_307 : i32 to vector<16xi32>
      %select_n3A_309 = arith.select %eq3A_306, %get3A_156, %broadcast_in_dim3A_308 : vector<16xi1>, vector<16xi32>
      %reduce_sum3A_310 = arith.constant true
      %reduce_sum3A_311 = vector.broadcast %reduce_sum3A_310 : i1 to vector<16xi1>
      %reduce_sum3A_312 = tpu.scan <sum>, %select_n3A_309 masked %reduce_sum3A_311 : vector<16xi32>, vector<16xi1> -> vector<16xi32>
      %reduce_sum3A_313 = vector.extract %reduce_sum3A_312[15] : i32 from vector<16xi32>
      %shift_right_arithmetic3A_314 = arith.constant 3 : i32
      %shift_right_arithmetic3A_315 = arith.shrsi %reduce_sum3A_313, %shift_right_arithmetic3A_314 : i32
      %and3A_316 = arith.constant 7 : i32
      %and3A_317 = arith.andi %reduce_sum3A_313, %and3A_316 : i32
      %mul3A_318 = arith.constant 16 : i32
      %mul3A_319 = arith.muli %scan3A_150, %mul3A_318 : i32
      %add3A_320 = arith.constant 5 : i32
      %add3A_321 = arith.addi %mul3A_319, %add3A_320 : i32
      %dma_start3A_322 = arith.constant 0 : i32
      %dma_start3A_323 = tpu.memref_slice %arg15[%add3A_321, %dma_start3A_322] : memref<256x32xf32, #tpu.memory_space<vmem>> -> memref<1x32xf32, #tpu.memory_space<vmem>>
      %dma_start3A_324 = tpu.memref_squeeze %dma_start3A_323 : memref<1x32xf32, #tpu.memory_space<vmem>> -> memref<32xf32, #tpu.memory_space<vmem>>
      %dma_start3A_325 = arith.constant 0 : i32
      %dma_start3A_326 = tpu.memref_slice %arg5[%shift_right_arithmetic3A_315, %and3A_317, %dma_start3A_325] : memref<125000x8x32xf32, #tpu.memory_space<hbm>> -> memref<1x1x32xf32, #tpu.memory_space<hbm>>
      %dma_start3A_327 = tpu.memref_squeeze %dma_start3A_326 : memref<1x1x32xf32, #tpu.memory_space<hbm>> -> memref<32xf32, #tpu.memory_space<hbm>>
      %dma_start3A_328 = arith.constant 0 : i32
      %dma_start3A_329 = tpu.memref_slice %arg15[%add3A_321, %dma_start3A_328] : memref<256x32xf32, #tpu.memory_space<vmem>> -> memref<1x32xf32, #tpu.memory_space<vmem>>
      %dma_start3A_330 = tpu.memref_squeeze %dma_start3A_329 : memref<1x32xf32, #tpu.memory_space<vmem>> -> memref<32xf32, #tpu.memory_space<vmem>>
      %dma_start3A_331 = arith.constant 0 : i32
      %dma_start3A_332 = tpu.memref_slice %arg5[%shift_right_arithmetic3A_315, %and3A_317, %dma_start3A_331] : memref<125000x8x32xf32, #tpu.memory_space<hbm>> -> memref<1x1x32xf32, #tpu.memory_space<hbm>>
      %dma_start3A_333 = tpu.memref_squeeze %dma_start3A_332 : memref<1x1x32xf32, #tpu.memory_space<hbm>> -> memref<32xf32, #tpu.memory_space<hbm>>
      tpu.enqueue_dma source(%dma_start3A_333 : memref<32xf32, #tpu.memory_space<hbm>>) target(%dma_start3A_330 : memref<32xf32, #tpu.memory_space<vmem>>) target_semaphore(%arg19 : memref<!tpu.dma_semaphore, #tpu.memory_space<semaphore_mem>>)
      %iota3A_334 = tpu.iota {dimensions = array<i32: 0>} : vector<16xi32>
      %eq3A_335 = arith.constant 6 : i32
      %eq3A_336 = vector.broadcast %eq3A_335 : i32 to vector<16xi32>
      %eq3A_337 = arith.cmpi eq, %iota3A_334, %eq3A_336 : vector<16xi32>
      %jit3A_338 = arith.constant 0 : i32
      %broadcast_in_dim3A_339 = vector.broadcast %jit3A_338 : i32 to vector<16xi32>
      %select_n3A_340 = arith.select %eq3A_337, %get3A_156, %broadcast_in_dim3A_339 : vector<16xi1>, vector<16xi32>
      %reduce_sum3A_341 = arith.constant true
      %reduce_sum3A_342 = vector.broadcast %reduce_sum3A_341 : i1 to vector<16xi1>
      %reduce_sum3A_343 = tpu.scan <sum>, %select_n3A_340 masked %reduce_sum3A_342 : vector<16xi32>, vector<16xi1> -> vector<16xi32>
      %reduce_sum3A_344 = vector.extract %reduce_sum3A_343[15] : i32 from vector<16xi32>
      %shift_right_arithmetic3A_345 = arith.constant 3 : i32
      %shift_right_arithmetic3A_346 = arith.shrsi %reduce_sum3A_344, %shift_right_arithmetic3A_345 : i32
      %and3A_347 = arith.constant 7 : i32
      %and3A_348 = arith.andi %reduce_sum3A_344, %and3A_347 : i32
      %mul3A_349 = arith.constant 16 : i32
      %mul3A_350 = arith.muli %scan3A_150, %mul3A_349 : i32
      %add3A_351 = arith.constant 6 : i32
      %add3A_352 = arith.addi %mul3A_350, %add3A_351 : i32
      %dma_start3A_353 = arith.constant 0 : i32
      %dma_start3A_354 = tpu.memref_slice %arg15[%add3A_352, %dma_start3A_353] : memref<256x32xf32, #tpu.memory_space<vmem>> -> memref<1x32xf32, #tpu.memory_space<vmem>>
      %dma_start3A_355 = tpu.memref_squeeze %dma_start3A_354 : memref<1x32xf32, #tpu.memory_space<vmem>> -> memref<32xf32, #tpu.memory_space<vmem>>
      %dma_start3A_356 = arith.constant 0 : i32
      %dma_start3A_357 = tpu.memref_slice %arg5[%shift_right_arithmetic3A_346, %and3A_348, %dma_start3A_356] : memref<125000x8x32xf32, #tpu.memory_space<hbm>> -> memref<1x1x32xf32, #tpu.memory_space<hbm>>
      %dma_start3A_358 = tpu.memref_squeeze %dma_start3A_357 : memref<1x1x32xf32, #tpu.memory_space<hbm>> -> memref<32xf32, #tpu.memory_space<hbm>>
      %dma_start3A_359 = arith.constant 0 : i32
      %dma_start3A_360 = tpu.memref_slice %arg15[%add3A_352, %dma_start3A_359] : memref<256x32xf32, #tpu.memory_space<vmem>> -> memref<1x32xf32, #tpu.memory_space<vmem>>
      %dma_start3A_361 = tpu.memref_squeeze %dma_start3A_360 : memref<1x32xf32, #tpu.memory_space<vmem>> -> memref<32xf32, #tpu.memory_space<vmem>>
      %dma_start3A_362 = arith.constant 0 : i32
      %dma_start3A_363 = tpu.memref_slice %arg5[%shift_right_arithmetic3A_346, %and3A_348, %dma_start3A_362] : memref<125000x8x32xf32, #tpu.memory_space<hbm>> -> memref<1x1x32xf32, #tpu.memory_space<hbm>>
      %dma_start3A_364 = tpu.memref_squeeze %dma_start3A_363 : memref<1x1x32xf32, #tpu.memory_space<hbm>> -> memref<32xf32, #tpu.memory_space<hbm>>
      tpu.enqueue_dma source(%dma_start3A_364 : memref<32xf32, #tpu.memory_space<hbm>>) target(%dma_start3A_361 : memref<32xf32, #tpu.memory_space<vmem>>) target_semaphore(%arg19 : memref<!tpu.dma_semaphore, #tpu.memory_space<semaphore_mem>>)
      %iota3A_365 = tpu.iota {dimensions = array<i32: 0>} : vector<16xi32>
      %eq3A_366 = arith.constant 7 : i32
      %eq3A_367 = vector.broadcast %eq3A_366 : i32 to vector<16xi32>
      %eq3A_368 = arith.cmpi eq, %iota3A_365, %eq3A_367 : vector<16xi32>
      %jit3A_369 = arith.constant 0 : i32
      %broadcast_in_dim3A_370 = vector.broadcast %jit3A_369 : i32 to vector<16xi32>
      %select_n3A_371 = arith.select %eq3A_368, %get3A_156, %broadcast_in_dim3A_370 : vector<16xi1>, vector<16xi32>
      %reduce_sum3A_372 = arith.constant true
      %reduce_sum3A_373 = vector.broadcast %reduce_sum3A_372 : i1 to vector<16xi1>
      %reduce_sum3A_374 = tpu.scan <sum>, %select_n3A_371 masked %reduce_sum3A_373 : vector<16xi32>, vector<16xi1> -> vector<16xi32>
      %reduce_sum3A_375 = vector.extract %reduce_sum3A_374[15] : i32 from vector<16xi32>
      %shift_right_arithmetic3A_376 = arith.constant 3 : i32
      %shift_right_arithmetic3A_377 = arith.shrsi %reduce_sum3A_375, %shift_right_arithmetic3A_376 : i32
      %and3A_378 = arith.constant 7 : i32
      %and3A_379 = arith.andi %reduce_sum3A_375, %and3A_378 : i32
      %mul3A_380 = arith.constant 16 : i32
      %mul3A_381 = arith.muli %scan3A_150, %mul3A_380 : i32
      %add3A_382 = arith.constant 7 : i32
      %add3A_383 = arith.addi %mul3A_381, %add3A_382 : i32
      %dma_start3A_384 = arith.constant 0 : i32
      %dma_start3A_385 = tpu.memref_slice %arg15[%add3A_383, %dma_start3A_384] : memref<256x32xf32, #tpu.memory_space<vmem>> -> memref<1x32xf32, #tpu.memory_space<vmem>>
      %dma_start3A_386 = tpu.memref_squeeze %dma_start3A_385 : memref<1x32xf32, #tpu.memory_space<vmem>> -> memref<32xf32, #tpu.memory_space<vmem>>
      %dma_start3A_387 = arith.constant 0 : i32
      %dma_start3A_388 = tpu.memref_slice %arg5[%shift_right_arithmetic3A_377, %and3A_379, %dma_start3A_387] : memref<125000x8x32xf32, #tpu.memory_space<hbm>> -> memref<1x1x32xf32, #tpu.memory_space<hbm>>
      %dma_start3A_389 = tpu.memref_squeeze %dma_start3A_388 : memref<1x1x32xf32, #tpu.memory_space<hbm>> -> memref<32xf32, #tpu.memory_space<hbm>>
      %dma_start3A_390 = arith.constant 0 : i32
      %dma_start3A_391 = tpu.memref_slice %arg15[%add3A_383, %dma_start3A_390] : memref<256x32xf32, #tpu.memory_space<vmem>> -> memref<1x32xf32, #tpu.memory_space<vmem>>
      %dma_start3A_392 = tpu.memref_squeeze %dma_start3A_391 : memref<1x32xf32, #tpu.memory_space<vmem>> -> memref<32xf32, #tpu.memory_space<vmem>>
      %dma_start3A_393 = arith.constant 0 : i32
      %dma_start3A_394 = tpu.memref_slice %arg5[%shift_right_arithmetic3A_377, %and3A_379, %dma_start3A_393] : memref<125000x8x32xf32, #tpu.memory_space<hbm>> -> memref<1x1x32xf32, #tpu.memory_space<hbm>>
      %dma_start3A_395 = tpu.memref_squeeze %dma_start3A_394 : memref<1x1x32xf32, #tpu.memory_space<hbm>> -> memref<32xf32, #tpu.memory_space<hbm>>
      tpu.enqueue_dma source(%dma_start3A_395 : memref<32xf32, #tpu.memory_space<hbm>>) target(%dma_start3A_392 : memref<32xf32, #tpu.memory_space<vmem>>) target_semaphore(%arg19 : memref<!tpu.dma_semaphore, #tpu.memory_space<semaphore_mem>>)
      %iota3A_396 = tpu.iota {dimensions = array<i32: 0>} : vector<16xi32>
      %eq3A_397 = arith.constant 8 : i32
      %eq3A_398 = vector.broadcast %eq3A_397 : i32 to vector<16xi32>
      %eq3A_399 = arith.cmpi eq, %iota3A_396, %eq3A_398 : vector<16xi32>
      %jit3A_400 = arith.constant 0 : i32
      %broadcast_in_dim3A_401 = vector.broadcast %jit3A_400 : i32 to vector<16xi32>
      %select_n3A_402 = arith.select %eq3A_399, %get3A_156, %broadcast_in_dim3A_401 : vector<16xi1>, vector<16xi32>
      %reduce_sum3A_403 = arith.constant true
      %reduce_sum3A_404 = vector.broadcast %reduce_sum3A_403 : i1 to vector<16xi1>
      %reduce_sum3A_405 = tpu.scan <sum>, %select_n3A_402 masked %reduce_sum3A_404 : vector<16xi32>, vector<16xi1> -> vector<16xi32>
      %reduce_sum3A_406 = vector.extract %reduce_sum3A_405[15] : i32 from vector<16xi32>
      %shift_right_arithmetic3A_407 = arith.constant 3 : i32
      %shift_right_arithmetic3A_408 = arith.shrsi %reduce_sum3A_406, %shift_right_arithmetic3A_407 : i32
      %and3A_409 = arith.constant 7 : i32
      %and3A_410 = arith.andi %reduce_sum3A_406, %and3A_409 : i32
      %mul3A_411 = arith.constant 16 : i32
      %mul3A_412 = arith.muli %scan3A_150, %mul3A_411 : i32
      %add3A_413 = arith.constant 8 : i32
      %add3A_414 = arith.addi %mul3A_412, %add3A_413 : i32
      %dma_start3A_415 = arith.constant 0 : i32
      %dma_start3A_416 = tpu.memref_slice %arg15[%add3A_414, %dma_start3A_415] : memref<256x32xf32, #tpu.memory_space<vmem>> -> memref<1x32xf32, #tpu.memory_space<vmem>>
      %dma_start3A_417 = tpu.memref_squeeze %dma_start3A_416 : memref<1x32xf32, #tpu.memory_space<vmem>> -> memref<32xf32, #tpu.memory_space<vmem>>
      %dma_start3A_418 = arith.constant 0 : i32
      %dma_start3A_419 = tpu.memref_slice %arg5[%shift_right_arithmetic3A_408, %and3A_410, %dma_start3A_418] : memref<125000x8x32xf32, #tpu.memory_space<hbm>> -> memref<1x1x32xf32, #tpu.memory_space<hbm>>
      %dma_start3A_420 = tpu.memref_squeeze %dma_start3A_419 : memref<1x1x32xf32, #tpu.memory_space<hbm>> -> memref<32xf32, #tpu.memory_space<hbm>>
      %dma_start3A_421 = arith.constant 0 : i32
      %dma_start3A_422 = tpu.memref_slice %arg15[%add3A_414, %dma_start3A_421] : memref<256x32xf32, #tpu.memory_space<vmem>> -> memref<1x32xf32, #tpu.memory_space<vmem>>
      %dma_start3A_423 = tpu.memref_squeeze %dma_start3A_422 : memref<1x32xf32, #tpu.memory_space<vmem>> -> memref<32xf32, #tpu.memory_space<vmem>>
      %dma_start3A_424 = arith.constant 0 : i32
      %dma_start3A_425 = tpu.memref_slice %arg5[%shift_right_arithmetic3A_408, %and3A_410, %dma_start3A_424] : memref<125000x8x32xf32, #tpu.memory_space<hbm>> -> memref<1x1x32xf32, #tpu.memory_space<hbm>>
      %dma_start3A_426 = tpu.memref_squeeze %dma_start3A_425 : memref<1x1x32xf32, #tpu.memory_space<hbm>> -> memref<32xf32, #tpu.memory_space<hbm>>
      tpu.enqueue_dma source(%dma_start3A_426 : memref<32xf32, #tpu.memory_space<hbm>>) target(%dma_start3A_423 : memref<32xf32, #tpu.memory_space<vmem>>) target_semaphore(%arg19 : memref<!tpu.dma_semaphore, #tpu.memory_space<semaphore_mem>>)
      %iota3A_427 = tpu.iota {dimensions = array<i32: 0>} : vector<16xi32>
      %eq3A_428 = arith.constant 9 : i32
      %eq3A_429 = vector.broadcast %eq3A_428 : i32 to vector<16xi32>
      %eq3A_430 = arith.cmpi eq, %iota3A_427, %eq3A_429 : vector<16xi32>
      %jit3A_431 = arith.constant 0 : i32
      %broadcast_in_dim3A_432 = vector.broadcast %jit3A_431 : i32 to vector<16xi32>
      %select_n3A_433 = arith.select %eq3A_430, %get3A_156, %broadcast_in_dim3A_432 : vector<16xi1>, vector<16xi32>
      %reduce_sum3A_434 = arith.constant true
      %reduce_sum3A_435 = vector.broadcast %reduce_sum3A_434 : i1 to vector<16xi1>
      %reduce_sum3A_436 = tpu.scan <sum>, %select_n3A_433 masked %reduce_sum3A_435 : vector<16xi32>, vector<16xi1> -> vector<16xi32>
      %reduce_sum3A_437 = vector.extract %reduce_sum3A_436[15] : i32 from vector<16xi32>
      %shift_right_arithmetic3A_438 = arith.constant 3 : i32
      %shift_right_arithmetic3A_439 = arith.shrsi %reduce_sum3A_437, %shift_right_arithmetic3A_438 : i32
      %and3A_440 = arith.constant 7 : i32
      %and3A_441 = arith.andi %reduce_sum3A_437, %and3A_440 : i32
      %mul3A_442 = arith.constant 16 : i32
      %mul3A_443 = arith.muli %scan3A_150, %mul3A_442 : i32
      %add3A_444 = arith.constant 9 : i32
      %add3A_445 = arith.addi %mul3A_443, %add3A_444 : i32
      %dma_start3A_446 = arith.constant 0 : i32
      %dma_start3A_447 = tpu.memref_slice %arg15[%add3A_445, %dma_start3A_446] : memref<256x32xf32, #tpu.memory_space<vmem>> -> memref<1x32xf32, #tpu.memory_space<vmem>>
      %dma_start3A_448 = tpu.memref_squeeze %dma_start3A_447 : memref<1x32xf32, #tpu.memory_space<vmem>> -> memref<32xf32, #tpu.memory_space<vmem>>
      %dma_start3A_449 = arith.constant 0 : i32
      %dma_start3A_450 = tpu.memref_slice %arg5[%shift_right_arithmetic3A_439, %and3A_441, %dma_start3A_449] : memref<125000x8x32xf32, #tpu.memory_space<hbm>> -> memref<1x1x32xf32, #tpu.memory_space<hbm>>
      %dma_start3A_451 = tpu.memref_squeeze %dma_start3A_450 : memref<1x1x32xf32, #tpu.memory_space<hbm>> -> memref<32xf32, #tpu.memory_space<hbm>>
      %dma_start3A_452 = arith.constant 0 : i32
      %dma_start3A_453 = tpu.memref_slice %arg15[%add3A_445, %dma_start3A_452] : memref<256x32xf32, #tpu.memory_space<vmem>> -> memref<1x32xf32, #tpu.memory_space<vmem>>
      %dma_start3A_454 = tpu.memref_squeeze %dma_start3A_453 : memref<1x32xf32, #tpu.memory_space<vmem>> -> memref<32xf32, #tpu.memory_space<vmem>>
      %dma_start3A_455 = arith.constant 0 : i32
      %dma_start3A_456 = tpu.memref_slice %arg5[%shift_right_arithmetic3A_439, %and3A_441, %dma_start3A_455] : memref<125000x8x32xf32, #tpu.memory_space<hbm>> -> memref<1x1x32xf32, #tpu.memory_space<hbm>>
      %dma_start3A_457 = tpu.memref_squeeze %dma_start3A_456 : memref<1x1x32xf32, #tpu.memory_space<hbm>> -> memref<32xf32, #tpu.memory_space<hbm>>
      tpu.enqueue_dma source(%dma_start3A_457 : memref<32xf32, #tpu.memory_space<hbm>>) target(%dma_start3A_454 : memref<32xf32, #tpu.memory_space<vmem>>) target_semaphore(%arg19 : memref<!tpu.dma_semaphore, #tpu.memory_space<semaphore_mem>>)
      %iota3A_458 = tpu.iota {dimensions = array<i32: 0>} : vector<16xi32>
      %eq3A_459 = arith.constant 10 : i32
      %eq3A_460 = vector.broadcast %eq3A_459 : i32 to vector<16xi32>
      %eq3A_461 = arith.cmpi eq, %iota3A_458, %eq3A_460 : vector<16xi32>
      %jit3A_462 = arith.constant 0 : i32
      %broadcast_in_dim3A_463 = vector.broadcast %jit3A_462 : i32 to vector<16xi32>
      %select_n3A_464 = arith.select %eq3A_461, %get3A_156, %broadcast_in_dim3A_463 : vector<16xi1>, vector<16xi32>
      %reduce_sum3A_465 = arith.constant true
      %reduce_sum3A_466 = vector.broadcast %reduce_sum3A_465 : i1 to vector<16xi1>
      %reduce_sum3A_467 = tpu.scan <sum>, %select_n3A_464 masked %reduce_sum3A_466 : vector<16xi32>, vector<16xi1> -> vector<16xi32>
      %reduce_sum3A_468 = vector.extract %reduce_sum3A_467[15] : i32 from vector<16xi32>
      %shift_right_arithmetic3A_469 = arith.constant 3 : i32
      %shift_right_arithmetic3A_470 = arith.shrsi %reduce_sum3A_468, %shift_right_arithmetic3A_469 : i32
      %and3A_471 = arith.constant 7 : i32
      %and3A_472 = arith.andi %reduce_sum3A_468, %and3A_471 : i32
      %mul3A_473 = arith.constant 16 : i32
      %mul3A_474 = arith.muli %scan3A_150, %mul3A_473 : i32
      %add3A_475 = arith.constant 10 : i32
      %add3A_476 = arith.addi %mul3A_474, %add3A_475 : i32
      %dma_start3A_477 = arith.constant 0 : i32
      %dma_start3A_478 = tpu.memref_slice %arg15[%add3A_476, %dma_start3A_477] : memref<256x32xf32, #tpu.memory_space<vmem>> -> memref<1x32xf32, #tpu.memory_space<vmem>>
      %dma_start3A_479 = tpu.memref_squeeze %dma_start3A_478 : memref<1x32xf32, #tpu.memory_space<vmem>> -> memref<32xf32, #tpu.memory_space<vmem>>
      %dma_start3A_480 = arith.constant 0 : i32
      %dma_start3A_481 = tpu.memref_slice %arg5[%shift_right_arithmetic3A_470, %and3A_472, %dma_start3A_480] : memref<125000x8x32xf32, #tpu.memory_space<hbm>> -> memref<1x1x32xf32, #tpu.memory_space<hbm>>
      %dma_start3A_482 = tpu.memref_squeeze %dma_start3A_481 : memref<1x1x32xf32, #tpu.memory_space<hbm>> -> memref<32xf32, #tpu.memory_space<hbm>>
      %dma_start3A_483 = arith.constant 0 : i32
      %dma_start3A_484 = tpu.memref_slice %arg15[%add3A_476, %dma_start3A_483] : memref<256x32xf32, #tpu.memory_space<vmem>> -> memref<1x32xf32, #tpu.memory_space<vmem>>
      %dma_start3A_485 = tpu.memref_squeeze %dma_start3A_484 : memref<1x32xf32, #tpu.memory_space<vmem>> -> memref<32xf32, #tpu.memory_space<vmem>>
      %dma_start3A_486 = arith.constant 0 : i32
      %dma_start3A_487 = tpu.memref_slice %arg5[%shift_right_arithmetic3A_470, %and3A_472, %dma_start3A_486] : memref<125000x8x32xf32, #tpu.memory_space<hbm>> -> memref<1x1x32xf32, #tpu.memory_space<hbm>>
      %dma_start3A_488 = tpu.memref_squeeze %dma_start3A_487 : memref<1x1x32xf32, #tpu.memory_space<hbm>> -> memref<32xf32, #tpu.memory_space<hbm>>
      tpu.enqueue_dma source(%dma_start3A_488 : memref<32xf32, #tpu.memory_space<hbm>>) target(%dma_start3A_485 : memref<32xf32, #tpu.memory_space<vmem>>) target_semaphore(%arg19 : memref<!tpu.dma_semaphore, #tpu.memory_space<semaphore_mem>>)
      %iota3A_489 = tpu.iota {dimensions = array<i32: 0>} : vector<16xi32>
      %eq3A_490 = arith.constant 11 : i32
      %eq3A_491 = vector.broadcast %eq3A_490 : i32 to vector<16xi32>
      %eq3A_492 = arith.cmpi eq, %iota3A_489, %eq3A_491 : vector<16xi32>
      %jit3A_493 = arith.constant 0 : i32
      %broadcast_in_dim3A_494 = vector.broadcast %jit3A_493 : i32 to vector<16xi32>
      %select_n3A_495 = arith.select %eq3A_492, %get3A_156, %broadcast_in_dim3A_494 : vector<16xi1>, vector<16xi32>
      %reduce_sum3A_496 = arith.constant true
      %reduce_sum3A_497 = vector.broadcast %reduce_sum3A_496 : i1 to vector<16xi1>
      %reduce_sum3A_498 = tpu.scan <sum>, %select_n3A_495 masked %reduce_sum3A_497 : vector<16xi32>, vector<16xi1> -> vector<16xi32>
      %reduce_sum3A_499 = vector.extract %reduce_sum3A_498[15] : i32 from vector<16xi32>
      %shift_right_arithmetic3A_500 = arith.constant 3 : i32
      %shift_right_arithmetic3A_501 = arith.shrsi %reduce_sum3A_499, %shift_right_arithmetic3A_500 : i32
      %and3A_502 = arith.constant 7 : i32
      %and3A_503 = arith.andi %reduce_sum3A_499, %and3A_502 : i32
      %mul3A_504 = arith.constant 16 : i32
      %mul3A_505 = arith.muli %scan3A_150, %mul3A_504 : i32
      %add3A_506 = arith.constant 11 : i32
      %add3A_507 = arith.addi %mul3A_505, %add3A_506 : i32
      %dma_start3A_508 = arith.constant 0 : i32
      %dma_start3A_509 = tpu.memref_slice %arg15[%add3A_507, %dma_start3A_508] : memref<256x32xf32, #tpu.memory_space<vmem>> -> memref<1x32xf32, #tpu.memory_space<vmem>>
      %dma_start3A_510 = tpu.memref_squeeze %dma_start3A_509 : memref<1x32xf32, #tpu.memory_space<vmem>> -> memref<32xf32, #tpu.memory_space<vmem>>
      %dma_start3A_511 = arith.constant 0 : i32
      %dma_start3A_512 = tpu.memref_slice %arg5[%shift_right_arithmetic3A_501, %and3A_503, %dma_start3A_511] : memref<125000x8x32xf32, #tpu.memory_space<hbm>> -> memref<1x1x32xf32, #tpu.memory_space<hbm>>
      %dma_start3A_513 = tpu.memref_squeeze %dma_start3A_512 : memref<1x1x32xf32, #tpu.memory_space<hbm>> -> memref<32xf32, #tpu.memory_space<hbm>>
      %dma_start3A_514 = arith.constant 0 : i32
      %dma_start3A_515 = tpu.memref_slice %arg15[%add3A_507, %dma_start3A_514] : memref<256x32xf32, #tpu.memory_space<vmem>> -> memref<1x32xf32, #tpu.memory_space<vmem>>
      %dma_start3A_516 = tpu.memref_squeeze %dma_start3A_515 : memref<1x32xf32, #tpu.memory_space<vmem>> -> memref<32xf32, #tpu.memory_space<vmem>>
      %dma_start3A_517 = arith.constant 0 : i32
      %dma_start3A_518 = tpu.memref_slice %arg5[%shift_right_arithmetic3A_501, %and3A_503, %dma_start3A_517] : memref<125000x8x32xf32, #tpu.memory_space<hbm>> -> memref<1x1x32xf32, #tpu.memory_space<hbm>>
      %dma_start3A_519 = tpu.memref_squeeze %dma_start3A_518 : memref<1x1x32xf32, #tpu.memory_space<hbm>> -> memref<32xf32, #tpu.memory_space<hbm>>
      tpu.enqueue_dma source(%dma_start3A_519 : memref<32xf32, #tpu.memory_space<hbm>>) target(%dma_start3A_516 : memref<32xf32, #tpu.memory_space<vmem>>) target_semaphore(%arg19 : memref<!tpu.dma_semaphore, #tpu.memory_space<semaphore_mem>>)
      %iota3A_520 = tpu.iota {dimensions = array<i32: 0>} : vector<16xi32>
      %eq3A_521 = arith.constant 12 : i32
      %eq3A_522 = vector.broadcast %eq3A_521 : i32 to vector<16xi32>
      %eq3A_523 = arith.cmpi eq, %iota3A_520, %eq3A_522 : vector<16xi32>
      %jit3A_524 = arith.constant 0 : i32
      %broadcast_in_dim3A_525 = vector.broadcast %jit3A_524 : i32 to vector<16xi32>
      %select_n3A_526 = arith.select %eq3A_523, %get3A_156, %broadcast_in_dim3A_525 : vector<16xi1>, vector<16xi32>
      %reduce_sum3A_527 = arith.constant true
      %reduce_sum3A_528 = vector.broadcast %reduce_sum3A_527 : i1 to vector<16xi1>
      %reduce_sum3A_529 = tpu.scan <sum>, %select_n3A_526 masked %reduce_sum3A_528 : vector<16xi32>, vector<16xi1> -> vector<16xi32>
      %reduce_sum3A_530 = vector.extract %reduce_sum3A_529[15] : i32 from vector<16xi32>
      %shift_right_arithmetic3A_531 = arith.constant 3 : i32
      %shift_right_arithmetic3A_532 = arith.shrsi %reduce_sum3A_530, %shift_right_arithmetic3A_531 : i32
      %and3A_533 = arith.constant 7 : i32
      %and3A_534 = arith.andi %reduce_sum3A_530, %and3A_533 : i32
      %mul3A_535 = arith.constant 16 : i32
      %mul3A_536 = arith.muli %scan3A_150, %mul3A_535 : i32
      %add3A_537 = arith.constant 12 : i32
      %add3A_538 = arith.addi %mul3A_536, %add3A_537 : i32
      %dma_start3A_539 = arith.constant 0 : i32
      %dma_start3A_540 = tpu.memref_slice %arg15[%add3A_538, %dma_start3A_539] : memref<256x32xf32, #tpu.memory_space<vmem>> -> memref<1x32xf32, #tpu.memory_space<vmem>>
      %dma_start3A_541 = tpu.memref_squeeze %dma_start3A_540 : memref<1x32xf32, #tpu.memory_space<vmem>> -> memref<32xf32, #tpu.memory_space<vmem>>
      %dma_start3A_542 = arith.constant 0 : i32
      %dma_start3A_543 = tpu.memref_slice %arg5[%shift_right_arithmetic3A_532, %and3A_534, %dma_start3A_542] : memref<125000x8x32xf32, #tpu.memory_space<hbm>> -> memref<1x1x32xf32, #tpu.memory_space<hbm>>
      %dma_start3A_544 = tpu.memref_squeeze %dma_start3A_543 : memref<1x1x32xf32, #tpu.memory_space<hbm>> -> memref<32xf32, #tpu.memory_space<hbm>>
      %dma_start3A_545 = arith.constant 0 : i32
      %dma_start3A_546 = tpu.memref_slice %arg15[%add3A_538, %dma_start3A_545] : memref<256x32xf32, #tpu.memory_space<vmem>> -> memref<1x32xf32, #tpu.memory_space<vmem>>
      %dma_start3A_547 = tpu.memref_squeeze %dma_start3A_546 : memref<1x32xf32, #tpu.memory_space<vmem>> -> memref<32xf32, #tpu.memory_space<vmem>>
      %dma_start3A_548 = arith.constant 0 : i32
      %dma_start3A_549 = tpu.memref_slice %arg5[%shift_right_arithmetic3A_532, %and3A_534, %dma_start3A_548] : memref<125000x8x32xf32, #tpu.memory_space<hbm>> -> memref<1x1x32xf32, #tpu.memory_space<hbm>>
      %dma_start3A_550 = tpu.memref_squeeze %dma_start3A_549 : memref<1x1x32xf32, #tpu.memory_space<hbm>> -> memref<32xf32, #tpu.memory_space<hbm>>
      tpu.enqueue_dma source(%dma_start3A_550 : memref<32xf32, #tpu.memory_space<hbm>>) target(%dma_start3A_547 : memref<32xf32, #tpu.memory_space<vmem>>) target_semaphore(%arg19 : memref<!tpu.dma_semaphore, #tpu.memory_space<semaphore_mem>>)
      %iota3A_551 = tpu.iota {dimensions = array<i32: 0>} : vector<16xi32>
      %eq3A_552 = arith.constant 13 : i32
      %eq3A_553 = vector.broadcast %eq3A_552 : i32 to vector<16xi32>
      %eq3A_554 = arith.cmpi eq, %iota3A_551, %eq3A_553 : vector<16xi32>
      %jit3A_555 = arith.constant 0 : i32
      %broadcast_in_dim3A_556 = vector.broadcast %jit3A_555 : i32 to vector<16xi32>
      %select_n3A_557 = arith.select %eq3A_554, %get3A_156, %broadcast_in_dim3A_556 : vector<16xi1>, vector<16xi32>
      %reduce_sum3A_558 = arith.constant true
      %reduce_sum3A_559 = vector.broadcast %reduce_sum3A_558 : i1 to vector<16xi1>
      %reduce_sum3A_560 = tpu.scan <sum>, %select_n3A_557 masked %reduce_sum3A_559 : vector<16xi32>, vector<16xi1> -> vector<16xi32>
      %reduce_sum3A_561 = vector.extract %reduce_sum3A_560[15] : i32 from vector<16xi32>
      %shift_right_arithmetic3A_562 = arith.constant 3 : i32
      %shift_right_arithmetic3A_563 = arith.shrsi %reduce_sum3A_561, %shift_right_arithmetic3A_562 : i32
      %and3A_564 = arith.constant 7 : i32
      %and3A_565 = arith.andi %reduce_sum3A_561, %and3A_564 : i32
      %mul3A_566 = arith.constant 16 : i32
      %mul3A_567 = arith.muli %scan3A_150, %mul3A_566 : i32
      %add3A_568 = arith.constant 13 : i32
      %add3A_569 = arith.addi %mul3A_567, %add3A_568 : i32
      %dma_start3A_570 = arith.constant 0 : i32
      %dma_start3A_571 = tpu.memref_slice %arg15[%add3A_569, %dma_start3A_570] : memref<256x32xf32, #tpu.memory_space<vmem>> -> memref<1x32xf32, #tpu.memory_space<vmem>>
      %dma_start3A_572 = tpu.memref_squeeze %dma_start3A_571 : memref<1x32xf32, #tpu.memory_space<vmem>> -> memref<32xf32, #tpu.memory_space<vmem>>
      %dma_start3A_573 = arith.constant 0 : i32
      %dma_start3A_574 = tpu.memref_slice %arg5[%shift_right_arithmetic3A_563, %and3A_565, %dma_start3A_573] : memref<125000x8x32xf32, #tpu.memory_space<hbm>> -> memref<1x1x32xf32, #tpu.memory_space<hbm>>
      %dma_start3A_575 = tpu.memref_squeeze %dma_start3A_574 : memref<1x1x32xf32, #tpu.memory_space<hbm>> -> memref<32xf32, #tpu.memory_space<hbm>>
      %dma_start3A_576 = arith.constant 0 : i32
      %dma_start3A_577 = tpu.memref_slice %arg15[%add3A_569, %dma_start3A_576] : memref<256x32xf32, #tpu.memory_space<vmem>> -> memref<1x32xf32, #tpu.memory_space<vmem>>
      %dma_start3A_578 = tpu.memref_squeeze %dma_start3A_577 : memref<1x32xf32, #tpu.memory_space<vmem>> -> memref<32xf32, #tpu.memory_space<vmem>>
      %dma_start3A_579 = arith.constant 0 : i32
      %dma_start3A_580 = tpu.memref_slice %arg5[%shift_right_arithmetic3A_563, %and3A_565, %dma_start3A_579] : memref<125000x8x32xf32, #tpu.memory_space<hbm>> -> memref<1x1x32xf32, #tpu.memory_space<hbm>>
      %dma_start3A_581 = tpu.memref_squeeze %dma_start3A_580 : memref<1x1x32xf32, #tpu.memory_space<hbm>> -> memref<32xf32, #tpu.memory_space<hbm>>
      tpu.enqueue_dma source(%dma_start3A_581 : memref<32xf32, #tpu.memory_space<hbm>>) target(%dma_start3A_578 : memref<32xf32, #tpu.memory_space<vmem>>) target_semaphore(%arg19 : memref<!tpu.dma_semaphore, #tpu.memory_space<semaphore_mem>>)
      %iota3A_582 = tpu.iota {dimensions = array<i32: 0>} : vector<16xi32>
      %eq3A_583 = arith.constant 14 : i32
      %eq3A_584 = vector.broadcast %eq3A_583 : i32 to vector<16xi32>
      %eq3A_585 = arith.cmpi eq, %iota3A_582, %eq3A_584 : vector<16xi32>
      %jit3A_586 = arith.constant 0 : i32
      %broadcast_in_dim3A_587 = vector.broadcast %jit3A_586 : i32 to vector<16xi32>
      %select_n3A_588 = arith.select %eq3A_585, %get3A_156, %broadcast_in_dim3A_587 : vector<16xi1>, vector<16xi32>
      %reduce_sum3A_589 = arith.constant true
      %reduce_sum3A_590 = vector.broadcast %reduce_sum3A_589 : i1 to vector<16xi1>
      %reduce_sum3A_591 = tpu.scan <sum>, %select_n3A_588 masked %reduce_sum3A_590 : vector<16xi32>, vector<16xi1> -> vector<16xi32>
      %reduce_sum3A_592 = vector.extract %reduce_sum3A_591[15] : i32 from vector<16xi32>
      %shift_right_arithmetic3A_593 = arith.constant 3 : i32
      %shift_right_arithmetic3A_594 = arith.shrsi %reduce_sum3A_592, %shift_right_arithmetic3A_593 : i32
      %and3A_595 = arith.constant 7 : i32
      %and3A_596 = arith.andi %reduce_sum3A_592, %and3A_595 : i32
      %mul3A_597 = arith.constant 16 : i32
      %mul3A_598 = arith.muli %scan3A_150, %mul3A_597 : i32
      %add3A_599 = arith.constant 14 : i32
      %add3A_600 = arith.addi %mul3A_598, %add3A_599 : i32
      %dma_start3A_601 = arith.constant 0 : i32
      %dma_start3A_602 = tpu.memref_slice %arg15[%add3A_600, %dma_start3A_601] : memref<256x32xf32, #tpu.memory_space<vmem>> -> memref<1x32xf32, #tpu.memory_space<vmem>>
      %dma_start3A_603 = tpu.memref_squeeze %dma_start3A_602 : memref<1x32xf32, #tpu.memory_space<vmem>> -> memref<32xf32, #tpu.memory_space<vmem>>
      %dma_start3A_604 = arith.constant 0 : i32
      %dma_start3A_605 = tpu.memref_slice %arg5[%shift_right_arithmetic3A_594, %and3A_596, %dma_start3A_604] : memref<125000x8x32xf32, #tpu.memory_space<hbm>> -> memref<1x1x32xf32, #tpu.memory_space<hbm>>
      %dma_start3A_606 = tpu.memref_squeeze %dma_start3A_605 : memref<1x1x32xf32, #tpu.memory_space<hbm>> -> memref<32xf32, #tpu.memory_space<hbm>>
      %dma_start3A_607 = arith.constant 0 : i32
      %dma_start3A_608 = tpu.memref_slice %arg15[%add3A_600, %dma_start3A_607] : memref<256x32xf32, #tpu.memory_space<vmem>> -> memref<1x32xf32, #tpu.memory_space<vmem>>
      %dma_start3A_609 = tpu.memref_squeeze %dma_start3A_608 : memref<1x32xf32, #tpu.memory_space<vmem>> -> memref<32xf32, #tpu.memory_space<vmem>>
      %dma_start3A_610 = arith.constant 0 : i32
      %dma_start3A_611 = tpu.memref_slice %arg5[%shift_right_arithmetic3A_594, %and3A_596, %dma_start3A_610] : memref<125000x8x32xf32, #tpu.memory_space<hbm>> -> memref<1x1x32xf32, #tpu.memory_space<hbm>>
      %dma_start3A_612 = tpu.memref_squeeze %dma_start3A_611 : memref<1x1x32xf32, #tpu.memory_space<hbm>> -> memref<32xf32, #tpu.memory_space<hbm>>
      tpu.enqueue_dma source(%dma_start3A_612 : memref<32xf32, #tpu.memory_space<hbm>>) target(%dma_start3A_609 : memref<32xf32, #tpu.memory_space<vmem>>) target_semaphore(%arg19 : memref<!tpu.dma_semaphore, #tpu.memory_space<semaphore_mem>>)
      %iota3A_613 = tpu.iota {dimensions = array<i32: 0>} : vector<16xi32>
      %eq3A_614 = arith.constant 15 : i32
      %eq3A_615 = vector.broadcast %eq3A_614 : i32 to vector<16xi32>
      %eq3A_616 = arith.cmpi eq, %iota3A_613, %eq3A_615 : vector<16xi32>
      %jit3A_617 = arith.constant 0 : i32
      %broadcast_in_dim3A_618 = vector.broadcast %jit3A_617 : i32 to vector<16xi32>
      %select_n3A_619 = arith.select %eq3A_616, %get3A_156, %broadcast_in_dim3A_618 : vector<16xi1>, vector<16xi32>
      %reduce_sum3A_620 = arith.constant true
      %reduce_sum3A_621 = vector.broadcast %reduce_sum3A_620 : i1 to vector<16xi1>
      %reduce_sum3A_622 = tpu.scan <sum>, %select_n3A_619 masked %reduce_sum3A_621 : vector<16xi32>, vector<16xi1> -> vector<16xi32>
      %reduce_sum3A_623 = vector.extract %reduce_sum3A_622[15] : i32 from vector<16xi32>
      %shift_right_arithmetic3A_624 = arith.constant 3 : i32
      %shift_right_arithmetic3A_625 = arith.shrsi %reduce_sum3A_623, %shift_right_arithmetic3A_624 : i32
      %and3A_626 = arith.constant 7 : i32
      %and3A_627 = arith.andi %reduce_sum3A_623, %and3A_626 : i32
      %mul3A_628 = arith.constant 16 : i32
      %mul3A_629 = arith.muli %scan3A_150, %mul3A_628 : i32
      %add3A_630 = arith.constant 15 : i32
      %add3A_631 = arith.addi %mul3A_629, %add3A_630 : i32
      %dma_start3A_632 = arith.constant 0 : i32
      %dma_start3A_633 = tpu.memref_slice %arg15[%add3A_631, %dma_start3A_632] : memref<256x32xf32, #tpu.memory_space<vmem>> -> memref<1x32xf32, #tpu.memory_space<vmem>>
      %dma_start3A_634 = tpu.memref_squeeze %dma_start3A_633 : memref<1x32xf32, #tpu.memory_space<vmem>> -> memref<32xf32, #tpu.memory_space<vmem>>
      %dma_start3A_635 = arith.constant 0 : i32
      %dma_start3A_636 = tpu.memref_slice %arg5[%shift_right_arithmetic3A_625, %and3A_627, %dma_start3A_635] : memref<125000x8x32xf32, #tpu.memory_space<hbm>> -> memref<1x1x32xf32, #tpu.memory_space<hbm>>
      %dma_start3A_637 = tpu.memref_squeeze %dma_start3A_636 : memref<1x1x32xf32, #tpu.memory_space<hbm>> -> memref<32xf32, #tpu.memory_space<hbm>>
      %dma_start3A_638 = arith.constant 0 : i32
      %dma_start3A_639 = tpu.memref_slice %arg15[%add3A_631, %dma_start3A_638] : memref<256x32xf32, #tpu.memory_space<vmem>> -> memref<1x32xf32, #tpu.memory_space<vmem>>
      %dma_start3A_640 = tpu.memref_squeeze %dma_start3A_639 : memref<1x32xf32, #tpu.memory_space<vmem>> -> memref<32xf32, #tpu.memory_space<vmem>>
      %dma_start3A_641 = arith.constant 0 : i32
      %dma_start3A_642 = tpu.memref_slice %arg5[%shift_right_arithmetic3A_625, %and3A_627, %dma_start3A_641] : memref<125000x8x32xf32, #tpu.memory_space<hbm>> -> memref<1x1x32xf32, #tpu.memory_space<hbm>>
      %dma_start3A_643 = tpu.memref_squeeze %dma_start3A_642 : memref<1x1x32xf32, #tpu.memory_space<hbm>> -> memref<32xf32, #tpu.memory_space<hbm>>
      tpu.enqueue_dma source(%dma_start3A_643 : memref<32xf32, #tpu.memory_space<hbm>>) target(%dma_start3A_640 : memref<32xf32, #tpu.memory_space<vmem>>) target_semaphore(%arg19 : memref<!tpu.dma_semaphore, #tpu.memory_space<semaphore_mem>>)
      %scan3A_644 = arith.constant 0 : i32
      scf.yield %scan3A_644 : i32
    }
    %scan3A_88 = arith.constant 16 : i32
    %scan3A_89 = arith.constant 0 : i32
    %scan3A_90 = arith.constant 0 : i32
    %scan3A_91 = arith.constant 16 : i32
    %scan3A_92 = arith.addi %scan3A_90, %scan3A_91 : i32
    %scan3A_93 = arith.constant 1 : i32
    %scan3A_94 = scf.for %scan3A_150 = %scan3A_90 to %scan3A_92 step %scan3A_93 iter_args(%scan3A_151 = %scan3A_89) -> (i32)  : i32 {
      %mul3A_152 = arith.constant 16 : i32
      %mul3A_153 = arith.muli %scan3A_150, %mul3A_152 : i32
      %add3A_154 = arith.constant 256 : i32
      %add3A_155 = arith.addi %add3A_154, %mul3A_153 : i32
      %get3A = arith.index_cast %add3A_155 : i32 to index
      %get3A_156 = tpu.vector_load %arg11[%get3A] {strides = array<i32>} : memref<512xi32, #tpu.memory_space<vmem>>, vector<16xi32>,
      %iota3A = tpu.iota {dimensions = array<i32: 0>} : vector<16xi32>
      %eq3A = arith.constant 0 : i32
      %eq3A_157 = vector.broadcast %eq3A : i32 to vector<16xi32>
      %eq3A_158 = arith.cmpi eq, %iota3A, %eq3A_157 : vector<16xi32>
      %jit3A = arith.constant 0 : i32
      %broadcast_in_dim3A = vector.broadcast %jit3A : i32 to vector<16xi32>
      %select_n3A = arith.select %eq3A_158, %get3A_156, %broadcast_in_dim3A : vector<16xi1>, vector<16xi32>
      %reduce_sum3A = arith.constant true
      %reduce_sum3A_159 = vector.broadcast %reduce_sum3A : i1 to vector<16xi1>
      %reduce_sum3A_160 = tpu.scan <sum>, %select_n3A masked %reduce_sum3A_159 : vector<16xi32>, vector<16xi1> -> vector<16xi32>
      %reduce_sum3A_161 = vector.extract %reduce_sum3A_160[15] : i32 from vector<16xi32>
      %mul3A_162 = arith.constant 16 : i32
      %mul3A_163 = arith.muli %scan3A_150, %mul3A_162 : i32
      %add3A_164 = arith.constant 0 : i32
      %add3A_165 = arith.addi %mul3A_163, %add3A_164 : i32
      %dma_start3A = arith.constant 0 : i32
      %dma_start3A_166 = tpu.memref_slice %arg14[%add3A_165, %dma_start3A] : memref<256x32xf32, #tpu.memory_space<vmem>> -> memref<1x32xf32, #tpu.memory_space<vmem>>
      %dma_start3A_167 = tpu.memref_squeeze %dma_start3A_166 : memref<1x32xf32, #tpu.memory_space<vmem>> -> memref<32xf32, #tpu.memory_space<vmem>>
      %dma_start3A_168 = arith.constant 0 : i32
      %dma_start3A_169 = tpu.memref_slice %arg6[%reduce_sum3A_161, %dma_start3A_168] : memref<100x32xf32, #tpu.memory_space<hbm>> -> memref<1x32xf32, #tpu.memory_space<hbm>>
      %dma_start3A_170 = tpu.memref_squeeze %dma_start3A_169 : memref<1x32xf32, #tpu.memory_space<hbm>> -> memref<32xf32, #tpu.memory_space<hbm>>
      %dma_start3A_171 = arith.constant 0 : i32
      %dma_start3A_172 = tpu.memref_slice %arg14[%add3A_165, %dma_start3A_171] : memref<256x32xf32, #tpu.memory_space<vmem>> -> memref<1x32xf32, #tpu.memory_space<vmem>>
      %dma_start3A_173 = tpu.memref_squeeze %dma_start3A_172 : memref<1x32xf32, #tpu.memory_space<vmem>> -> memref<32xf32, #tpu.memory_space<vmem>>
      %dma_start3A_174 = arith.constant 0 : i32
      %dma_start3A_175 = tpu.memref_slice %arg6[%reduce_sum3A_161, %dma_start3A_174] : memref<100x32xf32, #tpu.memory_space<hbm>> -> memref<1x32xf32, #tpu.memory_space<hbm>>
      %dma_start3A_176 = tpu.memref_squeeze %dma_start3A_175 : memref<1x32xf32, #tpu.memory_space<hbm>> -> memref<32xf32, #tpu.memory_space<hbm>>
      tpu.enqueue_dma source(%dma_start3A_176 : memref<32xf32, #tpu.memory_space<hbm>>) target(%dma_start3A_173 : memref<32xf32, #tpu.memory_space<vmem>>) target_semaphore(%arg18 : memref<!tpu.dma_semaphore, #tpu.memory_space<semaphore_mem>>)
      %iota3A_177 = tpu.iota {dimensions = array<i32: 0>} : vector<16xi32>
      %eq3A_178 = arith.constant 1 : i32
      %eq3A_179 = vector.broadcast %eq3A_178 : i32 to vector<16xi32>
      %eq3A_180 = arith.cmpi eq, %iota3A_177, %eq3A_179 : vector<16xi32>
      %jit3A_181 = arith.constant 0 : i32
      %broadcast_in_dim3A_182 = vector.broadcast %jit3A_181 : i32 to vector<16xi32>
      %select_n3A_183 = arith.select %eq3A_180, %get3A_156, %broadcast_in_dim3A_182 : vector<16xi1>, vector<16xi32>
      %reduce_sum3A_184 = arith.constant true
      %reduce_sum3A_185 = vector.broadcast %reduce_sum3A_184 : i1 to vector<16xi1>
      %reduce_sum3A_186 = tpu.scan <sum>, %select_n3A_183 masked %reduce_sum3A_185 : vector<16xi32>, vector<16xi1> -> vector<16xi32>
      %reduce_sum3A_187 = vector.extract %reduce_sum3A_186[15] : i32 from vector<16xi32>
      %mul3A_188 = arith.constant 16 : i32
      %mul3A_189 = arith.muli %scan3A_150, %mul3A_188 : i32
      %add3A_190 = arith.constant 1 : i32
      %add3A_191 = arith.addi %mul3A_189, %add3A_190 : i32
      %dma_start3A_192 = arith.constant 0 : i32
      %dma_start3A_193 = tpu.memref_slice %arg14[%add3A_191, %dma_start3A_192] : memref<256x32xf32, #tpu.memory_space<vmem>> -> memref<1x32xf32, #tpu.memory_space<vmem>>
      %dma_start3A_194 = tpu.memref_squeeze %dma_start3A_193 : memref<1x32xf32, #tpu.memory_space<vmem>> -> memref<32xf32, #tpu.memory_space<vmem>>
      %dma_start3A_195 = arith.constant 0 : i32
      %dma_start3A_196 = tpu.memref_slice %arg6[%reduce_sum3A_187, %dma_start3A_195] : memref<100x32xf32, #tpu.memory_space<hbm>> -> memref<1x32xf32, #tpu.memory_space<hbm>>
      %dma_start3A_197 = tpu.memref_squeeze %dma_start3A_196 : memref<1x32xf32, #tpu.memory_space<hbm>> -> memref<32xf32, #tpu.memory_space<hbm>>
      %dma_start3A_198 = arith.constant 0 : i32
      %dma_start3A_199 = tpu.memref_slice %arg14[%add3A_191, %dma_start3A_198] : memref<256x32xf32, #tpu.memory_space<vmem>> -> memref<1x32xf32, #tpu.memory_space<vmem>>
      %dma_start3A_200 = tpu.memref_squeeze %dma_start3A_199 : memref<1x32xf32, #tpu.memory_space<vmem>> -> memref<32xf32, #tpu.memory_space<vmem>>
      %dma_start3A_201 = arith.constant 0 : i32
      %dma_start3A_202 = tpu.memref_slice %arg6[%reduce_sum3A_187, %dma_start3A_201] : memref<100x32xf32, #tpu.memory_space<hbm>> -> memref<1x32xf32, #tpu.memory_space<hbm>>
      %dma_start3A_203 = tpu.memref_squeeze %dma_start3A_202 : memref<1x32xf32, #tpu.memory_space<hbm>> -> memref<32xf32, #tpu.memory_space<hbm>>
      tpu.enqueue_dma source(%dma_start3A_203 : memref<32xf32, #tpu.memory_space<hbm>>) target(%dma_start3A_200 : memref<32xf32, #tpu.memory_space<vmem>>) target_semaphore(%arg18 : memref<!tpu.dma_semaphore, #tpu.memory_space<semaphore_mem>>)
      %iota3A_204 = tpu.iota {dimensions = array<i32: 0>} : vector<16xi32>
      %eq3A_205 = arith.constant 2 : i32
      %eq3A_206 = vector.broadcast %eq3A_205 : i32 to vector<16xi32>
      %eq3A_207 = arith.cmpi eq, %iota3A_204, %eq3A_206 : vector<16xi32>
      %jit3A_208 = arith.constant 0 : i32
      %broadcast_in_dim3A_209 = vector.broadcast %jit3A_208 : i32 to vector<16xi32>
      %select_n3A_210 = arith.select %eq3A_207, %get3A_156, %broadcast_in_dim3A_209 : vector<16xi1>, vector<16xi32>
      %reduce_sum3A_211 = arith.constant true
      %reduce_sum3A_212 = vector.broadcast %reduce_sum3A_211 : i1 to vector<16xi1>
      %reduce_sum3A_213 = tpu.scan <sum>, %select_n3A_210 masked %reduce_sum3A_212 : vector<16xi32>, vector<16xi1> -> vector<16xi32>
      %reduce_sum3A_214 = vector.extract %reduce_sum3A_213[15] : i32 from vector<16xi32>
      %mul3A_215 = arith.constant 16 : i32
      %mul3A_216 = arith.muli %scan3A_150, %mul3A_215 : i32
      %add3A_217 = arith.constant 2 : i32
      %add3A_218 = arith.addi %mul3A_216, %add3A_217 : i32
      %dma_start3A_219 = arith.constant 0 : i32
      %dma_start3A_220 = tpu.memref_slice %arg14[%add3A_218, %dma_start3A_219] : memref<256x32xf32, #tpu.memory_space<vmem>> -> memref<1x32xf32, #tpu.memory_space<vmem>>
      %dma_start3A_221 = tpu.memref_squeeze %dma_start3A_220 : memref<1x32xf32, #tpu.memory_space<vmem>> -> memref<32xf32, #tpu.memory_space<vmem>>
      %dma_start3A_222 = arith.constant 0 : i32
      %dma_start3A_223 = tpu.memref_slice %arg6[%reduce_sum3A_214, %dma_start3A_222] : memref<100x32xf32, #tpu.memory_space<hbm>> -> memref<1x32xf32, #tpu.memory_space<hbm>>
      %dma_start3A_224 = tpu.memref_squeeze %dma_start3A_223 : memref<1x32xf32, #tpu.memory_space<hbm>> -> memref<32xf32, #tpu.memory_space<hbm>>
      %dma_start3A_225 = arith.constant 0 : i32
      %dma_start3A_226 = tpu.memref_slice %arg14[%add3A_218, %dma_start3A_225] : memref<256x32xf32, #tpu.memory_space<vmem>> -> memref<1x32xf32, #tpu.memory_space<vmem>>
      %dma_start3A_227 = tpu.memref_squeeze %dma_start3A_226 : memref<1x32xf32, #tpu.memory_space<vmem>> -> memref<32xf32, #tpu.memory_space<vmem>>
      %dma_start3A_228 = arith.constant 0 : i32
      %dma_start3A_229 = tpu.memref_slice %arg6[%reduce_sum3A_214, %dma_start3A_228] : memref<100x32xf32, #tpu.memory_space<hbm>> -> memref<1x32xf32, #tpu.memory_space<hbm>>
      %dma_start3A_230 = tpu.memref_squeeze %dma_start3A_229 : memref<1x32xf32, #tpu.memory_space<hbm>> -> memref<32xf32, #tpu.memory_space<hbm>>
      tpu.enqueue_dma source(%dma_start3A_230 : memref<32xf32, #tpu.memory_space<hbm>>) target(%dma_start3A_227 : memref<32xf32, #tpu.memory_space<vmem>>) target_semaphore(%arg18 : memref<!tpu.dma_semaphore, #tpu.memory_space<semaphore_mem>>)
      %iota3A_231 = tpu.iota {dimensions = array<i32: 0>} : vector<16xi32>
      %eq3A_232 = arith.constant 3 : i32
      %eq3A_233 = vector.broadcast %eq3A_232 : i32 to vector<16xi32>
      %eq3A_234 = arith.cmpi eq, %iota3A_231, %eq3A_233 : vector<16xi32>
      %jit3A_235 = arith.constant 0 : i32
      %broadcast_in_dim3A_236 = vector.broadcast %jit3A_235 : i32 to vector<16xi32>
      %select_n3A_237 = arith.select %eq3A_234, %get3A_156, %broadcast_in_dim3A_236 : vector<16xi1>, vector<16xi32>
      %reduce_sum3A_238 = arith.constant true
      %reduce_sum3A_239 = vector.broadcast %reduce_sum3A_238 : i1 to vector<16xi1>
      %reduce_sum3A_240 = tpu.scan <sum>, %select_n3A_237 masked %reduce_sum3A_239 : vector<16xi32>, vector<16xi1> -> vector<16xi32>
      %reduce_sum3A_241 = vector.extract %reduce_sum3A_240[15] : i32 from vector<16xi32>
      %mul3A_242 = arith.constant 16 : i32
      %mul3A_243 = arith.muli %scan3A_150, %mul3A_242 : i32
      %add3A_244 = arith.constant 3 : i32
      %add3A_245 = arith.addi %mul3A_243, %add3A_244 : i32
      %dma_start3A_246 = arith.constant 0 : i32
      %dma_start3A_247 = tpu.memref_slice %arg14[%add3A_245, %dma_start3A_246] : memref<256x32xf32, #tpu.memory_space<vmem>> -> memref<1x32xf32, #tpu.memory_space<vmem>>
      %dma_start3A_248 = tpu.memref_squeeze %dma_start3A_247 : memref<1x32xf32, #tpu.memory_space<vmem>> -> memref<32xf32, #tpu.memory_space<vmem>>
      %dma_start3A_249 = arith.constant 0 : i32
      %dma_start3A_250 = tpu.memref_slice %arg6[%reduce_sum3A_241, %dma_start3A_249] : memref<100x32xf32, #tpu.memory_space<hbm>> -> memref<1x32xf32, #tpu.memory_space<hbm>>
      %dma_start3A_251 = tpu.memref_squeeze %dma_start3A_250 : memref<1x32xf32, #tpu.memory_space<hbm>> -> memref<32xf32, #tpu.memory_space<hbm>>
      %dma_start3A_252 = arith.constant 0 : i32
      %dma_start3A_253 = tpu.memref_slice %arg14[%add3A_245, %dma_start3A_252] : memref<256x32xf32, #tpu.memory_space<vmem>> -> memref<1x32xf32, #tpu.memory_space<vmem>>
      %dma_start3A_254 = tpu.memref_squeeze %dma_start3A_253 : memref<1x32xf32, #tpu.memory_space<vmem>> -> memref<32xf32, #tpu.memory_space<vmem>>
      %dma_start3A_255 = arith.constant 0 : i32
      %dma_start3A_256 = tpu.memref_slice %arg6[%reduce_sum3A_241, %dma_start3A_255] : memref<100x32xf32, #tpu.memory_space<hbm>> -> memref<1x32xf32, #tpu.memory_space<hbm>>
      %dma_start3A_257 = tpu.memref_squeeze %dma_start3A_256 : memref<1x32xf32, #tpu.memory_space<hbm>> -> memref<32xf32, #tpu.memory_space<hbm>>
      tpu.enqueue_dma source(%dma_start3A_257 : memref<32xf32, #tpu.memory_space<hbm>>) target(%dma_start3A_254 : memref<32xf32, #tpu.memory_space<vmem>>) target_semaphore(%arg18 : memref<!tpu.dma_semaphore, #tpu.memory_space<semaphore_mem>>)
      %iota3A_258 = tpu.iota {dimensions = array<i32: 0>} : vector<16xi32>
      %eq3A_259 = arith.constant 4 : i32
      %eq3A_260 = vector.broadcast %eq3A_259 : i32 to vector<16xi32>
      %eq3A_261 = arith.cmpi eq, %iota3A_258, %eq3A_260 : vector<16xi32>
      %jit3A_262 = arith.constant 0 : i32
      %broadcast_in_dim3A_263 = vector.broadcast %jit3A_262 : i32 to vector<16xi32>
      %select_n3A_264 = arith.select %eq3A_261, %get3A_156, %broadcast_in_dim3A_263 : vector<16xi1>, vector<16xi32>
      %reduce_sum3A_265 = arith.constant true
      %reduce_sum3A_266 = vector.broadcast %reduce_sum3A_265 : i1 to vector<16xi1>
      %reduce_sum3A_267 = tpu.scan <sum>, %select_n3A_264 masked %reduce_sum3A_266 : vector<16xi32>, vector<16xi1> -> vector<16xi32>
      %reduce_sum3A_268 = vector.extract %reduce_sum3A_267[15] : i32 from vector<16xi32>
      %mul3A_269 = arith.constant 16 : i32
      %mul3A_270 = arith.muli %scan3A_150, %mul3A_269 : i32
      %add3A_271 = arith.constant 4 : i32
      %add3A_272 = arith.addi %mul3A_270, %add3A_271 : i32
      %dma_start3A_273 = arith.constant 0 : i32
      %dma_start3A_274 = tpu.memref_slice %arg14[%add3A_272, %dma_start3A_273] : memref<256x32xf32, #tpu.memory_space<vmem>> -> memref<1x32xf32, #tpu.memory_space<vmem>>
      %dma_start3A_275 = tpu.memref_squeeze %dma_start3A_274 : memref<1x32xf32, #tpu.memory_space<vmem>> -> memref<32xf32, #tpu.memory_space<vmem>>
      %dma_start3A_276 = arith.constant 0 : i32
      %dma_start3A_277 = tpu.memref_slice %arg6[%reduce_sum3A_268, %dma_start3A_276] : memref<100x32xf32, #tpu.memory_space<hbm>> -> memref<1x32xf32, #tpu.memory_space<hbm>>
      %dma_start3A_278 = tpu.memref_squeeze %dma_start3A_277 : memref<1x32xf32, #tpu.memory_space<hbm>> -> memref<32xf32, #tpu.memory_space<hbm>>
      %dma_start3A_279 = arith.constant 0 : i32
      %dma_start3A_280 = tpu.memref_slice %arg14[%add3A_272, %dma_start3A_279] : memref<256x32xf32, #tpu.memory_space<vmem>> -> memref<1x32xf32, #tpu.memory_space<vmem>>
      %dma_start3A_281 = tpu.memref_squeeze %dma_start3A_280 : memref<1x32xf32, #tpu.memory_space<vmem>> -> memref<32xf32, #tpu.memory_space<vmem>>
      %dma_start3A_282 = arith.constant 0 : i32
      %dma_start3A_283 = tpu.memref_slice %arg6[%reduce_sum3A_268, %dma_start3A_282] : memref<100x32xf32, #tpu.memory_space<hbm>> -> memref<1x32xf32, #tpu.memory_space<hbm>>
      %dma_start3A_284 = tpu.memref_squeeze %dma_start3A_283 : memref<1x32xf32, #tpu.memory_space<hbm>> -> memref<32xf32, #tpu.memory_space<hbm>>
      tpu.enqueue_dma source(%dma_start3A_284 : memref<32xf32, #tpu.memory_space<hbm>>) target(%dma_start3A_281 : memref<32xf32, #tpu.memory_space<vmem>>) target_semaphore(%arg18 : memref<!tpu.dma_semaphore, #tpu.memory_space<semaphore_mem>>)
      %iota3A_285 = tpu.iota {dimensions = array<i32: 0>} : vector<16xi32>
      %eq3A_286 = arith.constant 5 : i32
      %eq3A_287 = vector.broadcast %eq3A_286 : i32 to vector<16xi32>
      %eq3A_288 = arith.cmpi eq, %iota3A_285, %eq3A_287 : vector<16xi32>
      %jit3A_289 = arith.constant 0 : i32
      %broadcast_in_dim3A_290 = vector.broadcast %jit3A_289 : i32 to vector<16xi32>
      %select_n3A_291 = arith.select %eq3A_288, %get3A_156, %broadcast_in_dim3A_290 : vector<16xi1>, vector<16xi32>
      %reduce_sum3A_292 = arith.constant true
      %reduce_sum3A_293 = vector.broadcast %reduce_sum3A_292 : i1 to vector<16xi1>
      %reduce_sum3A_294 = tpu.scan <sum>, %select_n3A_291 masked %reduce_sum3A_293 : vector<16xi32>, vector<16xi1> -> vector<16xi32>
      %reduce_sum3A_295 = vector.extract %reduce_sum3A_294[15] : i32 from vector<16xi32>
      %mul3A_296 = arith.constant 16 : i32
      %mul3A_297 = arith.muli %scan3A_150, %mul3A_296 : i32
      %add3A_298 = arith.constant 5 : i32
      %add3A_299 = arith.addi %mul3A_297, %add3A_298 : i32
      %dma_start3A_300 = arith.constant 0 : i32
      %dma_start3A_301 = tpu.memref_slice %arg14[%add3A_299, %dma_start3A_300] : memref<256x32xf32, #tpu.memory_space<vmem>> -> memref<1x32xf32, #tpu.memory_space<vmem>>
      %dma_start3A_302 = tpu.memref_squeeze %dma_start3A_301 : memref<1x32xf32, #tpu.memory_space<vmem>> -> memref<32xf32, #tpu.memory_space<vmem>>
      %dma_start3A_303 = arith.constant 0 : i32
      %dma_start3A_304 = tpu.memref_slice %arg6[%reduce_sum3A_295, %dma_start3A_303] : memref<100x32xf32, #tpu.memory_space<hbm>> -> memref<1x32xf32, #tpu.memory_space<hbm>>
      %dma_start3A_305 = tpu.memref_squeeze %dma_start3A_304 : memref<1x32xf32, #tpu.memory_space<hbm>> -> memref<32xf32, #tpu.memory_space<hbm>>
      %dma_start3A_306 = arith.constant 0 : i32
      %dma_start3A_307 = tpu.memref_slice %arg14[%add3A_299, %dma_start3A_306] : memref<256x32xf32, #tpu.memory_space<vmem>> -> memref<1x32xf32, #tpu.memory_space<vmem>>
      %dma_start3A_308 = tpu.memref_squeeze %dma_start3A_307 : memref<1x32xf32, #tpu.memory_space<vmem>> -> memref<32xf32, #tpu.memory_space<vmem>>
      %dma_start3A_309 = arith.constant 0 : i32
      %dma_start3A_310 = tpu.memref_slice %arg6[%reduce_sum3A_295, %dma_start3A_309] : memref<100x32xf32, #tpu.memory_space<hbm>> -> memref<1x32xf32, #tpu.memory_space<hbm>>
      %dma_start3A_311 = tpu.memref_squeeze %dma_start3A_310 : memref<1x32xf32, #tpu.memory_space<hbm>> -> memref<32xf32, #tpu.memory_space<hbm>>
      tpu.enqueue_dma source(%dma_start3A_311 : memref<32xf32, #tpu.memory_space<hbm>>) target(%dma_start3A_308 : memref<32xf32, #tpu.memory_space<vmem>>) target_semaphore(%arg18 : memref<!tpu.dma_semaphore, #tpu.memory_space<semaphore_mem>>)
      %iota3A_312 = tpu.iota {dimensions = array<i32: 0>} : vector<16xi32>
      %eq3A_313 = arith.constant 6 : i32
      %eq3A_314 = vector.broadcast %eq3A_313 : i32 to vector<16xi32>
      %eq3A_315 = arith.cmpi eq, %iota3A_312, %eq3A_314 : vector<16xi32>
      %jit3A_316 = arith.constant 0 : i32
      %broadcast_in_dim3A_317 = vector.broadcast %jit3A_316 : i32 to vector<16xi32>
      %select_n3A_318 = arith.select %eq3A_315, %get3A_156, %broadcast_in_dim3A_317 : vector<16xi1>, vector<16xi32>
      %reduce_sum3A_319 = arith.constant true
      %reduce_sum3A_320 = vector.broadcast %reduce_sum3A_319 : i1 to vector<16xi1>
      %reduce_sum3A_321 = tpu.scan <sum>, %select_n3A_318 masked %reduce_sum3A_320 : vector<16xi32>, vector<16xi1> -> vector<16xi32>
      %reduce_sum3A_322 = vector.extract %reduce_sum3A_321[15] : i32 from vector<16xi32>
      %mul3A_323 = arith.constant 16 : i32
      %mul3A_324 = arith.muli %scan3A_150, %mul3A_323 : i32
      %add3A_325 = arith.constant 6 : i32
      %add3A_326 = arith.addi %mul3A_324, %add3A_325 : i32
      %dma_start3A_327 = arith.constant 0 : i32
      %dma_start3A_328 = tpu.memref_slice %arg14[%add3A_326, %dma_start3A_327] : memref<256x32xf32, #tpu.memory_space<vmem>> -> memref<1x32xf32, #tpu.memory_space<vmem>>
      %dma_start3A_329 = tpu.memref_squeeze %dma_start3A_328 : memref<1x32xf32, #tpu.memory_space<vmem>> -> memref<32xf32, #tpu.memory_space<vmem>>
      %dma_start3A_330 = arith.constant 0 : i32
      %dma_start3A_331 = tpu.memref_slice %arg6[%reduce_sum3A_322, %dma_start3A_330] : memref<100x32xf32, #tpu.memory_space<hbm>> -> memref<1x32xf32, #tpu.memory_space<hbm>>
      %dma_start3A_332 = tpu.memref_squeeze %dma_start3A_331 : memref<1x32xf32, #tpu.memory_space<hbm>> -> memref<32xf32, #tpu.memory_space<hbm>>
      %dma_start3A_333 = arith.constant 0 : i32
      %dma_start3A_334 = tpu.memref_slice %arg14[%add3A_326, %dma_start3A_333] : memref<256x32xf32, #tpu.memory_space<vmem>> -> memref<1x32xf32, #tpu.memory_space<vmem>>
      %dma_start3A_335 = tpu.memref_squeeze %dma_start3A_334 : memref<1x32xf32, #tpu.memory_space<vmem>> -> memref<32xf32, #tpu.memory_space<vmem>>
      %dma_start3A_336 = arith.constant 0 : i32
      %dma_start3A_337 = tpu.memref_slice %arg6[%reduce_sum3A_322, %dma_start3A_336] : memref<100x32xf32, #tpu.memory_space<hbm>> -> memref<1x32xf32, #tpu.memory_space<hbm>>
      %dma_start3A_338 = tpu.memref_squeeze %dma_start3A_337 : memref<1x32xf32, #tpu.memory_space<hbm>> -> memref<32xf32, #tpu.memory_space<hbm>>
      tpu.enqueue_dma source(%dma_start3A_338 : memref<32xf32, #tpu.memory_space<hbm>>) target(%dma_start3A_335 : memref<32xf32, #tpu.memory_space<vmem>>) target_semaphore(%arg18 : memref<!tpu.dma_semaphore, #tpu.memory_space<semaphore_mem>>)
      %iota3A_339 = tpu.iota {dimensions = array<i32: 0>} : vector<16xi32>
      %eq3A_340 = arith.constant 7 : i32
      %eq3A_341 = vector.broadcast %eq3A_340 : i32 to vector<16xi32>
      %eq3A_342 = arith.cmpi eq, %iota3A_339, %eq3A_341 : vector<16xi32>
      %jit3A_343 = arith.constant 0 : i32
      %broadcast_in_dim3A_344 = vector.broadcast %jit3A_343 : i32 to vector<16xi32>
      %select_n3A_345 = arith.select %eq3A_342, %get3A_156, %broadcast_in_dim3A_344 : vector<16xi1>, vector<16xi32>
      %reduce_sum3A_346 = arith.constant true
      %reduce_sum3A_347 = vector.broadcast %reduce_sum3A_346 : i1 to vector<16xi1>
      %reduce_sum3A_348 = tpu.scan <sum>, %select_n3A_345 masked %reduce_sum3A_347 : vector<16xi32>, vector<16xi1> -> vector<16xi32>
      %reduce_sum3A_349 = vector.extract %reduce_sum3A_348[15] : i32 from vector<16xi32>
      %mul3A_350 = arith.constant 16 : i32
      %mul3A_351 = arith.muli %scan3A_150, %mul3A_350 : i32
      %add3A_352 = arith.constant 7 : i32
      %add3A_353 = arith.addi %mul3A_351, %add3A_352 : i32
      %dma_start3A_354 = arith.constant 0 : i32
      %dma_start3A_355 = tpu.memref_slice %arg14[%add3A_353, %dma_start3A_354] : memref<256x32xf32, #tpu.memory_space<vmem>> -> memref<1x32xf32, #tpu.memory_space<vmem>>
      %dma_start3A_356 = tpu.memref_squeeze %dma_start3A_355 : memref<1x32xf32, #tpu.memory_space<vmem>> -> memref<32xf32, #tpu.memory_space<vmem>>
      %dma_start3A_357 = arith.constant 0 : i32
      %dma_start3A_358 = tpu.memref_slice %arg6[%reduce_sum3A_349, %dma_start3A_357] : memref<100x32xf32, #tpu.memory_space<hbm>> -> memref<1x32xf32, #tpu.memory_space<hbm>>
      %dma_start3A_359 = tpu.memref_squeeze %dma_start3A_358 : memref<1x32xf32, #tpu.memory_space<hbm>> -> memref<32xf32, #tpu.memory_space<hbm>>
      %dma_start3A_360 = arith.constant 0 : i32
      %dma_start3A_361 = tpu.memref_slice %arg14[%add3A_353, %dma_start3A_360] : memref<256x32xf32, #tpu.memory_space<vmem>> -> memref<1x32xf32, #tpu.memory_space<vmem>>
      %dma_start3A_362 = tpu.memref_squeeze %dma_start3A_361 : memref<1x32xf32, #tpu.memory_space<vmem>> -> memref<32xf32, #tpu.memory_space<vmem>>
      %dma_start3A_363 = arith.constant 0 : i32
      %dma_start3A_364 = tpu.memref_slice %arg6[%reduce_sum3A_349, %dma_start3A_363] : memref<100x32xf32, #tpu.memory_space<hbm>> -> memref<1x32xf32, #tpu.memory_space<hbm>>
      %dma_start3A_365 = tpu.memref_squeeze %dma_start3A_364 : memref<1x32xf32, #tpu.memory_space<hbm>> -> memref<32xf32, #tpu.memory_space<hbm>>
      tpu.enqueue_dma source(%dma_start3A_365 : memref<32xf32, #tpu.memory_space<hbm>>) target(%dma_start3A_362 : memref<32xf32, #tpu.memory_space<vmem>>) target_semaphore(%arg18 : memref<!tpu.dma_semaphore, #tpu.memory_space<semaphore_mem>>)
      %iota3A_366 = tpu.iota {dimensions = array<i32: 0>} : vector<16xi32>
      %eq3A_367 = arith.constant 8 : i32
      %eq3A_368 = vector.broadcast %eq3A_367 : i32 to vector<16xi32>
      %eq3A_369 = arith.cmpi eq, %iota3A_366, %eq3A_368 : vector<16xi32>
      %jit3A_370 = arith.constant 0 : i32
      %broadcast_in_dim3A_371 = vector.broadcast %jit3A_370 : i32 to vector<16xi32>
      %select_n3A_372 = arith.select %eq3A_369, %get3A_156, %broadcast_in_dim3A_371 : vector<16xi1>, vector<16xi32>
      %reduce_sum3A_373 = arith.constant true
      %reduce_sum3A_374 = vector.broadcast %reduce_sum3A_373 : i1 to vector<16xi1>
      %reduce_sum3A_375 = tpu.scan <sum>, %select_n3A_372 masked %reduce_sum3A_374 : vector<16xi32>, vector<16xi1> -> vector<16xi32>
      %reduce_sum3A_376 = vector.extract %reduce_sum3A_375[15] : i32 from vector<16xi32>
      %mul3A_377 = arith.constant 16 : i32
      %mul3A_378 = arith.muli %scan3A_150, %mul3A_377 : i32
      %add3A_379 = arith.constant 8 : i32
      %add3A_380 = arith.addi %mul3A_378, %add3A_379 : i32
      %dma_start3A_381 = arith.constant 0 : i32
      %dma_start3A_382 = tpu.memref_slice %arg14[%add3A_380, %dma_start3A_381] : memref<256x32xf32, #tpu.memory_space<vmem>> -> memref<1x32xf32, #tpu.memory_space<vmem>>
      %dma_start3A_383 = tpu.memref_squeeze %dma_start3A_382 : memref<1x32xf32, #tpu.memory_space<vmem>> -> memref<32xf32, #tpu.memory_space<vmem>>
      %dma_start3A_384 = arith.constant 0 : i32
      %dma_start3A_385 = tpu.memref_slice %arg6[%reduce_sum3A_376, %dma_start3A_384] : memref<100x32xf32, #tpu.memory_space<hbm>> -> memref<1x32xf32, #tpu.memory_space<hbm>>
      %dma_start3A_386 = tpu.memref_squeeze %dma_start3A_385 : memref<1x32xf32, #tpu.memory_space<hbm>> -> memref<32xf32, #tpu.memory_space<hbm>>
      %dma_start3A_387 = arith.constant 0 : i32
      %dma_start3A_388 = tpu.memref_slice %arg14[%add3A_380, %dma_start3A_387] : memref<256x32xf32, #tpu.memory_space<vmem>> -> memref<1x32xf32, #tpu.memory_space<vmem>>
      %dma_start3A_389 = tpu.memref_squeeze %dma_start3A_388 : memref<1x32xf32, #tpu.memory_space<vmem>> -> memref<32xf32, #tpu.memory_space<vmem>>
      %dma_start3A_390 = arith.constant 0 : i32
      %dma_start3A_391 = tpu.memref_slice %arg6[%reduce_sum3A_376, %dma_start3A_390] : memref<100x32xf32, #tpu.memory_space<hbm>> -> memref<1x32xf32, #tpu.memory_space<hbm>>
      %dma_start3A_392 = tpu.memref_squeeze %dma_start3A_391 : memref<1x32xf32, #tpu.memory_space<hbm>> -> memref<32xf32, #tpu.memory_space<hbm>>
      tpu.enqueue_dma source(%dma_start3A_392 : memref<32xf32, #tpu.memory_space<hbm>>) target(%dma_start3A_389 : memref<32xf32, #tpu.memory_space<vmem>>) target_semaphore(%arg18 : memref<!tpu.dma_semaphore, #tpu.memory_space<semaphore_mem>>)
      %iota3A_393 = tpu.iota {dimensions = array<i32: 0>} : vector<16xi32>
      %eq3A_394 = arith.constant 9 : i32
      %eq3A_395 = vector.broadcast %eq3A_394 : i32 to vector<16xi32>
      %eq3A_396 = arith.cmpi eq, %iota3A_393, %eq3A_395 : vector<16xi32>
      %jit3A_397 = arith.constant 0 : i32
      %broadcast_in_dim3A_398 = vector.broadcast %jit3A_397 : i32 to vector<16xi32>
      %select_n3A_399 = arith.select %eq3A_396, %get3A_156, %broadcast_in_dim3A_398 : vector<16xi1>, vector<16xi32>
      %reduce_sum3A_400 = arith.constant true
      %reduce_sum3A_401 = vector.broadcast %reduce_sum3A_400 : i1 to vector<16xi1>
      %reduce_sum3A_402 = tpu.scan <sum>, %select_n3A_399 masked %reduce_sum3A_401 : vector<16xi32>, vector<16xi1> -> vector<16xi32>
      %reduce_sum3A_403 = vector.extract %reduce_sum3A_402[15] : i32 from vector<16xi32>
      %mul3A_404 = arith.constant 16 : i32
      %mul3A_405 = arith.muli %scan3A_150, %mul3A_404 : i32
      %add3A_406 = arith.constant 9 : i32
      %add3A_407 = arith.addi %mul3A_405, %add3A_406 : i32
      %dma_start3A_408 = arith.constant 0 : i32
      %dma_start3A_409 = tpu.memref_slice %arg14[%add3A_407, %dma_start3A_408] : memref<256x32xf32, #tpu.memory_space<vmem>> -> memref<1x32xf32, #tpu.memory_space<vmem>>
      %dma_start3A_410 = tpu.memref_squeeze %dma_start3A_409 : memref<1x32xf32, #tpu.memory_space<vmem>> -> memref<32xf32, #tpu.memory_space<vmem>>
      %dma_start3A_411 = arith.constant 0 : i32
      %dma_start3A_412 = tpu.memref_slice %arg6[%reduce_sum3A_403, %dma_start3A_411] : memref<100x32xf32, #tpu.memory_space<hbm>> -> memref<1x32xf32, #tpu.memory_space<hbm>>
      %dma_start3A_413 = tpu.memref_squeeze %dma_start3A_412 : memref<1x32xf32, #tpu.memory_space<hbm>> -> memref<32xf32, #tpu.memory_space<hbm>>
      %dma_start3A_414 = arith.constant 0 : i32
      %dma_start3A_415 = tpu.memref_slice %arg14[%add3A_407, %dma_start3A_414] : memref<256x32xf32, #tpu.memory_space<vmem>> -> memref<1x32xf32, #tpu.memory_space<vmem>>
      %dma_start3A_416 = tpu.memref_squeeze %dma_start3A_415 : memref<1x32xf32, #tpu.memory_space<vmem>> -> memref<32xf32, #tpu.memory_space<vmem>>
      %dma_start3A_417 = arith.constant 0 : i32
      %dma_start3A_418 = tpu.memref_slice %arg6[%reduce_sum3A_403, %dma_start3A_417] : memref<100x32xf32, #tpu.memory_space<hbm>> -> memref<1x32xf32, #tpu.memory_space<hbm>>
      %dma_start3A_419 = tpu.memref_squeeze %dma_start3A_418 : memref<1x32xf32, #tpu.memory_space<hbm>> -> memref<32xf32, #tpu.memory_space<hbm>>
      tpu.enqueue_dma source(%dma_start3A_419 : memref<32xf32, #tpu.memory_space<hbm>>) target(%dma_start3A_416 : memref<32xf32, #tpu.memory_space<vmem>>) target_semaphore(%arg18 : memref<!tpu.dma_semaphore, #tpu.memory_space<semaphore_mem>>)
      %iota3A_420 = tpu.iota {dimensions = array<i32: 0>} : vector<16xi32>
      %eq3A_421 = arith.constant 10 : i32
      %eq3A_422 = vector.broadcast %eq3A_421 : i32 to vector<16xi32>
      %eq3A_423 = arith.cmpi eq, %iota3A_420, %eq3A_422 : vector<16xi32>
      %jit3A_424 = arith.constant 0 : i32
      %broadcast_in_dim3A_425 = vector.broadcast %jit3A_424 : i32 to vector<16xi32>
      %select_n3A_426 = arith.select %eq3A_423, %get3A_156, %broadcast_in_dim3A_425 : vector<16xi1>, vector<16xi32>
      %reduce_sum3A_427 = arith.constant true
      %reduce_sum3A_428 = vector.broadcast %reduce_sum3A_427 : i1 to vector<16xi1>
      %reduce_sum3A_429 = tpu.scan <sum>, %select_n3A_426 masked %reduce_sum3A_428 : vector<16xi32>, vector<16xi1> -> vector<16xi32>
      %reduce_sum3A_430 = vector.extract %reduce_sum3A_429[15] : i32 from vector<16xi32>
      %mul3A_431 = arith.constant 16 : i32
      %mul3A_432 = arith.muli %scan3A_150, %mul3A_431 : i32
      %add3A_433 = arith.constant 10 : i32
      %add3A_434 = arith.addi %mul3A_432, %add3A_433 : i32
      %dma_start3A_435 = arith.constant 0 : i32
      %dma_start3A_436 = tpu.memref_slice %arg14[%add3A_434, %dma_start3A_435] : memref<256x32xf32, #tpu.memory_space<vmem>> -> memref<1x32xf32, #tpu.memory_space<vmem>>
      %dma_start3A_437 = tpu.memref_squeeze %dma_start3A_436 : memref<1x32xf32, #tpu.memory_space<vmem>> -> memref<32xf32, #tpu.memory_space<vmem>>
      %dma_start3A_438 = arith.constant 0 : i32
      %dma_start3A_439 = tpu.memref_slice %arg6[%reduce_sum3A_430, %dma_start3A_438] : memref<100x32xf32, #tpu.memory_space<hbm>> -> memref<1x32xf32, #tpu.memory_space<hbm>>
      %dma_start3A_440 = tpu.memref_squeeze %dma_start3A_439 : memref<1x32xf32, #tpu.memory_space<hbm>> -> memref<32xf32, #tpu.memory_space<hbm>>
      %dma_start3A_441 = arith.constant 0 : i32
      %dma_start3A_442 = tpu.memref_slice %arg14[%add3A_434, %dma_start3A_441] : memref<256x32xf32, #tpu.memory_space<vmem>> -> memref<1x32xf32, #tpu.memory_space<vmem>>
      %dma_start3A_443 = tpu.memref_squeeze %dma_start3A_442 : memref<1x32xf32, #tpu.memory_space<vmem>> -> memref<32xf32, #tpu.memory_space<vmem>>
      %dma_start3A_444 = arith.constant 0 : i32
      %dma_start3A_445 = tpu.memref_slice %arg6[%reduce_sum3A_430, %dma_start3A_444] : memref<100x32xf32, #tpu.memory_space<hbm>> -> memref<1x32xf32, #tpu.memory_space<hbm>>
      %dma_start3A_446 = tpu.memref_squeeze %dma_start3A_445 : memref<1x32xf32, #tpu.memory_space<hbm>> -> memref<32xf32, #tpu.memory_space<hbm>>
      tpu.enqueue_dma source(%dma_start3A_446 : memref<32xf32, #tpu.memory_space<hbm>>) target(%dma_start3A_443 : memref<32xf32, #tpu.memory_space<vmem>>) target_semaphore(%arg18 : memref<!tpu.dma_semaphore, #tpu.memory_space<semaphore_mem>>)
      %iota3A_447 = tpu.iota {dimensions = array<i32: 0>} : vector<16xi32>
      %eq3A_448 = arith.constant 11 : i32
      %eq3A_449 = vector.broadcast %eq3A_448 : i32 to vector<16xi32>
      %eq3A_450 = arith.cmpi eq, %iota3A_447, %eq3A_449 : vector<16xi32>
      %jit3A_451 = arith.constant 0 : i32
      %broadcast_in_dim3A_452 = vector.broadcast %jit3A_451 : i32 to vector<16xi32>
      %select_n3A_453 = arith.select %eq3A_450, %get3A_156, %broadcast_in_dim3A_452 : vector<16xi1>, vector<16xi32>
      %reduce_sum3A_454 = arith.constant true
      %reduce_sum3A_455 = vector.broadcast %reduce_sum3A_454 : i1 to vector<16xi1>
      %reduce_sum3A_456 = tpu.scan <sum>, %select_n3A_453 masked %reduce_sum3A_455 : vector<16xi32>, vector<16xi1> -> vector<16xi32>
      %reduce_sum3A_457 = vector.extract %reduce_sum3A_456[15] : i32 from vector<16xi32>
      %mul3A_458 = arith.constant 16 : i32
      %mul3A_459 = arith.muli %scan3A_150, %mul3A_458 : i32
      %add3A_460 = arith.constant 11 : i32
      %add3A_461 = arith.addi %mul3A_459, %add3A_460 : i32
      %dma_start3A_462 = arith.constant 0 : i32
      %dma_start3A_463 = tpu.memref_slice %arg14[%add3A_461, %dma_start3A_462] : memref<256x32xf32, #tpu.memory_space<vmem>> -> memref<1x32xf32, #tpu.memory_space<vmem>>
      %dma_start3A_464 = tpu.memref_squeeze %dma_start3A_463 : memref<1x32xf32, #tpu.memory_space<vmem>> -> memref<32xf32, #tpu.memory_space<vmem>>
      %dma_start3A_465 = arith.constant 0 : i32
      %dma_start3A_466 = tpu.memref_slice %arg6[%reduce_sum3A_457, %dma_start3A_465] : memref<100x32xf32, #tpu.memory_space<hbm>> -> memref<1x32xf32, #tpu.memory_space<hbm>>
      %dma_start3A_467 = tpu.memref_squeeze %dma_start3A_466 : memref<1x32xf32, #tpu.memory_space<hbm>> -> memref<32xf32, #tpu.memory_space<hbm>>
      %dma_start3A_468 = arith.constant 0 : i32
      %dma_start3A_469 = tpu.memref_slice %arg14[%add3A_461, %dma_start3A_468] : memref<256x32xf32, #tpu.memory_space<vmem>> -> memref<1x32xf32, #tpu.memory_space<vmem>>
      %dma_start3A_470 = tpu.memref_squeeze %dma_start3A_469 : memref<1x32xf32, #tpu.memory_space<vmem>> -> memref<32xf32, #tpu.memory_space<vmem>>
      %dma_start3A_471 = arith.constant 0 : i32
      %dma_start3A_472 = tpu.memref_slice %arg6[%reduce_sum3A_457, %dma_start3A_471] : memref<100x32xf32, #tpu.memory_space<hbm>> -> memref<1x32xf32, #tpu.memory_space<hbm>>
      %dma_start3A_473 = tpu.memref_squeeze %dma_start3A_472 : memref<1x32xf32, #tpu.memory_space<hbm>> -> memref<32xf32, #tpu.memory_space<hbm>>
      tpu.enqueue_dma source(%dma_start3A_473 : memref<32xf32, #tpu.memory_space<hbm>>) target(%dma_start3A_470 : memref<32xf32, #tpu.memory_space<vmem>>) target_semaphore(%arg18 : memref<!tpu.dma_semaphore, #tpu.memory_space<semaphore_mem>>)
      %iota3A_474 = tpu.iota {dimensions = array<i32: 0>} : vector<16xi32>
      %eq3A_475 = arith.constant 12 : i32
      %eq3A_476 = vector.broadcast %eq3A_475 : i32 to vector<16xi32>
      %eq3A_477 = arith.cmpi eq, %iota3A_474, %eq3A_476 : vector<16xi32>
      %jit3A_478 = arith.constant 0 : i32
      %broadcast_in_dim3A_479 = vector.broadcast %jit3A_478 : i32 to vector<16xi32>
      %select_n3A_480 = arith.select %eq3A_477, %get3A_156, %broadcast_in_dim3A_479 : vector<16xi1>, vector<16xi32>
      %reduce_sum3A_481 = arith.constant true
      %reduce_sum3A_482 = vector.broadcast %reduce_sum3A_481 : i1 to vector<16xi1>
      %reduce_sum3A_483 = tpu.scan <sum>, %select_n3A_480 masked %reduce_sum3A_482 : vector<16xi32>, vector<16xi1> -> vector<16xi32>
      %reduce_sum3A_484 = vector.extract %reduce_sum3A_483[15] : i32 from vector<16xi32>
      %mul3A_485 = arith.constant 16 : i32
      %mul3A_486 = arith.muli %scan3A_150, %mul3A_485 : i32
      %add3A_487 = arith.constant 12 : i32
      %add3A_488 = arith.addi %mul3A_486, %add3A_487 : i32
      %dma_start3A_489 = arith.constant 0 : i32
      %dma_start3A_490 = tpu.memref_slice %arg14[%add3A_488, %dma_start3A_489] : memref<256x32xf32, #tpu.memory_space<vmem>> -> memref<1x32xf32, #tpu.memory_space<vmem>>
      %dma_start3A_491 = tpu.memref_squeeze %dma_start3A_490 : memref<1x32xf32, #tpu.memory_space<vmem>> -> memref<32xf32, #tpu.memory_space<vmem>>
      %dma_start3A_492 = arith.constant 0 : i32
      %dma_start3A_493 = tpu.memref_slice %arg6[%reduce_sum3A_484, %dma_start3A_492] : memref<100x32xf32, #tpu.memory_space<hbm>> -> memref<1x32xf32, #tpu.memory_space<hbm>>
      %dma_start3A_494 = tpu.memref_squeeze %dma_start3A_493 : memref<1x32xf32, #tpu.memory_space<hbm>> -> memref<32xf32, #tpu.memory_space<hbm>>
      %dma_start3A_495 = arith.constant 0 : i32
      %dma_start3A_496 = tpu.memref_slice %arg14[%add3A_488, %dma_start3A_495] : memref<256x32xf32, #tpu.memory_space<vmem>> -> memref<1x32xf32, #tpu.memory_space<vmem>>
      %dma_start3A_497 = tpu.memref_squeeze %dma_start3A_496 : memref<1x32xf32, #tpu.memory_space<vmem>> -> memref<32xf32, #tpu.memory_space<vmem>>
      %dma_start3A_498 = arith.constant 0 : i32
      %dma_start3A_499 = tpu.memref_slice %arg6[%reduce_sum3A_484, %dma_start3A_498] : memref<100x32xf32, #tpu.memory_space<hbm>> -> memref<1x32xf32, #tpu.memory_space<hbm>>
      %dma_start3A_500 = tpu.memref_squeeze %dma_start3A_499 : memref<1x32xf32, #tpu.memory_space<hbm>> -> memref<32xf32, #tpu.memory_space<hbm>>
      tpu.enqueue_dma source(%dma_start3A_500 : memref<32xf32, #tpu.memory_space<hbm>>) target(%dma_start3A_497 : memref<32xf32, #tpu.memory_space<vmem>>) target_semaphore(%arg18 : memref<!tpu.dma_semaphore, #tpu.memory_space<semaphore_mem>>)
      %iota3A_501 = tpu.iota {dimensions = array<i32: 0>} : vector<16xi32>
      %eq3A_502 = arith.constant 13 : i32
      %eq3A_503 = vector.broadcast %eq3A_502 : i32 to vector<16xi32>
      %eq3A_504 = arith.cmpi eq, %iota3A_501, %eq3A_503 : vector<16xi32>
      %jit3A_505 = arith.constant 0 : i32
      %broadcast_in_dim3A_506 = vector.broadcast %jit3A_505 : i32 to vector<16xi32>
      %select_n3A_507 = arith.select %eq3A_504, %get3A_156, %broadcast_in_dim3A_506 : vector<16xi1>, vector<16xi32>
      %reduce_sum3A_508 = arith.constant true
      %reduce_sum3A_509 = vector.broadcast %reduce_sum3A_508 : i1 to vector<16xi1>
      %reduce_sum3A_510 = tpu.scan <sum>, %select_n3A_507 masked %reduce_sum3A_509 : vector<16xi32>, vector<16xi1> -> vector<16xi32>
      %reduce_sum3A_511 = vector.extract %reduce_sum3A_510[15] : i32 from vector<16xi32>
      %mul3A_512 = arith.constant 16 : i32
      %mul3A_513 = arith.muli %scan3A_150, %mul3A_512 : i32
      %add3A_514 = arith.constant 13 : i32
      %add3A_515 = arith.addi %mul3A_513, %add3A_514 : i32
      %dma_start3A_516 = arith.constant 0 : i32
      %dma_start3A_517 = tpu.memref_slice %arg14[%add3A_515, %dma_start3A_516] : memref<256x32xf32, #tpu.memory_space<vmem>> -> memref<1x32xf32, #tpu.memory_space<vmem>>
      %dma_start3A_518 = tpu.memref_squeeze %dma_start3A_517 : memref<1x32xf32, #tpu.memory_space<vmem>> -> memref<32xf32, #tpu.memory_space<vmem>>
      %dma_start3A_519 = arith.constant 0 : i32
      %dma_start3A_520 = tpu.memref_slice %arg6[%reduce_sum3A_511, %dma_start3A_519] : memref<100x32xf32, #tpu.memory_space<hbm>> -> memref<1x32xf32, #tpu.memory_space<hbm>>
      %dma_start3A_521 = tpu.memref_squeeze %dma_start3A_520 : memref<1x32xf32, #tpu.memory_space<hbm>> -> memref<32xf32, #tpu.memory_space<hbm>>
      %dma_start3A_522 = arith.constant 0 : i32
      %dma_start3A_523 = tpu.memref_slice %arg14[%add3A_515, %dma_start3A_522] : memref<256x32xf32, #tpu.memory_space<vmem>> -> memref<1x32xf32, #tpu.memory_space<vmem>>
      %dma_start3A_524 = tpu.memref_squeeze %dma_start3A_523 : memref<1x32xf32, #tpu.memory_space<vmem>> -> memref<32xf32, #tpu.memory_space<vmem>>
      %dma_start3A_525 = arith.constant 0 : i32
      %dma_start3A_526 = tpu.memref_slice %arg6[%reduce_sum3A_511, %dma_start3A_525] : memref<100x32xf32, #tpu.memory_space<hbm>> -> memref<1x32xf32, #tpu.memory_space<hbm>>
      %dma_start3A_527 = tpu.memref_squeeze %dma_start3A_526 : memref<1x32xf32, #tpu.memory_space<hbm>> -> memref<32xf32, #tpu.memory_space<hbm>>
      tpu.enqueue_dma source(%dma_start3A_527 : memref<32xf32, #tpu.memory_space<hbm>>) target(%dma_start3A_524 : memref<32xf32, #tpu.memory_space<vmem>>) target_semaphore(%arg18 : memref<!tpu.dma_semaphore, #tpu.memory_space<semaphore_mem>>)
      %iota3A_528 = tpu.iota {dimensions = array<i32: 0>} : vector<16xi32>
      %eq3A_529 = arith.constant 14 : i32
      %eq3A_530 = vector.broadcast %eq3A_529 : i32 to vector<16xi32>
      %eq3A_531 = arith.cmpi eq, %iota3A_528, %eq3A_530 : vector<16xi32>
      %jit3A_532 = arith.constant 0 : i32
      %broadcast_in_dim3A_533 = vector.broadcast %jit3A_532 : i32 to vector<16xi32>
      %select_n3A_534 = arith.select %eq3A_531, %get3A_156, %broadcast_in_dim3A_533 : vector<16xi1>, vector<16xi32>
      %reduce_sum3A_535 = arith.constant true
      %reduce_sum3A_536 = vector.broadcast %reduce_sum3A_535 : i1 to vector<16xi1>
      %reduce_sum3A_537 = tpu.scan <sum>, %select_n3A_534 masked %reduce_sum3A_536 : vector<16xi32>, vector<16xi1> -> vector<16xi32>
      %reduce_sum3A_538 = vector.extract %reduce_sum3A_537[15] : i32 from vector<16xi32>
      %mul3A_539 = arith.constant 16 : i32
      %mul3A_540 = arith.muli %scan3A_150, %mul3A_539 : i32
      %add3A_541 = arith.constant 14 : i32
      %add3A_542 = arith.addi %mul3A_540, %add3A_541 : i32
      %dma_start3A_543 = arith.constant 0 : i32
      %dma_start3A_544 = tpu.memref_slice %arg14[%add3A_542, %dma_start3A_543] : memref<256x32xf32, #tpu.memory_space<vmem>> -> memref<1x32xf32, #tpu.memory_space<vmem>>
      %dma_start3A_545 = tpu.memref_squeeze %dma_start3A_544 : memref<1x32xf32, #tpu.memory_space<vmem>> -> memref<32xf32, #tpu.memory_space<vmem>>
      %dma_start3A_546 = arith.constant 0 : i32
      %dma_start3A_547 = tpu.memref_slice %arg6[%reduce_sum3A_538, %dma_start3A_546] : memref<100x32xf32, #tpu.memory_space<hbm>> -> memref<1x32xf32, #tpu.memory_space<hbm>>
      %dma_start3A_548 = tpu.memref_squeeze %dma_start3A_547 : memref<1x32xf32, #tpu.memory_space<hbm>> -> memref<32xf32, #tpu.memory_space<hbm>>
      %dma_start3A_549 = arith.constant 0 : i32
      %dma_start3A_550 = tpu.memref_slice %arg14[%add3A_542, %dma_start3A_549] : memref<256x32xf32, #tpu.memory_space<vmem>> -> memref<1x32xf32, #tpu.memory_space<vmem>>
      %dma_start3A_551 = tpu.memref_squeeze %dma_start3A_550 : memref<1x32xf32, #tpu.memory_space<vmem>> -> memref<32xf32, #tpu.memory_space<vmem>>
      %dma_start3A_552 = arith.constant 0 : i32
      %dma_start3A_553 = tpu.memref_slice %arg6[%reduce_sum3A_538, %dma_start3A_552] : memref<100x32xf32, #tpu.memory_space<hbm>> -> memref<1x32xf32, #tpu.memory_space<hbm>>
      %dma_start3A_554 = tpu.memref_squeeze %dma_start3A_553 : memref<1x32xf32, #tpu.memory_space<hbm>> -> memref<32xf32, #tpu.memory_space<hbm>>
      tpu.enqueue_dma source(%dma_start3A_554 : memref<32xf32, #tpu.memory_space<hbm>>) target(%dma_start3A_551 : memref<32xf32, #tpu.memory_space<vmem>>) target_semaphore(%arg18 : memref<!tpu.dma_semaphore, #tpu.memory_space<semaphore_mem>>)
      %iota3A_555 = tpu.iota {dimensions = array<i32: 0>} : vector<16xi32>
      %eq3A_556 = arith.constant 15 : i32
      %eq3A_557 = vector.broadcast %eq3A_556 : i32 to vector<16xi32>
      %eq3A_558 = arith.cmpi eq, %iota3A_555, %eq3A_557 : vector<16xi32>
      %jit3A_559 = arith.constant 0 : i32
      %broadcast_in_dim3A_560 = vector.broadcast %jit3A_559 : i32 to vector<16xi32>
      %select_n3A_561 = arith.select %eq3A_558, %get3A_156, %broadcast_in_dim3A_560 : vector<16xi1>, vector<16xi32>
      %reduce_sum3A_562 = arith.constant true
      %reduce_sum3A_563 = vector.broadcast %reduce_sum3A_562 : i1 to vector<16xi1>
      %reduce_sum3A_564 = tpu.scan <sum>, %select_n3A_561 masked %reduce_sum3A_563 : vector<16xi32>, vector<16xi1> -> vector<16xi32>
      %reduce_sum3A_565 = vector.extract %reduce_sum3A_564[15] : i32 from vector<16xi32>
      %mul3A_566 = arith.constant 16 : i32
      %mul3A_567 = arith.muli %scan3A_150, %mul3A_566 : i32
      %add3A_568 = arith.constant 15 : i32
      %add3A_569 = arith.addi %mul3A_567, %add3A_568 : i32
      %dma_start3A_570 = arith.constant 0 : i32
      %dma_start3A_571 = tpu.memref_slice %arg14[%add3A_569, %dma_start3A_570] : memref<256x32xf32, #tpu.memory_space<vmem>> -> memref<1x32xf32, #tpu.memory_space<vmem>>
      %dma_start3A_572 = tpu.memref_squeeze %dma_start3A_571 : memref<1x32xf32, #tpu.memory_space<vmem>> -> memref<32xf32, #tpu.memory_space<vmem>>
      %dma_start3A_573 = arith.constant 0 : i32
      %dma_start3A_574 = tpu.memref_slice %arg6[%reduce_sum3A_565, %dma_start3A_573] : memref<100x32xf32, #tpu.memory_space<hbm>> -> memref<1x32xf32, #tpu.memory_space<hbm>>
      %dma_start3A_575 = tpu.memref_squeeze %dma_start3A_574 : memref<1x32xf32, #tpu.memory_space<hbm>> -> memref<32xf32, #tpu.memory_space<hbm>>
      %dma_start3A_576 = arith.constant 0 : i32
      %dma_start3A_577 = tpu.memref_slice %arg14[%add3A_569, %dma_start3A_576] : memref<256x32xf32, #tpu.memory_space<vmem>> -> memref<1x32xf32, #tpu.memory_space<vmem>>
      %dma_start3A_578 = tpu.memref_squeeze %dma_start3A_577 : memref<1x32xf32, #tpu.memory_space<vmem>> -> memref<32xf32, #tpu.memory_space<vmem>>
      %dma_start3A_579 = arith.constant 0 : i32
      %dma_start3A_580 = tpu.memref_slice %arg6[%reduce_sum3A_565, %dma_start3A_579] : memref<100x32xf32, #tpu.memory_space<hbm>> -> memref<1x32xf32, #tpu.memory_space<hbm>>
      %dma_start3A_581 = tpu.memref_squeeze %dma_start3A_580 : memref<1x32xf32, #tpu.memory_space<hbm>> -> memref<32xf32, #tpu.memory_space<hbm>>
      tpu.enqueue_dma source(%dma_start3A_581 : memref<32xf32, #tpu.memory_space<hbm>>) target(%dma_start3A_578 : memref<32xf32, #tpu.memory_space<vmem>>) target_semaphore(%arg18 : memref<!tpu.dma_semaphore, #tpu.memory_space<semaphore_mem>>)
      %scan3A_582 = arith.constant 0 : i32
      scf.yield %scan3A_582 : i32
    }
    %scan3A_95 = arith.constant 16 : i32
    %dma_wait3A_96 = arith.constant 0 : i32
    %dma_wait3A_97 = arith.constant 0 : i32
    %dma_wait3A_98 = arith.constant 0 : i32
    %dma_wait3A_99 = tpu.memref_slice %arg5[%dma_wait3A_96, %dma_wait3A_97, %dma_wait3A_98] : memref<125000x8x32xf32, #tpu.memory_space<hbm>> -> memref<32x8x32xf32, #tpu.memory_space<hbm>>
    %dma_wait3A_100 = arith.constant 0 : i32
    %dma_wait3A_101 = arith.constant 0 : i32
    %dma_wait3A_102 = arith.constant 0 : i32
    %dma_wait3A_103 = tpu.memref_slice %arg5[%dma_wait3A_100, %dma_wait3A_101, %dma_wait3A_102] : memref<125000x8x32xf32, #tpu.memory_space<hbm>> -> memref<32x8x32xf32, #tpu.memory_space<hbm>>
    tpu.wait_dma2 semaphore(%arg17 : memref<!tpu.dma_semaphore, #tpu.memory_space<semaphore_mem>>) src(%dma_wait3A_103 : memref<32x8x32xf32, #tpu.memory_space<hbm>>) dst(%arg13 : memref<256x32xf32, #tpu.memory_space<vmem>>)
    %scan3A_104 = arith.constant 0 : i32
    %scan3A_105 = arith.constant 0 : i32
    %scan3A_106 = arith.constant 32 : i32
    %scan3A_107 = arith.addi %scan3A_105, %scan3A_106 : i32
    %scan3A_108 = arith.constant 1 : i32
    %scan3A_109 = scf.for %scan3A_150 = %scan3A_105 to %scan3A_107 step %scan3A_108 iter_args(%scan3A_151 = %scan3A_104) -> (i32)  : i32 {
      %broadcast_in_dim3A = arith.constant 0 : i32
      %broadcast_in_dim3A_152 = vector.broadcast %broadcast_in_dim3A : i32 to vector<16xi32>
      %add3A_153 = vector.broadcast %scan3A_150 : i32 to vector<16xi32>
      %add3A_154 = arith.addi %broadcast_in_dim3A_152, %add3A_153 : vector<16xi32>
      %shift_right_arithmetic3A = arith.constant 3 : i32
      %shift_right_arithmetic3A_155 = vector.broadcast %shift_right_arithmetic3A : i32 to vector<16xi32>
      %shift_right_arithmetic3A_156 = arith.shrsi %add3A_154, %shift_right_arithmetic3A_155 : vector<16xi32>
      %and3A = arith.constant 7 : i32
      %and3A_157 = vector.broadcast %and3A : i32 to vector<16xi32>
      %and3A_158 = arith.andi %add3A_154, %and3A_157 : vector<16xi32>
      %scan3A_159 = arith.constant 0 : i32
      %scan3A_160 = arith.constant 0 : i32
      %scan3A_161 = arith.constant 16 : i32
      %scan3A_162 = arith.addi %scan3A_160, %scan3A_161 : i32
      %scan3A_163 = arith.constant 1 : i32
      %scan3A_164 = scf.for %scan3A_167 = %scan3A_160 to %scan3A_162 step %scan3A_163 iter_args(%scan3A_168 = %scan3A_159) -> (i32)  : i32 {
        %iota3A = tpu.iota {dimensions = array<i32: 0>} : vector<16xi32>
        %mul3A_169 = arith.constant 16 : i32
        %mul3A_170 = arith.muli %scan3A_167, %mul3A_169 : i32
        %add3A_171 = vector.broadcast %mul3A_170 : i32 to vector<16xi32>
        %add3A_172 = arith.addi %iota3A, %add3A_171 : vector<16xi32>
        %gather3A = tpu.vector_load_idx %arg13[%add3A_172, %add3A_154] : memref<256x32xf32, #tpu.memory_space<vmem>>[vector<16xi32>, vector<16xi32>], vector<16xf32>,
        tpu.vector_store_idx %arg16[%shift_right_arithmetic3A_156, %and3A_158, %add3A_172], %gather3A : memref<4x8x256xf32, #tpu.memory_space<vmem>>[vector<16xi32>, vector<16xi32>, vector<16xi32>], vector<16xf32>,
        %scan3A_173 = arith.constant 0 : i32
        scf.yield %scan3A_173 : i32
      }
      %scan3A_165 = arith.constant 16 : i32
      %scan3A_166 = arith.constant 0 : i32
      scf.yield %scan3A_166 : i32
    }
    %scan3A_110 = arith.constant 32 : i32
    %add3A_111 = arith.constant 256 : i32
    %add3A_112 = arith.addi %mul3A_2, %add3A_111 : i32
    %multiple_of3A_113 = tpu.assume_multiple %add3A_112, 128 : i32
    "tpu.region"() ({
      %run_scoped3A = tpu.sem_alloc : memref<!tpu.dma_semaphore, #tpu.memory_space<semaphore_mem>>
      %dma_start3A = arith.constant 0 : i32
      %dma_start3A_150 = arith.constant 0 : i32
      %dma_start3A_151 = tpu.memref_slice %arg7[%dma_start3A, %dma_start3A_150, %multiple_of3A_113] : memref<4x8x16384xf32, #tpu.memory_space<hbm>> -> memref<4x8x256xf32, #tpu.memory_space<hbm>>
      %dma_start3A_152 = arith.constant 0 : i32
      %dma_start3A_153 = arith.constant 0 : i32
      %dma_start3A_154 = tpu.memref_slice %arg7[%dma_start3A_152, %dma_start3A_153, %multiple_of3A_113] : memref<4x8x16384xf32, #tpu.memory_space<hbm>> -> memref<4x8x256xf32, #tpu.memory_space<hbm>>
      tpu.enqueue_dma source(%arg16 : memref<4x8x256xf32, #tpu.memory_space<vmem>>) target(%dma_start3A_154 : memref<4x8x256xf32, #tpu.memory_space<hbm>>) target_semaphore(%run_scoped3A : memref<!tpu.dma_semaphore, #tpu.memory_space<semaphore_mem>>)
      %dma_wait3A_155 = arith.constant 0 : i32
      %dma_wait3A_156 = arith.constant 0 : i32
      %dma_wait3A_157 = tpu.memref_slice %arg7[%dma_wait3A_155, %dma_wait3A_156, %multiple_of3A_113] : memref<4x8x16384xf32, #tpu.memory_space<hbm>> -> memref<4x8x256xf32, #tpu.memory_space<hbm>>
      %dma_wait3A_158 = arith.constant 0 : i32
      %dma_wait3A_159 = arith.constant 0 : i32
      %dma_wait3A_160 = tpu.memref_slice %arg7[%dma_wait3A_158, %dma_wait3A_159, %multiple_of3A_113] : memref<4x8x16384xf32, #tpu.memory_space<hbm>> -> memref<4x8x256xf32, #tpu.memory_space<hbm>>
      tpu.wait_dma2 semaphore(%run_scoped3A : memref<!tpu.dma_semaphore, #tpu.memory_space<semaphore_mem>>) src(%arg16 : memref<4x8x256xf32, #tpu.memory_space<vmem>>) dst(%dma_wait3A_160 : memref<4x8x256xf32, #tpu.memory_space<hbm>>)
      tpu.yield
    }) : () -> ()
    %dma_wait3A_114 = arith.constant 0 : i32
    %dma_wait3A_115 = arith.constant 0 : i32
    %dma_wait3A_116 = arith.constant 0 : i32
    %dma_wait3A_117 = tpu.memref_slice %arg5[%dma_wait3A_114, %dma_wait3A_115, %dma_wait3A_116] : memref<125000x8x32xf32, #tpu.memory_space<hbm>> -> memref<32x8x32xf32, #tpu.memory_space<hbm>>
    %dma_wait3A_118 = arith.constant 0 : i32
    %dma_wait3A_119 = arith.constant 0 : i32
    %dma_wait3A_120 = arith.constant 0 : i32
    %dma_wait3A_121 = tpu.memref_slice %arg5[%dma_wait3A_118, %dma_wait3A_119, %dma_wait3A_120] : memref<125000x8x32xf32, #tpu.memory_space<hbm>> -> memref<32x8x32xf32, #tpu.memory_space<hbm>>
    tpu.wait_dma2 semaphore(%arg19 : memref<!tpu.dma_semaphore, #tpu.memory_space<semaphore_mem>>) src(%dma_wait3A_121 : memref<32x8x32xf32, #tpu.memory_space<hbm>>) dst(%arg15 : memref<256x32xf32, #tpu.memory_space<vmem>>)
    %scan3A_122 = arith.constant 0 : i32
    %scan3A_123 = arith.constant 0 : i32
    %scan3A_124 = arith.constant 32 : i32
    %scan3A_125 = arith.addi %scan3A_123, %scan3A_124 : i32
    %scan3A_126 = arith.constant 1 : i32
    %scan3A_127 = scf.for %scan3A_150 = %scan3A_123 to %scan3A_125 step %scan3A_126 iter_args(%scan3A_151 = %scan3A_122) -> (i32)  : i32 {
      %broadcast_in_dim3A = arith.constant 0 : i32
      %broadcast_in_dim3A_152 = vector.broadcast %broadcast_in_dim3A : i32 to vector<16xi32>
      %add3A_153 = vector.broadcast %scan3A_150 : i32 to vector<16xi32>
      %add3A_154 = arith.addi %broadcast_in_dim3A_152, %add3A_153 : vector<16xi32>
      %shift_right_arithmetic3A = arith.constant 3 : i32
      %shift_right_arithmetic3A_155 = vector.broadcast %shift_right_arithmetic3A : i32 to vector<16xi32>
      %shift_right_arithmetic3A_156 = arith.shrsi %add3A_154, %shift_right_arithmetic3A_155 : vector<16xi32>
      %and3A = arith.constant 7 : i32
      %and3A_157 = vector.broadcast %and3A : i32 to vector<16xi32>
      %and3A_158 = arith.andi %add3A_154, %and3A_157 : vector<16xi32>
      %scan3A_159 = arith.constant 0 : i32
      %scan3A_160 = arith.constant 0 : i32
      %scan3A_161 = arith.constant 16 : i32
      %scan3A_162 = arith.addi %scan3A_160, %scan3A_161 : i32
      %scan3A_163 = arith.constant 1 : i32
      %scan3A_164 = scf.for %scan3A_167 = %scan3A_160 to %scan3A_162 step %scan3A_163 iter_args(%scan3A_168 = %scan3A_159) -> (i32)  : i32 {
        %iota3A = tpu.iota {dimensions = array<i32: 0>} : vector<16xi32>
        %mul3A_169 = arith.constant 16 : i32
        %mul3A_170 = arith.muli %scan3A_167, %mul3A_169 : i32
        %add3A_171 = vector.broadcast %mul3A_170 : i32 to vector<16xi32>
        %add3A_172 = arith.addi %iota3A, %add3A_171 : vector<16xi32>
        %gather3A = tpu.vector_load_idx %arg15[%add3A_172, %add3A_154] : memref<256x32xf32, #tpu.memory_space<vmem>>[vector<16xi32>, vector<16xi32>], vector<16xf32>,
        tpu.vector_store_idx %arg16[%shift_right_arithmetic3A_156, %and3A_158, %add3A_172], %gather3A : memref<4x8x256xf32, #tpu.memory_space<vmem>>[vector<16xi32>, vector<16xi32>, vector<16xi32>], vector<16xf32>,
        %scan3A_173 = arith.constant 0 : i32
        scf.yield %scan3A_173 : i32
      }
      %scan3A_165 = arith.constant 16 : i32
      %scan3A_166 = arith.constant 0 : i32
      scf.yield %scan3A_166 : i32
    }
    %scan3A_128 = arith.constant 32 : i32
    %add3A_129 = arith.constant 256 : i32
    %add3A_130 = arith.addi %mul3A_2, %add3A_129 : i32
    %multiple_of3A_131 = tpu.assume_multiple %add3A_130, 128 : i32
    "tpu.region"() ({
      %run_scoped3A = tpu.sem_alloc : memref<!tpu.dma_semaphore, #tpu.memory_space<semaphore_mem>>
      %dma_start3A = arith.constant 0 : i32
      %dma_start3A_150 = arith.constant 0 : i32
      %dma_start3A_151 = tpu.memref_slice %arg9[%dma_start3A, %dma_start3A_150, %multiple_of3A_131] : memref<4x8x16384xf32, #tpu.memory_space<hbm>> -> memref<4x8x256xf32, #tpu.memory_space<hbm>>
      %dma_start3A_152 = arith.constant 0 : i32
      %dma_start3A_153 = arith.constant 0 : i32
      %dma_start3A_154 = tpu.memref_slice %arg9[%dma_start3A_152, %dma_start3A_153, %multiple_of3A_131] : memref<4x8x16384xf32, #tpu.memory_space<hbm>> -> memref<4x8x256xf32, #tpu.memory_space<hbm>>
      tpu.enqueue_dma source(%arg16 : memref<4x8x256xf32, #tpu.memory_space<vmem>>) target(%dma_start3A_154 : memref<4x8x256xf32, #tpu.memory_space<hbm>>) target_semaphore(%run_scoped3A : memref<!tpu.dma_semaphore, #tpu.memory_space<semaphore_mem>>)
      %dma_wait3A_155 = arith.constant 0 : i32
      %dma_wait3A_156 = arith.constant 0 : i32
      %dma_wait3A_157 = tpu.memref_slice %arg9[%dma_wait3A_155, %dma_wait3A_156, %multiple_of3A_131] : memref<4x8x16384xf32, #tpu.memory_space<hbm>> -> memref<4x8x256xf32, #tpu.memory_space<hbm>>
      %dma_wait3A_158 = arith.constant 0 : i32
      %dma_wait3A_159 = arith.constant 0 : i32
      %dma_wait3A_160 = tpu.memref_slice %arg9[%dma_wait3A_158, %dma_wait3A_159, %multiple_of3A_131] : memref<4x8x16384xf32, #tpu.memory_space<hbm>> -> memref<4x8x256xf32, #tpu.memory_space<hbm>>
      tpu.wait_dma2 semaphore(%run_scoped3A : memref<!tpu.dma_semaphore, #tpu.memory_space<semaphore_mem>>) src(%arg16 : memref<4x8x256xf32, #tpu.memory_space<vmem>>) dst(%dma_wait3A_160 : memref<4x8x256xf32, #tpu.memory_space<hbm>>)
      tpu.yield
    }) : () -> ()
    %dma_wait3A_132 = arith.constant 0 : i32
    %dma_wait3A_133 = arith.constant 0 : i32
    %dma_wait3A_134 = arith.constant 0 : i32
    %dma_wait3A_135 = tpu.memref_slice %arg5[%dma_wait3A_132, %dma_wait3A_133, %dma_wait3A_134] : memref<125000x8x32xf32, #tpu.memory_space<hbm>> -> memref<32x8x32xf32, #tpu.memory_space<hbm>>
    %dma_wait3A_136 = arith.constant 0 : i32
    %dma_wait3A_137 = arith.constant 0 : i32
    %dma_wait3A_138 = arith.constant 0 : i32
    %dma_wait3A_139 = tpu.memref_slice %arg5[%dma_wait3A_136, %dma_wait3A_137, %dma_wait3A_138] : memref<125000x8x32xf32, #tpu.memory_space<hbm>> -> memref<32x8x32xf32, #tpu.memory_space<hbm>>
    tpu.wait_dma2 semaphore(%arg18 : memref<!tpu.dma_semaphore, #tpu.memory_space<semaphore_mem>>) src(%dma_wait3A_139 : memref<32x8x32xf32, #tpu.memory_space<hbm>>) dst(%arg14 : memref<256x32xf32, #tpu.memory_space<vmem>>)
    %scan3A_140 = arith.constant 0 : i32
    %scan3A_141 = arith.constant 0 : i32
    %scan3A_142 = arith.constant 32 : i32
    %scan3A_143 = arith.addi %scan3A_141, %scan3A_142 : i32
    %scan3A_144 = arith.constant 1 : i32
    %scan3A_145 = scf.for %scan3A_150 = %scan3A_141 to %scan3A_143 step %scan3A_144 iter_args(%scan3A_151 = %scan3A_140) -> (i32)  : i32 {
      %broadcast_in_dim3A = arith.constant 0 : i32
      %broadcast_in_dim3A_152 = vector.broadcast %broadcast_in_dim3A : i32 to vector<16xi32>
      %add3A_153 = vector.broadcast %scan3A_150 : i32 to vector<16xi32>
      %add3A_154 = arith.addi %broadcast_in_dim3A_152, %add3A_153 : vector<16xi32>
      %shift_right_arithmetic3A = arith.constant 3 : i32
      %shift_right_arithmetic3A_155 = vector.broadcast %shift_right_arithmetic3A : i32 to vector<16xi32>
      %shift_right_arithmetic3A_156 = arith.shrsi %add3A_154, %shift_right_arithmetic3A_155 : vector<16xi32>
      %and3A = arith.constant 7 : i32
      %and3A_157 = vector.broadcast %and3A : i32 to vector<16xi32>
      %and3A_158 = arith.andi %add3A_154, %and3A_157 : vector<16xi32>
      %scan3A_159 = arith.constant 0 : i32
      %scan3A_160 = arith.constant 0 : i32
      %scan3A_161 = arith.constant 16 : i32
      %scan3A_162 = arith.addi %scan3A_160, %scan3A_161 : i32
      %scan3A_163 = arith.constant 1 : i32
      %scan3A_164 = scf.for %scan3A_167 = %scan3A_160 to %scan3A_162 step %scan3A_163 iter_args(%scan3A_168 = %scan3A_159) -> (i32)  : i32 {
        %iota3A = tpu.iota {dimensions = array<i32: 0>} : vector<16xi32>
        %mul3A_169 = arith.constant 16 : i32
        %mul3A_170 = arith.muli %scan3A_167, %mul3A_169 : i32
        %add3A_171 = vector.broadcast %mul3A_170 : i32 to vector<16xi32>
        %add3A_172 = arith.addi %iota3A, %add3A_171 : vector<16xi32>
        %gather3A = tpu.vector_load_idx %arg14[%add3A_172, %add3A_154] : memref<256x32xf32, #tpu.memory_space<vmem>>[vector<16xi32>, vector<16xi32>], vector<16xf32>,
        tpu.vector_store_idx %arg16[%shift_right_arithmetic3A_156, %and3A_158, %add3A_172], %gather3A : memref<4x8x256xf32, #tpu.memory_space<vmem>>[vector<16xi32>, vector<16xi32>, vector<16xi32>], vector<16xf32>,
        %scan3A_173 = arith.constant 0 : i32
        scf.yield %scan3A_173 : i32
      }
      %scan3A_165 = arith.constant 16 : i32
      %scan3A_166 = arith.constant 0 : i32
      scf.yield %scan3A_166 : i32
    }
    %scan3A_146 = arith.constant 32 : i32
    %add3A_147 = arith.constant 256 : i32
    %add3A_148 = arith.addi %mul3A_2, %add3A_147 : i32
    %multiple_of3A_149 = tpu.assume_multiple %add3A_148, 128 : i32
    "tpu.region"() ({
      %run_scoped3A = tpu.sem_alloc : memref<!tpu.dma_semaphore, #tpu.memory_space<semaphore_mem>>
      %dma_start3A = arith.constant 0 : i32
      %dma_start3A_150 = arith.constant 0 : i32
      %dma_start3A_151 = tpu.memref_slice %arg8[%dma_start3A, %dma_start3A_150, %multiple_of3A_149] : memref<4x8x16384xf32, #tpu.memory_space<hbm>> -> memref<4x8x256xf32, #tpu.memory_space<hbm>>
      %dma_start3A_152 = arith.constant 0 : i32
      %dma_start3A_153 = arith.constant 0 : i32
      %dma_start3A_154 = tpu.memref_slice %arg8[%dma_start3A_152, %dma_start3A_153, %multiple_of3A_149] : memref<4x8x16384xf32, #tpu.memory_space<hbm>> -> memref<4x8x256xf32, #tpu.memory_space<hbm>>
      tpu.enqueue_dma source(%arg16 : memref<4x8x256xf32, #tpu.memory_space<vmem>>) target(%dma_start3A_154 : memref<4x8x256xf32, #tpu.memory_space<hbm>>) target_semaphore(%run_scoped3A : memref<!tpu.dma_semaphore, #tpu.memory_space<semaphore_mem>>)
      %dma_wait3A_155 = arith.constant 0 : i32
      %dma_wait3A_156 = arith.constant 0 : i32
      %dma_wait3A_157 = tpu.memref_slice %arg8[%dma_wait3A_155, %dma_wait3A_156, %multiple_of3A_149] : memref<4x8x16384xf32, #tpu.memory_space<hbm>> -> memref<4x8x256xf32, #tpu.memory_space<hbm>>
      %dma_wait3A_158 = arith.constant 0 : i32
      %dma_wait3A_159 = arith.constant 0 : i32
      %dma_wait3A_160 = tpu.memref_slice %arg8[%dma_wait3A_158, %dma_wait3A_159, %multiple_of3A_149] : memref<4x8x16384xf32, #tpu.memory_space<hbm>> -> memref<4x8x256xf32, #tpu.memory_space<hbm>>
      tpu.wait_dma2 semaphore(%run_scoped3A : memref<!tpu.dma_semaphore, #tpu.memory_space<semaphore_mem>>) src(%arg16 : memref<4x8x256xf32, #tpu.memory_space<vmem>>) dst(%dma_wait3A_160 : memref<4x8x256xf32, #tpu.memory_space<hbm>>)
      tpu.yield
    }) : () -> ()
    return
  }
}

</mosaic_0001>

<sc_bundles>
// kernel: kernel.3.cloned.1.call-start
scs
__scs_entry_jumppad:
0x0: {  	(pc) =	sbr.rel $0x88, $3  }
0x1: {  	(tag) =	ssettag $0x0;
	lr =	simm.s32 $0x1  }
0x2: {  	[smem:$0x3F9C] =	sst lr;
	_ =	strace $0xD0000000  }
0x3: {  	_ = 	snop  }
0x4: {  	_ = 	snop  }
0x5: {  	_ = 	snop  }
0x6: {  	_ = 	snop  }
0x7: {  	_ = 	snop  }
__scs_overlays_trampoline_lowered:
0x8: {  	[smem:$0x3FAB] =	sst s0  }
0x9: {  	[smem:$0x3FAC] =	sst s1  }
0xa: {  	[smem:$0x3FAD] =	sst s2  }
0xb: {  	[smem:$0x3FAE] =	sst s3  }
0xc: {  	[smem:$0x3FAF] =	sst s4  }
0xd: {  	[smem:$0x3FB0] =	sst s5  }
0xe: {  	[smem:$0x3FB1] =	sst s6  }
0xf: {  	[smem:$0x3FB2] =	sst s7  }
0x10: {  	[smem:$0x3FB3] =	sst s8  }
0x11: {  	[smem:$0x3FB4] =	sst s9;
	s0 =	simm.s32 @!p0 $0x0  }
0x12: {  	s1 =	sld [smem:$0x3F9A];
	s0 =	simm.s32 @p0 $0x1  }
0x13: {  	[smem:$0x3FB5] =	sst s0;
	s0 =	simm.s32 @!p1 $0x0  }
0x14: {  	s2 =	sld [smem:$0x3F99];
	s0 =	simm.s32 @p1 $0x1  }
0x15: {  	[smem:$0x3FB6] =	sst s0;
	s0 =	simm.s32 @!p2 $0x0  }
0x16: {  	s3 =	sld [smem:$0x3FDB];
	s0 =	simm.s32 @p2 $0x1  }
0x17: {  	s4 =	simm.s32 $0x1BF5;
	[smem:$0x3FB8] =	sst s0  }
0x18: {  	s0 =	sld [smem:$0x3F9B];
	_ =	swait.ge [sflag:s4], $0x0  }
0x19: {  	s7 =	sld [smem:$0x3F9C]  }
0x1a: {  	s8 =	sadd.s32 $0xFFFFE003, lr  }
0x1b: {  	s9 =	sadd.s32 $0xFFFFFEF7, lr;
	s5 =	simm.s32 $0xFFFFFFFF;
	p2 =	slt.u32 s8, $0xFFFFF086  }
0x1c: {  	p1 =	slt.u32 s9, $0xF7A;
	s5 =	simm.s32 @!p2 $0x0  }
0x1d: {  	s5 =	simm.s32 @p1 $0x1;
	p0 =	seq.s32 s7, s2  }
0x1e: {  	s7 =	smul.u32 @!p0 $0xF7A, s2;
	p2 =	seq.s32 @!p0 s5, $0x0  }
0x1f: {  	s9 =	smul.u32 $0xF7A, s1;
	s8 =	simm.s32 @!p0 $0x1BF5;
	p2 =	por !p2, p0  }
0x20: {  	[sflag:s8] =	ssyncset.s32 @!p0 $0xFFFFF086;
	s6 =	sadd.s32 @!p0 s3, s7;
	s7 =	simm.s32 @!p0 $0x108  }
0x21: {  	s3 =	sadd.s32 s3, s9;
	s6 =	sadd.s32 @!p0 $0x88, s6;
	s7 =	simm.s32 @p2 $0x1082  }
0x22: {  	[simem:s7], [sflag:s8] =	dma.local @!p0 [hbm:s6], $0xF7A  }
0x23: {  	s9 =	sor.u32 $0xD0000000, s2;
	s6 =	simm.s32 $0x108;
	_ =	swait.ge @!p0 [sflag:s8], $0x0  }
0x24: {  	s3 =	sadd.s32 $0x88, s3;
	s6 =	simm.s32 @!p1 $0x1082;
	[sflag:s4] =	ssyncset.s32 $0xFFFFF086  }
0x25: {  	[simem:s6], [sflag:s4] =	dma.local [hbm:s3], $0xF7A  }
0x26: {  	[smem:$0x3F9C] =	sst s1;
	(tag) =	ssettag s2;
	_ =	strace s9  }
0x27: {  	s1 =	sld [smem:$0x3FAC]  }
0x28: {  	s2 =	sld [smem:$0x3FAD]  }
0x29: {  	s4 =	sld [smem:$0x3FAF]  }
0x2a: {  	p0 =	seq.s32 s5, $0x0;
	s5 =	sld [smem:$0x3FB0]  }
0x2b: {  	s6 =	sld [smem:$0x3FB1]  }
0x2c: {  	s7 =	sld [smem:$0x3FB2]  }
0x2d: {  	s3 =	simm.s32 $0x108;
	s8 =	sld [smem:$0x3FB3]  }
0x2e: {  	s3 =	simm.s32 @!p0 $0x1082;
	s9 =	sld [smem:$0x3FB4]  }
0x2f: {  	lr =	sadd.s32 s0, s3;
	s0 =	sld [smem:$0x3FAB]  }
0x30: {  	s3 =	sld [smem:$0x3FAE]  }
0x31: {  	[smem:$0x3FB7] =	sst s10  }
0x32: {  	s10 =	sld [smem:$0x3FB5];
	_ =	sdelay $0x3  }
0x33: {  	p0 =	seq.s32 s10, $0x1;
	s10 =	sld [smem:$0x3FB7];
	_ =	sdelay $0x3  }
0x34: {  	[smem:$0x3FB7] =	sst s10  }
0x35: {  	s10 =	sld [smem:$0x3FB6];
	_ =	sdelay $0x3  }
0x36: {  	p1 =	seq.s32 s10, $0x1;
	s10 =	sld [smem:$0x3FB7];
	_ =	sdelay $0x3  }
0x37: {  	[smem:$0x3FB7] =	sst s10  }
0x38: {  	s10 =	sld [smem:$0x3FB8]  }
0x39: {  	_ = 	snop;
	(pc) =	sbr.ind lr, $3  }
0x3a: {  	_ = 	snop  }
0x3b: {  	_ = 	snop  }
0x3c: {  	p2 =	seq.s32 s10, $0x1;
	s10 =	sld [smem:$0x3FB7]  }
0x3d: {  	_ =	shalt  }
0x3e: {  	_ =	shalt  }
0x3f: {  	_ =	shalt  }
0x40: {  	_ =	shalt  }
0x41: {  	_ =	shalt  }
0x42: {  	_ =	shalt  }
0x43: {  	_ =	shalt  }
0x44: {  	_ =	shalt  }
0x45: {  	_ =	shalt  }
0x46: {  	_ =	shalt  }
0x47: {  	_ =	shalt  }
0x48: {  	_ =	shalt  }
0x49: {  	_ =	shalt  }
0x4a: {  	_ =	shalt  }
0x4b: {  	_ =	shalt  }
0x4c: {  	_ =	shalt  }
0x4d: {  	_ =	shalt  }
0x4e: {  	_ =	shalt  }
0x4f: {  	_ =	shalt  }
0x50: {  	_ =	shalt  }
0x51: {  	_ =	shalt  }
0x52: {  	_ =	shalt  }
0x53: {  	_ =	shalt  }
0x54: {  	_ =	shalt  }
0x55: {  	_ =	shalt  }
0x56: {  	_ =	shalt  }
0x57: {  	_ =	shalt  }
0x58: {  	_ =	shalt  }
0x59: {  	_ =	shalt  }
0x5a: {  	_ =	shalt  }
0x5b: {  	_ =	shalt  }
0x5c: {  	_ =	shalt  }
0x5d: {  	_ =	shalt  }
0x5e: {  	_ =	shalt  }
0x5f: {  	_ =	shalt  }
0x60: {  	_ =	shalt  }
0x61: {  	_ =	shalt  }
0x62: {  	_ =	shalt  }
0x63: {  	_ =	shalt  }
0x64: {  	_ =	shalt  }
0x65: {  	_ =	shalt  }
0x66: {  	_ =	shalt  }
0x67: {  	_ =	shalt  }
0x68: {  	_ =	shalt  }
0x69: {  	_ =	shalt  }
0x6a: {  	_ =	shalt  }
0x6b: {  	_ =	shalt  }
0x6c: {  	_ =	shalt  }
0x6d: {  	_ =	shalt  }
0x6e: {  	_ =	shalt  }
0x6f: {  	_ =	shalt  }
0x70: {  	_ =	shalt  }
0x71: {  	_ =	shalt  }
0x72: {  	_ =	shalt  }
0x73: {  	_ =	shalt  }
0x74: {  	_ =	shalt  }
0x75: {  	_ =	shalt  }
0x76: {  	_ =	shalt  }
0x77: {  	_ =	shalt  }
0x78: {  	_ =	shalt  }
0x79: {  	_ =	shalt  }
0x7a: {  	_ =	shalt  }
0x7b: {  	_ =	shalt  }
0x7c: {  	_ =	shalt  }
0x7d: {  	_ =	shalt  }
0x7e: {  	_ =	shalt  }
0x7f: {  	_ =	shalt  }
0x80: {  	_ =	shalt  }
0x81: {  	_ =	shalt  }
0x82: {  	_ =	shalt  }
0x83: {  	_ =	shalt  }
0x84: {  	_ =	shalt  }
0x85: {  	_ =	shalt  }
0x86: {  	_ =	shalt  }
0x87: {  	_ =	shalt  }
.Lfunc_end0:
.L_simem_size_0:
called_computation_lowered:
.L_overlay_start_0:
0x88: {  	s2 =	sld [smem:$0x3FD9]  }
0x89: {  	s3 =	sld [smem:$0x3FFE];
	_ =	sdelay $0x1  }
0x8a: {  	s1 =	srdreg.scid  }
0x8b: {  	s0 =	sand.u32 $0x1, s1  }
0x8c: {  	s14 =	sshll.u32 s0, $0xA;
	s2 =	sadd.s32 s3, s2  }
0x8d: {  	s2 =	sadd.s32 s2, s14  }
0x8e: {  	[smem:$0x3FC3] =	sst s2  }
0x8f: {  	_ = 	snop  }
0x90: {  	s2 =	sld [smem:$0x3FD0]  }
0x91: {  	s15 =	sld [smem:$0x3FC9]  }
0x92: {  	s4 =	sld [smem:$0x3FC8]  }
0x93: {  	s6 =	simm.s32 $0xA;
	s7 =	simm.s32 $0x10;
	s5 =	sld [smem:$0x3FC7]  }
0x94: {  	[smem:s7], [sflag:s6] =	dma.local [hbm:s2], $0x1  }
0x95: {  	_ =	swait.eq [sflag:s6], $0x1  }
0x96: {  	s16 =	sld [smem:$0x10];
	[sflag:s6] =	ssyncset.done $0x0  }
0x97: {  	s17 =	sld [smem:$0x11];
	[sflag:s6] =	ssyncadd.s32 $0xFFFFFFFF  }
0x98: {  	s18 =	sld [smem:$0x12];
	(tm) =	ssettm $0x1  }
0x99: {  	s8 =	sld [smem:$0x3FFB];
	_ =	sdelay $0x3  }
0x9a: {  	_ =	strace s8  }
0x9b: {  	s8 =	sld [smem:$0x3FFC];
	_ =	sdelay $0x3  }
0x9c: {  	_ =	strace s8  }
0x9d: {  	s8 =	sld [smem:$0x3FFD];
	_ =	sdelay $0x3  }
0x9e: {  	_ =	strace s8  }
0x9f: {  	_ =	strace $0x8FFFFFFF  }
0xa0: {  	s19 =	sld [smem:$0x3FDB];
	_ =	sdelay $0x1  }
0xa1: {  	s9 =	simm.s32 $_scs_section_size  }
0xa2: {  	s10 =	simm.s32 $_size__tile_overlayer_lowered;
	s11 =	simm.s32 $_tile_overlayer_lowered  }
0xa3: {  	s22 =	simm.s32 $0x1BFF;
	s21 =	sshll.u32 s11, $0x1;
	s8 =	sadd.s32 s9, s19  }
0xa4: {  	s12 =	simm.s32 $0x0;
	s20 =	sshll.u32 s10, $0x1;
	s10 =	sadd.s32 s21, s8  }
0xa5: {  	[timem:s12], [sflag:s22] =	dma.local [hbm:s10], s20  }
0xa6: {  	_ =	swait.ge [sflag:s22], s20  }
0xa7: {  	s9 =	ssub.s32 $0x0, s20;
	[sflag:s22] =	ssyncset.done $0x0  }
0xa8: {  	[sflag:s22] =	ssyncadd.s32 s9;
	_ =	sdelay $0x1  }
0xa9: {  	s23 =	simm.s32 $0x1B8B  }
0xaa: {  	_ =	swait.ge [sflag:s23], $0x1  }
0xab: {  	[sflag:s23] =	ssyncset.done $0x0  }
0xac: {  	s25 =	simm.s32 $0x1B8E;
	s24 =	sld [smem:$0x3FFE];
	[sflag:s23] =	ssyncadd.s32 $0xFFFFFFFF  }
0xad: {  	s26 =	simm.s32 $execute0_lowered;
	[smem:$0x3FD2] =	sst s25  }
0xae: {  	s10 =	sshll.u32 s26, $0x1;
	_ =	strace $0x80000046;
	[dreg:$0x1] =	wrdreg $0xFFFFFFFF  }
0xaf: {  	s28 =	simm.s32 $_size_execute0_lowered;
	s8 =	sadd.s32 s8, s10;
	[dreg:$0x0] =	wrdreg $0x0  }
0xb0: {  	s10 =	sshll.u32 s28, $0x1;
	[dreg:$0x2] =	wrdreg s8  }
0xb1: {  	[dreg:$0x3] =	wrdreg s10  }
0xb2: {  	[dreg:$0x4] =	wrdreg $0xC0  }
0xb3: {  	_ =	task [dreg:s12], $0x5FFFF  }
0xb4: {  	[dreg:$0x1] =	wrdreg $0xFFFFFFFF  }
0xb5: {  	[dreg:$0x0] =	wrdreg $0x60  }
0xb6: {  	[dreg:$0x2] =	wrdreg s15  }
0xb7: {  	[dreg:$0x3] =	wrdreg s4  }
0xb8: {  	[dreg:$0x4] =	wrdreg s5  }
0xb9: {  	[dreg:$0x5] =	wrdreg s24  }
0xba: {  	[dreg:$0x6] =	wrdreg s16  }
0xbb: {  	[dreg:$0x7] =	wrdreg s17  }
0xbc: {  	[dreg:$0x8] =	wrdreg s18  }
0xbd: {  	[dreg:$0x9] =	wrdreg $0x9  }
0xbe: {  	_ =	task.clear_ibuf [dreg:s12], $0xAFFFF;
	_ =	strace $0x90000046  }
0xbf: {  	s29 =	simm.s32 $0x9;
	_ =	strace $0x80000048  }
0xc0: {  	_ =	swait.ge [sflag:s29], $0x1  }
0xc1: {  	[sflag:s29] =	ssyncadd.s32 $0xFFFFFFFF  }
0xc2: {  	_ =	strace $0x90000048  }
0xc3: {  	_ =	sfence  }
0xc4: {  	s30 =	sld [smem:$0x0];
	_ =	sdelay $0x2  }
0xc5: {  	s31 =	sshll.u32 s1, $0xD;
	s1 =	sshrl.u32 s1, $0x2  }
0xc6: {  	s3 =	sand.u32 $0x4000, s31;
	s1 =	sadd.s32 s1, s30  }
0xc7: {  	s0 =	sor.u32 s3, s0;
	s1 =	sshll.u32 s1, $0x11  }
0xc8: {  	s0 =	sor.u32 s1, s0  }
0xc9: {  	s0 =	sadd.s32 $0x8F2B, s0  }
0xca: {  	[sflag:s0] =	ssyncadd.remote.s32 $0x1  }
0xcb: {  	_ =	sfence.sel $0xFFFF  }
0xcc: {  	[dreg:$0x0] =	wrdreg $0xFFFFFFFF;
	(pc) =	sbr.abs _section_cstart, $3  }
0xcd: {  	[dreg:$0x1] =	wrdreg $0xFFFFFFFF  }
0xce: {  	_ =	task.clear_ibuf [dreg:s12], $0x2FFFF;
	_ =	strace $0x9FFFFFFF  }
0xcf: {  	(tm) =	ssettm $0x7FFFFFFF  }
tec
execute0_lowered:
.L_overlay_start_1:
0x0: {  	(tag) =	ssettag $0x1  }
0x1: {  	s0 =	rddreg [dreg:$0x0]  }
0x2: {  	s1 =	rddreg [dreg:$0x1]  }
0x3: {  	s5 =	rddreg [dreg:$0x2]  }
0x4: {  	s4 =	rddreg [dreg:$0x3]  }
0x5: {  	s6 =	rddreg [dreg:$0x4]  }
0x6: {  	s7 =	rddreg [dreg:$0x5];
	s3 =	srdreg.scid  }
0x7: {  	s8 =	rddreg [dreg:$0x6];
	s2 =	stileid.u32;
	s3 =	sand.u32 $0x1, s3  }
0x8: {  	s25 =	simm.s32 $0x0;
	s10 =	sshll.u32 s2, $0xA;
	s11 =	sshll.u32 s3, $0x9  }
0x9: {  	s19 =	simm.s32 $0x600;
	s20 =	simm.s32 $0x18600;
	s10 =	sor.u32 s11, s10  }
0xa: {  	[smem:$0x7FF] =	sst s25;
	s2 =	simm.s32 $0x4;
	s23 =	sadd.s32 s6, s10  }
0xb: {  	_ =	strace $0x80000047;
	s24 =	sadd.s32 s8, s10;
	[dreg:$0xb] =	wrdreg s23  }
0xc: {  	s11 =	sshrl.u32 s10, $0x3;
	s28 =	sadd.s32 s7, s10;
	[dreg:$0xc] =	wrdreg s24  }
0xd: {  	s9 =	ssub.s32 $0x2, s3;
	s0 =	sadd.s32 s0, s11;
	[dreg:$0xd] =	wrdreg s28  }
0xe: {  	s3 =	sadd.s32 $0x1000, s4;
	s21 =	sadd.s32 s1, s11;
	[dreg:$0x8] =	wrdreg s0  }
0xf: {  	vm0 =	vmmov $0x1;
	vm1 =	vcmask $0x308;
	s26 =	sor.u32 $0x100, s10;
	s22 =	sadd.s32 s5, s11;
	[dreg:$0x9] =	wrdreg s21  }
0x10: {  	vm2 =	vcmask $0x70C;
	vm3 =	vcmask $0xB10;
	vm4 =	vcmask $0xF14;
	s12 =	sshrl.u32 s9, $0x1;
	s29 =	sadd.s32 s6, s26;
	[dreg:$0xa] =	wrdreg s22  }
0x11: {  	vm5 =	vcmask $0x1318;
	vm6 =	vcmask $0x171C;
	vm7 =	vcmask $0x1B20;
	s9 =	ssub.s32 s9, s12;
	s30 =	sadd.s32 s8, s26;
	[dreg:$0xe] =	wrdreg s29  }
0x12: {  	vm8 =	vcmask $0x1F24;
	vm9 =	vcmask $0x2328;
	vm10 =	vcmask $0x272C;
	s4 =	sadd.s32 $0x800, s4;
	s31 =	smax.u32 s9, $0x1;
	[dreg:$0xf] =	wrdreg s30  }
0x13: {  	vm11 =	vcmask $0x2B30;
	vm12 =	vcmask $0x2F34;
	vm13 =	vcmask $0x3338;
	s24 =	simm.s32 $0x10600;
	s0 =	sadd.s32 s7, s26;
	[dreg:$0x11] =	wrdreg s31  }
0x14: {  	vm14 =	vcmask $0x373C;
	vm15 =	vmmov $0x7fff;
	v0 =	vlaneseq.u32;
	s1 =	simm.s32 $0x0;
	s26 =	simm.s32 $0x8600;
	[dreg:$0x10] =	wrdreg s0  }
.LBB2_1:
0x15: {  	[dreg:$0x12] =	wrdreg s1  }
0x16: {  	s0 =	rddreg [dreg:$0x8]  }
0x17: {  	[tilespmem:s25], [sflag:$0x4] =	stream.linear.gather [hbm4b:s0+s25], $0x200, $0x38;
	[tilespmem:$0x1A600] =	vst v63  }
0x18: {  	_ =	swait.ge [sflag:s2], $0x200  }
0x19: {  	[sflag:s2] =	ssyncset.done $0x0  }
0x1a: {  	s13 =	simm.s32 $0x200;
	s12 =	rddreg [dreg:$0x9];
	[sflag:s2] =	ssyncadd.s32 $0xFFFFFE00  }
0x1b: {  	[tilespmem:s13], [sflag:$0x4] =	stream.linear.gather [hbm4b:s12+s25], $0x200, $0x38;
	[tilespmem:$0x1A600] =	vst v63  }
0x1c: {  	_ =	swait.ge [sflag:s2], $0x200  }
0x1d: {  	[sflag:s2] =	ssyncset.done $0x0  }
0x1e: {  	s15 =	simm.s32 $0x400;
	s14 =	rddreg [dreg:$0xa];
	[sflag:s2] =	ssyncadd.s32 $0xFFFFFE00  }
0x1f: {  	[tilespmem:s15], [sflag:$0x4] =	stream.linear.gather [hbm4b:s14+s25], $0x200, $0x38;
	[tilespmem:$0x1A600] =	vst v63  }
0x20: {  	_ =	swait.ge [sflag:s2], $0x200  }
0x21: {  	[sflag:s2] =	ssyncset.done $0x0  }
0x22: {  	[sflag:s2] =	ssyncadd.s32 $0xFFFFFE00  }
0x23: {  	v1 =	vld [tilespmem:s25+$0x0];
	_ =	sdelay $0x4  }
0x24: {  	v2 =	vsel vm2, $0x0, v1  }
0x25: {  	(xrf0) =	vadd.scan.msk.s32 $0xffff, v2  }
0x26: {  	v3 =	vsel vm3, $0x0, v1  }
0x27: {  	v2 =	vsel vm1, $0x0, v1;
	(xrf0) =	vadd.scan.msk.s32 $0xffff, v3  }
0x28: {  	v3 =	vnsel vm0, $0x0, v1;
	(xrf0) =	vadd.scan.msk.s32 $0xffff, v2  }
0x29: {  	(xrf0) =	vadd.scan.msk.s32 $0xffff, v3  }
0x2a: {  	v2 =	vsel vm7, $0x0, v1  }
0x2b: {  	v3, _, _ =	vpop (xrf0)  }
0x2c: {  	v4 =	vsel vm8, $0x0, v1;
	(xrf0) =	vadd.scan.msk.s32 $0xffff, v2;
	(v2sf) =	vpush v3, $0xF;
	v3 =	vsel vm5, $0x0, v1  }
0x2d: {  	v2, _, _ =	vpop (xrf0);
	(xrf0) =	vadd.scan.msk.s32 $0xffff, v4  }
0x2e: {  	v58, _, _ =	vpop (xrf0);
	(v2sf) =	vpush v2, $0xF;
	v2 =	vsel vm4, $0x0, v1;
	(xrf0) =	vadd.scan.msk.s32 $0xffff, v3  }
0x2f: {  	v59 =	vsel vm9, $0x0, v1;
	(v2sf) =	vpush v58, $0xF;
	(xrf0) =	vadd.scan.msk.s32 $0xffff, v2;
	v3, _, _ =	vpop (xrf0)  }
0x30: {  	v2 =	vsel vm10, $0x0, v1;
	(xrf0) =	vadd.scan.msk.s32 $0xffff, v59;
	(v2sf) =	vpush v3, $0xF  }
0x31: {  	v3 =	vsel vm11, $0x0, v1;
	(xrf0) =	vadd.scan.msk.s32 $0xffff, v2  }
0x32: {  	v2 =	vsel vm12, $0x0, v1;
	v60, _, _ =	vpop (xrf0);
	(xrf0) =	vadd.scan.msk.s32 $0xffff, v3  }
0x33: {  	v3 =	vsel vm13, $0x0, v1;
	v5, _, _ =	vpop (xrf0);
	(xrf0) =	vadd.scan.msk.s32 $0xffff, v2;
	v2 =	vsel vm14, $0x0, v1  }
0x34: {  	v6, _, _ =	vpop (xrf0);
	(xrf0) =	vadd.scan.msk.s32 $0xffff, v3;
	v3 =	vsel vm6, $0x0, v1  }
0x35: {  	(v2sf) =	vpush v60, $0xF;
	v61, _, _ =	vpop (xrf0);
	(xrf0) =	vadd.scan.msk.s32 $0xffff, v2  }
0x36: {  	(v2sf) =	vpush v6, $0xF;
	(xrf0) =	vadd.scan.msk.s32 $0xffff, v3;
	v2, _, _ =	vpop (xrf0)  }
0x37: {  	v3, _, _ =	vpop (xrf0)  }
0x38: {  	(v2sf) =	vpush v61, $0xF;
	v62, _, _ =	vpop (xrf0)  }
0x39: {  	v63, _, _ =	vpop (xrf0)  }
0x3a: {  	s30 =	simm.s32 $0x2000;
	v7, _, _ =	vpop (xrf0)  }
0x3b: {  	s1 =	simm.s32 $0x0;
	s9 =	simm.s32 $0x700;
	s10 =	simm.s32 $0x800;
	v8, _, _ =	vpop (xrf0)  }
0x3c: {  	s31 =	simm.s32 $0xC80;
	s6 =	simm.s32 $0xB00;
	s7 =	spop (v2sf);
	(v2sf) =	vpush v2, $0xF;
	v2, _, _ =	vpop (xrf0)  }
0x3d: {  	s23 =	simm.s32 $0x780;
	s29 =	simm.s32 $0x0;
	s8 =	spop (v2sf);
	(v2sf) =	vpush v2, $0xF  }
0x3e: {  	s0 =	simm.s32 $0x10;
	s12 =	simm.s32 $0x600;
	s11 =	spop (v2sf)  }
0x3f: {  	s13 =	simm.s32 $0x680;
	s7 =	sshll.u32 s7, $0x4;
	s16 =	spop (v2sf)  }
0x40: {  	s14 =	simm.s32 $0x880;
	s7 =	sand.u32 $0x1FFFFFF0, s7;
	s5 =	sshll.u32 s16, $0x4  }
0x41: {  	s17 =	sshll.u32 s8, $0x4;
	s8 =	simm.s32 $0x980;
	s16 =	sand.u32 $0x1FFFFFF0, s5  }
0x42: {  	(v2sf) =	vpush v5, $0xF;
	s11 =	sshll.u32 s11, $0x4;
	s7 =	sadd.s32 s3, s7;
	s16 =	sadd.s32 s3, s16  }
0x43: {  	[tilespmem:s12], [sflag:$0x1] =	stream.linear.gather [hbm4b:s16+s25], $0x80, $0x38;
	[tilespmem:$0x1A600] =	vst v63  }
0x44: {  	(v2sf) =	vpush v3, $0xF;
	s21 =	sand.u32 $0x1FFFFFF0, s17;
	s11 =	sand.u32 $0x1FFFFFF0, s11;
	s12 =	spop (v2sf)  }
0x45: {  	s11 =	sadd.s32 s3, s11;
	s5 =	simm.s32 $0xB80;
	(v2sf) =	vpush v62, $0xF;
	s18 =	spop (v2sf)  }
0x46: {  	[tilespmem:s13], [sflag:$0x1] =	stream.linear.gather [hbm4b:s11+s25], $0x80, $0x38;
	[tilespmem:$0x1A600] =	vst v63  }
0x47: {  	s16 =	simm.s32 $0xC00;
	s22 =	spop (v2sf);
	s28 =	sshll.u32 s18, $0x4  }
0x48: {  	v1 =	vsel vm15, $0x0, v1;
	[tilespmem:s9], [sflag:$0x1] =	stream.linear.gather [hbm4b:s7+s25], $0x80, $0x38;
	[tilespmem:$0x1A600] =	vst v63  }
0x49: {  	(xrf0) =	vadd.scan.msk.s32 $0xffff, v1;
	(v2sf) =	vpush v63, $0xF;
	s13 =	sand.u32 $0x1FFFFFF0, s28;
	s9 =	sshll.u32 s22, $0x4;
	s7 =	sadd.s32 s3, s21  }
0x4a: {  	[tilespmem:s23], [sflag:$0x1] =	stream.linear.gather [hbm4b:s7+s25], $0x80, $0x38;
	[tilespmem:$0x1A600] =	vst v63  }
0x4b: {  	s17 =	sadd.s32 s3, s13;
	s9 =	sand.u32 $0x1FFFFFF0, s9;
	s2 =	spop (v2sf)  }
0x4c: {  	s21 =	sshll.u32 s12, $0x4;
	s9 =	sadd.s32 s3, s9;
	s15 =	spop (v2sf)  }
0x4d: {  	(v2sf) =	vpush v7, $0xF;
	[tilespmem:s10], [sflag:$0x1] =	stream.linear.gather [hbm4b:s9+s25], $0x80, $0x38;
	[tilespmem:$0x1A600] =	vst v63  }
0x4e: {  	s7 =	simm.s32 $0xA80;
	s23 =	simm.s32 $0x900;
	s18 =	sshll.u32 s15, $0x4  }
0x4f: {  	(v2sf) =	vpush v8, $0xF;
	[tilespmem:s14], [sflag:$0x1] =	stream.linear.gather [hbm4b:s17+s25], $0x80, $0x38;
	[tilespmem:$0x1A600] =	vst v63  }
0x50: {  	v1, _, _ =	vpop (xrf0);
	s9 =	simm.s32 $0xA00;
	s10 =	sand.u32 $0x1FFFFFF0, s21;
	s22 =	sand.u32 $0x1FFFFFF0, s18  }
0x51: {  	s10 =	sadd.s32 s3, s10;
	s28 =	spop (v2sf);
	(v2sf) =	vpush v1, $0xF;
	s12 =	sadd.s32 s3, s22  }
0x52: {  	[tilespmem:s23], [sflag:$0x1] =	stream.linear.gather [hbm4b:s12+s25], $0x80, $0x38;
	[tilespmem:$0x1A600] =	vst v63  }
0x53: {  	s11 =	sshll.u32 s28, $0x4;
	s13 =	spop (v2sf);
	s12 =	sshll.u32 s2, $0x4  }
.LBB2_2:
0x54: {  	s11 =	sand.u32 $0x1FFFFFF0, s11;
	s13 =	sshll.u32 s13, $0x4;
	s14 =	spop (v2sf)  }
0x55: {  	[tilespmem:s8], [sflag:$0x1] =	stream.linear.gather [hbm4b:s10+s29], $0x80, $0x38;
	[tilespmem:$0x1A600] =	vst v63  }
0x56: {  	s8 =	sadd.s32 s3, s11;
	s10 =	sand.u32 $0x1FFFFFF0, s12;
	s11 =	sand.u32 $0x1FFFFFF0, s13  }
0x57: {  	[tilespmem:s9], [sflag:$0x1] =	stream.linear.gather [hbm4b:s8+s29], $0x80, $0x38;
	[tilespmem:$0x1A600] =	vst v63  }
0x58: {  	s8 =	sadd.s32 s3, s10;
	s9 =	sshll.u32 s14, $0x4;
	s10 =	spop (v2sf)  }
0x59: {  	[tilespmem:s7], [sflag:$0x1] =	stream.linear.gather [hbm4b:s8+s29], $0x80, $0x38;
	[tilespmem:$0x1A600] =	vst v63  }
0x5a: {  	s7 =	sadd.s32 s3, s11;
	s8 =	sand.u32 $0x1FFFFFF0, s9;
	s9 =	sshll.u32 s10, $0x4  }
0x5b: {  	[tilespmem:s6], [sflag:$0x1] =	stream.linear.gather [hbm4b:s7+s29], $0x80, $0x38;
	[tilespmem:$0x1A600] =	vst v63  }
0x5c: {  	s6 =	sadd.s32 s3, s8;
	s7 =	sand.u32 $0x1FFFFFF0, s9;
	s8 =	spop (v2sf)  }
0x5d: {  	[tilespmem:s5], [sflag:$0x1] =	stream.linear.gather [hbm4b:s6+s29], $0x80, $0x38;
	[tilespmem:$0x1A600] =	vst v63  }
0x5e: {  	s5 =	sadd.s32 s3, s7;
	s6 =	sshll.u32 s8, $0x4;
	s7 =	spop (v2sf)  }
0x5f: {  	[tilespmem:s16], [sflag:$0x1] =	stream.linear.gather [hbm4b:s5+s29], $0x80, $0x38;
	[tilespmem:$0x1A600] =	vst v63  }
0x60: {  	s5 =	sand.u32 $0x1FFFFFF0, s6;
	s6 =	sshll.u32 s7, $0x4;
	s7 =	spop (v2sf)  }
0x61: {  	s5 =	sadd.s32 s3, s5;
	s6 =	sand.u32 $0x1FFFFFF0, s6;
	s7 =	sshll.u32 s7, $0x4  }
0x62: {  	[tilespmem:s31], [sflag:$0x1] =	stream.linear.gather [hbm4b:s5+s29], $0x80, $0x38;
	[tilespmem:$0x1A600] =	vst v63  }
0x63: {  	s6 =	sadd.s32 s3, s6;
	s5 =	sadd.s32 $0xD00, s1;
	s7 =	sand.u32 $0x1FFFFFF0, s7  }
0x64: {  	[tilespmem:s5], [sflag:$0x1] =	stream.linear.gather [hbm4b:s6+s29], $0x80, $0x38;
	[tilespmem:$0x1A600] =	vst v63  }
0x65: {  	p0 =	sne.s32 s30, $0x1E000;
	s1 =	sadd.s32 $0xD80, s1;
	s5 =	sadd.s32 s3, s7  }
0x66: {  	[tilespmem:s1], [sflag:$0x1] =	stream.linear.gather [hbm4b:s5+s29], $0x80, $0x38;
	[tilespmem:$0x1A600] =	vst v63  }
0x67: {  	s1 =	smov.u32 s30;
	s30 =	sadd.s32 $0x2000, s30;
	v1 =	vld [tilespmem:s0+$0x0];
	_ =	sdelay $0x4  }
0x68: {  	v2 =	vsel vm1, $0x0, v1;
	v3 =	vsel vm2, $0x0, v1;
	v4 =	vsel vm13, $0x0, v1  }
0x69: {  	v5 =	vnsel vm0, $0x0, v1;
	v6 =	vsel vm3, $0x0, v1;
	v7 =	vsel vm14, $0x0, v1;
	(xrf0) =	vadd.scan.msk.s32 $0xffff, v3  }
0x6a: {  	v3 =	vsel vm15, $0x0, v1;
	(xrf0) =	vadd.scan.msk.s32 $0xffff, v6  }
0x6b: {  	v6 =	vsel vm6, $0x0, v1;
	(xrf0) =	vadd.scan.msk.s32 $0xffff, v2  }
0x6c: {  	v2 =	vsel vm7, $0x0, v1;
	(xrf0) =	vadd.scan.msk.s32 $0xffff, v5  }
0x6d: {  	v5 =	vsel vm8, $0x0, v1;
	(xrf0) =	vadd.scan.msk.s32 $0xffff, v2  }
0x6e: {  	v2 =	vsel vm5, $0x0, v1;
	(xrf0) =	vadd.scan.msk.s32 $0xffff, v5  }
0x6f: {  	v5 =	vsel vm4, $0x0, v1;
	v8, _, _ =	vpop (xrf0);
	(xrf0) =	vadd.scan.msk.s32 $0xffff, v2  }
0x70: {  	v2 =	vsel vm9, $0x0, v1;
	(v2sf) =	vpush v8, $0xF;
	v8, _, _ =	vpop (xrf0);
	(xrf0) =	vadd.scan.msk.s32 $0xffff, v5  }
0x71: {  	v10 =	vsel vm10, $0x0, v1;
	v9, _, _ =	vpop (xrf0);
	(v2sf) =	vpush v8, $0xF;
	(xrf0) =	vadd.scan.msk.s32 $0xffff, v2  }
0x72: {  	v11 =	vsel vm11, $0x0, v1;
	v8, _, _ =	vpop (xrf0);
	(v2sf) =	vpush v9, $0xF;
	(xrf0) =	vadd.scan.msk.s32 $0xffff, v10  }
0x73: {  	s1 =	sshra.s32 s1, $0x2;
	v9 =	vsel vm12, $0x0, v1;
	(v2sf) =	vpush v8, $0xF;
	v5, _, _ =	vpop (xrf0);
	(xrf0) =	vadd.scan.msk.s32 $0xffff, v11  }
0x74: {  	s12 =	sadd.s32 $0x700, s1;
	v2, _, _ =	vpop (xrf0);
	(xrf0) =	vadd.scan.msk.s32 $0xffff, v9  }
0x75: {  	s10 =	sadd.s32 $0x800, s1;
	v1, _, _ =	vpop (xrf0);
	(v2sf) =	vpush v5, $0xF;
	(xrf0) =	vadd.scan.msk.s32 $0xffff, v4  }
0x76: {  	s14 =	sadd.s32 $0x600, s1;
	s13 =	sadd.s32 $0x680, s1;
	v4, _, _ =	vpop (xrf0);
	(v2sf) =	vpush v1, $0xF;
	(xrf0) =	vadd.scan.msk.s32 $0xffff, v7  }
0x77: {  	(xrf0) =	vadd.scan.msk.s32 $0xffff, v6;
	v1, _, _ =	vpop (xrf0)  }
0x78: {  	s11 =	sadd.s32 $0x880, s1;
	(v2sf) =	vpush v4, $0xF;
	v4, _, _ =	vpop (xrf0);
	(xrf0) =	vadd.scan.msk.s32 $0xffff, v3  }
0x79: {  	v3, _, _ =	vpop (xrf0)  }
0x7a: {  	v5, _, _ =	vpop (xrf0)  }
0x7b: {  	v6, _, _ =	vpop (xrf0)  }
0x7c: {  	(v2sf) =	vpush v1, $0xF;
	v1, _, _ =	vpop (xrf0)  }
0x7d: {  	s29 =	simm.s32 $0x0;
	s0 =	sadd.s32 $0x10, s0;
	s31 =	sadd.s32 $0xC80, s1;
	v7, _, _ =	vpop (xrf0)  }
0x7e: {  	s6 =	sadd.s32 $0xB00, s1;
	s5 =	sadd.s32 $0xB80, s1;
	s16 =	sadd.s32 $0xC00, s1;
	(v2sf) =	vpush v7, $0xF;
	v7, _, _ =	vpop (xrf0)  }
0x7f: {  	s8 =	sadd.s32 $0x980, s1;
	s7 =	sadd.s32 $0xA80, s1;
	s9 =	spop (v2sf)  }
0x80: {  	s17 =	sshll.u32 s9, $0x4;
	s9 =	sadd.s32 $0xA00, s1;
	s18 =	spop (v2sf)  }
0x81: {  	s21 =	sadd.s32 $0x780, s1;
	s17 =	sand.u32 $0x1FFFFFF0, s17;
	s22 =	spop (v2sf)  }
0x82: {  	s23 =	sadd.s32 $0x900, s1;
	s22 =	sshll.u32 s22, $0x4;
	s25 =	spop (v2sf);
	(v2sf) =	vpush v2, $0xF  }
0x83: {  	s18 =	sshll.u32 s18, $0x4;
	s25 =	sshll.u32 s25, $0x4;
	s22 =	sand.u32 $0x1FFFFFF0, s22;
	(v2sf) =	vpush v4, $0xF  }
0x84: {  	s18 =	sand.u32 $0x1FFFFFF0, s18;
	s25 =	sand.u32 $0x1FFFFFF0, s25;
	s28 =	spop (v2sf)  }
0x85: {  	s25 =	sadd.s32 s3, s25;
	s28 =	sshll.u32 s28, $0x4;
	s15 =	spop (v2sf);
	(v2sf) =	vpush v3, $0xF  }
0x86: {  	[tilespmem:s14], [sflag:$0x1] =	stream.linear.gather [hbm4b:s25+s29], $0x80, $0x38;
	[tilespmem:$0x1A600] =	vst v63  }
0x87: {  	s14 =	sadd.s32 s3, s22;
	s15 =	sshll.u32 s15, $0x4;
	s22 =	spop (v2sf)  }
0x88: {  	[tilespmem:s13], [sflag:$0x1] =	stream.linear.gather [hbm4b:s14+s29], $0x80, $0x38;
	[tilespmem:$0x1A600] =	vst v63  }
0x89: {  	s15 =	sand.u32 $0x1FFFFFF0, s15;
	s13 =	sadd.s32 s3, s17;
	s14 =	sshll.u32 s22, $0x4;
	(v2sf) =	vpush v5, $0xF  }
0x8a: {  	[tilespmem:s12], [sflag:$0x1] =	stream.linear.gather [hbm4b:s13+s29], $0x80, $0x38;
	[tilespmem:$0x1A600] =	vst v63  }
0x8b: {  	s12 =	sadd.s32 s3, s18;
	s13 =	sand.u32 $0x1FFFFFF0, s14;
	s14 =	spop (v2sf)  }
0x8c: {  	[tilespmem:s21], [sflag:$0x1] =	stream.linear.gather [hbm4b:s12+s29], $0x80, $0x38;
	[tilespmem:$0x1A600] =	vst v63  }
0x8d: {  	s13 =	sadd.s32 s3, s13;
	s12 =	sshll.u32 s14, $0x4;
	s14 =	spop (v2sf);
	(v2sf) =	vpush v6, $0xF  }
0x8e: {  	[tilespmem:s10], [sflag:$0x1] =	stream.linear.gather [hbm4b:s13+s29], $0x80, $0x38;
	[tilespmem:$0x1A600] =	vst v63  }
0x8f: {  	s10 =	sadd.s32 s3, s15  }
.Ltmp0:
0x90: {  	s13 =	sshll.u32 s14, $0x4;
	s14 =	sand.u32 $0x1FFFFFF0, s28;
	(v2sf) =	vpush v1, $0xF;
	(pc) =	sbr.rel @p0 .LBB2_2-.Ltmp0, $4  }
0x91: {  	[tilespmem:s11], [sflag:$0x1] =	stream.linear.gather [hbm4b:s10+s29], $0x80, $0x38;
	[tilespmem:$0x1A600] =	vst v63  }
0x92: {  	s11 =	sand.u32 $0x1FFFFFF0, s13;
	s10 =	sadd.s32 s3, s14;
	s13 =	spop (v2sf);
	(v2sf) =	vpush v7, $0xF  }
0x93: {  	s14 =	sadd.s32 s3, s11;
	s11 =	sshll.u32 s13, $0x4;
	s13 =	spop (v2sf)  }
0x94: {  	[tilespmem:s23], [sflag:$0x1] =	stream.linear.gather [hbm4b:s14+s29], $0x80, $0x38;
	[tilespmem:$0x1A600] =	vst v63  }
0x95: {  	s0 =	sand.u32 $0x1FFFFFF0, s11;
	s18 =	sshll.u32 s13, $0x4;
	s21 =	spop (v2sf)  }
0x96: {  	[tilespmem:s8], [sflag:$0x1] =	stream.linear.gather [hbm4b:s10+s29], $0x80, $0x38;
	[tilespmem:$0x1A600] =	vst v63  }
0x97: {  	s22 =	sand.u32 $0x1FFFFFF0, s12;
	s0 =	sadd.s32 s3, s0;
	s23 =	sand.u32 $0x1FFFFFF0, s18  }
0x98: {  	[tilespmem:s9], [sflag:$0x1] =	stream.linear.gather [hbm4b:s0+s29], $0x80, $0x38;
	[tilespmem:$0x1A600] =	vst v63  }
0x99: {  	s25 =	sadd.s32 s3, s22;
	s28 =	sshll.u32 s21, $0x4;
	s2 =	spop (v2sf)  }
0x9a: {  	[tilespmem:s7], [sflag:$0x1] =	stream.linear.gather [hbm4b:s25+s29], $0x80, $0x38;
	[tilespmem:$0x1A600] =	vst v63  }
0x9b: {  	s8 =	sand.u32 $0x1FFFFFF0, s28;
	s7 =	sadd.s32 s3, s23;
	s9 =	sshll.u32 s2, $0x4  }
0x9c: {  	[tilespmem:s6], [sflag:$0x1] =	stream.linear.gather [hbm4b:s7+s29], $0x80, $0x38;
	[tilespmem:$0x1A600] =	vst v63  }
0x9d: {  	s10 =	sadd.s32 s3, s8;
	s11 =	sand.u32 $0x1FFFFFF0, s9;
	s12 =	spop (v2sf)  }
0x9e: {  	[tilespmem:s5], [sflag:$0x1] =	stream.linear.gather [hbm4b:s10+s29], $0x80, $0x38;
	[tilespmem:$0x1A600] =	vst v63  }
0x9f: {  	s13 =	sadd.s32 s3, s11;
	s14 =	sshll.u32 s12, $0x4  }
0xa0: {  	[tilespmem:s16], [sflag:$0x1] =	stream.linear.gather [hbm4b:s13+s29], $0x80, $0x38;
	[tilespmem:$0x1A600] =	vst v63  }
0xa1: {  	s15 =	spop (v2sf);
	s16 =	sand.u32 $0x1FFFFFF0, s14  }
0xa2: {  	s17 =	sshll.u32 s15, $0x4;
	s0 =	sadd.s32 s3, s16;
	s18 =	spop (v2sf)  }
0xa3: {  	[tilespmem:s31], [sflag:$0x1] =	stream.linear.gather [hbm4b:s0+s29], $0x80, $0x38;
	[tilespmem:$0x1A600] =	vst v63  }
0xa4: {  	s5 =	sand.u32 $0x1FFFFFF0, s17;
	s6 =	sshll.u32 s18, $0x4  }
0xa5: {  	s21 =	sadd.s32 $0xD00, s1;
	s5 =	sadd.s32 s3, s5;
	s6 =	sand.u32 $0x1FFFFFF0, s6  }
0xa6: {  	[tilespmem:s21], [sflag:$0x1] =	stream.linear.gather [hbm4b:s5+s29], $0x80, $0x38;
	[tilespmem:$0x1A600] =	vst v63  }
0xa7: {  	s22 =	sadd.s32 $0xD80, s1;
	s25 =	simm.s32 $0x400;
	s23 =	sadd.s32 s3, s6  }
0xa8: {  	[tilespmem:s22], [sflag:$0x1] =	stream.linear.gather [hbm4b:s23+s29], $0x80, $0x38;
	[tilespmem:$0x1A600] =	vst v63  }
0xa9: {  	v1 =	vld [tilespmem:s25+$0x0];
	_ =	sdelay $0x4  }
0xaa: {  	v2 =	vnsel vm0, $0x0, v1  }
0xab: {  	v3 =	vsel vm2, $0x0, v1;
	(xrf0) =	vadd.scan.msk.s32 $0xffff, v2  }
0xac: {  	v2 =	vsel vm3, $0x0, v1;
	(xrf0) =	vadd.scan.msk.s32 $0xffff, v3  }
0xad: {  	v3 =	vsel vm1, $0x0, v1;
	(xrf0) =	vadd.scan.msk.s32 $0xffff, v2  }
0xae: {  	v2 =	vsel vm8, $0x0, v1;
	(xrf0) =	vadd.scan.msk.s32 $0xffff, v3  }
0xaf: {  	(xrf0) =	vadd.scan.msk.s32 $0xffff, v2;
	v2 =	vsel vm5, $0x0, v1  }
0xb0: {  	v3 =	vsel vm9, $0x0, v1  }
0xb1: {  	(xrf0) =	vadd.scan.msk.s32 $0xffff, v3;
	v3 =	vsel vm4, $0x0, v1;
	v4, _, _ =	vpop (xrf0)  }
0xb2: {  	(xrf0) =	vadd.scan.msk.s32 $0xffff, v2;
	(v2sf) =	vpush v4, $0xF;
	v2, _, _ =	vpop (xrf0)  }
0xb3: {  	(xrf0) =	vadd.scan.msk.s32 $0xffff, v3;
	(v2sf) =	vpush v2, $0xF;
	v2, _, _ =	vpop (xrf0)  }
0xb4: {  	v3, _, _ =	vpop (xrf0);
	(v2sf) =	vpush v2, $0xF;
	v2 =	vsel vm10, $0x0, v1  }
0xb5: {  	(v2sf) =	vpush v3, $0xF;
	v3, _, _ =	vpop (xrf0)  }
0xb6: {  	v59 =	vsel vm11, $0x0, v1;
	(xrf0) =	vadd.scan.msk.s32 $0xffff, v2;
	(v2sf) =	vpush v3, $0xF;
	v3 =	vsel vm12, $0x0, v1  }
0xb7: {  	(xrf0) =	vadd.scan.msk.s32 $0xffff, v59;
	v2, _, _ =	vpop (xrf0)  }
0xb8: {  	v5 =	vsel vm13, $0x0, v1;
	v60, _, _ =	vpop (xrf0);
	(xrf0) =	vadd.scan.msk.s32 $0xffff, v3  }
0xb9: {  	v6 =	vsel vm14, $0x0, v1;
	v3, _, _ =	vpop (xrf0);
	(xrf0) =	vadd.scan.msk.s32 $0xffff, v5  }
0xba: {  	(v2sf) =	vpush v3, $0xF;
	v3 =	vsel vm6, $0x0, v1;
	(xrf0) =	vadd.scan.msk.s32 $0xffff, v6  }
0xbb: {  	(xrf0) =	vadd.scan.msk.s32 $0xffff, v3;
	v3 =	vsel vm7, $0x0, v1;
	_ =	sdelay $0x1  }
0xbc: {  	v61, _, _ =	vpop (xrf0)  }
0xbd: {  	(v2sf) =	vpush v60, $0xF;
	(xrf0) =	vadd.scan.msk.s32 $0xffff, v3;
	v3, _, _ =	vpop (xrf0)  }
0xbe: {  	s30 =	simm.s32 $0x2000;
	s1 =	simm.s32 $0x10C80;
	s28 =	simm.s32 $0x10600;
	(v2sf) =	vpush v61, $0xF;
	v62, _, _ =	vpop (xrf0)  }
0xbf: {  	s8 =	simm.s32 $0x10A80;
	s2 =	simm.s32 $0x10680;
	s9 =	simm.s32 $0x10A00;
	v63, _, _ =	vpop (xrf0)  }
0xc0: {  	s7 =	simm.s32 $0x10B00;
	s10 =	simm.s32 $0x10700;
	s12 =	simm.s32 $0x10800;
	(v2sf) =	vpush v2, $0xF;
	v6, _, _ =	vpop (xrf0)  }
0xc1: {  	s14 =	simm.s32 $0x10880;
	s16 =	simm.s32 $0x10C00;
	s23 =	spop (v2sf);
	v2, _, _ =	vpop (xrf0)  }
0xc2: {  	s0 =	simm.s32 $0x0;
	s17 =	simm.s32 $0x10980;
	s15 =	spop (v2sf);
	(v2sf) =	vpush v2, $0xF  }
0xc3: {  	s25 =	sshll.u32 s23, $0x4;
	s23 =	simm.s32 $0x10780;
	v2, _, _ =	vpop (xrf0);
	s18 =	spop (v2sf)  }
0xc4: {  	s11 =	sand.u32 $0x1FFFFFF0, s25;
	s15 =	sshll.u32 s15, $0x4;
	(v2sf) =	vpush v2, $0xF;
	s21 =	spop (v2sf)  }
0xc5: {  	s11 =	sadd.s32 s3, s11;
	s15 =	sand.u32 $0x1FFFFFF0, s15;
	s21 =	sshll.u32 s21, $0x4  }
0xc6: {  	[tilespmem:s28], [sflag:$0x3] =	stream.linear.gather [hbm4b:s11+s29], $0x80, $0x38;
	[tilespmem:$0x1A600] =	vst v63  }
0xc7: {  	s18 =	sshll.u32 s18, $0x4;
	s22 =	spop (v2sf);
	(v2sf) =	vpush v3, $0xF;
	s21 =	sand.u32 $0x1FFFFFF0, s21  }
0xc8: {  	s18 =	sand.u32 $0x1FFFFFF0, s18;
	s22 =	sshll.u32 s22, $0x4;
	s21 =	sadd.s32 s3, s21  }
0xc9: {  	[tilespmem:s2], [sflag:$0x3] =	stream.linear.gather [hbm4b:s21+s29], $0x80, $0x38;
	[tilespmem:$0x1A600] =	vst v63  }
0xca: {  	s15 =	sadd.s32 s3, s15;
	s11 =	sand.u32 $0x1FFFFFF0, s22;
	s28 =	spop (v2sf)  }
0xcb: {  	v1 =	vsel vm15, $0x0, v1;
	(v2sf) =	vpush v62, $0xF;
	[tilespmem:s10], [sflag:$0x3] =	stream.linear.gather [hbm4b:s15+s29], $0x80, $0x38;
	[tilespmem:$0x1A600] =	vst v63  }
0xcc: {  	(xrf0) =	vadd.scan.msk.s32 $0xffff, v1;
	s22 =	sshll.u32 s28, $0x4;
	s2 =	spop (v2sf);
	s28 =	sadd.s32 s3, s18  }
0xcd: {  	(v2sf) =	vpush v63, $0xF;
	s21 =	sand.u32 $0x1FFFFFF0, s22;
	s22 =	sshll.u32 s2, $0x4;
	s25 =	spop (v2sf)  }
0xce: {  	[tilespmem:s23], [sflag:$0x3] =	stream.linear.gather [hbm4b:s28+s29], $0x80, $0x38;
	[tilespmem:$0x1A600] =	vst v63  }
0xcf: {  	s10 =	sand.u32 $0x1FFFFFF0, s22;
	s2 =	spop (v2sf);
	s21 =	sadd.s32 s3, s21  }
0xd0: {  	[tilespmem:s12], [sflag:$0x3] =	stream.linear.gather [hbm4b:s21+s29], $0x80, $0x38;
	[tilespmem:$0x1A600] =	vst v63  }
0xd1: {  	s31 =	simm.s32 $0x410;
	s10 =	sadd.s32 s3, s10;
	s23 =	spop (v2sf);
	(v2sf) =	vpush v6, $0xF  }
0xd2: {  	v1, _, _ =	vpop (xrf0);
	[tilespmem:s14], [sflag:$0x3] =	stream.linear.gather [hbm4b:s10+s29], $0x80, $0x38;
	[tilespmem:$0x1A600] =	vst v63  }
0xd3: {  	s5 =	simm.s32 $0x10B80;
	s6 =	simm.s32 $0x10900;
	s28 =	spop (v2sf);
	(v2sf) =	vpush v1, $0xF  }
0xd4: {  	s22 =	sshll.u32 s25, $0x4;
	s12 =	sshll.u32 s2, $0x4;
	s25 =	sshll.u32 s23, $0x4  }
0xd5: {  	s14 =	sand.u32 $0x1FFFFFF0, s22;
	s10 =	sand.u32 $0x1FFFFFF0, s25;
	s18 =	sshll.u32 s28, $0x4  }
.LBB2_4:
0xd6: {  	s10 =	sadd.s32 s3, s10;
	s13 =	sand.u32 $0x1FFFFFF0, s18;
	s15 =	spop (v2sf)  }
0xd7: {  	[tilespmem:s6], [sflag:$0x3] =	stream.linear.gather [hbm4b:s10+s29], $0x80, $0x38;
	[tilespmem:$0x1A600] =	vst v63  }
0xd8: {  	s6 =	sadd.s32 s3, s13;
	s10 =	sand.u32 $0x1FFFFFF0, s12;
	s12 =	sshll.u32 s15, $0x4  }
0xd9: {  	[tilespmem:s17], [sflag:$0x3] =	stream.linear.gather [hbm4b:s6+s29], $0x80, $0x38;
	[tilespmem:$0x1A600] =	vst v63  }
0xda: {  	s6 =	sadd.s32 s3, s11;
	s11 =	sand.u32 $0x1FFFFFF0, s12;
	s12 =	spop (v2sf)  }
0xdb: {  	[tilespmem:s9], [sflag:$0x3] =	stream.linear.gather [hbm4b:s6+s29], $0x80, $0x38;
	[tilespmem:$0x1A600] =	vst v63  }
0xdc: {  	s6 =	sadd.s32 s3, s10;
	s9 =	sshll.u32 s12, $0x4;
	s10 =	spop (v2sf)  }
0xdd: {  	[tilespmem:s8], [sflag:$0x3] =	stream.linear.gather [hbm4b:s6+s29], $0x80, $0x38;
	[tilespmem:$0x1A600] =	vst v63  }
0xde: {  	s6 =	sadd.s32 s3, s14;
	s8 =	sand.u32 $0x1FFFFFF0, s9;
	s9 =	sshll.u32 s10, $0x4  }
0xdf: {  	[tilespmem:s7], [sflag:$0x3] =	stream.linear.gather [hbm4b:s6+s29], $0x80, $0x38;
	[tilespmem:$0x1A600] =	vst v63  }
0xe0: {  	s6 =	sadd.s32 s3, s11;
	s7 =	sand.u32 $0x1FFFFFF0, s9;
	s9 =	spop (v2sf)  }
0xe1: {  	[tilespmem:s5], [sflag:$0x3] =	stream.linear.gather [hbm4b:s6+s29], $0x80, $0x38;
	[tilespmem:$0x1A600] =	vst v63  }
0xe2: {  	s5 =	sadd.s32 s3, s8;
	s6 =	sshll.u32 s9, $0x4;
	s8 =	spop (v2sf)  }
0xe3: {  	[tilespmem:s16], [sflag:$0x3] =	stream.linear.gather [hbm4b:s5+s29], $0x80, $0x38;
	[tilespmem:$0x1A600] =	vst v63  }
0xe4: {  	s6 =	sand.u32 $0x1FFFFFF0, s6;
	s5 =	sadd.s32 s3, s7;
	s7 =	sshll.u32 s8, $0x4  }
0xe5: {  	[tilespmem:s1], [sflag:$0x3] =	stream.linear.gather [hbm4b:s5+s29], $0x80, $0x38;
	[tilespmem:$0x1A600] =	vst v63  }
0xe6: {  	s1 =	sadd.s32 $0x10D00, s0;
	s5 =	sadd.s32 s3, s6;
	s6 =	sand.u32 $0x1FFFFFF0, s7  }
0xe7: {  	[tilespmem:s1], [sflag:$0x3] =	stream.linear.gather [hbm4b:s5+s29], $0x80, $0x38;
	[tilespmem:$0x1A600] =	vst v63  }
0xe8: {  	p0 =	sne.s32 s30, $0x1E000;
	s0 =	sadd.s32 $0x10D80, s0;
	s1 =	sadd.s32 s3, s6  }
0xe9: {  	[tilespmem:s0], [sflag:$0x3] =	stream.linear.gather [hbm4b:s1+s29], $0x80, $0x38;
	[tilespmem:$0x1A600] =	vst v63  }
0xea: {  	s0 =	smov.u32 s30;
	s30 =	sadd.s32 $0x2000, s30;
	v1 =	vld [tilespmem:s31+$0x0];
	_ =	sdelay $0x4  }
0xeb: {  	v2 =	vnsel vm0, $0x0, v1;
	v3 =	vsel vm3, $0x0, v1;
	v4 =	vsel vm14, $0x0, v1  }
0xec: {  	v5 =	vsel vm2, $0x0, v1;
	v6 =	vsel vm15, $0x0, v1;
	(xrf0) =	vadd.scan.msk.s32 $0xffff, v2  }
0xed: {  	v7 =	vsel vm6, $0x0, v1;
	v2 =	vsel vm1, $0x0, v1;
	(xrf0) =	vadd.scan.msk.s32 $0xffff, v5  }
0xee: {  	v5 =	vsel vm7, $0x0, v1;
	(xrf0) =	vadd.scan.msk.s32 $0xffff, v3  }
0xef: {  	v3 =	vsel vm8, $0x0, v1;
	(xrf0) =	vadd.scan.msk.s32 $0xffff, v2  }
0xf0: {  	v2 =	vsel vm9, $0x0, v1;
	(xrf0) =	vadd.scan.msk.s32 $0xffff, v3  }
0xf1: {  	v3 =	vsel vm5, $0x0, v1;
	(xrf0) =	vadd.scan.msk.s32 $0xffff, v2  }
0xf2: {  	v2 =	vsel vm4, $0x0, v1;
	v8, _, _ =	vpop (xrf0);
	(xrf0) =	vadd.scan.msk.s32 $0xffff, v3  }
0xf3: {  	v3 =	vsel vm10, $0x0, v1;
	(v2sf) =	vpush v8, $0xF;
	v8, _, _ =	vpop (xrf0);
	(xrf0) =	vadd.scan.msk.s32 $0xffff, v2  }
0xf4: {  	v10 =	vsel vm11, $0x0, v1;
	(v2sf) =	vpush v8, $0xF;
	v8, _, _ =	vpop (xrf0);
	(xrf0) =	vadd.scan.msk.s32 $0xffff, v3  }
0xf5: {  	s0 =	sshra.s32 s0, $0x2;
	v3 =	vsel vm12, $0x0, v1;
	v9, _, _ =	vpop (xrf0);
	(v2sf) =	vpush v8, $0xF;
	(xrf0) =	vadd.scan.msk.s32 $0xffff, v10  }
0xf6: {  	s12 =	sadd.s32 $0x10700, s0;
	v8 =	vsel vm13, $0x0, v1;
	(v2sf) =	vpush v9, $0xF;
	v2, _, _ =	vpop (xrf0);
	(xrf0) =	vadd.scan.msk.s32 $0xffff, v3  }
0xf7: {  	s10 =	sadd.s32 $0x10800, s0;
	s17 =	sadd.s32 $0x10980, s0;
	(v2sf) =	vpush v2, $0xF;
	v2, _, _ =	vpop (xrf0);
	(xrf0) =	vadd.scan.msk.s32 $0xffff, v8  }
0xf8: {  	s9 =	sadd.s32 $0x10600, s0;
	s14 =	sadd.s32 $0x10680, s0;
	v1, _, _ =	vpop (xrf0);
	(xrf0) =	vadd.scan.msk.s32 $0xffff, v4  }
0xf9: {  	s6 =	sadd.s32 $0x10900, s0;
	v3, _, _ =	vpop (xrf0);
	(xrf0) =	vadd.scan.msk.s32 $0xffff, v7  }
0xfa: {  	s13 =	sadd.s32 $0x10880, s0;
	(v2sf) =	vpush v3, $0xF;
	(xrf0) =	vadd.scan.msk.s32 $0xffff, v5;
	v3, _, _ =	vpop (xrf0)  }
0xfb: {  	(v2sf) =	vpush v1, $0xF;
	v1, _, _ =	vpop (xrf0);
	(xrf0) =	vadd.scan.msk.s32 $0xffff, v6  }
0xfc: {  	(v2sf) =	vpush v3, $0xF;
	v3, _, _ =	vpop (xrf0)  }
0xfd: {  	v4, _, _ =	vpop (xrf0)  }
0xfe: {  	v5, _, _ =	vpop (xrf0)  }
0xff: {  	v6, _, _ =	vpop (xrf0);
	(v2sf) =	vpush v2, $0xF  }
0x100: {  	v2, _, _ =	vpop (xrf0)  }
0x101: {  	s31 =	sadd.s32 $0x10, s31;
	s16 =	sadd.s32 $0x10C00, s0;
	s1 =	sadd.s32 $0x10C80, s0;
	(v2sf) =	vpush v6, $0xF;
	v6, _, _ =	vpop (xrf0)  }
0x102: {  	s7 =	sadd.s32 $0x10B00, s0;
	s5 =	sadd.s32 $0x10B80, s0;
	s8 =	spop (v2sf)  }
0x103: {  	s11 =	sshll.u32 s8, $0x4;
	s8 =	sadd.s32 $0x10A80, s0;
	s15 =	spop (v2sf);
	(v2sf) =	vpush v2, $0xF  }
0x104: {  	s11 =	sand.u32 $0x1FFFFFF0, s11;
	s15 =	sshll.u32 s15, $0x4;
	s18 =	spop (v2sf)  }
0x105: {  	s11 =	sadd.s32 s3, s11;
	s15 =	sand.u32 $0x1FFFFFF0, s15;
	s21 =	spop (v2sf)  }
0x106: {  	s18 =	sshll.u32 s18, $0x4;
	s21 =	sshll.u32 s21, $0x4;
	s22 =	spop (v2sf)  }
0x107: {  	s18 =	sand.u32 $0x1FFFFFF0, s18;
	s21 =	sand.u32 $0x1FFFFFF0, s21;
	s22 =	sshll.u32 s22, $0x4;
	(v2sf) =	vpush v1, $0xF  }
0x108: {  	[tilespmem:s9], [sflag:$0x3] =	stream.linear.gather [hbm4b:s11+s29], $0x80, $0x38;
	[tilespmem:$0x1A600] =	vst v63  }
0x109: {  	s9 =	sadd.s32 $0x10A00, s0;
	s11 =	sand.u32 $0x1FFFFFF0, s22;
	s22 =	spop (v2sf)  }
0x10a: {  	s23 =	sadd.s32 $0x10780, s0;
	s22 =	sshll.u32 s22, $0x4;
	s25 =	spop (v2sf)  }
0x10b: {  	s22 =	sand.u32 $0x1FFFFFF0, s22;
	s25 =	sshll.u32 s25, $0x4;
	s28 =	spop (v2sf);
	(v2sf) =	vpush v3, $0xF  }
0x10c: {  	s21 =	sadd.s32 s3, s21;
	s25 =	sand.u32 $0x1FFFFFF0, s25;
	s28 =	sshll.u32 s28, $0x4  }
0x10d: {  	[tilespmem:s14], [sflag:$0x3] =	stream.linear.gather [hbm4b:s21+s29], $0x80, $0x38;
	(v2sf) =	vpush v4, $0xF;
	[tilespmem:$0x1A600] =	vst v63  }
0x10e: {  	s15 =	sadd.s32 s3, s15;
	s14 =	sand.u32 $0x1FFFFFF0, s28;
	s21 =	spop (v2sf)  }
0x10f: {  	[tilespmem:s12], [sflag:$0x3] =	stream.linear.gather [hbm4b:s15+s29], $0x80, $0x38;
	[tilespmem:$0x1A600] =	vst v63  }
0x110: {  	s15 =	sadd.s32 s3, s18;
	s12 =	sshll.u32 s21, $0x4;
	s18 =	spop (v2sf)  }
0x111: {  	[tilespmem:s23], [sflag:$0x3] =	stream.linear.gather [hbm4b:s15+s29], $0x80, $0x38;
	[tilespmem:$0x1A600] =	vst v63  }
.Ltmp1:
0x112: {  	(v2sf) =	vpush v5, $0xF;
	(pc) =	sbr.rel @p0 .LBB2_4-.Ltmp1, $4  }
0x113: {  	s15 =	sadd.s32 s3, s22;
	s18 =	sshll.u32 s18, $0x4;
	s21 =	spop (v2sf)  }
0x114: {  	[tilespmem:s10], [sflag:$0x3] =	stream.linear.gather [hbm4b:s15+s29], $0x80, $0x38;
	(v2sf) =	vpush v6, $0xF;
	[tilespmem:$0x1A600] =	vst v63  }
0x115: {  	s15 =	sadd.s32 s3, s25;
	s10 =	sand.u32 $0x1FFFFFF0, s18;
	s18 =	sshll.u32 s21, $0x4  }
0x116: {  	[tilespmem:s13], [sflag:$0x3] =	stream.linear.gather [hbm4b:s15+s29], $0x80, $0x38;
	[tilespmem:$0x1A600] =	vst v63  }
0x117: {  	s10 =	sadd.s32 s3, s10;
	s13 =	sand.u32 $0x1FFFFFF0, s18;
	s15 =	spop (v2sf)  }
0x118: {  	[tilespmem:s6], [sflag:$0x3] =	stream.linear.gather [hbm4b:s10+s29], $0x80, $0x38;
	[tilespmem:$0x1A600] =	vst v63  }
0x119: {  	s2 =	sand.u32 $0x1FFFFFF0, s12;
	s25 =	sadd.s32 s3, s14;
	s28 =	sadd.s32 s3, s13  }
0x11a: {  	[tilespmem:s17], [sflag:$0x3] =	stream.linear.gather [hbm4b:s28+s29], $0x80, $0x38;
	[tilespmem:$0x1A600] =	vst v63  }
0x11b: {  	s13 =	sshll.u32 s15, $0x4;
	s15 =	sadd.s32 s3, s11;
	s18 =	spop (v2sf)  }
0x11c: {  	[tilespmem:s9], [sflag:$0x3] =	stream.linear.gather [hbm4b:s15+s29], $0x80, $0x38;
	[tilespmem:$0x1A600] =	vst v63  }
0x11d: {  	s21 =	sadd.s32 s3, s2;
	s22 =	sshll.u32 s18, $0x4;
	s23 =	spop (v2sf)  }
0x11e: {  	[tilespmem:s8], [sflag:$0x3] =	stream.linear.gather [hbm4b:s21+s29], $0x80, $0x38;
	[tilespmem:$0x1A600] =	vst v63  }
0x11f: {  	s17 =	sand.u32 $0x1FFFFFF0, s13;
	s28 =	sand.u32 $0x1FFFFFF0, s22;
	s2 =	sshll.u32 s23, $0x4  }
0x120: {  	[tilespmem:s7], [sflag:$0x3] =	stream.linear.gather [hbm4b:s25+s29], $0x80, $0x38;
	[tilespmem:$0x1A600] =	vst v63  }
0x121: {  	s12 =	sadd.s32 s3, s28;
	s7 =	sadd.s32 s3, s17;
	s11 =	spop (v2sf)  }
0x122: {  	[tilespmem:s5], [sflag:$0x3] =	stream.linear.gather [hbm4b:s7+s29], $0x80, $0x38;
	[tilespmem:$0x1A600] =	vst v63  }
0x123: {  	s10 =	sand.u32 $0x1FFFFFF0, s2;
	s13 =	sshll.u32 s11, $0x4;
	s14 =	spop (v2sf)  }
0x124: {  	[tilespmem:s16], [sflag:$0x3] =	stream.linear.gather [hbm4b:s12+s29], $0x80, $0x38;
	[tilespmem:$0x1A600] =	vst v63  }
0x125: {  	s15 =	sadd.s32 s3, s10;
	s6 =	sand.u32 $0x1FFFFFF0, s13;
	s16 =	sshll.u32 s14, $0x4  }
0x126: {  	[tilespmem:s1], [sflag:$0x3] =	stream.linear.gather [hbm4b:s15+s29], $0x80, $0x38;
	[tilespmem:$0x1A600] =	vst v63  }
0x127: {  	s17 =	sadd.s32 $0x10D00, s0;
	s18 =	sadd.s32 s3, s6;
	s21 =	sand.u32 $0x1FFFFFF0, s16  }
0x128: {  	[tilespmem:s17], [sflag:$0x3] =	stream.linear.gather [hbm4b:s18+s29], $0x80, $0x38;
	[tilespmem:$0x1A600] =	vst v63  }
0x129: {  	s22 =	sadd.s32 $0x10D80, s0;
	s25 =	simm.s32 $0x200;
	s23 =	sadd.s32 s3, s21  }
0x12a: {  	[tilespmem:s22], [sflag:$0x3] =	stream.linear.gather [hbm4b:s23+s29], $0x80, $0x38;
	[tilespmem:$0x1A600] =	vst v63  }
0x12b: {  	v1 =	vld [tilespmem:s25+$0x0];
	_ =	sdelay $0x4  }
0x12c: {  	v2 =	vnsel vm0, $0x0, v1  }
0x12d: {  	v3 =	vsel vm2, $0x0, v1;
	(xrf0) =	vadd.scan.msk.s32 $0xffff, v2  }
0x12e: {  	v2 =	vsel vm3, $0x0, v1;
	(xrf0) =	vadd.scan.msk.s32 $0xffff, v3  }
0x12f: {  	v3 =	vsel vm1, $0x0, v1;
	(xrf0) =	vadd.scan.msk.s32 $0xffff, v2  }
0x130: {  	v2 =	vsel vm8, $0x0, v1;
	(xrf0) =	vadd.scan.msk.s32 $0xffff, v3  }
0x131: {  	(xrf0) =	vadd.scan.msk.s32 $0xffff, v2;
	v2 =	vsel vm5, $0x0, v1  }
0x132: {  	v3 =	vsel vm9, $0x0, v1  }
0x133: {  	(xrf0) =	vadd.scan.msk.s32 $0xffff, v3;
	v3 =	vsel vm4, $0x0, v1;
	v4, _, _ =	vpop (xrf0)  }
0x134: {  	(xrf0) =	vadd.scan.msk.s32 $0xffff, v2;
	(v2sf) =	vpush v4, $0xF;
	v2, _, _ =	vpop (xrf0)  }
0x135: {  	(xrf0) =	vadd.scan.msk.s32 $0xffff, v3;
	(v2sf) =	vpush v2, $0xF;
	v2, _, _ =	vpop (xrf0)  }
0x136: {  	v3, _, _ =	vpop (xrf0);
	(v2sf) =	vpush v2, $0xF;
	v2 =	vsel vm10, $0x0, v1  }
0x137: {  	(v2sf) =	vpush v3, $0xF;
	v3, _, _ =	vpop (xrf0)  }
0x138: {  	v59 =	vsel vm11, $0x0, v1;
	(xrf0) =	vadd.scan.msk.s32 $0xffff, v2;
	(v2sf) =	vpush v3, $0xF;
	v3 =	vsel vm12, $0x0, v1  }
0x139: {  	(xrf0) =	vadd.scan.msk.s32 $0xffff, v59;
	v2, _, _ =	vpop (xrf0)  }
0x13a: {  	v5 =	vsel vm13, $0x0, v1;
	v60, _, _ =	vpop (xrf0);
	(xrf0) =	vadd.scan.msk.s32 $0xffff, v3  }
0x13b: {  	v6 =	vsel vm14, $0x0, v1;
	v3, _, _ =	vpop (xrf0);
	(xrf0) =	vadd.scan.msk.s32 $0xffff, v5  }
0x13c: {  	(v2sf) =	vpush v3, $0xF;
	v3 =	vsel vm6, $0x0, v1;
	(xrf0) =	vadd.scan.msk.s32 $0xffff, v6  }
0x13d: {  	(xrf0) =	vadd.scan.msk.s32 $0xffff, v3;
	v3 =	vsel vm7, $0x0, v1;
	_ =	sdelay $0x1  }
0x13e: {  	v61, _, _ =	vpop (xrf0);
	(v2sf) =	vpush v60, $0xF  }
0x13f: {  	s31 =	simm.s32 $0x8C00;
	(xrf0) =	vadd.scan.msk.s32 $0xffff, v3;
	v3, _, _ =	vpop (xrf0)  }
0x140: {  	s30 =	simm.s32 $0x210;
	s9 =	simm.s32 $0x8700;
	s28 =	simm.s32 $0x8600;
	(v2sf) =	vpush v61, $0xF;
	v62, _, _ =	vpop (xrf0)  }
0x141: {  	s2 =	simm.s32 $0x0;
	s8 =	simm.s32 $0x8A00;
	s0 =	simm.s32 $0x0;
	v63, _, _ =	vpop (xrf0)  }
0x142: {  	s11 =	simm.s32 $0x8800;
	s5 =	simm.s32 $0x8900;
	s7 =	simm.s32 $0x8A80;
	(v2sf) =	vpush v2, $0xF;
	v6, _, _ =	vpop (xrf0)  }
0x143: {  	s13 =	simm.s32 $0x8880;
	s12 =	simm.s32 $0x8680;
	s18 =	spop (v2sf);
	v2, _, _ =	vpop (xrf0)  }
0x144: {  	s6 =	simm.s32 $0x8B00;
	s21 =	sshll.u32 s18, $0x4;
	s22 =	spop (v2sf);
	(v2sf) =	vpush v2, $0xF  }
0x145: {  	s16 =	simm.s32 $0x8980;
	v2, _, _ =	vpop (xrf0);
	s10 =	sand.u32 $0x1FFFFFF0, s21;
	s23 =	spop (v2sf)  }
0x146: {  	s14 =	sshll.u32 s22, $0x4;
	s22 =	simm.s32 $0x8780;
	(v2sf) =	vpush v2, $0xF;
	s25 =	spop (v2sf)  }
0x147: {  	s10 =	sadd.s32 s4, s10;
	s14 =	sand.u32 $0x1FFFFFF0, s14;
	s18 =	sshll.u32 s25, $0x4  }
0x148: {  	[tilespmem:s28], [sflag:$0x2] =	stream.linear.gather [hbm4b:s10+s2], $0x80, $0x38;
	[tilespmem:$0x1A600] =	vst v63  }
0x149: {  	s15 =	sshll.u32 s23, $0x4;
	s21 =	spop (v2sf);
	(v2sf) =	vpush v3, $0xF;
	s18 =	sand.u32 $0x1FFFFFF0, s18  }
0x14a: {  	s15 =	sand.u32 $0x1FFFFFF0, s15;
	s14 =	sadd.s32 s4, s14;
	s18 =	sadd.s32 s4, s18  }
0x14b: {  	[tilespmem:s12], [sflag:$0x2] =	stream.linear.gather [hbm4b:s18+s2], $0x80, $0x38;
	[tilespmem:$0x1A600] =	vst v63  }
0x14c: {  	v1 =	vsel vm15, $0x0, v1;
	s21 =	sshll.u32 s21, $0x4;
	s15 =	sadd.s32 s4, s15;
	s28 =	spop (v2sf)  }
0x14d: {  	(xrf0) =	vadd.scan.msk.s32 $0xffff, v1;
	(v2sf) =	vpush v62, $0xF;
	s10 =	sand.u32 $0x1FFFFFF0, s21;
	s21 =	sshll.u32 s28, $0x4;
	s18 =	spop (v2sf)  }
0x14e: {  	[tilespmem:s9], [sflag:$0x2] =	stream.linear.gather [hbm4b:s14+s2], $0x80, $0x38;
	[tilespmem:$0x1A600] =	vst v63  }
0x14f: {  	(v2sf) =	vpush v63, $0xF;
	s23 =	sand.u32 $0x1FFFFFF0, s21;
	s25 =	sshll.u32 s18, $0x4;
	s28 =	spop (v2sf)  }
0x150: {  	[tilespmem:s22], [sflag:$0x2] =	stream.linear.gather [hbm4b:s15+s2], $0x80, $0x38;
	[tilespmem:$0x1A600] =	vst v63  }
0x151: {  	s9 =	sand.u32 $0x1FFFFFF0, s25;
	s14 =	spop (v2sf);
	s21 =	sadd.s32 s4, s23  }
0x152: {  	[tilespmem:s11], [sflag:$0x2] =	stream.linear.gather [hbm4b:s21+s2], $0x80, $0x38;
	[tilespmem:$0x1A600] =	vst v63  }
0x153: {  	s1 =	simm.s32 $0x8C80;
	s9 =	sadd.s32 s4, s9;
	s23 =	spop (v2sf);
	(v2sf) =	vpush v6, $0xF  }
0x154: {  	v1, _, _ =	vpop (xrf0);
	[tilespmem:s13], [sflag:$0x2] =	stream.linear.gather [hbm4b:s9+s2], $0x80, $0x38;
	[tilespmem:$0x1A600] =	vst v63  }
0x155: {  	s17 =	simm.s32 $0x8B80;
	s22 =	sshll.u32 s28, $0x4;
	s28 =	spop (v2sf);
	(v2sf) =	vpush v1, $0xF  }
0x156: {  	s29 =	simm.s32 $0x2000;
	s11 =	sshll.u32 s14, $0x4;
	s25 =	sshll.u32 s23, $0x4  }
0x157: {  	s13 =	sand.u32 $0x1FFFFFF0, s22;
	s9 =	sand.u32 $0x1FFFFFF0, s25;
	s14 =	sshll.u32 s28, $0x4  }
.LBB2_6:
0x158: {  	s9 =	sadd.s32 s4, s9;
	s12 =	sand.u32 $0x1FFFFFF0, s14;
	s14 =	spop (v2sf)  }
0x159: {  	[tilespmem:s5], [sflag:$0x2] =	stream.linear.gather [hbm4b:s9+s2], $0x80, $0x38;
	[tilespmem:$0x1A600] =	vst v63  }
0x15a: {  	s5 =	sadd.s32 s4, s12;
	s9 =	sand.u32 $0x1FFFFFF0, s11;
	s11 =	sshll.u32 s14, $0x4  }
0x15b: {  	[tilespmem:s16], [sflag:$0x2] =	stream.linear.gather [hbm4b:s5+s2], $0x80, $0x38;
	[tilespmem:$0x1A600] =	vst v63  }
0x15c: {  	s5 =	sadd.s32 s4, s10;
	s10 =	sand.u32 $0x1FFFFFF0, s11;
	s11 =	spop (v2sf)  }
0x15d: {  	[tilespmem:s8], [sflag:$0x2] =	stream.linear.gather [hbm4b:s5+s2], $0x80, $0x38;
	[tilespmem:$0x1A600] =	vst v63  }
0x15e: {  	s5 =	sadd.s32 s4, s9;
	s8 =	sshll.u32 s11, $0x4;
	s9 =	spop (v2sf)  }
0x15f: {  	[tilespmem:s7], [sflag:$0x2] =	stream.linear.gather [hbm4b:s5+s2], $0x80, $0x38;
	[tilespmem:$0x1A600] =	vst v63  }
0x160: {  	s5 =	sadd.s32 s4, s13;
	s7 =	sand.u32 $0x1FFFFFF0, s8;
	s8 =	sshll.u32 s9, $0x4  }
0x161: {  	[tilespmem:s6], [sflag:$0x2] =	stream.linear.gather [hbm4b:s5+s2], $0x80, $0x38;
	[tilespmem:$0x1A600] =	vst v63  }
0x162: {  	s5 =	sadd.s32 s4, s10;
	s6 =	sand.u32 $0x1FFFFFF0, s8;
	s8 =	spop (v2sf)  }
0x163: {  	[tilespmem:s17], [sflag:$0x2] =	stream.linear.gather [hbm4b:s5+s2], $0x80, $0x38;
	[tilespmem:$0x1A600] =	vst v63  }
0x164: {  	s5 =	sadd.s32 s4, s7;
	s7 =	sshll.u32 s8, $0x4;
	s8 =	spop (v2sf)  }
0x165: {  	[tilespmem:s31], [sflag:$0x2] =	stream.linear.gather [hbm4b:s5+s2], $0x80, $0x38;
	[tilespmem:$0x1A600] =	vst v63  }
0x166: {  	s5 =	sadd.s32 s4, s6;
	s6 =	sand.u32 $0x1FFFFFF0, s7;
	s7 =	sshll.u32 s8, $0x4  }
0x167: {  	[tilespmem:s1], [sflag:$0x2] =	stream.linear.gather [hbm4b:s5+s2], $0x80, $0x38;
	[tilespmem:$0x1A600] =	vst v63  }
0x168: {  	s1 =	sadd.s32 $0x8D00, s0;
	s5 =	sadd.s32 s4, s6;
	s6 =	sand.u32 $0x1FFFFFF0, s7  }
0x169: {  	[tilespmem:s1], [sflag:$0x2] =	stream.linear.gather [hbm4b:s5+s2], $0x80, $0x38;
	[tilespmem:$0x1A600] =	vst v63  }
0x16a: {  	p0 =	sne.s32 s29, $0x1E000;
	s0 =	sadd.s32 $0x8D80, s0;
	s1 =	sadd.s32 s4, s6  }
0x16b: {  	[tilespmem:s0], [sflag:$0x2] =	stream.linear.gather [hbm4b:s1+s2], $0x80, $0x38;
	[tilespmem:$0x1A600] =	vst v63  }
0x16c: {  	s0 =	smov.u32 s29;
	s29 =	sadd.s32 $0x2000, s29;
	v1 =	vld [tilespmem:s30+$0x0];
	_ =	sdelay $0x4  }
0x16d: {  	v2 =	vnsel vm0, $0x0, v1;
	v3 =	vsel vm3, $0x0, v1;
	v4 =	vsel vm14, $0x0, v1  }
0x16e: {  	v5 =	vsel vm2, $0x0, v1;
	v6 =	vsel vm15, $0x0, v1;
	(xrf0) =	vadd.scan.msk.s32 $0xffff, v2  }
0x16f: {  	v7 =	vsel vm6, $0x0, v1;
	v2 =	vsel vm1, $0x0, v1;
	(xrf0) =	vadd.scan.msk.s32 $0xffff, v5  }
0x170: {  	v5 =	vsel vm7, $0x0, v1;
	(xrf0) =	vadd.scan.msk.s32 $0xffff, v3  }
0x171: {  	v3 =	vsel vm8, $0x0, v1;
	(xrf0) =	vadd.scan.msk.s32 $0xffff, v2  }
0x172: {  	v2 =	vsel vm9, $0x0, v1;
	(xrf0) =	vadd.scan.msk.s32 $0xffff, v3  }
0x173: {  	v3 =	vsel vm5, $0x0, v1;
	(xrf0) =	vadd.scan.msk.s32 $0xffff, v2  }
0x174: {  	v2 =	vsel vm4, $0x0, v1;
	v8, _, _ =	vpop (xrf0);
	(xrf0) =	vadd.scan.msk.s32 $0xffff, v3  }
0x175: {  	v3 =	vsel vm10, $0x0, v1;
	(v2sf) =	vpush v8, $0xF;
	v8, _, _ =	vpop (xrf0);
	(xrf0) =	vadd.scan.msk.s32 $0xffff, v2  }
0x176: {  	v10 =	vsel vm11, $0x0, v1;
	(v2sf) =	vpush v8, $0xF;
	v8, _, _ =	vpop (xrf0);
	(xrf0) =	vadd.scan.msk.s32 $0xffff, v3  }
0x177: {  	s0 =	sshra.s32 s0, $0x2;
	v3 =	vsel vm12, $0x0, v1;
	v9, _, _ =	vpop (xrf0);
	(v2sf) =	vpush v8, $0xF;
	(xrf0) =	vadd.scan.msk.s32 $0xffff, v10  }
0x178: {  	s11 =	sadd.s32 $0x8700, s0;
	v8 =	vsel vm13, $0x0, v1;
	(v2sf) =	vpush v9, $0xF;
	v2, _, _ =	vpop (xrf0);
	(xrf0) =	vadd.scan.msk.s32 $0xffff, v3  }
0x179: {  	s9 =	sadd.s32 $0x8800, s0;
	s16 =	sadd.s32 $0x8980, s0;
	(v2sf) =	vpush v2, $0xF;
	v2, _, _ =	vpop (xrf0);
	(xrf0) =	vadd.scan.msk.s32 $0xffff, v8  }
0x17a: {  	s8 =	sadd.s32 $0x8600, s0;
	s13 =	sadd.s32 $0x8680, s0;
	v1, _, _ =	vpop (xrf0);
	(xrf0) =	vadd.scan.msk.s32 $0xffff, v4  }
0x17b: {  	s5 =	sadd.s32 $0x8900, s0;
	v3, _, _ =	vpop (xrf0);
	(xrf0) =	vadd.scan.msk.s32 $0xffff, v7  }
0x17c: {  	s12 =	sadd.s32 $0x8880, s0;
	(v2sf) =	vpush v3, $0xF;
	(xrf0) =	vadd.scan.msk.s32 $0xffff, v5;
	v3, _, _ =	vpop (xrf0)  }
0x17d: {  	(v2sf) =	vpush v1, $0xF;
	v1, _, _ =	vpop (xrf0);
	(xrf0) =	vadd.scan.msk.s32 $0xffff, v6  }
0x17e: {  	(v2sf) =	vpush v3, $0xF;
	v3, _, _ =	vpop (xrf0)  }
0x17f: {  	v4, _, _ =	vpop (xrf0)  }
0x180: {  	v5, _, _ =	vpop (xrf0)  }
0x181: {  	v6, _, _ =	vpop (xrf0);
	(v2sf) =	vpush v2, $0xF  }
0x182: {  	v2, _, _ =	vpop (xrf0)  }
0x183: {  	s30 =	sadd.s32 $0x10, s30;
	s31 =	sadd.s32 $0x8C00, s0;
	s1 =	sadd.s32 $0x8C80, s0;
	(v2sf) =	vpush v6, $0xF;
	v6, _, _ =	vpop (xrf0)  }
0x184: {  	s6 =	sadd.s32 $0x8B00, s0;
	s17 =	sadd.s32 $0x8B80, s0;
	s7 =	spop (v2sf)  }
0x185: {  	s10 =	sshll.u32 s7, $0x4;
	s7 =	sadd.s32 $0x8A80, s0;
	s14 =	spop (v2sf);
	(v2sf) =	vpush v2, $0xF  }
0x186: {  	s10 =	sand.u32 $0x1FFFFFF0, s10;
	s14 =	sshll.u32 s14, $0x4;
	s15 =	spop (v2sf)  }
0x187: {  	s10 =	sadd.s32 s4, s10;
	s14 =	sand.u32 $0x1FFFFFF0, s14;
	s18 =	spop (v2sf)  }
0x188: {  	s15 =	sshll.u32 s15, $0x4;
	s18 =	sshll.u32 s18, $0x4;
	s21 =	spop (v2sf)  }
0x189: {  	s15 =	sand.u32 $0x1FFFFFF0, s15;
	s18 =	sand.u32 $0x1FFFFFF0, s18;
	s21 =	sshll.u32 s21, $0x4;
	(v2sf) =	vpush v1, $0xF  }
0x18a: {  	[tilespmem:s8], [sflag:$0x2] =	stream.linear.gather [hbm4b:s10+s2], $0x80, $0x38;
	[tilespmem:$0x1A600] =	vst v63  }
0x18b: {  	s8 =	sadd.s32 $0x8A00, s0;
	s10 =	sand.u32 $0x1FFFFFF0, s21;
	s21 =	spop (v2sf)  }
0x18c: {  	s22 =	sadd.s32 $0x8780, s0;
	s21 =	sshll.u32 s21, $0x4;
	s23 =	spop (v2sf)  }
0x18d: {  	s21 =	sand.u32 $0x1FFFFFF0, s21;
	s23 =	sshll.u32 s23, $0x4;
	s25 =	spop (v2sf);
	(v2sf) =	vpush v3, $0xF  }
0x18e: {  	s18 =	sadd.s32 s4, s18;
	s23 =	sand.u32 $0x1FFFFFF0, s23;
	s25 =	sshll.u32 s25, $0x4  }
0x18f: {  	[tilespmem:s13], [sflag:$0x2] =	stream.linear.gather [hbm4b:s18+s2], $0x80, $0x38;
	(v2sf) =	vpush v4, $0xF;
	[tilespmem:$0x1A600] =	vst v63  }
0x190: {  	s14 =	sadd.s32 s4, s14;
	s13 =	sand.u32 $0x1FFFFFF0, s25;
	s18 =	spop (v2sf)  }
0x191: {  	[tilespmem:s11], [sflag:$0x2] =	stream.linear.gather [hbm4b:s14+s2], $0x80, $0x38;
	[tilespmem:$0x1A600] =	vst v63  }
0x192: {  	s14 =	sadd.s32 s4, s15;
	s11 =	sshll.u32 s18, $0x4;
	s15 =	spop (v2sf)  }
0x193: {  	[tilespmem:s22], [sflag:$0x2] =	stream.linear.gather [hbm4b:s14+s2], $0x80, $0x38;
	[tilespmem:$0x1A600] =	vst v63  }
.Ltmp2:
0x194: {  	(v2sf) =	vpush v5, $0xF;
	(pc) =	sbr.rel @p0 .LBB2_6-.Ltmp2, $4  }
0x195: {  	s14 =	sadd.s32 s4, s21;
	s15 =	sshll.u32 s15, $0x4;
	s18 =	spop (v2sf)  }
0x196: {  	[tilespmem:s9], [sflag:$0x2] =	stream.linear.gather [hbm4b:s14+s2], $0x80, $0x38;
	(v2sf) =	vpush v6, $0xF;
	[tilespmem:$0x1A600] =	vst v63  }
0x197: {  	s21 =	sadd.s32 s4, s23;
	s9 =	sand.u32 $0x1FFFFFF0, s15;
	s14 =	sshll.u32 s18, $0x4  }
0x198: {  	[tilespmem:s12], [sflag:$0x2] =	stream.linear.gather [hbm4b:s21+s2], $0x80, $0x38;
	[tilespmem:$0x1A600] =	vst v63  }
0x199: {  	s9 =	sadd.s32 s4, s9;
	s12 =	sand.u32 $0x1FFFFFF0, s14;
	s30 =	spop (v2sf)  }
0x19a: {  	[tilespmem:s5], [sflag:$0x2] =	stream.linear.gather [hbm4b:s9+s2], $0x80, $0x38;
	[tilespmem:$0x1A600] =	vst v63  }
0x19b: {  	s18 =	sadd.s32 s4, s10;
	s29 =	sadd.s32 s4, s13;
	s9 =	sadd.s32 s4, s12  }
0x19c: {  	[tilespmem:s16], [sflag:$0x2] =	stream.linear.gather [hbm4b:s9+s2], $0x80, $0x38;
	[tilespmem:$0x1A600] =	vst v63  }
0x19d: {  	s12 =	sand.u32 $0x1FFFFFF0, s11;
	s15 =	sshll.u32 s30, $0x4;
	s22 =	spop (v2sf)  }
0x19e: {  	[tilespmem:s8], [sflag:$0x2] =	stream.linear.gather [hbm4b:s18+s2], $0x80, $0x38;
	[tilespmem:$0x1A600] =	vst v63  }
0x19f: {  	s21 =	sand.u32 $0x1FFFFFF0, s15;
	s23 =	sadd.s32 s4, s12;
	s25 =	sshll.u32 s22, $0x4  }
0x1a0: {  	[tilespmem:s7], [sflag:$0x2] =	stream.linear.gather [hbm4b:s23+s2], $0x80, $0x38;
	[tilespmem:$0x1A600] =	vst v63  }
0x1a1: {  	s12 =	sadd.s32 s4, s21;
	s28 =	spop (v2sf);
	s30 =	sand.u32 $0x1FFFFFF0, s25  }
0x1a2: {  	[tilespmem:s6], [sflag:$0x2] =	stream.linear.gather [hbm4b:s29+s2], $0x80, $0x38;
	[tilespmem:$0x1A600] =	vst v63  }
0x1a3: {  	s11 =	sshll.u32 s28, $0x4;
	s15 =	sadd.s32 s4, s30;
	s14 =	spop (v2sf)  }
0x1a4: {  	[tilespmem:s17], [sflag:$0x2] =	stream.linear.gather [hbm4b:s12+s2], $0x80, $0x38;
	[tilespmem:$0x1A600] =	vst v63  }
0x1a5: {  	s13 =	sand.u32 $0x1FFFFFF0, s11;
	s16 =	sshll.u32 s14, $0x4;
	s17 =	spop (v2sf)  }
0x1a6: {  	[tilespmem:s31], [sflag:$0x2] =	stream.linear.gather [hbm4b:s15+s2], $0x80, $0x38;
	[tilespmem:$0x1A600] =	vst v63  }
0x1a7: {  	s18 =	sadd.s32 s4, s13;
	s21 =	sand.u32 $0x1FFFFFF0, s16;
	s22 =	sshll.u32 s17, $0x4  }
0x1a8: {  	[tilespmem:s1], [sflag:$0x2] =	stream.linear.gather [hbm4b:s18+s2], $0x80, $0x38;
	[tilespmem:$0x1A600] =	vst v63  }
0x1a9: {  	s23 =	sadd.s32 $0x8D00, s0;
	s25 =	sadd.s32 s4, s21;
	s28 =	sand.u32 $0x1FFFFFF0, s22  }
0x1aa: {  	[tilespmem:s23], [sflag:$0x2] =	stream.linear.gather [hbm4b:s25+s2], $0x80, $0x38;
	[tilespmem:$0x1A600] =	vst v63  }
0x1ab: {  	s29 =	sadd.s32 $0x8D80, s0;
	s31 =	simm.s32 $0x1;
	s30 =	sadd.s32 s4, s28  }
0x1ac: {  	[tilespmem:s29], [sflag:$0x2] =	stream.linear.gather [hbm4b:s30+s2], $0x80, $0x38;
	[tilespmem:$0x1A600] =	vst v63  }
0x1ad: {  	s8 =	simm.s32 $0x20000;
	_ =	swait.ge [sflag:s31], $0x8000  }
0x1ae: {  	s7 =	simm.s32 $0x800;
	s0 =	simm.s32 $0x0;
	[sflag:s31] =	ssyncset.done $0x0  }
0x1af: {  	s1 =	simm.s32 $0x0;
	s2 =	simm.s32 $0x4;
	[sflag:s31] =	ssyncadd.s32 $0xFFFF8000  }
.LBB2_8:
0x1b0: {  	v5 =	vor.u32 s0, v0  }
0x1b1: {  	v1 =	vmov s1;
	v2 =	vshll.u32 v5, $0x7  }
0x1b2: {  	v4 =	vadd.s32 v1, v2;
	_ =	sdelay $0x1  }
0x1b3: {  	v6 =	vmov s0;
	v3 =	vshll.u32 v1, $0x7;
	v2 =	vshll.u32 v1, $0x8  }
0x1b4: {  	v6 =	vshll.u32 v6, $0x3;
	v3 =	vand.u32 $0x380, v3;
	v2 =	vand.u32 $0x1800, v2  }
0x1b5: {  	s5 =	simm.s32 $0x10;
	v6 =	vand.u32 $0x400, v6;
	v2 =	vor.u32 v2, v3  }
0x1b6: {  	s6 =	simm.s32 $0x20;
	v5 =	vand.u32 $0x7F, v5;
	v3 =	vor.u32 s5, v0;
	v6 =	vor.u32 v6, v2;
	v4 =	vld.idx.msk [tilespmem:v4+s19+$0x0], $0xffff  }
.LBB2_9:
0x1b7: {  	p0 =	sne.s32 s6, $0xF0;
	v7 =	vshll.u32 v3, $0x7;
	v5 =	vor.u32 v5, v6  }
0x1b8: {  	v6 =	vadd.s32 v1, v7  }
.Ltmp3:
0x1b9: {  	(pc) =	sbr.rel @p0 .LBB2_9-.Ltmp3, $4  }
0x1ba: {  	v7 =	vmov s5;
	s5 =	smov.u32 s6  }
0x1bb: {  	v7 =	vshll.u32 v7, $0x3  }
0x1bc: {  	v7 =	vand.u32 $0x400, v7;
	[tilespmem:v5+s20+$0x0] =	vst.idx.msk $0xffff, v4  }
0x1bd: {  	s6 =	sadd.s32 $0x10, s6;
	v5 =	vand.u32 $0x7F, v3;
	v3 =	vor.u32 s5, v0;
	v4 =	vld.idx.msk [tilespmem:v6+s19+$0x0], $0xffff;
	v6 =	vor.u32 v7, v2  }
0x1be: {  	v7 =	vshll.u32 v3, $0x7;
	v5 =	vor.u32 v5, v6  }
0x1bf: {  	v1 =	vadd.s32 v1, v7  }
0x1c0: {  	v63 =	vmov s5  }
0x1c1: {  	v6 =	vshll.u32 v63, $0x3  }
0x1c2: {  	v6 =	vand.u32 $0x400, v6  }
0x1c3: {  	v3 =	vand.u32 $0x7F, v3;
	s1 =	sadd.s32 $0x1, s1;
	v2 =	vor.u32 v6, v2;
	[tilespmem:v5+s20+$0x0] =	vst.idx.msk $0xffff, v4  }
0x1c4: {  	p0 =	sne.s32 s1, $0x20;
	v2 =	vor.u32 v3, v2;
	v1 =	vld.idx.msk [tilespmem:v1+s19+$0x0], $0xffff  }
.Ltmp4:
0x1c5: {  	_ = 	snop;
	(pc) =	sbr.rel @p0 .LBB2_8-.Ltmp4, $2  }
0x1c6: {  	_ =	sdelay $0x2  }
0x1c7: {  	[tilespmem:v2+s20+$0x0] =	vst.idx.msk $0xffff, v1  }
0x1c8: {  	s0 =	rddreg [dreg:$0xb]  }
0x1c9: {  	[hbm4b:s0+s7] =	stream.strided.scatter [tilespmem:s20], [sflag:$0x4], $0x2000, s8, s7, $0x38;
	[tilespmem:$0x1A600] =	vst v63  }
0x1ca: {  	_ =	swait.ge [sflag:s2], $0x2000  }
0x1cb: {  	[sflag:s2] =	ssyncset.done $0x0  }
0x1cc: {  	s31 =	simm.s32 $0x3;
	[sflag:s2] =	ssyncadd.s32 $0xFFFFE000  }
0x1cd: {  	_ =	swait.ge [sflag:s31], $0x8000  }
0x1ce: {  	[sflag:s31] =	ssyncset.done $0x0  }
0x1cf: {  	s1 =	simm.s32 $0x0;
	s0 =	simm.s32 $0x0;
	[sflag:s31] =	ssyncadd.s32 $0xFFFF8000  }
.LBB2_12:
0x1d0: {  	v5 =	vor.u32 s0, v0  }
0x1d1: {  	v1 =	vmov s1;
	v2 =	vshll.u32 v5, $0x7  }
0x1d2: {  	v4 =	vadd.s32 v1, v2;
	_ =	sdelay $0x1  }
0x1d3: {  	v6 =	vmov s0;
	v3 =	vshll.u32 v1, $0x7;
	v2 =	vshll.u32 v1, $0x8  }
0x1d4: {  	v6 =	vshll.u32 v6, $0x3;
	v3 =	vand.u32 $0x380, v3;
	v2 =	vand.u32 $0x1800, v2  }
0x1d5: {  	s5 =	simm.s32 $0x10;
	v6 =	vand.u32 $0x400, v6;
	v2 =	vor.u32 v2, v3  }
0x1d6: {  	s6 =	simm.s32 $0x20;
	v5 =	vand.u32 $0x7F, v5;
	v3 =	vor.u32 s5, v0;
	v6 =	vor.u32 v6, v2;
	v4 =	vld.idx.msk [tilespmem:v4+s24+$0x0], $0xffff  }
.LBB2_13:
0x1d7: {  	p0 =	sne.s32 s6, $0xF0;
	v7 =	vshll.u32 v3, $0x7;
	v5 =	vor.u32 v5, v6  }
0x1d8: {  	v6 =	vadd.s32 v1, v7  }
.Ltmp5:
0x1d9: {  	(pc) =	sbr.rel @p0 .LBB2_13-.Ltmp5, $4  }
0x1da: {  	v7 =	vmov s5;
	s5 =	smov.u32 s6  }
0x1db: {  	v7 =	vshll.u32 v7, $0x3  }
0x1dc: {  	v7 =	vand.u32 $0x400, v7;
	[tilespmem:v5+s20+$0x0] =	vst.idx.msk $0xffff, v4  }
0x1dd: {  	s6 =	sadd.s32 $0x10, s6;
	v5 =	vand.u32 $0x7F, v3;
	v3 =	vor.u32 s5, v0;
	v4 =	vld.idx.msk [tilespmem:v6+s24+$0x0], $0xffff;
	v6 =	vor.u32 v7, v2  }
0x1de: {  	v7 =	vshll.u32 v3, $0x7;
	v5 =	vor.u32 v5, v6  }
0x1df: {  	v1 =	vadd.s32 v1, v7  }
0x1e0: {  	v63 =	vmov s5  }
0x1e1: {  	v6 =	vshll.u32 v63, $0x3  }
0x1e2: {  	v6 =	vand.u32 $0x400, v6  }
0x1e3: {  	v3 =	vand.u32 $0x7F, v3;
	s1 =	sadd.s32 $0x1, s1;
	v2 =	vor.u32 v6, v2;
	[tilespmem:v5+s20+$0x0] =	vst.idx.msk $0xffff, v4  }
0x1e4: {  	p0 =	sne.s32 s1, $0x20;
	v2 =	vor.u32 v3, v2;
	v1 =	vld.idx.msk [tilespmem:v1+s24+$0x0], $0xffff  }
.Ltmp6:
0x1e5: {  	_ = 	snop;
	(pc) =	sbr.rel @p0 .LBB2_12-.Ltmp6, $2  }
0x1e6: {  	_ =	sdelay $0x2  }
0x1e7: {  	[tilespmem:v2+s20+$0x0] =	vst.idx.msk $0xffff, v1  }
0x1e8: {  	s0 =	rddreg [dreg:$0xc]  }
0x1e9: {  	[hbm4b:s0+s7] =	stream.strided.scatter [tilespmem:s20], [sflag:$0x4], $0x2000, s8, s7, $0x38;
	[tilespmem:$0x1A600] =	vst v63  }
0x1ea: {  	_ =	swait.ge [sflag:s2], $0x2000  }
0x1eb: {  	[sflag:s2] =	ssyncset.done $0x0  }
0x1ec: {  	s31 =	simm.s32 $0x2;
	[sflag:s2] =	ssyncadd.s32 $0xFFFFE000  }
0x1ed: {  	_ =	swait.ge [sflag:s31], $0x8000  }
0x1ee: {  	[sflag:s31] =	ssyncset.done $0x0  }
0x1ef: {  	s1 =	simm.s32 $0x0;
	s0 =	simm.s32 $0x0;
	[sflag:s31] =	ssyncadd.s32 $0xFFFF8000  }
.LBB2_16:
0x1f0: {  	v5 =	vor.u32 s0, v0  }
0x1f1: {  	v1 =	vmov s1;
	v2 =	vshll.u32 v5, $0x7  }
0x1f2: {  	v4 =	vadd.s32 v1, v2;
	_ =	sdelay $0x1  }
0x1f3: {  	v6 =	vmov s0;
	v3 =	vshll.u32 v1, $0x7;
	v2 =	vshll.u32 v1, $0x8  }
0x1f4: {  	v6 =	vshll.u32 v6, $0x3;
	v3 =	vand.u32 $0x380, v3;
	v2 =	vand.u32 $0x1800, v2  }
0x1f5: {  	s5 =	simm.s32 $0x10;
	v6 =	vand.u32 $0x400, v6;
	v2 =	vor.u32 v2, v3  }
0x1f6: {  	s6 =	simm.s32 $0x20;
	v5 =	vand.u32 $0x7F, v5;
	v3 =	vor.u32 s5, v0;
	v6 =	vor.u32 v6, v2;
	v4 =	vld.idx.msk [tilespmem:v4+s26+$0x0], $0xffff  }
.LBB2_17:
0x1f7: {  	p0 =	sne.s32 s6, $0xF0;
	v7 =	vshll.u32 v3, $0x7;
	v5 =	vor.u32 v5, v6  }
0x1f8: {  	v6 =	vadd.s32 v1, v7  }
.Ltmp7:
0x1f9: {  	(pc) =	sbr.rel @p0 .LBB2_17-.Ltmp7, $4  }
0x1fa: {  	v7 =	vmov s5;
	s5 =	smov.u32 s6  }
0x1fb: {  	v7 =	vshll.u32 v7, $0x3  }
0x1fc: {  	v7 =	vand.u32 $0x400, v7;
	[tilespmem:v5+s20+$0x0] =	vst.idx.msk $0xffff, v4  }
0x1fd: {  	s6 =	sadd.s32 $0x10, s6;
	v5 =	vand.u32 $0x7F, v3;
	v3 =	vor.u32 s5, v0;
	v4 =	vld.idx.msk [tilespmem:v6+s26+$0x0], $0xffff;
	v6 =	vor.u32 v7, v2  }
0x1fe: {  	v7 =	vshll.u32 v3, $0x7;
	v5 =	vor.u32 v5, v6  }
0x1ff: {  	v1 =	vadd.s32 v1, v7  }
0x200: {  	v63 =	vmov s5  }
0x201: {  	v6 =	vshll.u32 v63, $0x3  }
0x202: {  	v6 =	vand.u32 $0x400, v6  }
0x203: {  	v3 =	vand.u32 $0x7F, v3;
	s1 =	sadd.s32 $0x1, s1;
	v2 =	vor.u32 v6, v2;
	[tilespmem:v5+s20+$0x0] =	vst.idx.msk $0xffff, v4  }
0x204: {  	p0 =	sne.s32 s1, $0x20;
	v2 =	vor.u32 v3, v2;
	v1 =	vld.idx.msk [tilespmem:v1+s26+$0x0], $0xffff  }
.Ltmp8:
0x205: {  	_ = 	snop;
	(pc) =	sbr.rel @p0 .LBB2_16-.Ltmp8, $2  }
0x206: {  	_ =	sdelay $0x2  }
0x207: {  	[tilespmem:v2+s20+$0x0] =	vst.idx.msk $0xffff, v1  }
0x208: {  	s0 =	rddreg [dreg:$0xd]  }
0x209: {  	[hbm4b:s0+s7] =	stream.strided.scatter [tilespmem:s20], [sflag:$0x4], $0x2000, s8, s7, $0x38;
	[tilespmem:$0x1A600] =	vst v63  }
0x20a: {  	_ =	swait.ge [sflag:s2], $0x2000  }
0x20b: {  	s29 =	simm.s32 $0x0;
	[sflag:s2] =	ssyncset.done $0x0  }
0x20c: {  	s30 =	sand.u32 $0xF0, s29;
	[sflag:s2] =	ssyncadd.s32 $0xFFFFE000  }
0x20d: {  	v1 =	vld [tilespmem:s30+$0x100];
	_ =	sdelay $0x4  }
0x20e: {  	v2 =	vnsel vm0, $0x0, v1  }
0x20f: {  	(xrf0) =	vadd.scan.msk.s32 $0xffff, v2  }
0x210: {  	v3 =	vsel vm2, $0x0, v1  }
0x211: {  	v2 =	vsel vm3, $0x0, v1;
	(xrf0) =	vadd.scan.msk.s32 $0xffff, v3  }
0x212: {  	v3 =	vsel vm1, $0x0, v1;
	(xrf0) =	vadd.scan.msk.s32 $0xffff, v2  }
0x213: {  	(xrf0) =	vadd.scan.msk.s32 $0xffff, v3  }
0x214: {  	v2 =	vsel vm9, $0x0, v1  }
0x215: {  	v3, _, _ =	vpop (xrf0)  }
0x216: {  	(v2sf) =	vpush v3, $0xF;
	v3 =	vsel vm5, $0x0, v1  }
0x217: {  	(xrf0) =	vadd.scan.msk.s32 $0xffff, v2;
	v2, _, _ =	vpop (xrf0)  }
0x218: {  	(v2sf) =	vpush v2, $0xF;
	v2, _, _ =	vpop (xrf0)  }
0x219: {  	(xrf0) =	vadd.scan.msk.s32 $0xffff, v3;
	(v2sf) =	vpush v2, $0xF;
	v2 =	vsel vm4, $0x0, v1;
	v3, _, _ =	vpop (xrf0)  }
0x21a: {  	(xrf0) =	vadd.scan.msk.s32 $0xffff, v2;
	v2 =	vsel vm10, $0x0, v1;
	(v2sf) =	vpush v3, $0xF;
	_ =	sdelay $0x1  }
0x21b: {  	v3 =	vsel vm11, $0x0, v1;
	(xrf0) =	vadd.scan.msk.s32 $0xffff, v2  }
0x21c: {  	v4 =	vsel vm12, $0x0, v1;
	(xrf0) =	vadd.scan.msk.s32 $0xffff, v3;
	v2, _, _ =	vpop (xrf0)  }
0x21d: {  	(xrf0) =	vadd.scan.msk.s32 $0xffff, v4;
	(v2sf) =	vpush v2, $0xF;
	v2 =	vsel vm13, $0x0, v1  }
0x21e: {  	v61 =	vsel vm6, $0x0, v1;
	v3, _, _ =	vpop (xrf0);
	(xrf0) =	vadd.scan.msk.s32 $0xffff, v2  }
0x21f: {  	(v2sf) =	vpush v3, $0xF;
	v2 =	vsel vm14, $0x0, v1;
	(xrf0) =	vadd.scan.msk.s32 $0xffff, v61  }
0x220: {  	v3, _, _ =	vpop (xrf0);
	(xrf0) =	vadd.scan.msk.s32 $0xffff, v2;
	v2 =	vsel vm7, $0x0, v1  }
0x221: {  	v62 =	vsel vm15, $0x0, v1;
	(v2sf) =	vpush v3, $0xF  }
0x222: {  	v3, _, _ =	vpop (xrf0);
	(xrf0) =	vadd.scan.msk.s32 $0xffff, v62  }
0x223: {  	(xrf0) =	vadd.scan.msk.s32 $0xffff, v2;
	v2, _, _ =	vpop (xrf0)  }
0x224: {  	(v2sf) =	vpush v3, $0xF;
	v63, _, _ =	vpop (xrf0)  }
0x225: {  	(v2sf) =	vpush v2, $0xF;
	v3, _, _ =	vpop (xrf0);
	s1 =	spop (v2sf)  }
0x226: {  	v2, _, _ =	vpop (xrf0);
	s10 =	spop (v2sf);
	s6 =	sshll.u32 s1, $0x4  }
0x227: {  	(v2sf) =	vpush v2, $0xF;
	s12 =	spop (v2sf);
	s13 =	sand.u32 $0x1FFFFFF0, s6  }
0x228: {  	s5 =	simm.s32 $0x600;
	s13 =	sadd.s32 s3, s13;
	s14 =	spop (v2sf)  }
0x229: {  	v1 =	vsel vm8, $0x0, v1;
	[tilespmem:s5], [sflag:$0x1] =	stream.linear.gather [hbm4b:s13+s29], $0x80, $0x38;
	[tilespmem:$0x1A600] =	vst v63  }
0x22a: {  	s22 =	simm.s32 $0x700;
	(xrf0) =	vadd.scan.msk.s32 $0xffff, v1;
	v5, _, _ =	vpop (xrf0);
	s14 =	sshll.u32 s14, $0x4  }
0x22b: {  	s9 =	simm.s32 $0x680;
	s10 =	sshll.u32 s10, $0x4;
	v2, _, _ =	vpop (xrf0);
	s25 =	sand.u32 $0x1FFFFFF0, s14  }
0x22c: {  	s10 =	sand.u32 $0x1FFFFFF0, s10;
	v6, _, _ =	vpop (xrf0);
	s14 =	spop (v2sf);
	s13 =	sadd.s32 s3, s25  }
0x22d: {  	(v2sf) =	vpush v6, $0xF;
	[tilespmem:s9], [sflag:$0x1] =	stream.linear.gather [hbm4b:s13+s29], $0x80, $0x38;
	[tilespmem:$0x1A600] =	vst v63  }
0x22e: {  	s28 =	sshll.u32 s12, $0x4;
	s10 =	sadd.s32 s3, s10;
	s2 =	spop (v2sf)  }
0x22f: {  	[tilespmem:s22], [sflag:$0x1] =	stream.linear.gather [hbm4b:s10+s29], $0x80, $0x38;
	[tilespmem:$0x1A600] =	vst v63  }
0x230: {  	v1, _, _ =	vpop (xrf0);
	s9 =	sand.u32 $0x1FFFFFF0, s28;
	s15 =	spop (v2sf)  }
0x231: {  	s18 =	simm.s32 $0x780;
	(v2sf) =	vpush v1, $0xF;
	s9 =	sadd.s32 s3, s9;
	s10 =	sshll.u32 s15, $0x4  }
0x232: {  	[tilespmem:s18], [sflag:$0x1] =	stream.linear.gather [hbm4b:s9+s29], $0x80, $0x38;
	[tilespmem:$0x1A600] =	vst v63  }
0x233: {  	s22 =	spop (v2sf);
	s10 =	sand.u32 $0x1FFFFFF0, s10  }
0x234: {  	s23 =	simm.s32 $0x800;
	s10 =	sadd.s32 s3, s10;
	s13 =	spop (v2sf)  }
0x235: {  	(v2sf) =	vpush v63, $0xF;
	[tilespmem:s23], [sflag:$0x1] =	stream.linear.gather [hbm4b:s10+s29], $0x80, $0x38;
	[tilespmem:$0x1A600] =	vst v63  }
0x236: {  	s23 =	spop (v2sf);
	(v2sf) =	vpush v3, $0xF  }
0x237: {  	s31 =	simm.s32 $0x2000  }
0x238: {  	s16 =	simm.s32 $0x980;
	s17 =	simm.s32 $0x900;
	s21 =	sshll.u32 s2, $0x4  }
0x239: {  	s11 =	simm.s32 $0x880;
	s0 =	simm.s32 $0x0;
	s9 =	sand.u32 $0x1FFFFFF0, s21  }
0x23a: {  	s7 =	simm.s32 $0xC00;
	s8 =	simm.s32 $0xA80;
	s9 =	sadd.s32 s3, s9;
	(v2sf) =	vpush v5, $0xF  }
0x23b: {  	[tilespmem:s11], [sflag:$0x1] =	stream.linear.gather [hbm4b:s9+s29], $0x80, $0x38;
	[tilespmem:$0x1A600] =	vst v63  }
0x23c: {  	s1 =	simm.s32 $0x10;
	s6 =	simm.s32 $0xB00;
	s28 =	spop (v2sf);
	(v2sf) =	vpush v2, $0xF  }
0x23d: {  	s5 =	simm.s32 $0xB80;
	s14 =	sshll.u32 s14, $0x4;
	s10 =	sshll.u32 s23, $0x4  }
0x23e: {  	s25 =	sshll.u32 s22, $0x4;
	s9 =	simm.s32 $0xA00;
	s10 =	sand.u32 $0x1FFFFFF0, s10  }
0x23f: {  	s11 =	sand.u32 $0x1FFFFFF0, s25;
	s10 =	sadd.s32 s3, s10;
	s18 =	sshll.u32 s28, $0x4  }
.LBB2_20:
0x240: {  	s12 =	sand.u32 $0x1FFFFFF0, s18;
	s14 =	sand.u32 $0x1FFFFFF0, s14;
	s15 =	spop (v2sf)  }
0x241: {  	[tilespmem:s17], [sflag:$0x1] =	stream.linear.gather [hbm4b:s10+s29], $0x80, $0x38;
	[tilespmem:$0x1A600] =	vst v63  }
0x242: {  	s13 =	sshll.u32 s13, $0x4;
	s10 =	sadd.s32 s3, s12;
	s12 =	sshll.u32 s15, $0x4  }
0x243: {  	[tilespmem:s16], [sflag:$0x1] =	stream.linear.gather [hbm4b:s10+s29], $0x80, $0x38;
	[tilespmem:$0x1A600] =	vst v63  }
0x244: {  	s10 =	sand.u32 $0x1FFFFFF0, s12;
	s12 =	sand.u32 $0x1FFFFFF0, s13;
	s13 =	spop (v2sf)  }
0x245: {  	s10 =	sadd.s32 s3, s10;
	s13 =	sshll.u32 s13, $0x4;
	s15 =	spop (v2sf)  }
0x246: {  	[tilespmem:s9], [sflag:$0x1] =	stream.linear.gather [hbm4b:s10+s29], $0x80, $0x38;
	[tilespmem:$0x1A600] =	vst v63  }
0x247: {  	s9 =	sadd.s32 s3, s14;
	s10 =	sand.u32 $0x1FFFFFF0, s13;
	s13 =	sshll.u32 s15, $0x4  }
0x248: {  	[tilespmem:s8], [sflag:$0x1] =	stream.linear.gather [hbm4b:s9+s29], $0x80, $0x38;
	[tilespmem:$0x1A600] =	vst v63  }
0x249: {  	s8 =	sadd.s32 s3, s11;
	s9 =	sand.u32 $0x1FFFFFF0, s13;
	s11 =	spop (v2sf)  }
0x24a: {  	[tilespmem:s6], [sflag:$0x1] =	stream.linear.gather [hbm4b:s8+s29], $0x80, $0x38;
	[tilespmem:$0x1A600] =	vst v63  }
0x24b: {  	s6 =	sadd.s32 s3, s12;
	s8 =	sshll.u32 s11, $0x4;
	s11 =	spop (v2sf)  }
0x24c: {  	[tilespmem:s5], [sflag:$0x1] =	stream.linear.gather [hbm4b:s6+s29], $0x80, $0x38;
	[tilespmem:$0x1A600] =	vst v63  }
0x24d: {  	s5 =	sadd.s32 s3, s10;
	s6 =	sand.u32 $0x1FFFFFF0, s8;
	s8 =	sshll.u32 s11, $0x4  }
0x24e: {  	[tilespmem:s7], [sflag:$0x1] =	stream.linear.gather [hbm4b:s5+s29], $0x80, $0x38;
	[tilespmem:$0x1A600] =	vst v63  }
0x24f: {  	s8 =	sand.u32 $0x1FFFFFF0, s8;
	s5 =	sadd.s32 $0xC80, s0;
	s7 =	sadd.s32 s3, s9  }
0x250: {  	[tilespmem:s5], [sflag:$0x1] =	stream.linear.gather [hbm4b:s7+s29], $0x80, $0x38;
	[tilespmem:$0x1A600] =	vst v63  }
0x251: {  	p0 =	sne.s32 s31, $0x1E000;
	s6 =	sadd.s32 s3, s6;
	s5 =	sadd.s32 $0xD00, s0  }
0x252: {  	[tilespmem:s5], [sflag:$0x1] =	stream.linear.gather [hbm4b:s6+s29], $0x80, $0x38;
	[tilespmem:$0x1A600] =	vst v63  }
0x253: {  	s0 =	sadd.s32 $0xD80, s0;
	s5 =	sand.u32 $0xF0, s1;
	s6 =	sadd.s32 s3, s8  }
0x254: {  	[tilespmem:s0], [sflag:$0x1] =	stream.linear.gather [hbm4b:s6+s29], $0x80, $0x38;
	[tilespmem:$0x1A600] =	vst v63  }
0x255: {  	s0 =	smov.u32 s31;
	s31 =	sadd.s32 $0x2000, s31;
	v1 =	vld [tilespmem:s5+$0x100];
	_ =	sdelay $0x4  }
0x256: {  	v2 =	vnsel vm0, $0x0, v1;
	v3 =	vsel vm3, $0x0, v1;
	v4 =	vsel vm15, $0x0, v1  }
0x257: {  	v5 =	vsel vm1, $0x0, v1;
	v6 =	vsel vm2, $0x0, v1;
	v7 =	vsel vm6, $0x0, v1;
	(xrf0) =	vadd.scan.msk.s32 $0xffff, v2  }
0x258: {  	v2 =	vsel vm7, $0x0, v1;
	(xrf0) =	vadd.scan.msk.s32 $0xffff, v6  }
0x259: {  	v6 =	vsel vm8, $0x0, v1;
	(xrf0) =	vadd.scan.msk.s32 $0xffff, v3  }
0x25a: {  	v3 =	vsel vm9, $0x0, v1;
	(xrf0) =	vadd.scan.msk.s32 $0xffff, v5  }
0x25b: {  	v5 =	vsel vm5, $0x0, v1;
	(xrf0) =	vadd.scan.msk.s32 $0xffff, v3  }
0x25c: {  	v3 =	vsel vm4, $0x0, v1;
	(xrf0) =	vadd.scan.msk.s32 $0xffff, v5  }
0x25d: {  	v5 =	vsel vm10, $0x0, v1;
	v8, _, _ =	vpop (xrf0);
	(xrf0) =	vadd.scan.msk.s32 $0xffff, v3  }
0x25e: {  	v3 =	vsel vm11, $0x0, v1;
	(v2sf) =	vpush v8, $0xF;
	v8, _, _ =	vpop (xrf0);
	(xrf0) =	vadd.scan.msk.s32 $0xffff, v5  }
0x25f: {  	s0 =	sshra.s32 s0, $0x2;
	v10 =	vsel vm12, $0x0, v1;
	(v2sf) =	vpush v8, $0xF;
	v8, _, _ =	vpop (xrf0);
	(xrf0) =	vadd.scan.msk.s32 $0xffff, v3  }
0x260: {  	s11 =	sadd.s32 $0x700, s0;
	v11 =	vsel vm13, $0x0, v1;
	v9, _, _ =	vpop (xrf0);
	(v2sf) =	vpush v8, $0xF;
	(xrf0) =	vadd.scan.msk.s32 $0xffff, v10  }
0x261: {  	s10 =	sadd.s32 $0x800, s0;
	s16 =	sadd.s32 $0x980, s0;
	(v2sf) =	vpush v9, $0xF;
	v5, _, _ =	vpop (xrf0);
	(xrf0) =	vadd.scan.msk.s32 $0xffff, v11  }
0x262: {  	s14 =	sadd.s32 $0x600, s0;
	s13 =	sadd.s32 $0x680, s0;
	v8 =	vsel vm14, $0x0, v1;
	v3, _, _ =	vpop (xrf0);
	(xrf0) =	vadd.scan.msk.s32 $0xffff, v7;
	(v2sf) =	vpush v5, $0xF  }
0x263: {  	s17 =	sadd.s32 $0x900, s0;
	v5, _, _ =	vpop (xrf0);
	(v2sf) =	vpush v3, $0xF;
	(xrf0) =	vadd.scan.msk.s32 $0xffff, v8  }
0x264: {  	s12 =	sadd.s32 $0x880, s0;
	v1, _, _ =	vpop (xrf0);
	(xrf0) =	vadd.scan.msk.s32 $0xffff, v4  }
0x265: {  	(v2sf) =	vpush v5, $0xF;
	(xrf0) =	vadd.scan.msk.s32 $0xffff, v2;
	v2, _, _ =	vpop (xrf0)  }
0x266: {  	(xrf0) =	vadd.scan.msk.s32 $0xffff, v6;
	v3, _, _ =	vpop (xrf0)  }
0x267: {  	(v2sf) =	vpush v1, $0xF;
	v1, _, _ =	vpop (xrf0)  }
0x268: {  	v4, _, _ =	vpop (xrf0);
	(v2sf) =	vpush v2, $0xF  }
0x269: {  	v2, _, _ =	vpop (xrf0)  }
0x26a: {  	(v2sf) =	vpush v4, $0xF;
	v4, _, _ =	vpop (xrf0)  }
0x26b: {  	s1 =	sadd.s32 $0x10, s1;
	v5, _, _ =	vpop (xrf0)  }
0x26c: {  	s6 =	sadd.s32 $0xB00, s0;
	s5 =	sadd.s32 $0xB80, s0;
	s7 =	sadd.s32 $0xC00, s0;
	v6, _, _ =	vpop (xrf0)  }
0x26d: {  	s15 =	sadd.s32 $0x780, s0;
	s8 =	sadd.s32 $0xA80, s0;
	s9 =	spop (v2sf);
	(v2sf) =	vpush v5, $0xF  }
0x26e: {  	s18 =	sshll.u32 s9, $0x4;
	s9 =	sadd.s32 $0xA00, s0;
	s21 =	spop (v2sf)  }
0x26f: {  	s18 =	sand.u32 $0x1FFFFFF0, s18;
	s21 =	sshll.u32 s21, $0x4;
	s22 =	spop (v2sf)  }
0x270: {  	s18 =	sadd.s32 s3, s18;
	s21 =	sand.u32 $0x1FFFFFF0, s21;
	s23 =	spop (v2sf)  }
0x271: {  	s22 =	sshll.u32 s22, $0x4;
	s23 =	sshll.u32 s23, $0x4;
	(v2sf) =	vpush v6, $0xF;
	s25 =	spop (v2sf)  }
0x272: {  	s22 =	sand.u32 $0x1FFFFFF0, s22;
	s23 =	sand.u32 $0x1FFFFFF0, s23;
	s28 =	spop (v2sf)  }
0x273: {  	[tilespmem:s14], [sflag:$0x1] =	stream.linear.gather [hbm4b:s18+s29], $0x80, $0x38;
	[tilespmem:$0x1A600] =	vst v63  }
0x274: {  	s14 =	sadd.s32 s3, s23;
	s18 =	sshll.u32 s28, $0x4;
	s23 =	spop (v2sf)  }
0x275: {  	[tilespmem:s13], [sflag:$0x1] =	stream.linear.gather [hbm4b:s14+s29], $0x80, $0x38;
	(v2sf) =	vpush v3, $0xF;
	[tilespmem:$0x1A600] =	vst v63  }
0x276: {  	s18 =	sand.u32 $0x1FFFFFF0, s18;
	s14 =	sadd.s32 s3, s21;
	s13 =	spop (v2sf);
	(v2sf) =	vpush v1, $0xF  }
0x277: {  	s21 =	sshll.u32 s23, $0x4;
	s23 =	sshll.u32 s13, $0x4;
	s13 =	spop (v2sf)  }
0x278: {  	[tilespmem:s11], [sflag:$0x1] =	stream.linear.gather [hbm4b:s14+s29], $0x80, $0x38;
	[tilespmem:$0x1A600] =	vst v63  }
0x279: {  	s21 =	sand.u32 $0x1FFFFFF0, s21;
	s11 =	sand.u32 $0x1FFFFFF0, s23;
	s14 =	spop (v2sf)  }
0x27a: {  	s22 =	sadd.s32 s3, s22;
	s23 =	sshll.u32 s14, $0x4;
	s14 =	sshll.u32 s25, $0x4;
	(v2sf) =	vpush v2, $0xF  }
0x27b: {  	[tilespmem:s15], [sflag:$0x1] =	stream.linear.gather [hbm4b:s22+s29], $0x80, $0x38;
	[tilespmem:$0x1A600] =	vst v63  }
.Ltmp9:
0x27c: {  	_ = 	snop;
	(pc) =	sbr.rel @p0 .LBB2_20-.Ltmp9, $4  }
0x27d: {  	s15 =	sadd.s32 s3, s21;
	s21 =	sand.u32 $0x1FFFFFF0, s23;
	s22 =	spop (v2sf);
	(v2sf) =	vpush v4, $0xF  }
0x27e: {  	[tilespmem:s10], [sflag:$0x1] =	stream.linear.gather [hbm4b:s15+s29], $0x80, $0x38;
	[tilespmem:$0x1A600] =	vst v63  }
0x27f: {  	s15 =	sadd.s32 s3, s18;
	s10 =	sadd.s32 s3, s21;
	s18 =	sshll.u32 s22, $0x4  }
0x280: {  	[tilespmem:s12], [sflag:$0x1] =	stream.linear.gather [hbm4b:s15+s29], $0x80, $0x38;
	[tilespmem:$0x1A600] =	vst v63  }
0x281: {  	s1 =	sand.u32 $0x1FFFFFF0, s18;
	s12 =	spop (v2sf)  }
0x282: {  	[tilespmem:s17], [sflag:$0x1] =	stream.linear.gather [hbm4b:s10+s29], $0x80, $0x38;
	[tilespmem:$0x1A600] =	vst v63  }
0x283: {  	s21 =	sand.u32 $0x1FFFFFF0, s14;
	s1 =	sadd.s32 s3, s1;
	s12 =	sshll.u32 s12, $0x4  }
0x284: {  	[tilespmem:s16], [sflag:$0x1] =	stream.linear.gather [hbm4b:s1+s29], $0x80, $0x38;
	[tilespmem:$0x1A600] =	vst v63  }
0x285: {  	s22 =	sshll.u32 s13, $0x4;
	s17 =	sadd.s32 $0xC80, s0;
	s12 =	sand.u32 $0x1FFFFFF0, s12  }
0x286: {  	s1 =	sand.u32 $0x1FFFFFF0, s22;
	s23 =	spop (v2sf);
	s12 =	sadd.s32 s3, s12  }
0x287: {  	[tilespmem:s9], [sflag:$0x1] =	stream.linear.gather [hbm4b:s12+s29], $0x80, $0x38;
	[tilespmem:$0x1A600] =	vst v63  }
0x288: {  	s10 =	sadd.s32 s3, s21;
	s1 =	sadd.s32 s3, s1;
	s25 =	spop (v2sf)  }
0x289: {  	[tilespmem:s8], [sflag:$0x1] =	stream.linear.gather [hbm4b:s10+s29], $0x80, $0x38;
	[tilespmem:$0x1A600] =	vst v63  }
0x28a: {  	s13 =	sshll.u32 s23, $0x4;
	s2 =	sshll.u32 s25, $0x4;
	s10 =	sadd.s32 s3, s11  }
0x28b: {  	[tilespmem:s6], [sflag:$0x1] =	stream.linear.gather [hbm4b:s10+s29], $0x80, $0x38;
	[tilespmem:$0x1A600] =	vst v63  }
0x28c: {  	s28 =	sand.u32 $0x1FFFFFF0, s13;
	s13 =	sand.u32 $0x1FFFFFF0, s2;
	s11 =	spop (v2sf)  }
0x28d: {  	[tilespmem:s5], [sflag:$0x1] =	stream.linear.gather [hbm4b:s1+s29], $0x80, $0x38;
	[tilespmem:$0x1A600] =	vst v63  }
0x28e: {  	s16 =	sadd.s32 s3, s28;
	s14 =	sshll.u32 s11, $0x4;
	s15 =	spop (v2sf)  }
0x28f: {  	[tilespmem:s7], [sflag:$0x1] =	stream.linear.gather [hbm4b:s16+s29], $0x80, $0x38;
	[tilespmem:$0x1A600] =	vst v63  }
0x290: {  	s6 =	sadd.s32 s3, s13;
	s8 =	sand.u32 $0x1FFFFFF0, s14;
	s1 =	sshll.u32 s15, $0x4  }
0x291: {  	[tilespmem:s17], [sflag:$0x1] =	stream.linear.gather [hbm4b:s6+s29], $0x80, $0x38;
	[tilespmem:$0x1A600] =	vst v63  }
0x292: {  	s18 =	sadd.s32 $0xD00, s0;
	s21 =	sadd.s32 s3, s8;
	s1 =	sand.u32 $0x1FFFFFF0, s1  }
0x293: {  	[tilespmem:s18], [sflag:$0x1] =	stream.linear.gather [hbm4b:s21+s29], $0x80, $0x38;
	[tilespmem:$0x1A600] =	vst v63  }
0x294: {  	s22 =	sadd.s32 $0xD80, s0;
	s1 =	sadd.s32 s3, s1  }
0x295: {  	[tilespmem:s22], [sflag:$0x1] =	stream.linear.gather [hbm4b:s1+s29], $0x80, $0x38;
	[tilespmem:$0x1A600] =	vst v63  }
0x296: {  	v1 =	vld [tilespmem:s30+$0x500];
	_ =	sdelay $0x4  }
0x297: {  	v2 =	vsel vm2, $0x0, v1  }
0x298: {  	v3 =	vsel vm3, $0x0, v1;
	(xrf0) =	vadd.scan.msk.s32 $0xffff, v2  }
0x299: {  	v2 =	vsel vm1, $0x0, v1;
	(xrf0) =	vadd.scan.msk.s32 $0xffff, v3  }
0x29a: {  	v3 =	vsel vm5, $0x0, v1;
	(xrf0) =	vadd.scan.msk.s32 $0xffff, v2  }
0x29b: {  	v2 =	vsel vm4, $0x0, v1;
	(xrf0) =	vadd.scan.msk.s32 $0xffff, v3;
	_ =	sdelay $0x1  }
0x29c: {  	v3 =	vnsel vm0, $0x0, v1;
	(xrf0) =	vadd.scan.msk.s32 $0xffff, v2  }
0x29d: {  	(xrf0) =	vadd.scan.msk.s32 $0xffff, v3;
	v2, _, _ =	vpop (xrf0)  }
0x29e: {  	(v2sf) =	vpush v2, $0xF;
	v2, _, _ =	vpop (xrf0)  }
0x29f: {  	v3, _, _ =	vpop (xrf0);
	(v2sf) =	vpush v2, $0xF  }
0x2a0: {  	(v2sf) =	vpush v3, $0xF;
	v2, _, _ =	vpop (xrf0);
	v3 =	vsel vm10, $0x0, v1  }
0x2a1: {  	(v2sf) =	vpush v2, $0xF;
	v2 =	vsel vm11, $0x0, v1;
	(xrf0) =	vadd.scan.msk.s32 $0xffff, v3  }
0x2a2: {  	v60 =	vsel vm12, $0x0, v1;
	v4, _, _ =	vpop (xrf0);
	(xrf0) =	vadd.scan.msk.s32 $0xffff, v2  }
0x2a3: {  	(v2sf) =	vpush v4, $0xF;
	v2 =	vsel vm13, $0x0, v1;
	v3, _, _ =	vpop (xrf0);
	(xrf0) =	vadd.scan.msk.s32 $0xffff, v60  }
0x2a4: {  	(v2sf) =	vpush v3, $0xF;
	v3 =	vsel vm14, $0x0, v1;
	(xrf0) =	vadd.scan.msk.s32 $0xffff, v2  }
0x2a5: {  	v2 =	vsel vm6, $0x0, v1;
	(xrf0) =	vadd.scan.msk.s32 $0xffff, v3  }
0x2a6: {  	v3 =	vsel vm15, $0x0, v1;
	(xrf0) =	vadd.scan.msk.s32 $0xffff, v2;
	v2 =	vsel vm7, $0x0, v1  }
0x2a7: {  	(xrf0) =	vadd.scan.msk.s32 $0xffff, v3;
	v3 =	vsel vm8, $0x0, v1  }
0x2a8: {  	v61, _, _ =	vpop (xrf0)  }
0x2a9: {  	(xrf0) =	vadd.scan.msk.s32 $0xffff, v2;
	v2, _, _ =	vpop (xrf0)  }
0x2aa: {  	(xrf0) =	vadd.scan.msk.s32 $0xffff, v3;
	v3, _, _ =	vpop (xrf0)  }
0x2ab: {  	(v2sf) =	vpush v61, $0xF;
	v62, _, _ =	vpop (xrf0)  }
0x2ac: {  	(v2sf) =	vpush v2, $0xF;
	v2, _, _ =	vpop (xrf0)  }
0x2ad: {  	s31 =	simm.s32 $0x0;
	v1 =	vsel vm9, $0x0, v1;
	v5, _, _ =	vpop (xrf0)  }
0x2ae: {  	s0 =	simm.s32 $0x10;
	s9 =	simm.s32 $0x10800;
	s12 =	simm.s32 $0x10680;
	v6, _, _ =	vpop (xrf0);
	(xrf0) =	vadd.scan.msk.s32 $0xffff, v1  }
0x2af: {  	s10 =	simm.s32 $0x10600;
	s13 =	simm.s32 $0x10780;
	s11 =	simm.s32 $0x10700  }
0x2b0: {  	s5 =	simm.s32 $0x10B80;
	s8 =	simm.s32 $0x10900;
	s23 =	spop (v2sf)  }
0x2b1: {  	s16 =	simm.s32 $0x10C00;
	s7 =	simm.s32 $0x10B00;
	(v2sf) =	vpush v5, $0xF;
	s25 =	spop (v2sf)  }
0x2b2: {  	s6 =	simm.s32 $0x10880;
	s17 =	simm.s32 $0x10980;
	v63, _, _ =	vpop (xrf0);
	s15 =	spop (v2sf)  }
0x2b3: {  	s29 =	simm.s32 $0x0;
	s1 =	simm.s32 $0x10C80;
	v7, _, _ =	vpop (xrf0);
	(v2sf) =	vpush v63, $0xF;
	s28 =	spop (v2sf)  }
0x2b4: {  	s30 =	simm.s32 $0x2000;
	s21 =	sshll.u32 s23, $0x4;
	(v2sf) =	vpush v7, $0xF;
	s22 =	spop (v2sf);
	v1, _, _ =	vpop (xrf0)  }
0x2b5: {  	s21 =	sand.u32 $0x1FFFFFF0, s21;
	s14 =	sshll.u32 s25, $0x4;
	s23 =	spop (v2sf);
	(v2sf) =	vpush v1, $0xF  }
0x2b6: {  	s15 =	sshll.u32 s15, $0x4;
	s25 =	sand.u32 $0x1FFFFFF0, s14;
	s2 =	sshll.u32 s23, $0x4  }
0x2b7: {  	s21 =	sadd.s32 s3, s21;
	s15 =	sand.u32 $0x1FFFFFF0, s15;
	s14 =	sand.u32 $0x1FFFFFF0, s2  }
0x2b8: {  	s18 =	sshll.u32 s28, $0x4;
	s22 =	sshll.u32 s22, $0x4;
	s14 =	sadd.s32 s3, s14  }
0x2b9: {  	[tilespmem:s10], [sflag:$0x3] =	stream.linear.gather [hbm4b:s14+s29], $0x80, $0x38;
	[tilespmem:$0x1A600] =	vst v63  }
0x2ba: {  	s18 =	sand.u32 $0x1FFFFFF0, s18;
	s15 =	sadd.s32 s3, s15;
	s22 =	sand.u32 $0x1FFFFFF0, s22  }
0x2bb: {  	(v2sf) =	vpush v3, $0xF;
	[tilespmem:s12], [sflag:$0x3] =	stream.linear.gather [hbm4b:s15+s29], $0x80, $0x38;
	[tilespmem:$0x1A600] =	vst v63  }
0x2bc: {  	s2 =	sadd.s32 s3, s25;
	s14 =	sadd.s32 s3, s18;
	s18 =	spop (v2sf)  }
0x2bd: {  	(v2sf) =	vpush v62, $0xF;
	[tilespmem:s11], [sflag:$0x3] =	stream.linear.gather [hbm4b:s21+s29], $0x80, $0x38;
	[tilespmem:$0x1A600] =	vst v63  }
0x2be: {  	s10 =	simm.s32 $0x10A80;
	s23 =	sshll.u32 s18, $0x4;
	s28 =	spop (v2sf)  }
0x2bf: {  	[tilespmem:s13], [sflag:$0x3] =	stream.linear.gather [hbm4b:s2+s29], $0x80, $0x38;
	[tilespmem:$0x1A600] =	vst v63  }
0x2c0: {  	s12 =	sand.u32 $0x1FFFFFF0, s23;
	s23 =	sadd.s32 s3, s22;
	s18 =	spop (v2sf)  }
0x2c1: {  	(v2sf) =	vpush v2, $0xF;
	[tilespmem:s9], [sflag:$0x3] =	stream.linear.gather [hbm4b:s23+s29], $0x80, $0x38;
	[tilespmem:$0x1A600] =	vst v63  }
0x2c2: {  	s21 =	sshll.u32 s28, $0x4;
	s25 =	sshll.u32 s18, $0x4;
	s28 =	spop (v2sf)  }
0x2c3: {  	s11 =	sand.u32 $0x1FFFFFF0, s25;
	(v2sf) =	vpush v6, $0xF;
	s13 =	sshll.u32 s28, $0x4;
	s18 =	spop (v2sf)  }
.LBB2_22:
0x2c4: {  	s9 =	sand.u32 $0x1FFFFFF0, s13;
	s13 =	sshll.u32 s18, $0x4;
	s15 =	spop (v2sf)  }
0x2c5: {  	[tilespmem:s6], [sflag:$0x3] =	stream.linear.gather [hbm4b:s14+s29], $0x80, $0x38;
	[tilespmem:$0x1A600] =	vst v63  }
0x2c6: {  	s6 =	sadd.s32 s3, s11;
	s11 =	sand.u32 $0x1FFFFFF0, s13;
	s13 =	sshll.u32 s15, $0x4  }
0x2c7: {  	[tilespmem:s8], [sflag:$0x3] =	stream.linear.gather [hbm4b:s6+s29], $0x80, $0x38;
	[tilespmem:$0x1A600] =	vst v63  }
0x2c8: {  	s6 =	sadd.s32 s3, s9;
	s8 =	sand.u32 $0x1FFFFFF0, s13;
	s9 =	sand.u32 $0x1FFFFFF0, s21  }
0x2c9: {  	[tilespmem:s17], [sflag:$0x3] =	stream.linear.gather [hbm4b:s6+s29], $0x80, $0x38;
	[tilespmem:$0x1A600] =	vst v63  }
0x2ca: {  	s11 =	sadd.s32 s3, s11;
	s6 =	sadd.s32 $0x10A00, s31;
	s13 =	spop (v2sf)  }
0x2cb: {  	[tilespmem:s6], [sflag:$0x3] =	stream.linear.gather [hbm4b:s11+s29], $0x80, $0x38;
	[tilespmem:$0x1A600] =	vst v63  }
0x2cc: {  	s6 =	sadd.s32 s3, s8;
	s8 =	sshll.u32 s13, $0x4;
	s11 =	spop (v2sf)  }
0x2cd: {  	[tilespmem:s10], [sflag:$0x3] =	stream.linear.gather [hbm4b:s6+s29], $0x80, $0x38;
	[tilespmem:$0x1A600] =	vst v63  }
0x2ce: {  	s8 =	sand.u32 $0x1FFFFFF0, s8;
	s6 =	sadd.s32 s3, s12;
	s10 =	sshll.u32 s11, $0x4  }
0x2cf: {  	[tilespmem:s7], [sflag:$0x3] =	stream.linear.gather [hbm4b:s6+s29], $0x80, $0x38;
	[tilespmem:$0x1A600] =	vst v63  }
0x2d0: {  	s6 =	sadd.s32 s3, s9;
	s7 =	sand.u32 $0x1FFFFFF0, s10;
	s9 =	spop (v2sf)  }
0x2d1: {  	[tilespmem:s5], [sflag:$0x3] =	stream.linear.gather [hbm4b:s6+s29], $0x80, $0x38;
	[tilespmem:$0x1A600] =	vst v63  }
0x2d2: {  	s5 =	sadd.s32 s3, s8;
	s6 =	sshll.u32 s9, $0x4;
	s8 =	spop (v2sf)  }
0x2d3: {  	[tilespmem:s16], [sflag:$0x3] =	stream.linear.gather [hbm4b:s5+s29], $0x80, $0x38;
	[tilespmem:$0x1A600] =	vst v63  }
0x2d4: {  	s6 =	sand.u32 $0x1FFFFFF0, s6;
	s5 =	sadd.s32 s3, s7;
	s7 =	sshll.u32 s8, $0x4  }
0x2d5: {  	[tilespmem:s1], [sflag:$0x3] =	stream.linear.gather [hbm4b:s5+s29], $0x80, $0x38;
	[tilespmem:$0x1A600] =	vst v63  }
0x2d6: {  	s1 =	sadd.s32 $0x10D00, s31;
	s5 =	sadd.s32 s3, s6;
	s6 =	sand.u32 $0x1FFFFFF0, s7  }
0x2d7: {  	[tilespmem:s1], [sflag:$0x3] =	stream.linear.gather [hbm4b:s5+s29], $0x80, $0x38;
	[tilespmem:$0x1A600] =	vst v63  }
0x2d8: {  	s6 =	sadd.s32 s3, s6;
	s1 =	sand.u32 $0xF0, s0;
	s5 =	sadd.s32 $0x10D80, s31  }
0x2d9: {  	[tilespmem:s5], [sflag:$0x3] =	stream.linear.gather [hbm4b:s6+s29], $0x80, $0x38;
	[tilespmem:$0x1A600] =	vst v63  }
0x2da: {  	p0 =	sne.s32 s30, $0x1E000;
	v1 =	vld [tilespmem:s1+$0x500];
	s1 =	smov.u32 s30;
	s30 =	sadd.s32 $0x2000, s30  }
0x2db: {  	_ =	sdelay $0x3  }
0x2dc: {  	v2 =	vnsel vm0, $0x0, v1;
	v3 =	vsel vm2, $0x0, v1;
	v4 =	vsel vm6, $0x0, v1  }
0x2dd: {  	v5 =	vsel vm1, $0x0, v1;
	v6 =	vsel vm3, $0x0, v1;
	v7 =	vsel vm7, $0x0, v1;
	(xrf0) =	vadd.scan.msk.s32 $0xffff, v3  }
0x2de: {  	v3 =	vsel vm8, $0x0, v1;
	(xrf0) =	vadd.scan.msk.s32 $0xffff, v6  }
0x2df: {  	v6 =	vsel vm5, $0x0, v1;
	(xrf0) =	vadd.scan.msk.s32 $0xffff, v5  }
0x2e0: {  	v5 =	vsel vm4, $0x0, v1;
	(xrf0) =	vadd.scan.msk.s32 $0xffff, v6  }
0x2e1: {  	v6 =	vsel vm9, $0x0, v1;
	(xrf0) =	vadd.scan.msk.s32 $0xffff, v5  }
0x2e2: {  	v5 =	vsel vm10, $0x0, v1;
	(xrf0) =	vadd.scan.msk.s32 $0xffff, v2  }
0x2e3: {  	v2 =	vsel vm11, $0x0, v1;
	v8, _, _ =	vpop (xrf0);
	(xrf0) =	vadd.scan.msk.s32 $0xffff, v5  }
0x2e4: {  	s31 =	sshra.s32 s1, $0x2;
	v5 =	vsel vm12, $0x0, v1;
	(v2sf) =	vpush v8, $0xF;
	v8, _, _ =	vpop (xrf0);
	(xrf0) =	vadd.scan.msk.s32 $0xffff, v2  }
0x2e5: {  	s11 =	sadd.s32 $0x10700, s31;
	v10 =	vsel vm13, $0x0, v1;
	v9, _, _ =	vpop (xrf0);
	(v2sf) =	vpush v8, $0xF;
	(xrf0) =	vadd.scan.msk.s32 $0xffff, v5  }
0x2e6: {  	s9 =	sadd.s32 $0x10800, s31;
	v11 =	vsel vm14, $0x0, v1;
	(v2sf) =	vpush v9, $0xF;
	v8, _, _ =	vpop (xrf0);
	(xrf0) =	vadd.scan.msk.s32 $0xffff, v10  }
0x2e7: {  	s12 =	sadd.s32 $0x10600, s31;
	s13 =	sadd.s32 $0x10680, s31;
	v2, _, _ =	vpop (xrf0);
	(v2sf) =	vpush v8, $0xF;
	(xrf0) =	vadd.scan.msk.s32 $0xffff, v11  }
0x2e8: {  	v8 =	vsel vm15, $0x0, v1;
	v5, _, _ =	vpop (xrf0);
	(v2sf) =	vpush v2, $0xF;
	(xrf0) =	vadd.scan.msk.s32 $0xffff, v4  }
0x2e9: {  	s6 =	sadd.s32 $0x10880, s31;
	(v2sf) =	vpush v5, $0xF;
	v2, _, _ =	vpop (xrf0);
	(xrf0) =	vadd.scan.msk.s32 $0xffff, v8  }
0x2ea: {  	(xrf0) =	vadd.scan.msk.s32 $0xffff, v7;
	v1, _, _ =	vpop (xrf0)  }
0x2eb: {  	(xrf0) =	vadd.scan.msk.s32 $0xffff, v3;
	(v2sf) =	vpush v2, $0xF;
	v2, _, _ =	vpop (xrf0)  }
0x2ec: {  	(xrf0) =	vadd.scan.msk.s32 $0xffff, v6;
	(v2sf) =	vpush v1, $0xF;
	v1, _, _ =	vpop (xrf0)  }
0x2ed: {  	v3, _, _ =	vpop (xrf0)  }
0x2ee: {  	v4, _, _ =	vpop (xrf0)  }
0x2ef: {  	v5, _, _ =	vpop (xrf0)  }
0x2f0: {  	s17 =	sadd.s32 $0x10980, s31;
	(v2sf) =	vpush v4, $0xF;
	v4, _, _ =	vpop (xrf0)  }
0x2f1: {  	s0 =	sadd.s32 $0x10, s0;
	v6, _, _ =	vpop (xrf0)  }
0x2f2: {  	s18 =	sadd.s32 $0x10780, s31;
	s16 =	sadd.s32 $0x10C00, s31;
	s1 =	sadd.s32 $0x10C80, s31;
	(v2sf) =	vpush v4, $0xF;
	v4, _, _ =	vpop (xrf0)  }
0x2f3: {  	s7 =	sadd.s32 $0x10B00, s31;
	s5 =	sadd.s32 $0x10B80, s31;
	s8 =	spop (v2sf)  }
0x2f4: {  	s10 =	sshll.u32 s8, $0x4;
	s8 =	sadd.s32 $0x10900, s31;
	s14 =	spop (v2sf);
	(v2sf) =	vpush v6, $0xF  }
0x2f5: {  	s15 =	sand.u32 $0x1FFFFFF0, s10;
	s10 =	sshll.u32 s14, $0x4;
	s14 =	spop (v2sf)  }
0x2f6: {  	s14 =	sshll.u32 s14, $0x4;
	s22 =	sand.u32 $0x1FFFFFF0, s10;
	s10 =	spop (v2sf);
	(v2sf) =	vpush v4, $0xF  }
0x2f7: {  	s21 =	sand.u32 $0x1FFFFFF0, s14;
	s10 =	sshll.u32 s10, $0x4;
	s14 =	spop (v2sf)  }
0x2f8: {  	s14 =	sshll.u32 s14, $0x4;
	s10 =	sand.u32 $0x1FFFFFF0, s10;
	s23 =	spop (v2sf)  }
0x2f9: {  	s23 =	sshll.u32 s23, $0x4;
	s25 =	sand.u32 $0x1FFFFFF0, s14;
	s14 =	sadd.s32 s3, s10  }
0x2fa: {  	s10 =	sadd.s32 $0x10A80, s31;
	s23 =	sand.u32 $0x1FFFFFF0, s23;
	s28 =	spop (v2sf)  }
0x2fb: {  	s23 =	sadd.s32 s3, s23;
	s28 =	sshll.u32 s28, $0x4;
	s2 =	spop (v2sf)  }
0x2fc: {  	[tilespmem:s12], [sflag:$0x3] =	stream.linear.gather [hbm4b:s23+s29], $0x80, $0x38;
	(v2sf) =	vpush v2, $0xF;
	[tilespmem:$0x1A600] =	vst v63  }
0x2fd: {  	s23 =	sadd.s32 s3, s21;
	s12 =	sand.u32 $0x1FFFFFF0, s28;
	s21 =	sshll.u32 s2, $0x4  }
0x2fe: {  	[tilespmem:s13], [sflag:$0x3] =	stream.linear.gather [hbm4b:s23+s29], $0x80, $0x38;
	(v2sf) =	vpush v1, $0xF;
	[tilespmem:$0x1A600] =	vst v63  }
0x2ff: {  	s2 =	sadd.s32 s3, s15;
	s13 =	sadd.s32 s3, s22;
	s15 =	spop (v2sf)  }
0x300: {  	[tilespmem:s11], [sflag:$0x3] =	stream.linear.gather [hbm4b:s2+s29], $0x80, $0x38;
	[tilespmem:$0x1A600] =	vst v63  }
.Ltmp10:
0x301: {  	_ = 	snop;
	(pc) =	sbr.rel @p0 .LBB2_22-.Ltmp10, $4  }
0x302: {  	s2 =	sadd.s32 s3, s25;
	s11 =	sshll.u32 s15, $0x4;
	s15 =	spop (v2sf)  }
0x303: {  	[tilespmem:s18], [sflag:$0x3] =	stream.linear.gather [hbm4b:s13+s29], $0x80, $0x38;
	(v2sf) =	vpush v3, $0xF;
	[tilespmem:$0x1A600] =	vst v63  }
0x304: {  	s11 =	sand.u32 $0x1FFFFFF0, s11;
	s13 =	sshll.u32 s15, $0x4;
	s18 =	spop (v2sf)  }
0x305: {  	[tilespmem:s9], [sflag:$0x3] =	stream.linear.gather [hbm4b:s2+s29], $0x80, $0x38;
	(v2sf) =	vpush v5, $0xF;
	[tilespmem:$0x1A600] =	vst v63  }
0x306: {  	s0 =	sand.u32 $0x1FFFFFF0, s13;
	s2 =	sshll.u32 s18, $0x4;
	s9 =	spop (v2sf)  }
0x307: {  	[tilespmem:s6], [sflag:$0x3] =	stream.linear.gather [hbm4b:s14+s29], $0x80, $0x38;
	[tilespmem:$0x1A600] =	vst v63  }
0x308: {  	s18 =	sadd.s32 s3, s11;
	s23 =	sand.u32 $0x1FFFFFF0, s21;
	s25 =	sadd.s32 $0x10A00, s31  }
0x309: {  	[tilespmem:s8], [sflag:$0x3] =	stream.linear.gather [hbm4b:s18+s29], $0x80, $0x38;
	[tilespmem:$0x1A600] =	vst v63  }
0x30a: {  	s2 =	sand.u32 $0x1FFFFFF0, s2;
	s9 =	sshll.u32 s9, $0x4;
	s0 =	sadd.s32 s3, s0  }
0x30b: {  	[tilespmem:s17], [sflag:$0x3] =	stream.linear.gather [hbm4b:s0+s29], $0x80, $0x38;
	[tilespmem:$0x1A600] =	vst v63  }
0x30c: {  	s22 =	sand.u32 $0x1FFFFFF0, s9;
	s2 =	sadd.s32 s3, s2;
	s28 =	spop (v2sf)  }
0x30d: {  	[tilespmem:s25], [sflag:$0x3] =	stream.linear.gather [hbm4b:s2+s29], $0x80, $0x38;
	[tilespmem:$0x1A600] =	vst v63  }
0x30e: {  	s2 =	sadd.s32 s3, s22;
	s6 =	sshll.u32 s28, $0x4;
	s9 =	spop (v2sf)  }
0x30f: {  	[tilespmem:s10], [sflag:$0x3] =	stream.linear.gather [hbm4b:s2+s29], $0x80, $0x38;
	[tilespmem:$0x1A600] =	vst v63  }
0x310: {  	s10 =	sadd.s32 s3, s12;
	s2 =	sand.u32 $0x1FFFFFF0, s6;
	s6 =	sshll.u32 s9, $0x4  }
0x311: {  	[tilespmem:s7], [sflag:$0x3] =	stream.linear.gather [hbm4b:s10+s29], $0x80, $0x38;
	[tilespmem:$0x1A600] =	vst v63  }
0x312: {  	s11 =	sadd.s32 s3, s23;
	s6 =	sand.u32 $0x1FFFFFF0, s6;
	s12 =	spop (v2sf)  }
0x313: {  	[tilespmem:s5], [sflag:$0x3] =	stream.linear.gather [hbm4b:s11+s29], $0x80, $0x38;
	[tilespmem:$0x1A600] =	vst v63  }
0x314: {  	s13 =	sadd.s32 s3, s2;
	s14 =	sshll.u32 s12, $0x4;
	s15 =	spop (v2sf)  }
0x315: {  	[tilespmem:s16], [sflag:$0x3] =	stream.linear.gather [hbm4b:s13+s29], $0x80, $0x38;
	[tilespmem:$0x1A600] =	vst v63  }
0x316: {  	s17 =	sadd.s32 s3, s6;
	s2 =	sand.u32 $0x1FFFFFF0, s14;
	s5 =	sshll.u32 s15, $0x4  }
0x317: {  	[tilespmem:s1], [sflag:$0x3] =	stream.linear.gather [hbm4b:s17+s29], $0x80, $0x38;
	[tilespmem:$0x1A600] =	vst v63  }
0x318: {  	s18 =	sadd.s32 $0x10D00, s31;
	s21 =	sadd.s32 s3, s2;
	s22 =	sand.u32 $0x1FFFFFF0, s5  }
0x319: {  	[tilespmem:s18], [sflag:$0x3] =	stream.linear.gather [hbm4b:s21+s29], $0x80, $0x38;
	[tilespmem:$0x1A600] =	vst v63  }
0x31a: {  	s23 =	sadd.s32 $0x10D80, s31;
	s28 =	sand.u32 $0xF0, s29;
	s25 =	sadd.s32 s3, s22  }
0x31b: {  	[tilespmem:s23], [sflag:$0x3] =	stream.linear.gather [hbm4b:s25+s29], $0x80, $0x38;
	[tilespmem:$0x1A600] =	vst v63  }
0x31c: {  	v1 =	vld [tilespmem:s28+$0x300];
	_ =	sdelay $0x4  }
0x31d: {  	v2 =	vnsel vm0, $0x0, v1  }
0x31e: {  	v3 =	vsel vm2, $0x0, v1;
	(xrf0) =	vadd.scan.msk.s32 $0xffff, v2  }
0x31f: {  	v2 =	vsel vm3, $0x0, v1;
	(xrf0) =	vadd.scan.msk.s32 $0xffff, v3  }
0x320: {  	v3 =	vsel vm1, $0x0, v1;
	(xrf0) =	vadd.scan.msk.s32 $0xffff, v2  }
0x321: {  	v2 =	vsel vm9, $0x0, v1;
	(xrf0) =	vadd.scan.msk.s32 $0xffff, v3;
	v3 =	vsel vm5, $0x0, v1  }
0x322: {  	(xrf0) =	vadd.scan.msk.s32 $0xffff, v2;
	v2 =	vsel vm4, $0x0, v1;
	_ =	sdelay $0x1  }
0x323: {  	(xrf0) =	vadd.scan.msk.s32 $0xffff, v3;
	v3, _, _ =	vpop (xrf0)  }
0x324: {  	(xrf0) =	vadd.scan.msk.s32 $0xffff, v2;
	(v2sf) =	vpush v3, $0xF;
	v2, _, _ =	vpop (xrf0);
	v3 =	vsel vm10, $0x0, v1  }
0x325: {  	(v2sf) =	vpush v2, $0xF;
	v2, _, _ =	vpop (xrf0)  }
0x326: {  	v4 =	vsel vm11, $0x0, v1;
	(xrf0) =	vadd.scan.msk.s32 $0xffff, v3;
	(v2sf) =	vpush v2, $0xF;
	v2 =	vsel vm12, $0x0, v1  }
0x327: {  	(xrf0) =	vadd.scan.msk.s32 $0xffff, v4;
	v3, _, _ =	vpop (xrf0)  }
0x328: {  	v61 =	vsel vm13, $0x0, v1;
	(xrf0) =	vadd.scan.msk.s32 $0xffff, v2;
	(v2sf) =	vpush v3, $0xF;
	v3, _, _ =	vpop (xrf0)  }
0x329: {  	(xrf0) =	vadd.scan.msk.s32 $0xffff, v61;
	v2, _, _ =	vpop (xrf0);
	(v2sf) =	vpush v3, $0xF;
	v3 =	vsel vm6, $0x0, v1  }
0x32a: {  	(v2sf) =	vpush v2, $0xF;
	(xrf0) =	vadd.scan.msk.s32 $0xffff, v3;
	v2, _, _ =	vpop (xrf0);
	v3 =	vsel vm14, $0x0, v1  }
0x32b: {  	(v2sf) =	vpush v2, $0xF;
	v2 =	vsel vm15, $0x0, v1  }
0x32c: {  	(xrf0) =	vadd.scan.msk.s32 $0xffff, v3  }
0x32d: {  	v62 =	vsel vm7, $0x0, v1;
	v3, _, _ =	vpop (xrf0);
	(xrf0) =	vadd.scan.msk.s32 $0xffff, v2  }
0x32e: {  	v2, _, _ =	vpop (xrf0);
	(xrf0) =	vadd.scan.msk.s32 $0xffff, v62  }
0x32f: {  	(v2sf) =	vpush v3, $0xF;
	v3, _, _ =	vpop (xrf0)  }
0x330: {  	s30 =	simm.s32 $0x10;
	s31 =	simm.s32 $0x8600;
	v63, _, _ =	vpop (xrf0)  }
0x331: {  	s8 =	simm.s32 $0x8A00;
	s0 =	simm.s32 $0x0;
	s9 =	simm.s32 $0x8800;
	v1 =	vsel vm8, $0x0, v1;
	(v2sf) =	vpush v2, $0xF;
	v2, _, _ =	vpop (xrf0)  }
0x332: {  	s6 =	simm.s32 $0x8900;
	s7 =	simm.s32 $0x8A80;
	s11 =	simm.s32 $0x8680;
	(v2sf) =	vpush v2, $0xF;
	v2, _, _ =	vpop (xrf0);
	(xrf0) =	vadd.scan.msk.s32 $0xffff, v1  }
0x333: {  	s16 =	simm.s32 $0x8980;
	s13 =	simm.s32 $0x8880;
	s14 =	simm.s32 $0x8780;
	v5, _, _ =	vpop (xrf0)  }
0x334: {  	s2 =	simm.s32 $0x8700;
	s5 =	simm.s32 $0x8B00;
	s21 =	spop (v2sf);
	v6, _, _ =	vpop (xrf0)  }
0x335: {  	s17 =	simm.s32 $0x8B80;
	s22 =	sshll.u32 s21, $0x4;
	s15 =	spop (v2sf);
	(v2sf) =	vpush v6, $0xF  }
0x336: {  	s1 =	simm.s32 $0x8C00;
	s12 =	sand.u32 $0x1FFFFFF0, s22;
	s23 =	spop (v2sf)  }
0x337: {  	s15 =	sshll.u32 s15, $0x4;
	s12 =	sadd.s32 s4, s12;
	s18 =	sshll.u32 s23, $0x4  }
0x338: {  	s15 =	sand.u32 $0x1FFFFFF0, s15;
	s25 =	spop (v2sf);
	s18 =	sand.u32 $0x1FFFFFF0, s18;
	v1, _, _ =	vpop (xrf0)  }
0x339: {  	s15 =	sadd.s32 s4, s15;
	s21 =	sshll.u32 s25, $0x4;
	s22 =	spop (v2sf);
	(v2sf) =	vpush v1, $0xF  }
0x33a: {  	s25 =	simm.s32 $0x0;
	s21 =	sand.u32 $0x1FFFFFF0, s21;
	s23 =	spop (v2sf)  }
0x33b: {  	[tilespmem:s31], [sflag:$0x2] =	stream.linear.gather [hbm4b:s12+s25], $0x80, $0x38;
	[tilespmem:$0x1A600] =	vst v63  }
0x33c: {  	s28 =	sadd.s32 s4, s21;
	s21 =	sshll.u32 s23, $0x4;
	s31 =	spop (v2sf)  }
0x33d: {  	(v2sf) =	vpush v3, $0xF;
	[tilespmem:s11], [sflag:$0x2] =	stream.linear.gather [hbm4b:s28+s25], $0x80, $0x38;
	[tilespmem:$0x1A600] =	vst v63  }
0x33e: {  	s23 =	sshll.u32 s31, $0x4;
	s31 =	sadd.s32 s4, s18;
	(v2sf) =	vpush v63, $0xF;
	s11 =	spop (v2sf)  }
0x33f: {  	[tilespmem:s2], [sflag:$0x2] =	stream.linear.gather [hbm4b:s15+s25], $0x80, $0x38;
	[tilespmem:$0x1A600] =	vst v63  }
0x340: {  	s28 =	sand.u32 $0x1FFFFFF0, s23;
	s15 =	sand.u32 $0x1FFFFFF0, s21;
	s12 =	spop (v2sf)  }
0x341: {  	[tilespmem:s14], [sflag:$0x2] =	stream.linear.gather [hbm4b:s31+s25], $0x80, $0x38;
	[tilespmem:$0x1A600] =	vst v63  }
0x342: {  	(v2sf) =	vpush v2, $0xF;
	s2 =	sadd.s32 s4, s28;
	s21 =	sshll.u32 s11, $0x4;
	s18 =	spop (v2sf)  }
0x343: {  	[tilespmem:s9], [sflag:$0x2] =	stream.linear.gather [hbm4b:s2+s25], $0x80, $0x38;
	[tilespmem:$0x1A600] =	vst v63  }
0x344: {  	s10 =	sadd.s32 s4, s15;
	s23 =	sshll.u32 s18, $0x4;
	s31 =	spop (v2sf);
	(v2sf) =	vpush v5, $0xF  }
0x345: {  	[tilespmem:s13], [sflag:$0x2] =	stream.linear.gather [hbm4b:s10+s25], $0x80, $0x38;
	[tilespmem:$0x1A600] =	vst v63  }
0x346: {  	s29 =	simm.s32 $0x2000;
	s10 =	sand.u32 $0x1FFFFFF0, s21;
	s28 =	sand.u32 $0x1FFFFFF0, s23  }
0x347: {  	s13 =	sshll.u32 s22, $0x4;
	s9 =	sadd.s32 s4, s28;
	s14 =	sshll.u32 s31, $0x4  }
.LBB2_24:
0x348: {  	s2 =	sand.u32 $0x1FFFFFF0, s14;
	s11 =	sand.u32 $0x1FFFFFF0, s13;
	s13 =	spop (v2sf)  }
0x349: {  	[tilespmem:s6], [sflag:$0x2] =	stream.linear.gather [hbm4b:s9+s25], $0x80, $0x38;
	[tilespmem:$0x1A600] =	vst v63  }
0x34a: {  	s2 =	sadd.s32 s4, s2;
	s6 =	sshll.u32 s13, $0x4;
	s9 =	sshll.u32 s12, $0x4  }
0x34b: {  	[tilespmem:s16], [sflag:$0x2] =	stream.linear.gather [hbm4b:s2+s25], $0x80, $0x38;
	[tilespmem:$0x1A600] =	vst v63  }
0x34c: {  	s2 =	sand.u32 $0x1FFFFFF0, s6;
	s6 =	sand.u32 $0x1FFFFFF0, s9;
	s9 =	spop (v2sf)  }
0x34d: {  	s2 =	sadd.s32 s4, s2;
	s9 =	sshll.u32 s9, $0x4;
	s12 =	spop (v2sf)  }
0x34e: {  	[tilespmem:s8], [sflag:$0x2] =	stream.linear.gather [hbm4b:s2+s25], $0x80, $0x38;
	[tilespmem:$0x1A600] =	vst v63  }
0x34f: {  	s2 =	sadd.s32 s4, s11;
	s8 =	sand.u32 $0x1FFFFFF0, s9;
	s9 =	sshll.u32 s12, $0x4  }
0x350: {  	[tilespmem:s7], [sflag:$0x2] =	stream.linear.gather [hbm4b:s2+s25], $0x80, $0x38;
	[tilespmem:$0x1A600] =	vst v63  }
0x351: {  	s2 =	sadd.s32 s4, s10;
	s7 =	sand.u32 $0x1FFFFFF0, s9;
	s9 =	spop (v2sf)  }
0x352: {  	[tilespmem:s5], [sflag:$0x2] =	stream.linear.gather [hbm4b:s2+s25], $0x80, $0x38;
	[tilespmem:$0x1A600] =	vst v63  }
0x353: {  	s2 =	sadd.s32 s4, s6;
	s5 =	sshll.u32 s9, $0x4;
	s6 =	spop (v2sf)  }
0x354: {  	[tilespmem:s17], [sflag:$0x2] =	stream.linear.gather [hbm4b:s2+s25], $0x80, $0x38;
	[tilespmem:$0x1A600] =	vst v63  }
0x355: {  	s5 =	sand.u32 $0x1FFFFFF0, s5;
	s2 =	sadd.s32 s4, s8;
	s6 =	sshll.u32 s6, $0x4  }
0x356: {  	[tilespmem:s1], [sflag:$0x2] =	stream.linear.gather [hbm4b:s2+s25], $0x80, $0x38;
	[tilespmem:$0x1A600] =	vst v63  }
0x357: {  	s6 =	sand.u32 $0x1FFFFFF0, s6;
	s1 =	sadd.s32 $0x8C80, s0;
	s2 =	sadd.s32 s4, s7  }
0x358: {  	[tilespmem:s1], [sflag:$0x2] =	stream.linear.gather [hbm4b:s2+s25], $0x80, $0x38;
	[tilespmem:$0x1A600] =	vst v63  }
0x359: {  	p0 =	sne.s32 s29, $0x1E000;
	s1 =	sadd.s32 $0x8D00, s0;
	s2 =	sadd.s32 s4, s5  }
0x35a: {  	[tilespmem:s1], [sflag:$0x2] =	stream.linear.gather [hbm4b:s2+s25], $0x80, $0x38;
	[tilespmem:$0x1A600] =	vst v63  }
0x35b: {  	s0 =	sadd.s32 $0x8D80, s0;
	s1 =	sand.u32 $0xF0, s30;
	s2 =	sadd.s32 s4, s6  }
0x35c: {  	[tilespmem:s0], [sflag:$0x2] =	stream.linear.gather [hbm4b:s2+s25], $0x80, $0x38;
	[tilespmem:$0x1A600] =	vst v63  }
0x35d: {  	s0 =	smov.u32 s29;
	s29 =	sadd.s32 $0x2000, s29;
	v1 =	vld [tilespmem:s1+$0x300];
	_ =	sdelay $0x4  }
0x35e: {  	v2 =	vnsel vm0, $0x0, v1;
	v3 =	vsel vm3, $0x0, v1;
	v4 =	vsel vm15, $0x0, v1  }
0x35f: {  	v5 =	vsel vm1, $0x0, v1;
	v6 =	vsel vm2, $0x0, v1;
	v7 =	vsel vm6, $0x0, v1;
	(xrf0) =	vadd.scan.msk.s32 $0xffff, v2  }
0x360: {  	v2 =	vsel vm7, $0x0, v1;
	(xrf0) =	vadd.scan.msk.s32 $0xffff, v6  }
0x361: {  	v6 =	vsel vm8, $0x0, v1;
	(xrf0) =	vadd.scan.msk.s32 $0xffff, v3  }
0x362: {  	v3 =	vsel vm9, $0x0, v1;
	(xrf0) =	vadd.scan.msk.s32 $0xffff, v5  }
0x363: {  	v5 =	vsel vm5, $0x0, v1;
	(xrf0) =	vadd.scan.msk.s32 $0xffff, v3  }
0x364: {  	v3 =	vsel vm4, $0x0, v1;
	(xrf0) =	vadd.scan.msk.s32 $0xffff, v5  }
0x365: {  	v5 =	vsel vm10, $0x0, v1;
	v8, _, _ =	vpop (xrf0);
	(xrf0) =	vadd.scan.msk.s32 $0xffff, v3  }
0x366: {  	v3 =	vsel vm11, $0x0, v1;
	(v2sf) =	vpush v8, $0xF;
	v8, _, _ =	vpop (xrf0);
	(xrf0) =	vadd.scan.msk.s32 $0xffff, v5  }
0x367: {  	s0 =	sshra.s32 s0, $0x2;
	v10 =	vsel vm12, $0x0, v1;
	(v2sf) =	vpush v8, $0xF;
	v8, _, _ =	vpop (xrf0);
	(xrf0) =	vadd.scan.msk.s32 $0xffff, v3  }
0x368: {  	s10 =	sadd.s32 $0x8700, s0;
	v11 =	vsel vm13, $0x0, v1;
	v9, _, _ =	vpop (xrf0);
	(v2sf) =	vpush v8, $0xF;
	(xrf0) =	vadd.scan.msk.s32 $0xffff, v10  }
0x369: {  	s9 =	sadd.s32 $0x8800, s0;
	s16 =	sadd.s32 $0x8980, s0;
	(v2sf) =	vpush v9, $0xF;
	v5, _, _ =	vpop (xrf0);
	(xrf0) =	vadd.scan.msk.s32 $0xffff, v11  }
0x36a: {  	s13 =	sadd.s32 $0x8600, s0;
	s12 =	sadd.s32 $0x8680, s0;
	v8 =	vsel vm14, $0x0, v1;
	v3, _, _ =	vpop (xrf0);
	(xrf0) =	vadd.scan.msk.s32 $0xffff, v7;
	(v2sf) =	vpush v5, $0xF  }
0x36b: {  	s6 =	sadd.s32 $0x8900, s0;
	v5, _, _ =	vpop (xrf0);
	(v2sf) =	vpush v3, $0xF;
	(xrf0) =	vadd.scan.msk.s32 $0xffff, v8  }
0x36c: {  	s11 =	sadd.s32 $0x8880, s0;
	v1, _, _ =	vpop (xrf0);
	(xrf0) =	vadd.scan.msk.s32 $0xffff, v4  }
0x36d: {  	(v2sf) =	vpush v5, $0xF;
	(xrf0) =	vadd.scan.msk.s32 $0xffff, v2;
	v2, _, _ =	vpop (xrf0)  }
0x36e: {  	(xrf0) =	vadd.scan.msk.s32 $0xffff, v6;
	v3, _, _ =	vpop (xrf0)  }
0x36f: {  	(v2sf) =	vpush v1, $0xF;
	v1, _, _ =	vpop (xrf0)  }
0x370: {  	v4, _, _ =	vpop (xrf0);
	(v2sf) =	vpush v2, $0xF  }
0x371: {  	v2, _, _ =	vpop (xrf0)  }
0x372: {  	(v2sf) =	vpush v4, $0xF;
	v4, _, _ =	vpop (xrf0)  }
0x373: {  	s30 =	sadd.s32 $0x10, s30;
	v5, _, _ =	vpop (xrf0)  }
0x374: {  	s5 =	sadd.s32 $0x8B00, s0;
	s17 =	sadd.s32 $0x8B80, s0;
	s1 =	sadd.s32 $0x8C00, s0;
	v6, _, _ =	vpop (xrf0)  }
0x375: {  	s2 =	sadd.s32 $0x8780, s0;
	s7 =	sadd.s32 $0x8A80, s0;
	s8 =	spop (v2sf);
	(v2sf) =	vpush v5, $0xF  }
0x376: {  	s14 =	sshll.u32 s8, $0x4;
	s8 =	sadd.s32 $0x8A00, s0;
	s15 =	spop (v2sf)  }
0x377: {  	s14 =	sand.u32 $0x1FFFFFF0, s14;
	s15 =	sshll.u32 s15, $0x4;
	s18 =	spop (v2sf)  }
0x378: {  	s14 =	sadd.s32 s4, s14;
	s15 =	sand.u32 $0x1FFFFFF0, s15;
	s21 =	spop (v2sf)  }
0x379: {  	s18 =	sshll.u32 s18, $0x4;
	s21 =	sshll.u32 s21, $0x4;
	(v2sf) =	vpush v6, $0xF;
	s22 =	spop (v2sf)  }
0x37a: {  	s18 =	sand.u32 $0x1FFFFFF0, s18;
	s21 =	sand.u32 $0x1FFFFFF0, s21;
	s23 =	spop (v2sf)  }
0x37b: {  	[tilespmem:s13], [sflag:$0x2] =	stream.linear.gather [hbm4b:s14+s25], $0x80, $0x38;
	[tilespmem:$0x1A600] =	vst v63  }
0x37c: {  	s13 =	sadd.s32 s4, s21;
	s14 =	sshll.u32 s23, $0x4;
	s21 =	spop (v2sf)  }
0x37d: {  	[tilespmem:s12], [sflag:$0x2] =	stream.linear.gather [hbm4b:s13+s25], $0x80, $0x38;
	(v2sf) =	vpush v3, $0xF;
	[tilespmem:$0x1A600] =	vst v63  }
0x37e: {  	s14 =	sand.u32 $0x1FFFFFF0, s14;
	s13 =	sadd.s32 s4, s15;
	s12 =	spop (v2sf);
	(v2sf) =	vpush v1, $0xF  }
0x37f: {  	s15 =	sshll.u32 s21, $0x4;
	s21 =	sshll.u32 s12, $0x4;
	s12 =	spop (v2sf)  }
0x380: {  	[tilespmem:s10], [sflag:$0x2] =	stream.linear.gather [hbm4b:s13+s25], $0x80, $0x38;
	[tilespmem:$0x1A600] =	vst v63  }
0x381: {  	s15 =	sand.u32 $0x1FFFFFF0, s15;
	s10 =	sand.u32 $0x1FFFFFF0, s21;
	s13 =	spop (v2sf)  }
0x382: {  	s18 =	sadd.s32 s4, s18;
	s21 =	sshll.u32 s13, $0x4;
	s13 =	sshll.u32 s22, $0x4;
	(v2sf) =	vpush v2, $0xF  }
0x383: {  	[tilespmem:s2], [sflag:$0x2] =	stream.linear.gather [hbm4b:s18+s25], $0x80, $0x38;
	[tilespmem:$0x1A600] =	vst v63  }
.Ltmp11:
0x384: {  	_ = 	snop;
	(pc) =	sbr.rel @p0 .LBB2_24-.Ltmp11, $4  }
0x385: {  	s2 =	sadd.s32 s4, s15;
	s15 =	sand.u32 $0x1FFFFFF0, s21;
	s18 =	spop (v2sf);
	(v2sf) =	vpush v4, $0xF  }
0x386: {  	[tilespmem:s9], [sflag:$0x2] =	stream.linear.gather [hbm4b:s2+s25], $0x80, $0x38;
	[tilespmem:$0x1A600] =	vst v63  }
0x387: {  	s2 =	sadd.s32 s4, s14;
	s9 =	sadd.s32 s4, s15;
	s14 =	sshll.u32 s18, $0x4  }
0x388: {  	[tilespmem:s11], [sflag:$0x2] =	stream.linear.gather [hbm4b:s2+s25], $0x80, $0x38;
	[tilespmem:$0x1A600] =	vst v63  }
0x389: {  	s2 =	sand.u32 $0x1FFFFFF0, s14;
	s11 =	spop (v2sf)  }
0x38a: {  	[tilespmem:s6], [sflag:$0x2] =	stream.linear.gather [hbm4b:s9+s25], $0x80, $0x38;
	[tilespmem:$0x1A600] =	vst v63  }
0x38b: {  	s28 =	sand.u32 $0x1FFFFFF0, s13;
	s2 =	sadd.s32 s4, s2;
	s29 =	sshll.u32 s11, $0x4  }
0x38c: {  	[tilespmem:s16], [sflag:$0x2] =	stream.linear.gather [hbm4b:s2+s25], $0x80, $0x38;
	[tilespmem:$0x1A600] =	vst v63  }
0x38d: {  	s30 =	sshll.u32 s12, $0x4;
	s13 =	sadd.s32 s4, s10;
	s9 =	sand.u32 $0x1FFFFFF0, s29  }
0x38e: {  	s23 =	sadd.s32 $0x8C80, s0;
	s31 =	spop (v2sf);
	s9 =	sadd.s32 s4, s9  }
0x38f: {  	[tilespmem:s8], [sflag:$0x2] =	stream.linear.gather [hbm4b:s9+s25], $0x80, $0x38;
	[tilespmem:$0x1A600] =	vst v63  }
0x390: {  	s6 =	sadd.s32 s4, s28;
	s2 =	sand.u32 $0x1FFFFFF0, s30;
	s9 =	spop (v2sf)  }
0x391: {  	[tilespmem:s7], [sflag:$0x2] =	stream.linear.gather [hbm4b:s6+s25], $0x80, $0x38;
	[tilespmem:$0x1A600] =	vst v63  }
0x392: {  	s2 =	sadd.s32 s4, s2;
	s11 =	sshll.u32 s31, $0x4;
	s12 =	sshll.u32 s9, $0x4  }
0x393: {  	[tilespmem:s5], [sflag:$0x2] =	stream.linear.gather [hbm4b:s13+s25], $0x80, $0x38;
	[tilespmem:$0x1A600] =	vst v63  }
0x394: {  	s11 =	sand.u32 $0x1FFFFFF0, s11;
	s15 =	sand.u32 $0x1FFFFFF0, s12;
	s14 =	spop (v2sf)  }
0x395: {  	[tilespmem:s17], [sflag:$0x2] =	stream.linear.gather [hbm4b:s2+s25], $0x80, $0x38;
	[tilespmem:$0x1A600] =	vst v63  }
0x396: {  	s21 =	sadd.s32 s4, s11;
	s16 =	sshll.u32 s14, $0x4;
	s18 =	spop (v2sf)  }
0x397: {  	[tilespmem:s1], [sflag:$0x2] =	stream.linear.gather [hbm4b:s21+s25], $0x80, $0x38;
	[tilespmem:$0x1A600] =	vst v63  }
0x398: {  	s5 =	sadd.s32 s4, s15;
	s6 =	sand.u32 $0x1FFFFFF0, s16;
	s22 =	sshll.u32 s18, $0x4  }
0x399: {  	[tilespmem:s23], [sflag:$0x2] =	stream.linear.gather [hbm4b:s5+s25], $0x80, $0x38;
	[tilespmem:$0x1A600] =	vst v63  }
0x39a: {  	s28 =	sadd.s32 $0x8D00, s0;
	s29 =	sadd.s32 s4, s6;
	s1 =	sand.u32 $0x1FFFFFF0, s22  }
0x39b: {  	[tilespmem:s28], [sflag:$0x2] =	stream.linear.gather [hbm4b:s29+s25], $0x80, $0x38;
	[tilespmem:$0x1A600] =	vst v63  }
0x39c: {  	s30 =	sadd.s32 $0x8D80, s0;
	s31 =	simm.s32 $0x1;
	s1 =	sadd.s32 s4, s1  }
0x39d: {  	[tilespmem:s30], [sflag:$0x2] =	stream.linear.gather [hbm4b:s1+s25], $0x80, $0x38;
	[tilespmem:$0x1A600] =	vst v63  }
0x39e: {  	s0 =	simm.s32 $0x0;
	_ =	swait.ge [sflag:s31], $0x8000  }
0x39f: {  	s8 =	simm.s32 $0x20000;
	s7 =	simm.s32 $0x800;
	[sflag:s31] =	ssyncset.done $0x0  }
0x3a0: {  	s2 =	simm.s32 $0x4;
	s1 =	simm.s32 $0x0;
	[sflag:s31] =	ssyncadd.s32 $0xFFFF8000  }
.LBB2_26:
0x3a1: {  	v5 =	vor.u32 s0, v0  }
0x3a2: {  	v1 =	vmov s1;
	v2 =	vshll.u32 v5, $0x7  }
0x3a3: {  	v4 =	vadd.s32 v1, v2;
	_ =	sdelay $0x1  }
0x3a4: {  	v6 =	vmov s0;
	v3 =	vshll.u32 v1, $0x7;
	v2 =	vshll.u32 v1, $0x8  }
0x3a5: {  	v6 =	vshll.u32 v6, $0x3;
	v3 =	vand.u32 $0x380, v3;
	v2 =	vand.u32 $0x1800, v2  }
0x3a6: {  	s5 =	simm.s32 $0x10;
	v6 =	vand.u32 $0x400, v6;
	v2 =	vor.u32 v2, v3  }
0x3a7: {  	s6 =	simm.s32 $0x20;
	v5 =	vand.u32 $0x7F, v5;
	v3 =	vor.u32 s5, v0;
	v6 =	vor.u32 v6, v2;
	v4 =	vld.idx.msk [tilespmem:v4+s19+$0x0], $0xffff  }
.LBB2_27:
0x3a8: {  	p0 =	sne.s32 s6, $0xF0;
	v7 =	vshll.u32 v3, $0x7;
	v5 =	vor.u32 v5, v6  }
0x3a9: {  	v6 =	vadd.s32 v1, v7  }
.Ltmp12:
0x3aa: {  	(pc) =	sbr.rel @p0 .LBB2_27-.Ltmp12, $4  }
0x3ab: {  	v7 =	vmov s5;
	s5 =	smov.u32 s6  }
0x3ac: {  	v7 =	vshll.u32 v7, $0x3  }
0x3ad: {  	v7 =	vand.u32 $0x400, v7;
	[tilespmem:v5+s20+$0x0] =	vst.idx.msk $0xffff, v4  }
0x3ae: {  	s6 =	sadd.s32 $0x10, s6;
	v5 =	vand.u32 $0x7F, v3;
	v3 =	vor.u32 s5, v0;
	v4 =	vld.idx.msk [tilespmem:v6+s19+$0x0], $0xffff;
	v6 =	vor.u32 v7, v2  }
0x3af: {  	v7 =	vshll.u32 v3, $0x7;
	v5 =	vor.u32 v5, v6  }
0x3b0: {  	v1 =	vadd.s32 v1, v7  }
0x3b1: {  	v63 =	vmov s5  }
0x3b2: {  	v6 =	vshll.u32 v63, $0x3  }
0x3b3: {  	v6 =	vand.u32 $0x400, v6  }
0x3b4: {  	v3 =	vand.u32 $0x7F, v3;
	s1 =	sadd.s32 $0x1, s1;
	v2 =	vor.u32 v6, v2;
	[tilespmem:v5+s20+$0x0] =	vst.idx.msk $0xffff, v4  }
0x3b5: {  	p0 =	sne.s32 s1, $0x20;
	v2 =	vor.u32 v3, v2;
	v1 =	vld.idx.msk [tilespmem:v1+s19+$0x0], $0xffff  }
.Ltmp13:
0x3b6: {  	_ = 	snop;
	(pc) =	sbr.rel @p0 .LBB2_26-.Ltmp13, $2  }
0x3b7: {  	_ =	sdelay $0x2  }
0x3b8: {  	[tilespmem:v2+s20+$0x0] =	vst.idx.msk $0xffff, v1  }
0x3b9: {  	s0 =	rddreg [dreg:$0xe]  }
0x3ba: {  	[hbm4b:s0+s7] =	stream.strided.scatter [tilespmem:s20], [sflag:$0x4], $0x2000, s8, s7, $0x38;
	[tilespmem:$0x1A600] =	vst v63  }
0x3bb: {  	_ =	swait.ge [sflag:s2], $0x2000  }
0x3bc: {  	[sflag:s2] =	ssyncset.done $0x0  }
0x3bd: {  	s31 =	simm.s32 $0x3;
	[sflag:s2] =	ssyncadd.s32 $0xFFFFE000  }
0x3be: {  	_ =	swait.ge [sflag:s31], $0x8000  }
0x3bf: {  	[sflag:s31] =	ssyncset.done $0x0  }
0x3c0: {  	s1 =	simm.s32 $0x0;
	s0 =	simm.s32 $0x0;
	[sflag:s31] =	ssyncadd.s32 $0xFFFF8000  }
.LBB2_30:
0x3c1: {  	v5 =	vor.u32 s0, v0  }
0x3c2: {  	v1 =	vmov s1;
	v2 =	vshll.u32 v5, $0x7  }
0x3c3: {  	v4 =	vadd.s32 v1, v2;
	_ =	sdelay $0x1  }
0x3c4: {  	v6 =	vmov s0;
	v3 =	vshll.u32 v1, $0x7;
	v2 =	vshll.u32 v1, $0x8  }
0x3c5: {  	v6 =	vshll.u32 v6, $0x3;
	v3 =	vand.u32 $0x380, v3;
	v2 =	vand.u32 $0x1800, v2  }
0x3c6: {  	s5 =	simm.s32 $0x10;
	v6 =	vand.u32 $0x400, v6;
	v2 =	vor.u32 v2, v3  }
0x3c7: {  	s6 =	simm.s32 $0x20;
	v5 =	vand.u32 $0x7F, v5;
	v3 =	vor.u32 s5, v0;
	v6 =	vor.u32 v6, v2;
	v4 =	vld.idx.msk [tilespmem:v4+s24+$0x0], $0xffff  }
.LBB2_31:
0x3c8: {  	p0 =	sne.s32 s6, $0xF0;
	v7 =	vshll.u32 v3, $0x7;
	v5 =	vor.u32 v5, v6  }
0x3c9: {  	v6 =	vadd.s32 v1, v7  }
.Ltmp14:
0x3ca: {  	(pc) =	sbr.rel @p0 .LBB2_31-.Ltmp14, $4  }
0x3cb: {  	v7 =	vmov s5;
	s5 =	smov.u32 s6  }
0x3cc: {  	v7 =	vshll.u32 v7, $0x3  }
0x3cd: {  	v7 =	vand.u32 $0x400, v7;
	[tilespmem:v5+s20+$0x0] =	vst.idx.msk $0xffff, v4  }
0x3ce: {  	s6 =	sadd.s32 $0x10, s6;
	v5 =	vand.u32 $0x7F, v3;
	v3 =	vor.u32 s5, v0;
	v4 =	vld.idx.msk [tilespmem:v6+s24+$0x0], $0xffff;
	v6 =	vor.u32 v7, v2  }
0x3cf: {  	v7 =	vshll.u32 v3, $0x7;
	v5 =	vor.u32 v5, v6  }
0x3d0: {  	v1 =	vadd.s32 v1, v7  }
0x3d1: {  	v63 =	vmov s5  }
0x3d2: {  	v6 =	vshll.u32 v63, $0x3  }
0x3d3: {  	v6 =	vand.u32 $0x400, v6  }
0x3d4: {  	v3 =	vand.u32 $0x7F, v3;
	s1 =	sadd.s32 $0x1, s1;
	v2 =	vor.u32 v6, v2;
	[tilespmem:v5+s20+$0x0] =	vst.idx.msk $0xffff, v4  }
0x3d5: {  	p0 =	sne.s32 s1, $0x20;
	v2 =	vor.u32 v3, v2;
	v1 =	vld.idx.msk [tilespmem:v1+s24+$0x0], $0xffff  }
.Ltmp15:
0x3d6: {  	_ = 	snop;
	(pc) =	sbr.rel @p0 .LBB2_30-.Ltmp15, $2  }
0x3d7: {  	_ =	sdelay $0x2  }
0x3d8: {  	[tilespmem:v2+s20+$0x0] =	vst.idx.msk $0xffff, v1  }
0x3d9: {  	s0 =	rddreg [dreg:$0xf]  }
0x3da: {  	[hbm4b:s0+s7] =	stream.strided.scatter [tilespmem:s20], [sflag:$0x4], $0x2000, s8, s7, $0x38;
	[tilespmem:$0x1A600] =	vst v63  }
0x3db: {  	_ =	swait.ge [sflag:s2], $0x2000  }
0x3dc: {  	[sflag:s2] =	ssyncset.done $0x0  }
0x3dd: {  	s31 =	simm.s32 $0x2;
	[sflag:s2] =	ssyncadd.s32 $0xFFFFE000  }
0x3de: {  	_ =	swait.ge [sflag:s31], $0x8000  }
0x3df: {  	[sflag:s31] =	ssyncset.done $0x0  }
0x3e0: {  	s1 =	simm.s32 $0x0;
	s0 =	simm.s32 $0x0;
	[sflag:s31] =	ssyncadd.s32 $0xFFFF8000  }
.LBB2_34:
0x3e1: {  	v5 =	vor.u32 s0, v0  }
0x3e2: {  	v1 =	vmov s1;
	v2 =	vshll.u32 v5, $0x7  }
0x3e3: {  	v4 =	vadd.s32 v1, v2;
	_ =	sdelay $0x1  }
0x3e4: {  	v6 =	vmov s0;
	v3 =	vshll.u32 v1, $0x7;
	v2 =	vshll.u32 v1, $0x8  }
0x3e5: {  	v6 =	vshll.u32 v6, $0x3;
	v3 =	vand.u32 $0x380, v3;
	v2 =	vand.u32 $0x1800, v2  }
0x3e6: {  	s5 =	simm.s32 $0x10;
	v6 =	vand.u32 $0x400, v6;
	v2 =	vor.u32 v2, v3  }
0x3e7: {  	s6 =	simm.s32 $0x20;
	v5 =	vand.u32 $0x7F, v5;
	v3 =	vor.u32 s5, v0;
	v6 =	vor.u32 v6, v2;
	v4 =	vld.idx.msk [tilespmem:v4+s26+$0x0], $0xffff  }
.LBB2_35:
0x3e8: {  	p0 =	sne.s32 s6, $0xF0;
	v7 =	vshll.u32 v3, $0x7;
	v5 =	vor.u32 v5, v6  }
0x3e9: {  	v6 =	vadd.s32 v1, v7  }
.Ltmp16:
0x3ea: {  	(pc) =	sbr.rel @p0 .LBB2_35-.Ltmp16, $4  }
0x3eb: {  	v7 =	vmov s5;
	s5 =	smov.u32 s6  }
0x3ec: {  	v7 =	vshll.u32 v7, $0x3  }
0x3ed: {  	v7 =	vand.u32 $0x400, v7;
	[tilespmem:v5+s20+$0x0] =	vst.idx.msk $0xffff, v4  }
0x3ee: {  	s6 =	sadd.s32 $0x10, s6;
	v5 =	vand.u32 $0x7F, v3;
	v3 =	vor.u32 s5, v0;
	v4 =	vld.idx.msk [tilespmem:v6+s26+$0x0], $0xffff;
	v6 =	vor.u32 v7, v2  }
0x3ef: {  	v7 =	vshll.u32 v3, $0x7;
	v5 =	vor.u32 v5, v6  }
0x3f0: {  	v1 =	vadd.s32 v1, v7  }
0x3f1: {  	v63 =	vmov s5  }
0x3f2: {  	v6 =	vshll.u32 v63, $0x3  }
0x3f3: {  	v6 =	vand.u32 $0x400, v6  }
0x3f4: {  	v3 =	vand.u32 $0x7F, v3;
	s1 =	sadd.s32 $0x1, s1;
	v2 =	vor.u32 v6, v2;
	[tilespmem:v5+s20+$0x0] =	vst.idx.msk $0xffff, v4  }
0x3f5: {  	p0 =	sne.s32 s1, $0x20;
	v2 =	vor.u32 v3, v2;
	v1 =	vld.idx.msk [tilespmem:v1+s26+$0x0], $0xffff  }
.Ltmp17:
0x3f6: {  	_ = 	snop;
	(pc) =	sbr.rel @p0 .LBB2_34-.Ltmp17, $2  }
0x3f7: {  	_ =	sdelay $0x2  }
0x3f8: {  	[tilespmem:v2+s20+$0x0] =	vst.idx.msk $0xffff, v1  }
0x3f9: {  	s0 =	rddreg [dreg:$0x10]  }
0x3fa: {  	[hbm4b:s0+s7] =	stream.strided.scatter [tilespmem:s20], [sflag:$0x4], $0x2000, s8, s7, $0x38;
	[tilespmem:$0x1A600] =	vst v63  }
0x3fb: {  	_ =	swait.ge [sflag:s2], $0x2000  }
0x3fc: {  	s1 =	rddreg [dreg:$0x12]  }
0x3fd: {  	s31 =	rddreg [dreg:$0x11];
	s1 =	sadd.s32 $0x1, s1  }
0x3fe: {  	p0 =	sne.s32 s1, s31  }
.Ltmp18:
0x3ff: {  	_ = 	snop;
	(pc) =	sbr.rel @p0 .LBB2_1-.Ltmp18, $3  }
0x400: {  	_ =	sdelay $0x1  }
0x401: {  	[sflag:s2] =	ssyncset.done $0x0  }
0x402: {  	[sflag:s2] =	ssyncadd.s32 $0xFFFFE000  }
0x403: {  	_ =	sfence.sel $0x180000  }
0x404: {  	[bflag:$0x0] =	sbarrier.arrive $0xFFFF  }
0x405: {  	_ =	strace $0x90000047  }
0x406: {  	s0 =	stileid.u32;
	[bflag:$0x2] =	sbarrier.arrive $0xFFFF  }
0x407: {  	p0 =	sne.s32 s0, $0x0;
	s0 =	rddreg [dreg:$0x7]  }
0x408: {  	s0 =	sadd.s32 @!p0 $0x100000, s0  }
0x409: {  	[sflag:s0] =	ssyncadd.tile.s32 @!p0 $0x1;
	_ =	shalt  }
.Lfunc_end2:
_tile_overlayer_lowered:
.L_overlay_start_2:
0x40a: {  	(tag) =	ssettag $0x2  }
0x40b: {  	s0 =	rddreg [dreg:$0x0];
	s2 =	stileid.u32  }
0x40c: {  	s1 =	rddreg [dreg:$0x1];
	p0 =	sne.s32 s2, $0x0  }
0x40d: {  	s3 =	rddreg [dreg:$0x2];
	[bflag:$0x3] =	sbarrier.arrive $0xFFFF;
	s2 =	simm.s32 @!p0 $0x1C04  }
0x40e: {  	[timem:s3], [sflag:s2] =	dma.local @!p0 [hbm:s0], s1  }
0x40f: {  	s0 =	simm.s32 @!p0 $0x4  }
0x410: {  	_ =	swait.ge @!p0 [sflag:s0], s1  }
0x411: {  	s1 =	ssub.s32 @!p0 $0x0, s1;
	[sflag:s0] =	ssyncset.done @!p0 $0x0  }
0x412: {  	[sflag:s0] =	ssyncadd.s32 @!p0 s1  }
0x413: {  	[bflag:$0x3] =	sbarrier.arrive $0xFFFF  }
0x414: {  	_ =	shalt  }

</sc_bundles>
